<compile_context>
chip_gen: v7x
topology: tpu7x:2x2x1
jax: 0.10.2.dev20260603
libtpu: 0.0.44.dev20260713+nightly
codegen_flags: <defaults>
</compile_context>

<pallas_src>
import functools

import jax
import jax.numpy as jnp
from jax import lax
from jax.experimental import pallas as pl
from jax.experimental.pallas import tpu as pltpu
from jax.experimental.pallas import tpu_sc as plsc

NC = 2
NS = 16
NW = NC * NS
LANES = 16
CHUNK = 1392
NCHUNKS = 36


def _lj_body(n_nodes, np_rows, tstart,
             px_hbm, py_hbm, pz_hbm, i_hbm, j_hbm, eps_hbm, sig_hbm,
             it_hbm, jt_hbm, et_hbm, st_hbm,
             fpart_hbm, epart_hbm,
             sh_x, sh_y, sh_z, sh_fx, sh_fy, sh_fz,
             ii, jj, eps_v, sig_v,
             gx_i, gy_i, gz_i, gx_j, gy_j, gz_j,
             fx_i, fy_i, fz_i, fx_j, fy_j, fz_j,
             ev, sem_l, sem_g, sem_s):
    c = lax.axis_index("c")
    s = lax.axis_index("s")
    wid = c * NS + s

    rows = np_rows // NS
    r0 = s * rows
    pieces = []
    off = 0
    while off < rows:
        pieces.append((off, min(CHUNK, rows - off)))
        off += CHUNK
    bounce = gx_i[0]
    for hbm_ref, sh_ref in ((px_hbm, sh_x), (py_hbm, sh_y), (pz_hbm, sh_z)):
        for (o, ln) in pieces:
            pltpu.sync_copy(hbm_ref.at[pl.ds(r0 + o, ln)], bounce.at[pl.ds(0, ln)])
            pltpu.sync_copy(bounce.at[pl.ds(0, ln)], sh_ref.at[pl.ds(r0 + o, ln)])

    def zbuf(t, _):
        bounce[pl.ds(t * LANES, LANES)] = jnp.zeros((LANES,), jnp.float32)
        return 0
    lax.fori_loop(0, CHUNK // LANES, zbuf, 0)
    for sh_ref in (sh_fx, sh_fy, sh_fz):
        for (o, ln) in pieces:
            pltpu.sync_copy(bounce.at[pl.ds(0, ln)], sh_ref.at[pl.ds(r0 + o, ln)])
    plsc.subcore_barrier()

    ebase0 = wid * (NCHUNKS * CHUNK)

    def loads(k, b3, b2, fire):
        eb = ebase0 + k * CHUNK
        if fire:
            @pl.when(eb < tstart)
            def _():
                pltpu.async_copy(i_hbm.at[pl.ds(eb, CHUNK)], ii[b3], sem_l)
                pltpu.async_copy(j_hbm.at[pl.ds(eb, CHUNK)], jj[b3], sem_l)
                pltpu.async_copy(eps_hbm.at[pl.ds(eb, CHUNK)], eps_v[b2], sem_l)
                pltpu.async_copy(sig_hbm.at[pl.ds(eb, CHUNK)], sig_v[b2], sem_l)

            @pl.when(eb >= tstart)
            def _():
                tb = eb - tstart
                pltpu.async_copy(it_hbm.at[pl.ds(tb, CHUNK)], ii[b3], sem_l)
                pltpu.async_copy(jt_hbm.at[pl.ds(tb, CHUNK)], jj[b3], sem_l)
                pltpu.async_copy(et_hbm.at[pl.ds(tb, CHUNK)], eps_v[b2], sem_l)
                pltpu.async_copy(st_hbm.at[pl.ds(tb, CHUNK)], sig_v[b2], sem_l)
        else:
            pltpu.make_async_copy(i_hbm.at[pl.ds(0, CHUNK)], ii[b3], sem_l).wait()
            pltpu.make_async_copy(j_hbm.at[pl.ds(0, CHUNK)], jj[b3], sem_l).wait()
            pltpu.make_async_copy(eps_hbm.at[pl.ds(0, CHUNK)], eps_v[b2], sem_l).wait()
            pltpu.make_async_copy(sig_hbm.at[pl.ds(0, CHUNK)], sig_v[b2], sem_l).wait()

    def gathers(b3, b2, fire):
        op = pltpu.async_copy if fire else pltpu.make_async_copy
        cps = [
            op(sh_x.at[ii[b3]], gx_i[b2], sem_g),
            op(sh_y.at[ii[b3]], gy_i[b2], sem_g),
            op(sh_z.at[ii[b3]], gz_i[b2], sem_g),
            op(sh_x.at[jj[b3]], gx_j[b2], sem_g),
            op(sh_y.at[jj[b3]], gy_j[b2], sem_g),
            op(sh_z.at[jj[b3]], gz_j[b2], sem_g),
        ]
        if not fire:
            for cp in cps:
                cp.wait()

    def scatters(b3, b2, fire):
        if fire:
            pltpu.async_copy(fx_i[b2], sh_fx.at[ii[b3]], sem_s, add=True)
            pltpu.async_copy(fy_i[b2], sh_fy.at[ii[b3]], sem_s, add=True)
            pltpu.async_copy(fz_i[b2], sh_fz.at[ii[b3]], sem_s, add=True)
            pltpu.async_copy(fx_j[b2], sh_fx.at[jj[b3]], sem_s, add=True)
            pltpu.async_copy(fy_j[b2], sh_fy.at[jj[b3]], sem_s, add=True)
            pltpu.async_copy(fz_j[b2], sh_fz.at[jj[b3]], sem_s, add=True)
        else:
            pltpu.make_async_copy(fx_i[b2], sh_fx.at[ii[b3]], sem_s).wait()
            pltpu.make_async_copy(fy_i[b2], sh_fy.at[ii[b3]], sem_s).wait()
            pltpu.make_async_copy(fz_i[b2], sh_fz.at[ii[b3]], sem_s).wait()
            pltpu.make_async_copy(fx_j[b2], sh_fx.at[jj[b3]], sem_s).wait()
            pltpu.make_async_copy(fy_j[b2], sh_fy.at[jj[b3]], sem_s).wait()
            pltpu.make_async_copy(fz_j[b2], sh_fz.at[jj[b3]], sem_s).wait()

    def compute(b, eacc):
        xi, yi, zi = gx_i[b], gy_i[b], gz_i[b]
        xj, yj, zj = gx_j[b], gy_j[b], gz_j[b]
        fxi, fyi, fzi = fx_i[b], fy_i[b], fz_i[b]
        fxj, fyj, fzj = fx_j[b], fy_j[b], fz_j[b]
        epsb, sigb = eps_v[b], sig_v[b]

        def grp(t, eacc):
            vs = pl.ds(t * LANES, LANES)
            dx = xi[vs] - xj[vs]
            dy = yi[vs] - yj[vs]
            dz = zi[vs] - zj[vs]
            dx = dx - jnp.where(dx > 15.0, 30.0, jnp.where(dx < -15.0, -30.0, 0.0))
            dy = dy - jnp.where(dy > 15.0, 30.0, jnp.where(dy < -15.0, -30.0, 0.0))
            dz = dz - jnp.where(dz > 15.0, 30.0, jnp.where(dz < -15.0, -30.0, 0.0))
            r2 = jnp.maximum(dx * dx + dy * dy + dz * dz, 1e-24)
            inv_r2 = 1.0 / r2
            ep = epsb[vs]
            sg = sigb[vs]
            s2 = sg * sg * inv_r2
            s6 = s2 * s2 * s2
            s12 = s6 * s6
            mask = r2 < 9.0
            u = jnp.where(mask, 4.0 * ep * (s12 - s6), 0.0)
            fsc = jnp.where(mask, 24.0 * ep * inv_r2 * (2.0 * s12 - s6), 0.0)
            fx = fsc * dx
            fy = fsc * dy
            fz = fsc * dz
            fxi[vs] = fx
            fyi[vs] = fy
            fzi[vs] = fz
            fxj[vs] = -fx
            fyj[vs] = -fy
            fzj[vs] = -fz
            return eacc + u

        return lax.fori_loop(0, CHUNK // LANES, grp, eacc)

    loads(0, 0, 0, fire=True)
    loads(0, 0, 0, fire=False)
    gathers(0, 0, fire=True)
    loads(1, 1, 1, fire=True)

    NT = NCHUNKS // 6

    def six_body(t, eacc):
        for b in range(6):
            k = 6 * t + b
            b2, b3 = b % 2, b % 3
            n2, n3 = (b + 1) % 2, (b + 1) % 3
            p2, p3 = (b + 5) % 2, (b + 5) % 3
            gathers(b3, b2, fire=False)
            if b < 5:
                loads(k + 1, n3, n2, fire=False)
                gathers(n3, n2, fire=True)
            else:
                @pl.when(t < NT - 1)
                def _():
                    loads(k + 1, n3, n2, fire=False)
                    gathers(n3, n2, fire=True)
            eacc = compute(b2, eacc)
            if b > 0:
                scatters(p3, p2, fire=False)
            else:
                @pl.when(t > 0)
                def _():
                    scatters(p3, p2, fire=False)
            scatters(b3, b2, fire=True)
            if b < 4:
                loads(k + 2, (b + 2) % 3, b2, fire=True)
            else:
                @pl.when(t < NT - 1)
                def _():
                    loads(k + 2, (b + 2) % 3, b2, fire=True)
        return eacc

    eacc = lax.fori_loop(0, NT, six_body, jnp.zeros((LANES,), jnp.float32))
    scatters((NCHUNKS - 1) % 3, (NCHUNKS - 1) % 2, fire=False)

    plsc.subcore_barrier()
    base = c * 3 * np_rows
    for comp, sh_ref in enumerate((sh_fx, sh_fy, sh_fz)):
        for (o, ln) in pieces:
            pltpu.sync_copy(sh_ref.at[pl.ds(r0 + o, ln)], bounce.at[pl.ds(0, ln)])
            pltpu.sync_copy(bounce.at[pl.ds(0, ln)],
                            fpart_hbm.at[pl.ds(base + comp * np_rows + r0 + o, ln)])
    ev[...] = eacc
    pltpu.sync_copy(ev, epart_hbm.at[pl.ds(wid * LANES, LANES)])


@jax.jit
def kernel(pos, edge_index, epsilon, sigma):
    n = pos.shape[0]
    e = epsilon.shape[0]
    rows_per_sub = -(-n // (NS * 8)) * 8
    np_rows = rows_per_sub * NS
    epad = NW * CHUNK * NCHUNKS
    assert epad >= e, (epad, e)

    pz3 = jnp.zeros((np_rows - n,), jnp.float32)
    px = jnp.concatenate([pos[:, 0], pz3])
    py = jnp.concatenate([pos[:, 1], pz3])
    pz = jnp.concatenate([pos[:, 2], pz3])
    pad = epad - e
    ntail = max(1, -(-pad // CHUNK))
    tstart = epad - ntail * CHUNK
    i_p = edge_index[0].astype(jnp.int32)
    j_p = edge_index[1].astype(jnp.int32)
    zi = jnp.zeros((pad,), jnp.int32)
    zf = jnp.zeros((pad,), jnp.float32)
    it = jnp.concatenate([i_p[tstart:], zi])
    jt = jnp.concatenate([j_p[tstart:], zi])
    et = jnp.concatenate([epsilon[tstart:], zf])
    st = jnp.concatenate([sigma[tstart:], zf])

    mesh = plsc.VectorSubcoreMesh(core_axis_name="c", subcore_axis_name="s")
    run = pl.kernel(
        functools.partial(_lj_body, n, np_rows, tstart),
        out_type=(
            jax.ShapeDtypeStruct((NC * 3 * np_rows,), jnp.float32),
            jax.ShapeDtypeStruct((NW * LANES,), jnp.float32),
        ),
        mesh=mesh,
        scratch_types=(
            [pltpu.VMEM_SHARED((np_rows,), jnp.float32) for _ in range(6)]
            + [[pltpu.VMEM((CHUNK,), jnp.int32) for _ in range(3)]
               for _ in range(2)]
            + [[pltpu.VMEM((CHUNK,), jnp.float32) for _ in range(2)]
               for _ in range(14)]
            + [pltpu.VMEM((LANES,), jnp.float32),
               pltpu.SemaphoreType.DMA,
               pltpu.SemaphoreType.DMA,
               pltpu.SemaphoreType.DMA]
        ),
    )
    fpart, epart = run(px, py, pz, i_p, j_p, epsilon, sigma, it, jt, et, st)
    fp = fpart.reshape(NC, 3, np_rows)
    forces = (fp[0] + fp[1])[:, :n].T
    total_energy = jnp.sum(epart)
    return (total_energy, forces)

# --- scband reference (transcript-rebuilt; emitter-appended) ---
"""Pipeline reference for scband-lennard-jones-force-7473243095376 (READ-ONLY COPY).

The authoritative reference and input builder live on the scoring server;
editing this copy changes nothing except your own understanding.
"""

import jax, jax.numpy as jnp
import numpy as np

N = 50000
E = 1600000
BOX = 30.0
RC = 3.0


def setup_inputs(seed: int = 0) -> dict:
    key = jax.random.key(seed)
    k1, k2, k3, k4, k5 = jax.random.split(key, 5)
    pos = jax.random.uniform(k1, (N, 3), dtype=jnp.float32) * BOX
    i = jax.random.randint(k2, (E,), 0, N)
    j = jax.random.randint(k3, (E,), 0, N)
    # avoid self-pairs (r=0 would overflow LJ terms); real neighbor lists never contain them
    j = jnp.where(i == j, (j + 1) % N, j)
    edge_index = jnp.stack([i, j], axis=0)
    epsilon = jax.random.uniform(k4, (E,), dtype=jnp.float32) + 0.5
    sigma = jax.random.uniform(k5, (E,), dtype=jnp.float32) * 0.4 + 0.8
    return {"pos": pos, "edge_index": edge_index, "epsilon": epsilon, "sigma": sigma}


def reference(pos, edge_index, epsilon, sigma):
    # Plain LJ path (is_switch=False, is_fs=False), faithful to the torch forward
    i = edge_index[0]
    j = edge_index[1]
    rij = pos[i] - pos[j]                       # gather
    rij = rij - BOX * jnp.round(rij / BOX)      # minimum-image PBC
    r2 = jnp.maximum(jnp.sum(rij * rij, axis=1), 1e-24)
    r = jnp.sqrt(r2)
    inv_r = 1.0 / r
    e_ij = rij * inv_r[:, None]
    sr = sigma * inv_r
    sr6 = sr ** 6
    sr12 = sr6 ** 2
    U_raw = 4.0 * epsilon * (sr12 - sr6)
    Fmag_raw = 24.0 * epsilon * inv_r * (2.0 * sr12 - sr6)
    mask = (r < RC).astype(pos.dtype)
    Fmag = Fmag_raw * mask
    U_eff = U_raw * mask
    fij = Fmag[:, None] * e_ij
    forces = jnp.zeros_like(pos)
    forces = forces.at[i].add(fij)              # scatter-add
    forces = forces.at[j].add(-fij)             # scatter-add
    total_energy = jnp.sum(U_eff)
    return (total_energy, forces)

if __name__ == "__main__":
    import jax
    _d = setup_inputs()
    print(jax.jit(kernel)(*tuple(_d.values())))

</pallas_src>

<mosaic_0001>
#map = affine_map<(d0, d1) -> (0)>
module attributes {stable_mosaic.version = 14 : i64} {
  func.func @_lj_body(%arg0: i32, %arg1: i32, %arg2: memref<50048xf32, #tpu.memory_space<hbm>>, %arg3: memref<50048xf32, #tpu.memory_space<hbm>>, %arg4: memref<50048xf32, #tpu.memory_space<hbm>>, %arg5: memref<1600000xi32, #tpu.memory_space<hbm>>, %arg6: memref<1600000xi32, #tpu.memory_space<hbm>>, %arg7: memref<1600000xf32, #tpu.memory_space<hbm>>, %arg8: memref<1600000xf32, #tpu.memory_space<hbm>>, %arg9: memref<4176xi32, #tpu.memory_space<hbm>>, %arg10: memref<4176xi32, #tpu.memory_space<hbm>>, %arg11: memref<4176xf32, #tpu.memory_space<hbm>>, %arg12: memref<4176xf32, #tpu.memory_space<hbm>>, %arg13: memref<300288xf32, #tpu.memory_space<hbm>>, %arg14: memref<512xf32, #tpu.memory_space<hbm>>, %arg15: memref<50048xf32, #tpu.memory_space<vmem_shared>>, %arg16: memref<50048xf32, #tpu.memory_space<vmem_shared>>, %arg17: memref<50048xf32, #tpu.memory_space<vmem_shared>>, %arg18: memref<50048xf32, #tpu.memory_space<vmem_shared>>, %arg19: memref<50048xf32, #tpu.memory_space<vmem_shared>>, %arg20: memref<50048xf32, #tpu.memory_space<vmem_shared>>, %arg21: memref<1392xi32, #tpu.memory_space<vmem>>, %arg22: memref<1392xi32, #tpu.memory_space<vmem>>, %arg23: memref<1392xi32, #tpu.memory_space<vmem>>, %arg24: memref<1392xi32, #tpu.memory_space<vmem>>, %arg25: memref<1392xi32, #tpu.memory_space<vmem>>, %arg26: memref<1392xi32, #tpu.memory_space<vmem>>, %arg27: memref<1392xf32, #tpu.memory_space<vmem>>, %arg28: memref<1392xf32, #tpu.memory_space<vmem>>, %arg29: memref<1392xf32, #tpu.memory_space<vmem>>, %arg30: memref<1392xf32, #tpu.memory_space<vmem>>, %arg31: memref<1392xf32, #tpu.memory_space<vmem>>, %arg32: memref<1392xf32, #tpu.memory_space<vmem>>, %arg33: memref<1392xf32, #tpu.memory_space<vmem>>, %arg34: memref<1392xf32, #tpu.memory_space<vmem>>, %arg35: memref<1392xf32, #tpu.memory_space<vmem>>, %arg36: memref<1392xf32, #tpu.memory_space<vmem>>, %arg37: memref<1392xf32, #tpu.memory_space<vmem>>, %arg38: memref<1392xf32, #tpu.memory_space<vmem>>, %arg39: memref<1392xf32, #tpu.memory_space<vmem>>, %arg40: memref<1392xf32, #tpu.memory_space<vmem>>, %arg41: memref<1392xf32, #tpu.memory_space<vmem>>, %arg42: memref<1392xf32, #tpu.memory_space<vmem>>, %arg43: memref<1392xf32, #tpu.memory_space<vmem>>, %arg44: memref<1392xf32, #tpu.memory_space<vmem>>, %arg45: memref<1392xf32, #tpu.memory_space<vmem>>, %arg46: memref<1392xf32, #tpu.memory_space<vmem>>, %arg47: memref<1392xf32, #tpu.memory_space<vmem>>, %arg48: memref<1392xf32, #tpu.memory_space<vmem>>, %arg49: memref<1392xf32, #tpu.memory_space<vmem>>, %arg50: memref<1392xf32, #tpu.memory_space<vmem>>, %arg51: memref<1392xf32, #tpu.memory_space<vmem>>, %arg52: memref<1392xf32, #tpu.memory_space<vmem>>, %arg53: memref<1392xf32, #tpu.memory_space<vmem>>, %arg54: memref<1392xf32, #tpu.memory_space<vmem>>, %arg55: memref<16xf32, #tpu.memory_space<vmem>>, %arg56: memref<!tpu.dma_semaphore, #tpu.memory_space<semaphore_mem>>, %arg57: memref<!tpu.dma_semaphore, #tpu.memory_space<semaphore_mem>>, %arg58: memref<!tpu.dma_semaphore, #tpu.memory_space<semaphore_mem>>) attributes {dimension_semantics = [#tpu.dimension_semantics<core_parallel>, #tpu.dimension_semantics<subcore_parallel>], iteration_bounds = array<i64: 2, 16>, scalar_prefetch = 0 : i64, scratch_operands = 44 : i64, tpu.core_type = #tpu.core_type<sc_vector_subcore>, window_params = [{transform_indices = #map}, {transform_indices = #map}, {transform_indices = #map}, {transform_indices = #map}, {transform_indices = #map}, {transform_indices = #map}, {transform_indices = #map}, {transform_indices = #map}, {transform_indices = #map}, {transform_indices = #map}, {transform_indices = #map}, {transform_indices = #map}, {transform_indices = #map}]} {
    %mul3A = arith.constant 16 : i32
    %mul3A_0 = arith.muli %arg0, %mul3A : i32
    %add3A = arith.addi %mul3A_0, %arg1 : i32
    %mul3A_1 = arith.constant 3128 : i32
    %mul3A_2 = arith.muli %arg1, %mul3A_1 : i32
    %add3A_3 = arith.constant 0 : i32
    %add3A_4 = arith.addi %mul3A_2, %add3A_3 : i32
    "tpu.region"() ({
      %run_scoped3A = tpu.sem_alloc : memref<!tpu.dma_semaphore, #tpu.memory_space<semaphore_mem>>
      %dma_start3A_205 = arith.constant 0 : i32
      %dma_start3A_206 = tpu.memref_slice %arg31[%dma_start3A_205] : memref<1392xf32, #tpu.memory_space<vmem>> -> memref<1392xf32, #tpu.memory_space<vmem>>
      %dma_start3A_207 = tpu.memref_slice %arg2[%add3A_4] : memref<50048xf32, #tpu.memory_space<hbm>> -> memref<1392xf32, #tpu.memory_space<hbm>>
      %dma_start3A_208 = arith.constant 0 : i32
      %dma_start3A_209 = tpu.memref_slice %arg31[%dma_start3A_208] : memref<1392xf32, #tpu.memory_space<vmem>> -> memref<1392xf32, #tpu.memory_space<vmem>>
      %dma_start3A_210 = tpu.memref_slice %arg2[%add3A_4] : memref<50048xf32, #tpu.memory_space<hbm>> -> memref<1392xf32, #tpu.memory_space<hbm>>
      tpu.enqueue_dma source(%dma_start3A_210 : memref<1392xf32, #tpu.memory_space<hbm>>) target(%dma_start3A_209 : memref<1392xf32, #tpu.memory_space<vmem>>) target_semaphore(%run_scoped3A : memref<!tpu.dma_semaphore, #tpu.memory_space<semaphore_mem>>)
      %dma_wait3A_211 = arith.constant 0 : i32
      %dma_wait3A_212 = tpu.memref_slice %arg31[%dma_wait3A_211] : memref<1392xf32, #tpu.memory_space<vmem>> -> memref<1392xf32, #tpu.memory_space<vmem>>
      %dma_wait3A_213 = tpu.memref_slice %arg2[%add3A_4] : memref<50048xf32, #tpu.memory_space<hbm>> -> memref<1392xf32, #tpu.memory_space<hbm>>
      %dma_wait3A_214 = arith.constant 0 : i32
      %dma_wait3A_215 = tpu.memref_slice %arg31[%dma_wait3A_214] : memref<1392xf32, #tpu.memory_space<vmem>> -> memref<1392xf32, #tpu.memory_space<vmem>>
      %dma_wait3A_216 = tpu.memref_slice %arg2[%add3A_4] : memref<50048xf32, #tpu.memory_space<hbm>> -> memref<1392xf32, #tpu.memory_space<hbm>>
      tpu.wait_dma2 semaphore(%run_scoped3A : memref<!tpu.dma_semaphore, #tpu.memory_space<semaphore_mem>>) src(%dma_wait3A_216 : memref<1392xf32, #tpu.memory_space<hbm>>) dst(%dma_wait3A_215 : memref<1392xf32, #tpu.memory_space<vmem>>)
      tpu.yield
    }) : () -> ()
    %add3A_5 = arith.constant 0 : i32
    %add3A_6 = arith.addi %mul3A_2, %add3A_5 : i32
    "tpu.region"() ({
      %run_scoped3A = tpu.sem_alloc : memref<!tpu.dma_semaphore, #tpu.memory_space<semaphore_mem>>
      %dma_start3A_205 = arith.constant 0 : i32
      %dma_start3A_206 = tpu.memref_slice %arg31[%dma_start3A_205] : memref<1392xf32, #tpu.memory_space<vmem>> -> memref<1392xf32, #tpu.memory_space<vmem>>
      %dma_start3A_207 = tpu.memref_slice %arg15[%add3A_6] : memref<50048xf32, #tpu.memory_space<vmem_shared>> -> memref<1392xf32, #tpu.memory_space<vmem_shared>>
      %dma_start3A_208 = tpu.memref_slice %arg15[%add3A_6] : memref<50048xf32, #tpu.memory_space<vmem_shared>> -> memref<1392xf32, #tpu.memory_space<vmem_shared>>
      %dma_start3A_209 = arith.constant 0 : i32
      %dma_start3A_210 = tpu.memref_slice %arg31[%dma_start3A_209] : memref<1392xf32, #tpu.memory_space<vmem>> -> memref<1392xf32, #tpu.memory_space<vmem>>
      tpu.enqueue_dma source(%dma_start3A_210 : memref<1392xf32, #tpu.memory_space<vmem>>) target(%dma_start3A_208 : memref<1392xf32, #tpu.memory_space<vmem_shared>>) target_semaphore(%run_scoped3A : memref<!tpu.dma_semaphore, #tpu.memory_space<semaphore_mem>>)
      %dma_wait3A_211 = arith.constant 0 : i32
      %dma_wait3A_212 = tpu.memref_slice %arg31[%dma_wait3A_211] : memref<1392xf32, #tpu.memory_space<vmem>> -> memref<1392xf32, #tpu.memory_space<vmem>>
      %dma_wait3A_213 = tpu.memref_slice %arg15[%add3A_6] : memref<50048xf32, #tpu.memory_space<vmem_shared>> -> memref<1392xf32, #tpu.memory_space<vmem_shared>>
      %dma_wait3A_214 = tpu.memref_slice %arg15[%add3A_6] : memref<50048xf32, #tpu.memory_space<vmem_shared>> -> memref<1392xf32, #tpu.memory_space<vmem_shared>>
      %dma_wait3A_215 = arith.constant 0 : i32
      %dma_wait3A_216 = tpu.memref_slice %arg31[%dma_wait3A_215] : memref<1392xf32, #tpu.memory_space<vmem>> -> memref<1392xf32, #tpu.memory_space<vmem>>
      tpu.wait_dma2 semaphore(%run_scoped3A : memref<!tpu.dma_semaphore, #tpu.memory_space<semaphore_mem>>) src(%dma_wait3A_216 : memref<1392xf32, #tpu.memory_space<vmem>>) dst(%dma_wait3A_214 : memref<1392xf32, #tpu.memory_space<vmem_shared>>)
      tpu.yield
    }) : () -> ()
    %add3A_7 = arith.constant 1392 : i32
    %add3A_8 = arith.addi %mul3A_2, %add3A_7 : i32
    "tpu.region"() ({
      %run_scoped3A = tpu.sem_alloc : memref<!tpu.dma_semaphore, #tpu.memory_space<semaphore_mem>>
      %dma_start3A_205 = arith.constant 0 : i32
      %dma_start3A_206 = tpu.memref_slice %arg31[%dma_start3A_205] : memref<1392xf32, #tpu.memory_space<vmem>> -> memref<1392xf32, #tpu.memory_space<vmem>>
      %dma_start3A_207 = tpu.memref_slice %arg2[%add3A_8] : memref<50048xf32, #tpu.memory_space<hbm>> -> memref<1392xf32, #tpu.memory_space<hbm>>
      %dma_start3A_208 = arith.constant 0 : i32
      %dma_start3A_209 = tpu.memref_slice %arg31[%dma_start3A_208] : memref<1392xf32, #tpu.memory_space<vmem>> -> memref<1392xf32, #tpu.memory_space<vmem>>
      %dma_start3A_210 = tpu.memref_slice %arg2[%add3A_8] : memref<50048xf32, #tpu.memory_space<hbm>> -> memref<1392xf32, #tpu.memory_space<hbm>>
      tpu.enqueue_dma source(%dma_start3A_210 : memref<1392xf32, #tpu.memory_space<hbm>>) target(%dma_start3A_209 : memref<1392xf32, #tpu.memory_space<vmem>>) target_semaphore(%run_scoped3A : memref<!tpu.dma_semaphore, #tpu.memory_space<semaphore_mem>>)
      %dma_wait3A_211 = arith.constant 0 : i32
      %dma_wait3A_212 = tpu.memref_slice %arg31[%dma_wait3A_211] : memref<1392xf32, #tpu.memory_space<vmem>> -> memref<1392xf32, #tpu.memory_space<vmem>>
      %dma_wait3A_213 = tpu.memref_slice %arg2[%add3A_8] : memref<50048xf32, #tpu.memory_space<hbm>> -> memref<1392xf32, #tpu.memory_space<hbm>>
      %dma_wait3A_214 = arith.constant 0 : i32
      %dma_wait3A_215 = tpu.memref_slice %arg31[%dma_wait3A_214] : memref<1392xf32, #tpu.memory_space<vmem>> -> memref<1392xf32, #tpu.memory_space<vmem>>
      %dma_wait3A_216 = tpu.memref_slice %arg2[%add3A_8] : memref<50048xf32, #tpu.memory_space<hbm>> -> memref<1392xf32, #tpu.memory_space<hbm>>
      tpu.wait_dma2 semaphore(%run_scoped3A : memref<!tpu.dma_semaphore, #tpu.memory_space<semaphore_mem>>) src(%dma_wait3A_216 : memref<1392xf32, #tpu.memory_space<hbm>>) dst(%dma_wait3A_215 : memref<1392xf32, #tpu.memory_space<vmem>>)
      tpu.yield
    }) : () -> ()
    %add3A_9 = arith.constant 1392 : i32
    %add3A_10 = arith.addi %mul3A_2, %add3A_9 : i32
    "tpu.region"() ({
      %run_scoped3A = tpu.sem_alloc : memref<!tpu.dma_semaphore, #tpu.memory_space<semaphore_mem>>
      %dma_start3A_205 = arith.constant 0 : i32
      %dma_start3A_206 = tpu.memref_slice %arg31[%dma_start3A_205] : memref<1392xf32, #tpu.memory_space<vmem>> -> memref<1392xf32, #tpu.memory_space<vmem>>
      %dma_start3A_207 = tpu.memref_slice %arg15[%add3A_10] : memref<50048xf32, #tpu.memory_space<vmem_shared>> -> memref<1392xf32, #tpu.memory_space<vmem_shared>>
      %dma_start3A_208 = tpu.memref_slice %arg15[%add3A_10] : memref<50048xf32, #tpu.memory_space<vmem_shared>> -> memref<1392xf32, #tpu.memory_space<vmem_shared>>
      %dma_start3A_209 = arith.constant 0 : i32
      %dma_start3A_210 = tpu.memref_slice %arg31[%dma_start3A_209] : memref<1392xf32, #tpu.memory_space<vmem>> -> memref<1392xf32, #tpu.memory_space<vmem>>
      tpu.enqueue_dma source(%dma_start3A_210 : memref<1392xf32, #tpu.memory_space<vmem>>) target(%dma_start3A_208 : memref<1392xf32, #tpu.memory_space<vmem_shared>>) target_semaphore(%run_scoped3A : memref<!tpu.dma_semaphore, #tpu.memory_space<semaphore_mem>>)
      %dma_wait3A_211 = arith.constant 0 : i32
      %dma_wait3A_212 = tpu.memref_slice %arg31[%dma_wait3A_211] : memref<1392xf32, #tpu.memory_space<vmem>> -> memref<1392xf32, #tpu.memory_space<vmem>>
      %dma_wait3A_213 = tpu.memref_slice %arg15[%add3A_10] : memref<50048xf32, #tpu.memory_space<vmem_shared>> -> memref<1392xf32, #tpu.memory_space<vmem_shared>>
      %dma_wait3A_214 = tpu.memref_slice %arg15[%add3A_10] : memref<50048xf32, #tpu.memory_space<vmem_shared>> -> memref<1392xf32, #tpu.memory_space<vmem_shared>>
      %dma_wait3A_215 = arith.constant 0 : i32
      %dma_wait3A_216 = tpu.memref_slice %arg31[%dma_wait3A_215] : memref<1392xf32, #tpu.memory_space<vmem>> -> memref<1392xf32, #tpu.memory_space<vmem>>
      tpu.wait_dma2 semaphore(%run_scoped3A : memref<!tpu.dma_semaphore, #tpu.memory_space<semaphore_mem>>) src(%dma_wait3A_216 : memref<1392xf32, #tpu.memory_space<vmem>>) dst(%dma_wait3A_214 : memref<1392xf32, #tpu.memory_space<vmem_shared>>)
      tpu.yield
    }) : () -> ()
    %add3A_11 = arith.constant 2784 : i32
    %add3A_12 = arith.addi %mul3A_2, %add3A_11 : i32
    "tpu.region"() ({
      %run_scoped3A = tpu.sem_alloc : memref<!tpu.dma_semaphore, #tpu.memory_space<semaphore_mem>>
      %dma_start3A_205 = arith.constant 0 : i32
      %dma_start3A_206 = tpu.memref_slice %arg31[%dma_start3A_205] : memref<1392xf32, #tpu.memory_space<vmem>> -> memref<344xf32, #tpu.memory_space<vmem>>
      %dma_start3A_207 = tpu.memref_slice %arg2[%add3A_12] : memref<50048xf32, #tpu.memory_space<hbm>> -> memref<344xf32, #tpu.memory_space<hbm>>
      %dma_start3A_208 = arith.constant 0 : i32
      %dma_start3A_209 = tpu.memref_slice %arg31[%dma_start3A_208] : memref<1392xf32, #tpu.memory_space<vmem>> -> memref<344xf32, #tpu.memory_space<vmem>>
      %dma_start3A_210 = tpu.memref_slice %arg2[%add3A_12] : memref<50048xf32, #tpu.memory_space<hbm>> -> memref<344xf32, #tpu.memory_space<hbm>>
      tpu.enqueue_dma source(%dma_start3A_210 : memref<344xf32, #tpu.memory_space<hbm>>) target(%dma_start3A_209 : memref<344xf32, #tpu.memory_space<vmem>>) target_semaphore(%run_scoped3A : memref<!tpu.dma_semaphore, #tpu.memory_space<semaphore_mem>>)
      %dma_wait3A_211 = arith.constant 0 : i32
      %dma_wait3A_212 = tpu.memref_slice %arg31[%dma_wait3A_211] : memref<1392xf32, #tpu.memory_space<vmem>> -> memref<344xf32, #tpu.memory_space<vmem>>
      %dma_wait3A_213 = tpu.memref_slice %arg2[%add3A_12] : memref<50048xf32, #tpu.memory_space<hbm>> -> memref<344xf32, #tpu.memory_space<hbm>>
      %dma_wait3A_214 = arith.constant 0 : i32
      %dma_wait3A_215 = tpu.memref_slice %arg31[%dma_wait3A_214] : memref<1392xf32, #tpu.memory_space<vmem>> -> memref<344xf32, #tpu.memory_space<vmem>>
      %dma_wait3A_216 = tpu.memref_slice %arg2[%add3A_12] : memref<50048xf32, #tpu.memory_space<hbm>> -> memref<344xf32, #tpu.memory_space<hbm>>
      tpu.wait_dma2 semaphore(%run_scoped3A : memref<!tpu.dma_semaphore, #tpu.memory_space<semaphore_mem>>) src(%dma_wait3A_216 : memref<344xf32, #tpu.memory_space<hbm>>) dst(%dma_wait3A_215 : memref<344xf32, #tpu.memory_space<vmem>>)
      tpu.yield
    }) : () -> ()
    %add3A_13 = arith.constant 2784 : i32
    %add3A_14 = arith.addi %mul3A_2, %add3A_13 : i32
    "tpu.region"() ({
      %run_scoped3A = tpu.sem_alloc : memref<!tpu.dma_semaphore, #tpu.memory_space<semaphore_mem>>
      %dma_start3A_205 = arith.constant 0 : i32
      %dma_start3A_206 = tpu.memref_slice %arg31[%dma_start3A_205] : memref<1392xf32, #tpu.memory_space<vmem>> -> memref<344xf32, #tpu.memory_space<vmem>>
      %dma_start3A_207 = tpu.memref_slice %arg15[%add3A_14] : memref<50048xf32, #tpu.memory_space<vmem_shared>> -> memref<344xf32, #tpu.memory_space<vmem_shared>>
      %dma_start3A_208 = tpu.memref_slice %arg15[%add3A_14] : memref<50048xf32, #tpu.memory_space<vmem_shared>> -> memref<344xf32, #tpu.memory_space<vmem_shared>>
      %dma_start3A_209 = arith.constant 0 : i32
      %dma_start3A_210 = tpu.memref_slice %arg31[%dma_start3A_209] : memref<1392xf32, #tpu.memory_space<vmem>> -> memref<344xf32, #tpu.memory_space<vmem>>
      tpu.enqueue_dma source(%dma_start3A_210 : memref<344xf32, #tpu.memory_space<vmem>>) target(%dma_start3A_208 : memref<344xf32, #tpu.memory_space<vmem_shared>>) target_semaphore(%run_scoped3A : memref<!tpu.dma_semaphore, #tpu.memory_space<semaphore_mem>>)
      %dma_wait3A_211 = arith.constant 0 : i32
      %dma_wait3A_212 = tpu.memref_slice %arg31[%dma_wait3A_211] : memref<1392xf32, #tpu.memory_space<vmem>> -> memref<344xf32, #tpu.memory_space<vmem>>
      %dma_wait3A_213 = tpu.memref_slice %arg15[%add3A_14] : memref<50048xf32, #tpu.memory_space<vmem_shared>> -> memref<344xf32, #tpu.memory_space<vmem_shared>>
      %dma_wait3A_214 = tpu.memref_slice %arg15[%add3A_14] : memref<50048xf32, #tpu.memory_space<vmem_shared>> -> memref<344xf32, #tpu.memory_space<vmem_shared>>
      %dma_wait3A_215 = arith.constant 0 : i32
      %dma_wait3A_216 = tpu.memref_slice %arg31[%dma_wait3A_215] : memref<1392xf32, #tpu.memory_space<vmem>> -> memref<344xf32, #tpu.memory_space<vmem>>
      tpu.wait_dma2 semaphore(%run_scoped3A : memref<!tpu.dma_semaphore, #tpu.memory_space<semaphore_mem>>) src(%dma_wait3A_216 : memref<344xf32, #tpu.memory_space<vmem>>) dst(%dma_wait3A_214 : memref<344xf32, #tpu.memory_space<vmem_shared>>)
      tpu.yield
    }) : () -> ()
    %add3A_15 = arith.constant 0 : i32
    %add3A_16 = arith.addi %mul3A_2, %add3A_15 : i32
    "tpu.region"() ({
      %run_scoped3A = tpu.sem_alloc : memref<!tpu.dma_semaphore, #tpu.memory_space<semaphore_mem>>
      %dma_start3A_205 = arith.constant 0 : i32
      %dma_start3A_206 = tpu.memref_slice %arg31[%dma_start3A_205] : memref<1392xf32, #tpu.memory_space<vmem>> -> memref<1392xf32, #tpu.memory_space<vmem>>
      %dma_start3A_207 = tpu.memref_slice %arg3[%add3A_16] : memref<50048xf32, #tpu.memory_space<hbm>> -> memref<1392xf32, #tpu.memory_space<hbm>>
      %dma_start3A_208 = arith.constant 0 : i32
      %dma_start3A_209 = tpu.memref_slice %arg31[%dma_start3A_208] : memref<1392xf32, #tpu.memory_space<vmem>> -> memref<1392xf32, #tpu.memory_space<vmem>>
      %dma_start3A_210 = tpu.memref_slice %arg3[%add3A_16] : memref<50048xf32, #tpu.memory_space<hbm>> -> memref<1392xf32, #tpu.memory_space<hbm>>
      tpu.enqueue_dma source(%dma_start3A_210 : memref<1392xf32, #tpu.memory_space<hbm>>) target(%dma_start3A_209 : memref<1392xf32, #tpu.memory_space<vmem>>) target_semaphore(%run_scoped3A : memref<!tpu.dma_semaphore, #tpu.memory_space<semaphore_mem>>)
      %dma_wait3A_211 = arith.constant 0 : i32
      %dma_wait3A_212 = tpu.memref_slice %arg31[%dma_wait3A_211] : memref<1392xf32, #tpu.memory_space<vmem>> -> memref<1392xf32, #tpu.memory_space<vmem>>
      %dma_wait3A_213 = tpu.memref_slice %arg3[%add3A_16] : memref<50048xf32, #tpu.memory_space<hbm>> -> memref<1392xf32, #tpu.memory_space<hbm>>
      %dma_wait3A_214 = arith.constant 0 : i32
      %dma_wait3A_215 = tpu.memref_slice %arg31[%dma_wait3A_214] : memref<1392xf32, #tpu.memory_space<vmem>> -> memref<1392xf32, #tpu.memory_space<vmem>>
      %dma_wait3A_216 = tpu.memref_slice %arg3[%add3A_16] : memref<50048xf32, #tpu.memory_space<hbm>> -> memref<1392xf32, #tpu.memory_space<hbm>>
      tpu.wait_dma2 semaphore(%run_scoped3A : memref<!tpu.dma_semaphore, #tpu.memory_space<semaphore_mem>>) src(%dma_wait3A_216 : memref<1392xf32, #tpu.memory_space<hbm>>) dst(%dma_wait3A_215 : memref<1392xf32, #tpu.memory_space<vmem>>)
      tpu.yield
    }) : () -> ()
    %add3A_17 = arith.constant 0 : i32
    %add3A_18 = arith.addi %mul3A_2, %add3A_17 : i32
    "tpu.region"() ({
      %run_scoped3A = tpu.sem_alloc : memref<!tpu.dma_semaphore, #tpu.memory_space<semaphore_mem>>
      %dma_start3A_205 = arith.constant 0 : i32
      %dma_start3A_206 = tpu.memref_slice %arg31[%dma_start3A_205] : memref<1392xf32, #tpu.memory_space<vmem>> -> memref<1392xf32, #tpu.memory_space<vmem>>
      %dma_start3A_207 = tpu.memref_slice %arg16[%add3A_18] : memref<50048xf32, #tpu.memory_space<vmem_shared>> -> memref<1392xf32, #tpu.memory_space<vmem_shared>>
      %dma_start3A_208 = tpu.memref_slice %arg16[%add3A_18] : memref<50048xf32, #tpu.memory_space<vmem_shared>> -> memref<1392xf32, #tpu.memory_space<vmem_shared>>
      %dma_start3A_209 = arith.constant 0 : i32
      %dma_start3A_210 = tpu.memref_slice %arg31[%dma_start3A_209] : memref<1392xf32, #tpu.memory_space<vmem>> -> memref<1392xf32, #tpu.memory_space<vmem>>
      tpu.enqueue_dma source(%dma_start3A_210 : memref<1392xf32, #tpu.memory_space<vmem>>) target(%dma_start3A_208 : memref<1392xf32, #tpu.memory_space<vmem_shared>>) target_semaphore(%run_scoped3A : memref<!tpu.dma_semaphore, #tpu.memory_space<semaphore_mem>>)
      %dma_wait3A_211 = arith.constant 0 : i32
      %dma_wait3A_212 = tpu.memref_slice %arg31[%dma_wait3A_211] : memref<1392xf32, #tpu.memory_space<vmem>> -> memref<1392xf32, #tpu.memory_space<vmem>>
      %dma_wait3A_213 = tpu.memref_slice %arg16[%add3A_18] : memref<50048xf32, #tpu.memory_space<vmem_shared>> -> memref<1392xf32, #tpu.memory_space<vmem_shared>>
      %dma_wait3A_214 = tpu.memref_slice %arg16[%add3A_18] : memref<50048xf32, #tpu.memory_space<vmem_shared>> -> memref<1392xf32, #tpu.memory_space<vmem_shared>>
      %dma_wait3A_215 = arith.constant 0 : i32
      %dma_wait3A_216 = tpu.memref_slice %arg31[%dma_wait3A_215] : memref<1392xf32, #tpu.memory_space<vmem>> -> memref<1392xf32, #tpu.memory_space<vmem>>
      tpu.wait_dma2 semaphore(%run_scoped3A : memref<!tpu.dma_semaphore, #tpu.memory_space<semaphore_mem>>) src(%dma_wait3A_216 : memref<1392xf32, #tpu.memory_space<vmem>>) dst(%dma_wait3A_214 : memref<1392xf32, #tpu.memory_space<vmem_shared>>)
      tpu.yield
    }) : () -> ()
    %add3A_19 = arith.constant 1392 : i32
    %add3A_20 = arith.addi %mul3A_2, %add3A_19 : i32
    "tpu.region"() ({
      %run_scoped3A = tpu.sem_alloc : memref<!tpu.dma_semaphore, #tpu.memory_space<semaphore_mem>>
      %dma_start3A_205 = arith.constant 0 : i32
      %dma_start3A_206 = tpu.memref_slice %arg31[%dma_start3A_205] : memref<1392xf32, #tpu.memory_space<vmem>> -> memref<1392xf32, #tpu.memory_space<vmem>>
      %dma_start3A_207 = tpu.memref_slice %arg3[%add3A_20] : memref<50048xf32, #tpu.memory_space<hbm>> -> memref<1392xf32, #tpu.memory_space<hbm>>
      %dma_start3A_208 = arith.constant 0 : i32
      %dma_start3A_209 = tpu.memref_slice %arg31[%dma_start3A_208] : memref<1392xf32, #tpu.memory_space<vmem>> -> memref<1392xf32, #tpu.memory_space<vmem>>
      %dma_start3A_210 = tpu.memref_slice %arg3[%add3A_20] : memref<50048xf32, #tpu.memory_space<hbm>> -> memref<1392xf32, #tpu.memory_space<hbm>>
      tpu.enqueue_dma source(%dma_start3A_210 : memref<1392xf32, #tpu.memory_space<hbm>>) target(%dma_start3A_209 : memref<1392xf32, #tpu.memory_space<vmem>>) target_semaphore(%run_scoped3A : memref<!tpu.dma_semaphore, #tpu.memory_space<semaphore_mem>>)
      %dma_wait3A_211 = arith.constant 0 : i32
      %dma_wait3A_212 = tpu.memref_slice %arg31[%dma_wait3A_211] : memref<1392xf32, #tpu.memory_space<vmem>> -> memref<1392xf32, #tpu.memory_space<vmem>>
      %dma_wait3A_213 = tpu.memref_slice %arg3[%add3A_20] : memref<50048xf32, #tpu.memory_space<hbm>> -> memref<1392xf32, #tpu.memory_space<hbm>>
      %dma_wait3A_214 = arith.constant 0 : i32
      %dma_wait3A_215 = tpu.memref_slice %arg31[%dma_wait3A_214] : memref<1392xf32, #tpu.memory_space<vmem>> -> memref<1392xf32, #tpu.memory_space<vmem>>
      %dma_wait3A_216 = tpu.memref_slice %arg3[%add3A_20] : memref<50048xf32, #tpu.memory_space<hbm>> -> memref<1392xf32, #tpu.memory_space<hbm>>
      tpu.wait_dma2 semaphore(%run_scoped3A : memref<!tpu.dma_semaphore, #tpu.memory_space<semaphore_mem>>) src(%dma_wait3A_216 : memref<1392xf32, #tpu.memory_space<hbm>>) dst(%dma_wait3A_215 : memref<1392xf32, #tpu.memory_space<vmem>>)
      tpu.yield
    }) : () -> ()
    %add3A_21 = arith.constant 1392 : i32
    %add3A_22 = arith.addi %mul3A_2, %add3A_21 : i32
    "tpu.region"() ({
      %run_scoped3A = tpu.sem_alloc : memref<!tpu.dma_semaphore, #tpu.memory_space<semaphore_mem>>
      %dma_start3A_205 = arith.constant 0 : i32
      %dma_start3A_206 = tpu.memref_slice %arg31[%dma_start3A_205] : memref<1392xf32, #tpu.memory_space<vmem>> -> memref<1392xf32, #tpu.memory_space<vmem>>
      %dma_start3A_207 = tpu.memref_slice %arg16[%add3A_22] : memref<50048xf32, #tpu.memory_space<vmem_shared>> -> memref<1392xf32, #tpu.memory_space<vmem_shared>>
      %dma_start3A_208 = tpu.memref_slice %arg16[%add3A_22] : memref<50048xf32, #tpu.memory_space<vmem_shared>> -> memref<1392xf32, #tpu.memory_space<vmem_shared>>
      %dma_start3A_209 = arith.constant 0 : i32
      %dma_start3A_210 = tpu.memref_slice %arg31[%dma_start3A_209] : memref<1392xf32, #tpu.memory_space<vmem>> -> memref<1392xf32, #tpu.memory_space<vmem>>
      tpu.enqueue_dma source(%dma_start3A_210 : memref<1392xf32, #tpu.memory_space<vmem>>) target(%dma_start3A_208 : memref<1392xf32, #tpu.memory_space<vmem_shared>>) target_semaphore(%run_scoped3A : memref<!tpu.dma_semaphore, #tpu.memory_space<semaphore_mem>>)
      %dma_wait3A_211 = arith.constant 0 : i32
      %dma_wait3A_212 = tpu.memref_slice %arg31[%dma_wait3A_211] : memref<1392xf32, #tpu.memory_space<vmem>> -> memref<1392xf32, #tpu.memory_space<vmem>>
      %dma_wait3A_213 = tpu.memref_slice %arg16[%add3A_22] : memref<50048xf32, #tpu.memory_space<vmem_shared>> -> memref<1392xf32, #tpu.memory_space<vmem_shared>>
      %dma_wait3A_214 = tpu.memref_slice %arg16[%add3A_22] : memref<50048xf32, #tpu.memory_space<vmem_shared>> -> memref<1392xf32, #tpu.memory_space<vmem_shared>>
      %dma_wait3A_215 = arith.constant 0 : i32
      %dma_wait3A_216 = tpu.memref_slice %arg31[%dma_wait3A_215] : memref<1392xf32, #tpu.memory_space<vmem>> -> memref<1392xf32, #tpu.memory_space<vmem>>
      tpu.wait_dma2 semaphore(%run_scoped3A : memref<!tpu.dma_semaphore, #tpu.memory_space<semaphore_mem>>) src(%dma_wait3A_216 : memref<1392xf32, #tpu.memory_space<vmem>>) dst(%dma_wait3A_214 : memref<1392xf32, #tpu.memory_space<vmem_shared>>)
      tpu.yield
    }) : () -> ()
    %add3A_23 = arith.constant 2784 : i32
    %add3A_24 = arith.addi %mul3A_2, %add3A_23 : i32
    "tpu.region"() ({
      %run_scoped3A = tpu.sem_alloc : memref<!tpu.dma_semaphore, #tpu.memory_space<semaphore_mem>>
      %dma_start3A_205 = arith.constant 0 : i32
      %dma_start3A_206 = tpu.memref_slice %arg31[%dma_start3A_205] : memref<1392xf32, #tpu.memory_space<vmem>> -> memref<344xf32, #tpu.memory_space<vmem>>
      %dma_start3A_207 = tpu.memref_slice %arg3[%add3A_24] : memref<50048xf32, #tpu.memory_space<hbm>> -> memref<344xf32, #tpu.memory_space<hbm>>
      %dma_start3A_208 = arith.constant 0 : i32
      %dma_start3A_209 = tpu.memref_slice %arg31[%dma_start3A_208] : memref<1392xf32, #tpu.memory_space<vmem>> -> memref<344xf32, #tpu.memory_space<vmem>>
      %dma_start3A_210 = tpu.memref_slice %arg3[%add3A_24] : memref<50048xf32, #tpu.memory_space<hbm>> -> memref<344xf32, #tpu.memory_space<hbm>>
      tpu.enqueue_dma source(%dma_start3A_210 : memref<344xf32, #tpu.memory_space<hbm>>) target(%dma_start3A_209 : memref<344xf32, #tpu.memory_space<vmem>>) target_semaphore(%run_scoped3A : memref<!tpu.dma_semaphore, #tpu.memory_space<semaphore_mem>>)
      %dma_wait3A_211 = arith.constant 0 : i32
      %dma_wait3A_212 = tpu.memref_slice %arg31[%dma_wait3A_211] : memref<1392xf32, #tpu.memory_space<vmem>> -> memref<344xf32, #tpu.memory_space<vmem>>
      %dma_wait3A_213 = tpu.memref_slice %arg3[%add3A_24] : memref<50048xf32, #tpu.memory_space<hbm>> -> memref<344xf32, #tpu.memory_space<hbm>>
      %dma_wait3A_214 = arith.constant 0 : i32
      %dma_wait3A_215 = tpu.memref_slice %arg31[%dma_wait3A_214] : memref<1392xf32, #tpu.memory_space<vmem>> -> memref<344xf32, #tpu.memory_space<vmem>>
      %dma_wait3A_216 = tpu.memref_slice %arg3[%add3A_24] : memref<50048xf32, #tpu.memory_space<hbm>> -> memref<344xf32, #tpu.memory_space<hbm>>
      tpu.wait_dma2 semaphore(%run_scoped3A : memref<!tpu.dma_semaphore, #tpu.memory_space<semaphore_mem>>) src(%dma_wait3A_216 : memref<344xf32, #tpu.memory_space<hbm>>) dst(%dma_wait3A_215 : memref<344xf32, #tpu.memory_space<vmem>>)
      tpu.yield
    }) : () -> ()
    %add3A_25 = arith.constant 2784 : i32
    %add3A_26 = arith.addi %mul3A_2, %add3A_25 : i32
    "tpu.region"() ({
      %run_scoped3A = tpu.sem_alloc : memref<!tpu.dma_semaphore, #tpu.memory_space<semaphore_mem>>
      %dma_start3A_205 = arith.constant 0 : i32
      %dma_start3A_206 = tpu.memref_slice %arg31[%dma_start3A_205] : memref<1392xf32, #tpu.memory_space<vmem>> -> memref<344xf32, #tpu.memory_space<vmem>>
      %dma_start3A_207 = tpu.memref_slice %arg16[%add3A_26] : memref<50048xf32, #tpu.memory_space<vmem_shared>> -> memref<344xf32, #tpu.memory_space<vmem_shared>>
      %dma_start3A_208 = tpu.memref_slice %arg16[%add3A_26] : memref<50048xf32, #tpu.memory_space<vmem_shared>> -> memref<344xf32, #tpu.memory_space<vmem_shared>>
      %dma_start3A_209 = arith.constant 0 : i32
      %dma_start3A_210 = tpu.memref_slice %arg31[%dma_start3A_209] : memref<1392xf32, #tpu.memory_space<vmem>> -> memref<344xf32, #tpu.memory_space<vmem>>
      tpu.enqueue_dma source(%dma_start3A_210 : memref<344xf32, #tpu.memory_space<vmem>>) target(%dma_start3A_208 : memref<344xf32, #tpu.memory_space<vmem_shared>>) target_semaphore(%run_scoped3A : memref<!tpu.dma_semaphore, #tpu.memory_space<semaphore_mem>>)
      %dma_wait3A_211 = arith.constant 0 : i32
      %dma_wait3A_212 = tpu.memref_slice %arg31[%dma_wait3A_211] : memref<1392xf32, #tpu.memory_space<vmem>> -> memref<344xf32, #tpu.memory_space<vmem>>
      %dma_wait3A_213 = tpu.memref_slice %arg16[%add3A_26] : memref<50048xf32, #tpu.memory_space<vmem_shared>> -> memref<344xf32, #tpu.memory_space<vmem_shared>>
      %dma_wait3A_214 = tpu.memref_slice %arg16[%add3A_26] : memref<50048xf32, #tpu.memory_space<vmem_shared>> -> memref<344xf32, #tpu.memory_space<vmem_shared>>
      %dma_wait3A_215 = arith.constant 0 : i32
      %dma_wait3A_216 = tpu.memref_slice %arg31[%dma_wait3A_215] : memref<1392xf32, #tpu.memory_space<vmem>> -> memref<344xf32, #tpu.memory_space<vmem>>
      tpu.wait_dma2 semaphore(%run_scoped3A : memref<!tpu.dma_semaphore, #tpu.memory_space<semaphore_mem>>) src(%dma_wait3A_216 : memref<344xf32, #tpu.memory_space<vmem>>) dst(%dma_wait3A_214 : memref<344xf32, #tpu.memory_space<vmem_shared>>)
      tpu.yield
    }) : () -> ()
    %add3A_27 = arith.constant 0 : i32
    %add3A_28 = arith.addi %mul3A_2, %add3A_27 : i32
    "tpu.region"() ({
      %run_scoped3A = tpu.sem_alloc : memref<!tpu.dma_semaphore, #tpu.memory_space<semaphore_mem>>
      %dma_start3A_205 = arith.constant 0 : i32
      %dma_start3A_206 = tpu.memref_slice %arg31[%dma_start3A_205] : memref<1392xf32, #tpu.memory_space<vmem>> -> memref<1392xf32, #tpu.memory_space<vmem>>
      %dma_start3A_207 = tpu.memref_slice %arg4[%add3A_28] : memref<50048xf32, #tpu.memory_space<hbm>> -> memref<1392xf32, #tpu.memory_space<hbm>>
      %dma_start3A_208 = arith.constant 0 : i32
      %dma_start3A_209 = tpu.memref_slice %arg31[%dma_start3A_208] : memref<1392xf32, #tpu.memory_space<vmem>> -> memref<1392xf32, #tpu.memory_space<vmem>>
      %dma_start3A_210 = tpu.memref_slice %arg4[%add3A_28] : memref<50048xf32, #tpu.memory_space<hbm>> -> memref<1392xf32, #tpu.memory_space<hbm>>
      tpu.enqueue_dma source(%dma_start3A_210 : memref<1392xf32, #tpu.memory_space<hbm>>) target(%dma_start3A_209 : memref<1392xf32, #tpu.memory_space<vmem>>) target_semaphore(%run_scoped3A : memref<!tpu.dma_semaphore, #tpu.memory_space<semaphore_mem>>)
      %dma_wait3A_211 = arith.constant 0 : i32
      %dma_wait3A_212 = tpu.memref_slice %arg31[%dma_wait3A_211] : memref<1392xf32, #tpu.memory_space<vmem>> -> memref<1392xf32, #tpu.memory_space<vmem>>
      %dma_wait3A_213 = tpu.memref_slice %arg4[%add3A_28] : memref<50048xf32, #tpu.memory_space<hbm>> -> memref<1392xf32, #tpu.memory_space<hbm>>
      %dma_wait3A_214 = arith.constant 0 : i32
      %dma_wait3A_215 = tpu.memref_slice %arg31[%dma_wait3A_214] : memref<1392xf32, #tpu.memory_space<vmem>> -> memref<1392xf32, #tpu.memory_space<vmem>>
      %dma_wait3A_216 = tpu.memref_slice %arg4[%add3A_28] : memref<50048xf32, #tpu.memory_space<hbm>> -> memref<1392xf32, #tpu.memory_space<hbm>>
      tpu.wait_dma2 semaphore(%run_scoped3A : memref<!tpu.dma_semaphore, #tpu.memory_space<semaphore_mem>>) src(%dma_wait3A_216 : memref<1392xf32, #tpu.memory_space<hbm>>) dst(%dma_wait3A_215 : memref<1392xf32, #tpu.memory_space<vmem>>)
      tpu.yield
    }) : () -> ()
    %add3A_29 = arith.constant 0 : i32
    %add3A_30 = arith.addi %mul3A_2, %add3A_29 : i32
    "tpu.region"() ({
      %run_scoped3A = tpu.sem_alloc : memref<!tpu.dma_semaphore, #tpu.memory_space<semaphore_mem>>
      %dma_start3A_205 = arith.constant 0 : i32
      %dma_start3A_206 = tpu.memref_slice %arg31[%dma_start3A_205] : memref<1392xf32, #tpu.memory_space<vmem>> -> memref<1392xf32, #tpu.memory_space<vmem>>
      %dma_start3A_207 = tpu.memref_slice %arg17[%add3A_30] : memref<50048xf32, #tpu.memory_space<vmem_shared>> -> memref<1392xf32, #tpu.memory_space<vmem_shared>>
      %dma_start3A_208 = tpu.memref_slice %arg17[%add3A_30] : memref<50048xf32, #tpu.memory_space<vmem_shared>> -> memref<1392xf32, #tpu.memory_space<vmem_shared>>
      %dma_start3A_209 = arith.constant 0 : i32
      %dma_start3A_210 = tpu.memref_slice %arg31[%dma_start3A_209] : memref<1392xf32, #tpu.memory_space<vmem>> -> memref<1392xf32, #tpu.memory_space<vmem>>
      tpu.enqueue_dma source(%dma_start3A_210 : memref<1392xf32, #tpu.memory_space<vmem>>) target(%dma_start3A_208 : memref<1392xf32, #tpu.memory_space<vmem_shared>>) target_semaphore(%run_scoped3A : memref<!tpu.dma_semaphore, #tpu.memory_space<semaphore_mem>>)
      %dma_wait3A_211 = arith.constant 0 : i32
      %dma_wait3A_212 = tpu.memref_slice %arg31[%dma_wait3A_211] : memref<1392xf32, #tpu.memory_space<vmem>> -> memref<1392xf32, #tpu.memory_space<vmem>>
      %dma_wait3A_213 = tpu.memref_slice %arg17[%add3A_30] : memref<50048xf32, #tpu.memory_space<vmem_shared>> -> memref<1392xf32, #tpu.memory_space<vmem_shared>>
      %dma_wait3A_214 = tpu.memref_slice %arg17[%add3A_30] : memref<50048xf32, #tpu.memory_space<vmem_shared>> -> memref<1392xf32, #tpu.memory_space<vmem_shared>>
      %dma_wait3A_215 = arith.constant 0 : i32
      %dma_wait3A_216 = tpu.memref_slice %arg31[%dma_wait3A_215] : memref<1392xf32, #tpu.memory_space<vmem>> -> memref<1392xf32, #tpu.memory_space<vmem>>
      tpu.wait_dma2 semaphore(%run_scoped3A : memref<!tpu.dma_semaphore, #tpu.memory_space<semaphore_mem>>) src(%dma_wait3A_216 : memref<1392xf32, #tpu.memory_space<vmem>>) dst(%dma_wait3A_214 : memref<1392xf32, #tpu.memory_space<vmem_shared>>)
      tpu.yield
    }) : () -> ()
    %add3A_31 = arith.constant 1392 : i32
    %add3A_32 = arith.addi %mul3A_2, %add3A_31 : i32
    "tpu.region"() ({
      %run_scoped3A = tpu.sem_alloc : memref<!tpu.dma_semaphore, #tpu.memory_space<semaphore_mem>>
      %dma_start3A_205 = arith.constant 0 : i32
      %dma_start3A_206 = tpu.memref_slice %arg31[%dma_start3A_205] : memref<1392xf32, #tpu.memory_space<vmem>> -> memref<1392xf32, #tpu.memory_space<vmem>>
      %dma_start3A_207 = tpu.memref_slice %arg4[%add3A_32] : memref<50048xf32, #tpu.memory_space<hbm>> -> memref<1392xf32, #tpu.memory_space<hbm>>
      %dma_start3A_208 = arith.constant 0 : i32
      %dma_start3A_209 = tpu.memref_slice %arg31[%dma_start3A_208] : memref<1392xf32, #tpu.memory_space<vmem>> -> memref<1392xf32, #tpu.memory_space<vmem>>
      %dma_start3A_210 = tpu.memref_slice %arg4[%add3A_32] : memref<50048xf32, #tpu.memory_space<hbm>> -> memref<1392xf32, #tpu.memory_space<hbm>>
      tpu.enqueue_dma source(%dma_start3A_210 : memref<1392xf32, #tpu.memory_space<hbm>>) target(%dma_start3A_209 : memref<1392xf32, #tpu.memory_space<vmem>>) target_semaphore(%run_scoped3A : memref<!tpu.dma_semaphore, #tpu.memory_space<semaphore_mem>>)
      %dma_wait3A_211 = arith.constant 0 : i32
      %dma_wait3A_212 = tpu.memref_slice %arg31[%dma_wait3A_211] : memref<1392xf32, #tpu.memory_space<vmem>> -> memref<1392xf32, #tpu.memory_space<vmem>>
      %dma_wait3A_213 = tpu.memref_slice %arg4[%add3A_32] : memref<50048xf32, #tpu.memory_space<hbm>> -> memref<1392xf32, #tpu.memory_space<hbm>>
      %dma_wait3A_214 = arith.constant 0 : i32
      %dma_wait3A_215 = tpu.memref_slice %arg31[%dma_wait3A_214] : memref<1392xf32, #tpu.memory_space<vmem>> -> memref<1392xf32, #tpu.memory_space<vmem>>
      %dma_wait3A_216 = tpu.memref_slice %arg4[%add3A_32] : memref<50048xf32, #tpu.memory_space<hbm>> -> memref<1392xf32, #tpu.memory_space<hbm>>
      tpu.wait_dma2 semaphore(%run_scoped3A : memref<!tpu.dma_semaphore, #tpu.memory_space<semaphore_mem>>) src(%dma_wait3A_216 : memref<1392xf32, #tpu.memory_space<hbm>>) dst(%dma_wait3A_215 : memref<1392xf32, #tpu.memory_space<vmem>>)
      tpu.yield
    }) : () -> ()
    %add3A_33 = arith.constant 1392 : i32
    %add3A_34 = arith.addi %mul3A_2, %add3A_33 : i32
    "tpu.region"() ({
      %run_scoped3A = tpu.sem_alloc : memref<!tpu.dma_semaphore, #tpu.memory_space<semaphore_mem>>
      %dma_start3A_205 = arith.constant 0 : i32
      %dma_start3A_206 = tpu.memref_slice %arg31[%dma_start3A_205] : memref<1392xf32, #tpu.memory_space<vmem>> -> memref<1392xf32, #tpu.memory_space<vmem>>
      %dma_start3A_207 = tpu.memref_slice %arg17[%add3A_34] : memref<50048xf32, #tpu.memory_space<vmem_shared>> -> memref<1392xf32, #tpu.memory_space<vmem_shared>>
      %dma_start3A_208 = tpu.memref_slice %arg17[%add3A_34] : memref<50048xf32, #tpu.memory_space<vmem_shared>> -> memref<1392xf32, #tpu.memory_space<vmem_shared>>
      %dma_start3A_209 = arith.constant 0 : i32
      %dma_start3A_210 = tpu.memref_slice %arg31[%dma_start3A_209] : memref<1392xf32, #tpu.memory_space<vmem>> -> memref<1392xf32, #tpu.memory_space<vmem>>
      tpu.enqueue_dma source(%dma_start3A_210 : memref<1392xf32, #tpu.memory_space<vmem>>) target(%dma_start3A_208 : memref<1392xf32, #tpu.memory_space<vmem_shared>>) target_semaphore(%run_scoped3A : memref<!tpu.dma_semaphore, #tpu.memory_space<semaphore_mem>>)
      %dma_wait3A_211 = arith.constant 0 : i32
      %dma_wait3A_212 = tpu.memref_slice %arg31[%dma_wait3A_211] : memref<1392xf32, #tpu.memory_space<vmem>> -> memref<1392xf32, #tpu.memory_space<vmem>>
      %dma_wait3A_213 = tpu.memref_slice %arg17[%add3A_34] : memref<50048xf32, #tpu.memory_space<vmem_shared>> -> memref<1392xf32, #tpu.memory_space<vmem_shared>>
      %dma_wait3A_214 = tpu.memref_slice %arg17[%add3A_34] : memref<50048xf32, #tpu.memory_space<vmem_shared>> -> memref<1392xf32, #tpu.memory_space<vmem_shared>>
      %dma_wait3A_215 = arith.constant 0 : i32
      %dma_wait3A_216 = tpu.memref_slice %arg31[%dma_wait3A_215] : memref<1392xf32, #tpu.memory_space<vmem>> -> memref<1392xf32, #tpu.memory_space<vmem>>
      tpu.wait_dma2 semaphore(%run_scoped3A : memref<!tpu.dma_semaphore, #tpu.memory_space<semaphore_mem>>) src(%dma_wait3A_216 : memref<1392xf32, #tpu.memory_space<vmem>>) dst(%dma_wait3A_214 : memref<1392xf32, #tpu.memory_space<vmem_shared>>)
      tpu.yield
    }) : () -> ()
    %add3A_35 = arith.constant 2784 : i32
    %add3A_36 = arith.addi %mul3A_2, %add3A_35 : i32
    "tpu.region"() ({
      %run_scoped3A = tpu.sem_alloc : memref<!tpu.dma_semaphore, #tpu.memory_space<semaphore_mem>>
      %dma_start3A_205 = arith.constant 0 : i32
      %dma_start3A_206 = tpu.memref_slice %arg31[%dma_start3A_205] : memref<1392xf32, #tpu.memory_space<vmem>> -> memref<344xf32, #tpu.memory_space<vmem>>
      %dma_start3A_207 = tpu.memref_slice %arg4[%add3A_36] : memref<50048xf32, #tpu.memory_space<hbm>> -> memref<344xf32, #tpu.memory_space<hbm>>
      %dma_start3A_208 = arith.constant 0 : i32
      %dma_start3A_209 = tpu.memref_slice %arg31[%dma_start3A_208] : memref<1392xf32, #tpu.memory_space<vmem>> -> memref<344xf32, #tpu.memory_space<vmem>>
      %dma_start3A_210 = tpu.memref_slice %arg4[%add3A_36] : memref<50048xf32, #tpu.memory_space<hbm>> -> memref<344xf32, #tpu.memory_space<hbm>>
      tpu.enqueue_dma source(%dma_start3A_210 : memref<344xf32, #tpu.memory_space<hbm>>) target(%dma_start3A_209 : memref<344xf32, #tpu.memory_space<vmem>>) target_semaphore(%run_scoped3A : memref<!tpu.dma_semaphore, #tpu.memory_space<semaphore_mem>>)
      %dma_wait3A_211 = arith.constant 0 : i32
      %dma_wait3A_212 = tpu.memref_slice %arg31[%dma_wait3A_211] : memref<1392xf32, #tpu.memory_space<vmem>> -> memref<344xf32, #tpu.memory_space<vmem>>
      %dma_wait3A_213 = tpu.memref_slice %arg4[%add3A_36] : memref<50048xf32, #tpu.memory_space<hbm>> -> memref<344xf32, #tpu.memory_space<hbm>>
      %dma_wait3A_214 = arith.constant 0 : i32
      %dma_wait3A_215 = tpu.memref_slice %arg31[%dma_wait3A_214] : memref<1392xf32, #tpu.memory_space<vmem>> -> memref<344xf32, #tpu.memory_space<vmem>>
      %dma_wait3A_216 = tpu.memref_slice %arg4[%add3A_36] : memref<50048xf32, #tpu.memory_space<hbm>> -> memref<344xf32, #tpu.memory_space<hbm>>
      tpu.wait_dma2 semaphore(%run_scoped3A : memref<!tpu.dma_semaphore, #tpu.memory_space<semaphore_mem>>) src(%dma_wait3A_216 : memref<344xf32, #tpu.memory_space<hbm>>) dst(%dma_wait3A_215 : memref<344xf32, #tpu.memory_space<vmem>>)
      tpu.yield
    }) : () -> ()
    %add3A_37 = arith.constant 2784 : i32
    %add3A_38 = arith.addi %mul3A_2, %add3A_37 : i32
    "tpu.region"() ({
      %run_scoped3A = tpu.sem_alloc : memref<!tpu.dma_semaphore, #tpu.memory_space<semaphore_mem>>
      %dma_start3A_205 = arith.constant 0 : i32
      %dma_start3A_206 = tpu.memref_slice %arg31[%dma_start3A_205] : memref<1392xf32, #tpu.memory_space<vmem>> -> memref<344xf32, #tpu.memory_space<vmem>>
      %dma_start3A_207 = tpu.memref_slice %arg17[%add3A_38] : memref<50048xf32, #tpu.memory_space<vmem_shared>> -> memref<344xf32, #tpu.memory_space<vmem_shared>>
      %dma_start3A_208 = tpu.memref_slice %arg17[%add3A_38] : memref<50048xf32, #tpu.memory_space<vmem_shared>> -> memref<344xf32, #tpu.memory_space<vmem_shared>>
      %dma_start3A_209 = arith.constant 0 : i32
      %dma_start3A_210 = tpu.memref_slice %arg31[%dma_start3A_209] : memref<1392xf32, #tpu.memory_space<vmem>> -> memref<344xf32, #tpu.memory_space<vmem>>
      tpu.enqueue_dma source(%dma_start3A_210 : memref<344xf32, #tpu.memory_space<vmem>>) target(%dma_start3A_208 : memref<344xf32, #tpu.memory_space<vmem_shared>>) target_semaphore(%run_scoped3A : memref<!tpu.dma_semaphore, #tpu.memory_space<semaphore_mem>>)
      %dma_wait3A_211 = arith.constant 0 : i32
      %dma_wait3A_212 = tpu.memref_slice %arg31[%dma_wait3A_211] : memref<1392xf32, #tpu.memory_space<vmem>> -> memref<344xf32, #tpu.memory_space<vmem>>
      %dma_wait3A_213 = tpu.memref_slice %arg17[%add3A_38] : memref<50048xf32, #tpu.memory_space<vmem_shared>> -> memref<344xf32, #tpu.memory_space<vmem_shared>>
      %dma_wait3A_214 = tpu.memref_slice %arg17[%add3A_38] : memref<50048xf32, #tpu.memory_space<vmem_shared>> -> memref<344xf32, #tpu.memory_space<vmem_shared>>
      %dma_wait3A_215 = arith.constant 0 : i32
      %dma_wait3A_216 = tpu.memref_slice %arg31[%dma_wait3A_215] : memref<1392xf32, #tpu.memory_space<vmem>> -> memref<344xf32, #tpu.memory_space<vmem>>
      tpu.wait_dma2 semaphore(%run_scoped3A : memref<!tpu.dma_semaphore, #tpu.memory_space<semaphore_mem>>) src(%dma_wait3A_216 : memref<344xf32, #tpu.memory_space<vmem>>) dst(%dma_wait3A_214 : memref<344xf32, #tpu.memory_space<vmem_shared>>)
      tpu.yield
    }) : () -> ()
    %scan3A = arith.constant 0 : i32
    %scan3A_39 = arith.constant 0 : i32
    %scan3A_40 = arith.constant 87 : i32
    %scan3A_41 = arith.addi %scan3A_39, %scan3A_40 : i32
    %scan3A_42 = arith.constant 1 : i32
    %scan3A_43 = scf.for %scan3A_205 = %scan3A_39 to %scan3A_41 step %scan3A_42 iter_args(%scan3A_206 = %scan3A) -> (i32)  : i32 {
      %broadcast_in_dim3A_207 = arith.constant 0.000000e+00 : f32
      %broadcast_in_dim3A_208 = vector.broadcast %broadcast_in_dim3A_207 : f32 to vector<16xf32>
      %mul3A_209 = arith.constant 16 : i32
      %mul3A_210 = arith.muli %scan3A_205, %mul3A_209 : i32
      %swap3A_211 = arith.index_cast %mul3A_210 : i32 to index
      %swap3A_212 = tpu.vector_load %arg31[%swap3A_211] {strides = array<i32>} : memref<1392xf32, #tpu.memory_space<vmem>>, vector<16xf32>,
      %swap3A_213 = vector.shape_cast %swap3A_212 : vector<16xf32> to vector<16xf32>
      %swap3A_214 = vector.shape_cast %broadcast_in_dim3A_208 : vector<16xf32> to vector<16xf32>
      tpu.vector_store %arg31[%swap3A_211], %swap3A_214 {strides = array<i32>} : memref<1392xf32, #tpu.memory_space<vmem>>, vector<16xf32>,
      %scan3A_215 = arith.constant 0 : i32
      scf.yield %scan3A_215 : i32
    }
    %scan3A_44 = arith.constant 87 : i32
    %add3A_45 = arith.constant 0 : i32
    %add3A_46 = arith.addi %mul3A_2, %add3A_45 : i32
    "tpu.region"() ({
      %run_scoped3A = tpu.sem_alloc : memref<!tpu.dma_semaphore, #tpu.memory_space<semaphore_mem>>
      %dma_start3A_205 = arith.constant 0 : i32
      %dma_start3A_206 = tpu.memref_slice %arg31[%dma_start3A_205] : memref<1392xf32, #tpu.memory_space<vmem>> -> memref<1392xf32, #tpu.memory_space<vmem>>
      %dma_start3A_207 = tpu.memref_slice %arg18[%add3A_46] : memref<50048xf32, #tpu.memory_space<vmem_shared>> -> memref<1392xf32, #tpu.memory_space<vmem_shared>>
      %dma_start3A_208 = tpu.memref_slice %arg18[%add3A_46] : memref<50048xf32, #tpu.memory_space<vmem_shared>> -> memref<1392xf32, #tpu.memory_space<vmem_shared>>
      %dma_start3A_209 = arith.constant 0 : i32
      %dma_start3A_210 = tpu.memref_slice %arg31[%dma_start3A_209] : memref<1392xf32, #tpu.memory_space<vmem>> -> memref<1392xf32, #tpu.memory_space<vmem>>
      tpu.enqueue_dma source(%dma_start3A_210 : memref<1392xf32, #tpu.memory_space<vmem>>) target(%dma_start3A_208 : memref<1392xf32, #tpu.memory_space<vmem_shared>>) target_semaphore(%run_scoped3A : memref<!tpu.dma_semaphore, #tpu.memory_space<semaphore_mem>>)
      %dma_wait3A_211 = arith.constant 0 : i32
      %dma_wait3A_212 = tpu.memref_slice %arg31[%dma_wait3A_211] : memref<1392xf32, #tpu.memory_space<vmem>> -> memref<1392xf32, #tpu.memory_space<vmem>>
      %dma_wait3A_213 = tpu.memref_slice %arg18[%add3A_46] : memref<50048xf32, #tpu.memory_space<vmem_shared>> -> memref<1392xf32, #tpu.memory_space<vmem_shared>>
      %dma_wait3A_214 = tpu.memref_slice %arg18[%add3A_46] : memref<50048xf32, #tpu.memory_space<vmem_shared>> -> memref<1392xf32, #tpu.memory_space<vmem_shared>>
      %dma_wait3A_215 = arith.constant 0 : i32
      %dma_wait3A_216 = tpu.memref_slice %arg31[%dma_wait3A_215] : memref<1392xf32, #tpu.memory_space<vmem>> -> memref<1392xf32, #tpu.memory_space<vmem>>
      tpu.wait_dma2 semaphore(%run_scoped3A : memref<!tpu.dma_semaphore, #tpu.memory_space<semaphore_mem>>) src(%dma_wait3A_216 : memref<1392xf32, #tpu.memory_space<vmem>>) dst(%dma_wait3A_214 : memref<1392xf32, #tpu.memory_space<vmem_shared>>)
      tpu.yield
    }) : () -> ()
    %add3A_47 = arith.constant 1392 : i32
    %add3A_48 = arith.addi %mul3A_2, %add3A_47 : i32
    "tpu.region"() ({
      %run_scoped3A = tpu.sem_alloc : memref<!tpu.dma_semaphore, #tpu.memory_space<semaphore_mem>>
      %dma_start3A_205 = arith.constant 0 : i32
      %dma_start3A_206 = tpu.memref_slice %arg31[%dma_start3A_205] : memref<1392xf32, #tpu.memory_space<vmem>> -> memref<1392xf32, #tpu.memory_space<vmem>>
      %dma_start3A_207 = tpu.memref_slice %arg18[%add3A_48] : memref<50048xf32, #tpu.memory_space<vmem_shared>> -> memref<1392xf32, #tpu.memory_space<vmem_shared>>
      %dma_start3A_208 = tpu.memref_slice %arg18[%add3A_48] : memref<50048xf32, #tpu.memory_space<vmem_shared>> -> memref<1392xf32, #tpu.memory_space<vmem_shared>>
      %dma_start3A_209 = arith.constant 0 : i32
      %dma_start3A_210 = tpu.memref_slice %arg31[%dma_start3A_209] : memref<1392xf32, #tpu.memory_space<vmem>> -> memref<1392xf32, #tpu.memory_space<vmem>>
      tpu.enqueue_dma source(%dma_start3A_210 : memref<1392xf32, #tpu.memory_space<vmem>>) target(%dma_start3A_208 : memref<1392xf32, #tpu.memory_space<vmem_shared>>) target_semaphore(%run_scoped3A : memref<!tpu.dma_semaphore, #tpu.memory_space<semaphore_mem>>)
      %dma_wait3A_211 = arith.constant 0 : i32
      %dma_wait3A_212 = tpu.memref_slice %arg31[%dma_wait3A_211] : memref<1392xf32, #tpu.memory_space<vmem>> -> memref<1392xf32, #tpu.memory_space<vmem>>
      %dma_wait3A_213 = tpu.memref_slice %arg18[%add3A_48] : memref<50048xf32, #tpu.memory_space<vmem_shared>> -> memref<1392xf32, #tpu.memory_space<vmem_shared>>
      %dma_wait3A_214 = tpu.memref_slice %arg18[%add3A_48] : memref<50048xf32, #tpu.memory_space<vmem_shared>> -> memref<1392xf32, #tpu.memory_space<vmem_shared>>
      %dma_wait3A_215 = arith.constant 0 : i32
      %dma_wait3A_216 = tpu.memref_slice %arg31[%dma_wait3A_215] : memref<1392xf32, #tpu.memory_space<vmem>> -> memref<1392xf32, #tpu.memory_space<vmem>>
      tpu.wait_dma2 semaphore(%run_scoped3A : memref<!tpu.dma_semaphore, #tpu.memory_space<semaphore_mem>>) src(%dma_wait3A_216 : memref<1392xf32, #tpu.memory_space<vmem>>) dst(%dma_wait3A_214 : memref<1392xf32, #tpu.memory_space<vmem_shared>>)
      tpu.yield
    }) : () -> ()
    %add3A_49 = arith.constant 2784 : i32
    %add3A_50 = arith.addi %mul3A_2, %add3A_49 : i32
    "tpu.region"() ({
      %run_scoped3A = tpu.sem_alloc : memref<!tpu.dma_semaphore, #tpu.memory_space<semaphore_mem>>
      %dma_start3A_205 = arith.constant 0 : i32
      %dma_start3A_206 = tpu.memref_slice %arg31[%dma_start3A_205] : memref<1392xf32, #tpu.memory_space<vmem>> -> memref<344xf32, #tpu.memory_space<vmem>>
      %dma_start3A_207 = tpu.memref_slice %arg18[%add3A_50] : memref<50048xf32, #tpu.memory_space<vmem_shared>> -> memref<344xf32, #tpu.memory_space<vmem_shared>>
      %dma_start3A_208 = tpu.memref_slice %arg18[%add3A_50] : memref<50048xf32, #tpu.memory_space<vmem_shared>> -> memref<344xf32, #tpu.memory_space<vmem_shared>>
      %dma_start3A_209 = arith.constant 0 : i32
      %dma_start3A_210 = tpu.memref_slice %arg31[%dma_start3A_209] : memref<1392xf32, #tpu.memory_space<vmem>> -> memref<344xf32, #tpu.memory_space<vmem>>
      tpu.enqueue_dma source(%dma_start3A_210 : memref<344xf32, #tpu.memory_space<vmem>>) target(%dma_start3A_208 : memref<344xf32, #tpu.memory_space<vmem_shared>>) target_semaphore(%run_scoped3A : memref<!tpu.dma_semaphore, #tpu.memory_space<semaphore_mem>>)
      %dma_wait3A_211 = arith.constant 0 : i32
      %dma_wait3A_212 = tpu.memref_slice %arg31[%dma_wait3A_211] : memref<1392xf32, #tpu.memory_space<vmem>> -> memref<344xf32, #tpu.memory_space<vmem>>
      %dma_wait3A_213 = tpu.memref_slice %arg18[%add3A_50] : memref<50048xf32, #tpu.memory_space<vmem_shared>> -> memref<344xf32, #tpu.memory_space<vmem_shared>>
      %dma_wait3A_214 = tpu.memref_slice %arg18[%add3A_50] : memref<50048xf32, #tpu.memory_space<vmem_shared>> -> memref<344xf32, #tpu.memory_space<vmem_shared>>
      %dma_wait3A_215 = arith.constant 0 : i32
      %dma_wait3A_216 = tpu.memref_slice %arg31[%dma_wait3A_215] : memref<1392xf32, #tpu.memory_space<vmem>> -> memref<344xf32, #tpu.memory_space<vmem>>
      tpu.wait_dma2 semaphore(%run_scoped3A : memref<!tpu.dma_semaphore, #tpu.memory_space<semaphore_mem>>) src(%dma_wait3A_216 : memref<344xf32, #tpu.memory_space<vmem>>) dst(%dma_wait3A_214 : memref<344xf32, #tpu.memory_space<vmem_shared>>)
      tpu.yield
    }) : () -> ()
    %add3A_51 = arith.constant 0 : i32
    %add3A_52 = arith.addi %mul3A_2, %add3A_51 : i32
    "tpu.region"() ({
      %run_scoped3A = tpu.sem_alloc : memref<!tpu.dma_semaphore, #tpu.memory_space<semaphore_mem>>
      %dma_start3A_205 = arith.constant 0 : i32
      %dma_start3A_206 = tpu.memref_slice %arg31[%dma_start3A_205] : memref<1392xf32, #tpu.memory_space<vmem>> -> memref<1392xf32, #tpu.memory_space<vmem>>
      %dma_start3A_207 = tpu.memref_slice %arg19[%add3A_52] : memref<50048xf32, #tpu.memory_space<vmem_shared>> -> memref<1392xf32, #tpu.memory_space<vmem_shared>>
      %dma_start3A_208 = tpu.memref_slice %arg19[%add3A_52] : memref<50048xf32, #tpu.memory_space<vmem_shared>> -> memref<1392xf32, #tpu.memory_space<vmem_shared>>
      %dma_start3A_209 = arith.constant 0 : i32
      %dma_start3A_210 = tpu.memref_slice %arg31[%dma_start3A_209] : memref<1392xf32, #tpu.memory_space<vmem>> -> memref<1392xf32, #tpu.memory_space<vmem>>
      tpu.enqueue_dma source(%dma_start3A_210 : memref<1392xf32, #tpu.memory_space<vmem>>) target(%dma_start3A_208 : memref<1392xf32, #tpu.memory_space<vmem_shared>>) target_semaphore(%run_scoped3A : memref<!tpu.dma_semaphore, #tpu.memory_space<semaphore_mem>>)
      %dma_wait3A_211 = arith.constant 0 : i32
      %dma_wait3A_212 = tpu.memref_slice %arg31[%dma_wait3A_211] : memref<1392xf32, #tpu.memory_space<vmem>> -> memref<1392xf32, #tpu.memory_space<vmem>>
      %dma_wait3A_213 = tpu.memref_slice %arg19[%add3A_52] : memref<50048xf32, #tpu.memory_space<vmem_shared>> -> memref<1392xf32, #tpu.memory_space<vmem_shared>>
      %dma_wait3A_214 = tpu.memref_slice %arg19[%add3A_52] : memref<50048xf32, #tpu.memory_space<vmem_shared>> -> memref<1392xf32, #tpu.memory_space<vmem_shared>>
      %dma_wait3A_215 = arith.constant 0 : i32
      %dma_wait3A_216 = tpu.memref_slice %arg31[%dma_wait3A_215] : memref<1392xf32, #tpu.memory_space<vmem>> -> memref<1392xf32, #tpu.memory_space<vmem>>
      tpu.wait_dma2 semaphore(%run_scoped3A : memref<!tpu.dma_semaphore, #tpu.memory_space<semaphore_mem>>) src(%dma_wait3A_216 : memref<1392xf32, #tpu.memory_space<vmem>>) dst(%dma_wait3A_214 : memref<1392xf32, #tpu.memory_space<vmem_shared>>)
      tpu.yield
    }) : () -> ()
    %add3A_53 = arith.constant 1392 : i32
    %add3A_54 = arith.addi %mul3A_2, %add3A_53 : i32
    "tpu.region"() ({
      %run_scoped3A = tpu.sem_alloc : memref<!tpu.dma_semaphore, #tpu.memory_space<semaphore_mem>>
      %dma_start3A_205 = arith.constant 0 : i32
      %dma_start3A_206 = tpu.memref_slice %arg31[%dma_start3A_205] : memref<1392xf32, #tpu.memory_space<vmem>> -> memref<1392xf32, #tpu.memory_space<vmem>>
      %dma_start3A_207 = tpu.memref_slice %arg19[%add3A_54] : memref<50048xf32, #tpu.memory_space<vmem_shared>> -> memref<1392xf32, #tpu.memory_space<vmem_shared>>
      %dma_start3A_208 = tpu.memref_slice %arg19[%add3A_54] : memref<50048xf32, #tpu.memory_space<vmem_shared>> -> memref<1392xf32, #tpu.memory_space<vmem_shared>>
      %dma_start3A_209 = arith.constant 0 : i32
      %dma_start3A_210 = tpu.memref_slice %arg31[%dma_start3A_209] : memref<1392xf32, #tpu.memory_space<vmem>> -> memref<1392xf32, #tpu.memory_space<vmem>>
      tpu.enqueue_dma source(%dma_start3A_210 : memref<1392xf32, #tpu.memory_space<vmem>>) target(%dma_start3A_208 : memref<1392xf32, #tpu.memory_space<vmem_shared>>) target_semaphore(%run_scoped3A : memref<!tpu.dma_semaphore, #tpu.memory_space<semaphore_mem>>)
      %dma_wait3A_211 = arith.constant 0 : i32
      %dma_wait3A_212 = tpu.memref_slice %arg31[%dma_wait3A_211] : memref<1392xf32, #tpu.memory_space<vmem>> -> memref<1392xf32, #tpu.memory_space<vmem>>
      %dma_wait3A_213 = tpu.memref_slice %arg19[%add3A_54] : memref<50048xf32, #tpu.memory_space<vmem_shared>> -> memref<1392xf32, #tpu.memory_space<vmem_shared>>
      %dma_wait3A_214 = tpu.memref_slice %arg19[%add3A_54] : memref<50048xf32, #tpu.memory_space<vmem_shared>> -> memref<1392xf32, #tpu.memory_space<vmem_shared>>
      %dma_wait3A_215 = arith.constant 0 : i32
      %dma_wait3A_216 = tpu.memref_slice %arg31[%dma_wait3A_215] : memref<1392xf32, #tpu.memory_space<vmem>> -> memref<1392xf32, #tpu.memory_space<vmem>>
      tpu.wait_dma2 semaphore(%run_scoped3A : memref<!tpu.dma_semaphore, #tpu.memory_space<semaphore_mem>>) src(%dma_wait3A_216 : memref<1392xf32, #tpu.memory_space<vmem>>) dst(%dma_wait3A_214 : memref<1392xf32, #tpu.memory_space<vmem_shared>>)
      tpu.yield
    }) : () -> ()
    %add3A_55 = arith.constant 2784 : i32
    %add3A_56 = arith.addi %mul3A_2, %add3A_55 : i32
    "tpu.region"() ({
      %run_scoped3A = tpu.sem_alloc : memref<!tpu.dma_semaphore, #tpu.memory_space<semaphore_mem>>
      %dma_start3A_205 = arith.constant 0 : i32
      %dma_start3A_206 = tpu.memref_slice %arg31[%dma_start3A_205] : memref<1392xf32, #tpu.memory_space<vmem>> -> memref<344xf32, #tpu.memory_space<vmem>>
      %dma_start3A_207 = tpu.memref_slice %arg19[%add3A_56] : memref<50048xf32, #tpu.memory_space<vmem_shared>> -> memref<344xf32, #tpu.memory_space<vmem_shared>>
      %dma_start3A_208 = tpu.memref_slice %arg19[%add3A_56] : memref<50048xf32, #tpu.memory_space<vmem_shared>> -> memref<344xf32, #tpu.memory_space<vmem_shared>>
      %dma_start3A_209 = arith.constant 0 : i32
      %dma_start3A_210 = tpu.memref_slice %arg31[%dma_start3A_209] : memref<1392xf32, #tpu.memory_space<vmem>> -> memref<344xf32, #tpu.memory_space<vmem>>
      tpu.enqueue_dma source(%dma_start3A_210 : memref<344xf32, #tpu.memory_space<vmem>>) target(%dma_start3A_208 : memref<344xf32, #tpu.memory_space<vmem_shared>>) target_semaphore(%run_scoped3A : memref<!tpu.dma_semaphore, #tpu.memory_space<semaphore_mem>>)
      %dma_wait3A_211 = arith.constant 0 : i32
      %dma_wait3A_212 = tpu.memref_slice %arg31[%dma_wait3A_211] : memref<1392xf32, #tpu.memory_space<vmem>> -> memref<344xf32, #tpu.memory_space<vmem>>
      %dma_wait3A_213 = tpu.memref_slice %arg19[%add3A_56] : memref<50048xf32, #tpu.memory_space<vmem_shared>> -> memref<344xf32, #tpu.memory_space<vmem_shared>>
      %dma_wait3A_214 = tpu.memref_slice %arg19[%add3A_56] : memref<50048xf32, #tpu.memory_space<vmem_shared>> -> memref<344xf32, #tpu.memory_space<vmem_shared>>
      %dma_wait3A_215 = arith.constant 0 : i32
      %dma_wait3A_216 = tpu.memref_slice %arg31[%dma_wait3A_215] : memref<1392xf32, #tpu.memory_space<vmem>> -> memref<344xf32, #tpu.memory_space<vmem>>
      tpu.wait_dma2 semaphore(%run_scoped3A : memref<!tpu.dma_semaphore, #tpu.memory_space<semaphore_mem>>) src(%dma_wait3A_216 : memref<344xf32, #tpu.memory_space<vmem>>) dst(%dma_wait3A_214 : memref<344xf32, #tpu.memory_space<vmem_shared>>)
      tpu.yield
    }) : () -> ()
    %add3A_57 = arith.constant 0 : i32
    %add3A_58 = arith.addi %mul3A_2, %add3A_57 : i32
    "tpu.region"() ({
      %run_scoped3A = tpu.sem_alloc : memref<!tpu.dma_semaphore, #tpu.memory_space<semaphore_mem>>
      %dma_start3A_205 = arith.constant 0 : i32
      %dma_start3A_206 = tpu.memref_slice %arg31[%dma_start3A_205] : memref<1392xf32, #tpu.memory_space<vmem>> -> memref<1392xf32, #tpu.memory_space<vmem>>
      %dma_start3A_207 = tpu.memref_slice %arg20[%add3A_58] : memref<50048xf32, #tpu.memory_space<vmem_shared>> -> memref<1392xf32, #tpu.memory_space<vmem_shared>>
      %dma_start3A_208 = tpu.memref_slice %arg20[%add3A_58] : memref<50048xf32, #tpu.memory_space<vmem_shared>> -> memref<1392xf32, #tpu.memory_space<vmem_shared>>
      %dma_start3A_209 = arith.constant 0 : i32
      %dma_start3A_210 = tpu.memref_slice %arg31[%dma_start3A_209] : memref<1392xf32, #tpu.memory_space<vmem>> -> memref<1392xf32, #tpu.memory_space<vmem>>
      tpu.enqueue_dma source(%dma_start3A_210 : memref<1392xf32, #tpu.memory_space<vmem>>) target(%dma_start3A_208 : memref<1392xf32, #tpu.memory_space<vmem_shared>>) target_semaphore(%run_scoped3A : memref<!tpu.dma_semaphore, #tpu.memory_space<semaphore_mem>>)
      %dma_wait3A_211 = arith.constant 0 : i32
      %dma_wait3A_212 = tpu.memref_slice %arg31[%dma_wait3A_211] : memref<1392xf32, #tpu.memory_space<vmem>> -> memref<1392xf32, #tpu.memory_space<vmem>>
      %dma_wait3A_213 = tpu.memref_slice %arg20[%add3A_58] : memref<50048xf32, #tpu.memory_space<vmem_shared>> -> memref<1392xf32, #tpu.memory_space<vmem_shared>>
      %dma_wait3A_214 = tpu.memref_slice %arg20[%add3A_58] : memref<50048xf32, #tpu.memory_space<vmem_shared>> -> memref<1392xf32, #tpu.memory_space<vmem_shared>>
      %dma_wait3A_215 = arith.constant 0 : i32
      %dma_wait3A_216 = tpu.memref_slice %arg31[%dma_wait3A_215] : memref<1392xf32, #tpu.memory_space<vmem>> -> memref<1392xf32, #tpu.memory_space<vmem>>
      tpu.wait_dma2 semaphore(%run_scoped3A : memref<!tpu.dma_semaphore, #tpu.memory_space<semaphore_mem>>) src(%dma_wait3A_216 : memref<1392xf32, #tpu.memory_space<vmem>>) dst(%dma_wait3A_214 : memref<1392xf32, #tpu.memory_space<vmem_shared>>)
      tpu.yield
    }) : () -> ()
    %add3A_59 = arith.constant 1392 : i32
    %add3A_60 = arith.addi %mul3A_2, %add3A_59 : i32
    "tpu.region"() ({
      %run_scoped3A = tpu.sem_alloc : memref<!tpu.dma_semaphore, #tpu.memory_space<semaphore_mem>>
      %dma_start3A_205 = arith.constant 0 : i32
      %dma_start3A_206 = tpu.memref_slice %arg31[%dma_start3A_205] : memref<1392xf32, #tpu.memory_space<vmem>> -> memref<1392xf32, #tpu.memory_space<vmem>>
      %dma_start3A_207 = tpu.memref_slice %arg20[%add3A_60] : memref<50048xf32, #tpu.memory_space<vmem_shared>> -> memref<1392xf32, #tpu.memory_space<vmem_shared>>
      %dma_start3A_208 = tpu.memref_slice %arg20[%add3A_60] : memref<50048xf32, #tpu.memory_space<vmem_shared>> -> memref<1392xf32, #tpu.memory_space<vmem_shared>>
      %dma_start3A_209 = arith.constant 0 : i32
      %dma_start3A_210 = tpu.memref_slice %arg31[%dma_start3A_209] : memref<1392xf32, #tpu.memory_space<vmem>> -> memref<1392xf32, #tpu.memory_space<vmem>>
      tpu.enqueue_dma source(%dma_start3A_210 : memref<1392xf32, #tpu.memory_space<vmem>>) target(%dma_start3A_208 : memref<1392xf32, #tpu.memory_space<vmem_shared>>) target_semaphore(%run_scoped3A : memref<!tpu.dma_semaphore, #tpu.memory_space<semaphore_mem>>)
      %dma_wait3A_211 = arith.constant 0 : i32
      %dma_wait3A_212 = tpu.memref_slice %arg31[%dma_wait3A_211] : memref<1392xf32, #tpu.memory_space<vmem>> -> memref<1392xf32, #tpu.memory_space<vmem>>
      %dma_wait3A_213 = tpu.memref_slice %arg20[%add3A_60] : memref<50048xf32, #tpu.memory_space<vmem_shared>> -> memref<1392xf32, #tpu.memory_space<vmem_shared>>
      %dma_wait3A_214 = tpu.memref_slice %arg20[%add3A_60] : memref<50048xf32, #tpu.memory_space<vmem_shared>> -> memref<1392xf32, #tpu.memory_space<vmem_shared>>
      %dma_wait3A_215 = arith.constant 0 : i32
      %dma_wait3A_216 = tpu.memref_slice %arg31[%dma_wait3A_215] : memref<1392xf32, #tpu.memory_space<vmem>> -> memref<1392xf32, #tpu.memory_space<vmem>>
      tpu.wait_dma2 semaphore(%run_scoped3A : memref<!tpu.dma_semaphore, #tpu.memory_space<semaphore_mem>>) src(%dma_wait3A_216 : memref<1392xf32, #tpu.memory_space<vmem>>) dst(%dma_wait3A_214 : memref<1392xf32, #tpu.memory_space<vmem_shared>>)
      tpu.yield
    }) : () -> ()
    %add3A_61 = arith.constant 2784 : i32
    %add3A_62 = arith.addi %mul3A_2, %add3A_61 : i32
    "tpu.region"() ({
      %run_scoped3A = tpu.sem_alloc : memref<!tpu.dma_semaphore, #tpu.memory_space<semaphore_mem>>
      %dma_start3A_205 = arith.constant 0 : i32
      %dma_start3A_206 = tpu.memref_slice %arg31[%dma_start3A_205] : memref<1392xf32, #tpu.memory_space<vmem>> -> memref<344xf32, #tpu.memory_space<vmem>>
      %dma_start3A_207 = tpu.memref_slice %arg20[%add3A_62] : memref<50048xf32, #tpu.memory_space<vmem_shared>> -> memref<344xf32, #tpu.memory_space<vmem_shared>>
      %dma_start3A_208 = tpu.memref_slice %arg20[%add3A_62] : memref<50048xf32, #tpu.memory_space<vmem_shared>> -> memref<344xf32, #tpu.memory_space<vmem_shared>>
      %dma_start3A_209 = arith.constant 0 : i32
      %dma_start3A_210 = tpu.memref_slice %arg31[%dma_start3A_209] : memref<1392xf32, #tpu.memory_space<vmem>> -> memref<344xf32, #tpu.memory_space<vmem>>
      tpu.enqueue_dma source(%dma_start3A_210 : memref<344xf32, #tpu.memory_space<vmem>>) target(%dma_start3A_208 : memref<344xf32, #tpu.memory_space<vmem_shared>>) target_semaphore(%run_scoped3A : memref<!tpu.dma_semaphore, #tpu.memory_space<semaphore_mem>>)
      %dma_wait3A_211 = arith.constant 0 : i32
      %dma_wait3A_212 = tpu.memref_slice %arg31[%dma_wait3A_211] : memref<1392xf32, #tpu.memory_space<vmem>> -> memref<344xf32, #tpu.memory_space<vmem>>
      %dma_wait3A_213 = tpu.memref_slice %arg20[%add3A_62] : memref<50048xf32, #tpu.memory_space<vmem_shared>> -> memref<344xf32, #tpu.memory_space<vmem_shared>>
      %dma_wait3A_214 = tpu.memref_slice %arg20[%add3A_62] : memref<50048xf32, #tpu.memory_space<vmem_shared>> -> memref<344xf32, #tpu.memory_space<vmem_shared>>
      %dma_wait3A_215 = arith.constant 0 : i32
      %dma_wait3A_216 = tpu.memref_slice %arg31[%dma_wait3A_215] : memref<1392xf32, #tpu.memory_space<vmem>> -> memref<344xf32, #tpu.memory_space<vmem>>
      tpu.wait_dma2 semaphore(%run_scoped3A : memref<!tpu.dma_semaphore, #tpu.memory_space<semaphore_mem>>) src(%dma_wait3A_216 : memref<344xf32, #tpu.memory_space<vmem>>) dst(%dma_wait3A_214 : memref<344xf32, #tpu.memory_space<vmem_shared>>)
      tpu.yield
    }) : () -> ()
    %barrier3A = arith.constant 0 : index
    tpu.barrier barrier_id(%barrier3A)
    %mul3A_63 = arith.constant 50112 : i32
    %mul3A_64 = arith.muli %add3A, %mul3A_63 : i32
    %add3A_65 = arith.constant 0 : i32
    %add3A_66 = arith.addi %mul3A_64, %add3A_65 : i32
    %lt3A = arith.constant 1599408 : i32
    %lt3A_67 = arith.cmpi slt, %add3A_66, %lt3A : i32
    %convert_element_type3A = arith.extui %lt3A_67 : i1 to i32
    %cond3A = arith.constant 0 : i32
    %cond3A_68 = arith.cmpi ne, %convert_element_type3A, %cond3A : i32
    scf.if %cond3A_68 {
      %dma_start3A_205 = tpu.memref_slice %arg5[%add3A_66] : memref<1600000xi32, #tpu.memory_space<hbm>> -> memref<1392xi32, #tpu.memory_space<hbm>>
      %dma_start3A_206 = tpu.memref_slice %arg5[%add3A_66] : memref<1600000xi32, #tpu.memory_space<hbm>> -> memref<1392xi32, #tpu.memory_space<hbm>>
      tpu.enqueue_dma source(%dma_start3A_206 : memref<1392xi32, #tpu.memory_space<hbm>>) target(%arg21 : memref<1392xi32, #tpu.memory_space<vmem>>) target_semaphore(%arg56 : memref<!tpu.dma_semaphore, #tpu.memory_space<semaphore_mem>>)
      %dma_start3A_207 = tpu.memref_slice %arg6[%add3A_66] : memref<1600000xi32, #tpu.memory_space<hbm>> -> memref<1392xi32, #tpu.memory_space<hbm>>
      %dma_start3A_208 = tpu.memref_slice %arg6[%add3A_66] : memref<1600000xi32, #tpu.memory_space<hbm>> -> memref<1392xi32, #tpu.memory_space<hbm>>
      tpu.enqueue_dma source(%dma_start3A_208 : memref<1392xi32, #tpu.memory_space<hbm>>) target(%arg24 : memref<1392xi32, #tpu.memory_space<vmem>>) target_semaphore(%arg56 : memref<!tpu.dma_semaphore, #tpu.memory_space<semaphore_mem>>)
      %dma_start3A_209 = tpu.memref_slice %arg7[%add3A_66] : memref<1600000xf32, #tpu.memory_space<hbm>> -> memref<1392xf32, #tpu.memory_space<hbm>>
      %dma_start3A_210 = tpu.memref_slice %arg7[%add3A_66] : memref<1600000xf32, #tpu.memory_space<hbm>> -> memref<1392xf32, #tpu.memory_space<hbm>>
      tpu.enqueue_dma source(%dma_start3A_210 : memref<1392xf32, #tpu.memory_space<hbm>>) target(%arg27 : memref<1392xf32, #tpu.memory_space<vmem>>) target_semaphore(%arg56 : memref<!tpu.dma_semaphore, #tpu.memory_space<semaphore_mem>>)
      %dma_start3A_211 = tpu.memref_slice %arg8[%add3A_66] : memref<1600000xf32, #tpu.memory_space<hbm>> -> memref<1392xf32, #tpu.memory_space<hbm>>
      %dma_start3A_212 = tpu.memref_slice %arg8[%add3A_66] : memref<1600000xf32, #tpu.memory_space<hbm>> -> memref<1392xf32, #tpu.memory_space<hbm>>
      tpu.enqueue_dma source(%dma_start3A_212 : memref<1392xf32, #tpu.memory_space<hbm>>) target(%arg29 : memref<1392xf32, #tpu.memory_space<vmem>>) target_semaphore(%arg56 : memref<!tpu.dma_semaphore, #tpu.memory_space<semaphore_mem>>)
    } else {
    }
    %ge3A = arith.constant 1599408 : i32
    %ge3A_69 = arith.cmpi sge, %add3A_66, %ge3A : i32
    %convert_element_type3A_70 = arith.extui %ge3A_69 : i1 to i32
    %cond3A_71 = arith.constant 0 : i32
    %cond3A_72 = arith.cmpi ne, %convert_element_type3A_70, %cond3A_71 : i32
    scf.if %cond3A_72 {
      %sub3A = arith.constant 1599408 : i32
      %sub3A_205 = arith.subi %add3A_66, %sub3A : i32
      %dma_start3A_206 = tpu.memref_slice %arg9[%sub3A_205] : memref<4176xi32, #tpu.memory_space<hbm>> -> memref<1392xi32, #tpu.memory_space<hbm>>
      %dma_start3A_207 = tpu.memref_slice %arg9[%sub3A_205] : memref<4176xi32, #tpu.memory_space<hbm>> -> memref<1392xi32, #tpu.memory_space<hbm>>
      tpu.enqueue_dma source(%dma_start3A_207 : memref<1392xi32, #tpu.memory_space<hbm>>) target(%arg21 : memref<1392xi32, #tpu.memory_space<vmem>>) target_semaphore(%arg56 : memref<!tpu.dma_semaphore, #tpu.memory_space<semaphore_mem>>)
      %dma_start3A_208 = tpu.memref_slice %arg10[%sub3A_205] : memref<4176xi32, #tpu.memory_space<hbm>> -> memref<1392xi32, #tpu.memory_space<hbm>>
      %dma_start3A_209 = tpu.memref_slice %arg10[%sub3A_205] : memref<4176xi32, #tpu.memory_space<hbm>> -> memref<1392xi32, #tpu.memory_space<hbm>>
      tpu.enqueue_dma source(%dma_start3A_209 : memref<1392xi32, #tpu.memory_space<hbm>>) target(%arg24 : memref<1392xi32, #tpu.memory_space<vmem>>) target_semaphore(%arg56 : memref<!tpu.dma_semaphore, #tpu.memory_space<semaphore_mem>>)
      %dma_start3A_210 = tpu.memref_slice %arg11[%sub3A_205] : memref<4176xf32, #tpu.memory_space<hbm>> -> memref<1392xf32, #tpu.memory_space<hbm>>
      %dma_start3A_211 = tpu.memref_slice %arg11[%sub3A_205] : memref<4176xf32, #tpu.memory_space<hbm>> -> memref<1392xf32, #tpu.memory_space<hbm>>
      tpu.enqueue_dma source(%dma_start3A_211 : memref<1392xf32, #tpu.memory_space<hbm>>) target(%arg27 : memref<1392xf32, #tpu.memory_space<vmem>>) target_semaphore(%arg56 : memref<!tpu.dma_semaphore, #tpu.memory_space<semaphore_mem>>)
      %dma_start3A_212 = tpu.memref_slice %arg12[%sub3A_205] : memref<4176xf32, #tpu.memory_space<hbm>> -> memref<1392xf32, #tpu.memory_space<hbm>>
      %dma_start3A_213 = tpu.memref_slice %arg12[%sub3A_205] : memref<4176xf32, #tpu.memory_space<hbm>> -> memref<1392xf32, #tpu.memory_space<hbm>>
      tpu.enqueue_dma source(%dma_start3A_213 : memref<1392xf32, #tpu.memory_space<hbm>>) target(%arg29 : memref<1392xf32, #tpu.memory_space<vmem>>) target_semaphore(%arg56 : memref<!tpu.dma_semaphore, #tpu.memory_space<semaphore_mem>>)
    } else {
    }
    %add3A_73 = arith.constant 0 : i32
    %add3A_74 = arith.addi %mul3A_64, %add3A_73 : i32
    %dma_wait3A = arith.constant 0 : i32
    %dma_wait3A_75 = tpu.memref_slice %arg5[%dma_wait3A] : memref<1600000xi32, #tpu.memory_space<hbm>> -> memref<1392xi32, #tpu.memory_space<hbm>>
    %dma_wait3A_76 = arith.constant 0 : i32
    %dma_wait3A_77 = tpu.memref_slice %arg5[%dma_wait3A_76] : memref<1600000xi32, #tpu.memory_space<hbm>> -> memref<1392xi32, #tpu.memory_space<hbm>>
    tpu.wait_dma2 semaphore(%arg56 : memref<!tpu.dma_semaphore, #tpu.memory_space<semaphore_mem>>) src(%dma_wait3A_77 : memref<1392xi32, #tpu.memory_space<hbm>>) dst(%arg21 : memref<1392xi32, #tpu.memory_space<vmem>>)
    %dma_wait3A_78 = arith.constant 0 : i32
    %dma_wait3A_79 = tpu.memref_slice %arg6[%dma_wait3A_78] : memref<1600000xi32, #tpu.memory_space<hbm>> -> memref<1392xi32, #tpu.memory_space<hbm>>
    %dma_wait3A_80 = arith.constant 0 : i32
    %dma_wait3A_81 = tpu.memref_slice %arg6[%dma_wait3A_80] : memref<1600000xi32, #tpu.memory_space<hbm>> -> memref<1392xi32, #tpu.memory_space<hbm>>
    tpu.wait_dma2 semaphore(%arg56 : memref<!tpu.dma_semaphore, #tpu.memory_space<semaphore_mem>>) src(%dma_wait3A_81 : memref<1392xi32, #tpu.memory_space<hbm>>) dst(%arg24 : memref<1392xi32, #tpu.memory_space<vmem>>)
    %dma_wait3A_82 = arith.constant 0 : i32
    %dma_wait3A_83 = tpu.memref_slice %arg7[%dma_wait3A_82] : memref<1600000xf32, #tpu.memory_space<hbm>> -> memref<1392xf32, #tpu.memory_space<hbm>>
    %dma_wait3A_84 = arith.constant 0 : i32
    %dma_wait3A_85 = tpu.memref_slice %arg7[%dma_wait3A_84] : memref<1600000xf32, #tpu.memory_space<hbm>> -> memref<1392xf32, #tpu.memory_space<hbm>>
    tpu.wait_dma2 semaphore(%arg56 : memref<!tpu.dma_semaphore, #tpu.memory_space<semaphore_mem>>) src(%dma_wait3A_85 : memref<1392xf32, #tpu.memory_space<hbm>>) dst(%arg27 : memref<1392xf32, #tpu.memory_space<vmem>>)
    %dma_wait3A_86 = arith.constant 0 : i32
    %dma_wait3A_87 = tpu.memref_slice %arg8[%dma_wait3A_86] : memref<1600000xf32, #tpu.memory_space<hbm>> -> memref<1392xf32, #tpu.memory_space<hbm>>
    %dma_wait3A_88 = arith.constant 0 : i32
    %dma_wait3A_89 = tpu.memref_slice %arg8[%dma_wait3A_88] : memref<1600000xf32, #tpu.memory_space<hbm>> -> memref<1392xf32, #tpu.memory_space<hbm>>
    tpu.wait_dma2 semaphore(%arg56 : memref<!tpu.dma_semaphore, #tpu.memory_space<semaphore_mem>>) src(%dma_wait3A_89 : memref<1392xf32, #tpu.memory_space<hbm>>) dst(%arg29 : memref<1392xf32, #tpu.memory_space<vmem>>)
    %dma_start3A = arith.constant 0 : i32
    %dma_start3A_90 = tpu.memref_slice %arg15[%dma_start3A] : memref<50048xf32, #tpu.memory_space<vmem_shared>> -> memref<50048xf32, #tpu.memory_space<vmem_shared>>
    tpu.enqueue_indirect_dma source(%dma_start3A_90 : memref<50048xf32, #tpu.memory_space<vmem_shared>>) target(%arg31 : memref<1392xf32, #tpu.memory_space<vmem>>) offsets(%arg21 : memref<1392xi32, #tpu.memory_space<vmem>>) semaphore(%arg57 : memref<!tpu.dma_semaphore, #tpu.memory_space<semaphore_mem>>)
    %dma_start3A_91 = arith.constant 0 : i32
    %dma_start3A_92 = tpu.memref_slice %arg16[%dma_start3A_91] : memref<50048xf32, #tpu.memory_space<vmem_shared>> -> memref<50048xf32, #tpu.memory_space<vmem_shared>>
    tpu.enqueue_indirect_dma source(%dma_start3A_92 : memref<50048xf32, #tpu.memory_space<vmem_shared>>) target(%arg33 : memref<1392xf32, #tpu.memory_space<vmem>>) offsets(%arg21 : memref<1392xi32, #tpu.memory_space<vmem>>) semaphore(%arg57 : memref<!tpu.dma_semaphore, #tpu.memory_space<semaphore_mem>>)
    %dma_start3A_93 = arith.constant 0 : i32
    %dma_start3A_94 = tpu.memref_slice %arg17[%dma_start3A_93] : memref<50048xf32, #tpu.memory_space<vmem_shared>> -> memref<50048xf32, #tpu.memory_space<vmem_shared>>
    tpu.enqueue_indirect_dma source(%dma_start3A_94 : memref<50048xf32, #tpu.memory_space<vmem_shared>>) target(%arg35 : memref<1392xf32, #tpu.memory_space<vmem>>) offsets(%arg21 : memref<1392xi32, #tpu.memory_space<vmem>>) semaphore(%arg57 : memref<!tpu.dma_semaphore, #tpu.memory_space<semaphore_mem>>)
    %dma_start3A_95 = arith.constant 0 : i32
    %dma_start3A_96 = tpu.memref_slice %arg15[%dma_start3A_95] : memref<50048xf32, #tpu.memory_space<vmem_shared>> -> memref<50048xf32, #tpu.memory_space<vmem_shared>>
    tpu.enqueue_indirect_dma source(%dma_start3A_96 : memref<50048xf32, #tpu.memory_space<vmem_shared>>) target(%arg37 : memref<1392xf32, #tpu.memory_space<vmem>>) offsets(%arg24 : memref<1392xi32, #tpu.memory_space<vmem>>) semaphore(%arg57 : memref<!tpu.dma_semaphore, #tpu.memory_space<semaphore_mem>>)
    %dma_start3A_97 = arith.constant 0 : i32
    %dma_start3A_98 = tpu.memref_slice %arg16[%dma_start3A_97] : memref<50048xf32, #tpu.memory_space<vmem_shared>> -> memref<50048xf32, #tpu.memory_space<vmem_shared>>
    tpu.enqueue_indirect_dma source(%dma_start3A_98 : memref<50048xf32, #tpu.memory_space<vmem_shared>>) target(%arg39 : memref<1392xf32, #tpu.memory_space<vmem>>) offsets(%arg24 : memref<1392xi32, #tpu.memory_space<vmem>>) semaphore(%arg57 : memref<!tpu.dma_semaphore, #tpu.memory_space<semaphore_mem>>)
    %dma_start3A_99 = arith.constant 0 : i32
    %dma_start3A_100 = tpu.memref_slice %arg17[%dma_start3A_99] : memref<50048xf32, #tpu.memory_space<vmem_shared>> -> memref<50048xf32, #tpu.memory_space<vmem_shared>>
    tpu.enqueue_indirect_dma source(%dma_start3A_100 : memref<50048xf32, #tpu.memory_space<vmem_shared>>) target(%arg41 : memref<1392xf32, #tpu.memory_space<vmem>>) offsets(%arg24 : memref<1392xi32, #tpu.memory_space<vmem>>) semaphore(%arg57 : memref<!tpu.dma_semaphore, #tpu.memory_space<semaphore_mem>>)
    %add3A_101 = arith.constant 1392 : i32
    %add3A_102 = arith.addi %mul3A_64, %add3A_101 : i32
    %lt3A_103 = arith.constant 1599408 : i32
    %lt3A_104 = arith.cmpi slt, %add3A_102, %lt3A_103 : i32
    %convert_element_type3A_105 = arith.extui %lt3A_104 : i1 to i32
    %cond3A_106 = arith.constant 0 : i32
    %cond3A_107 = arith.cmpi ne, %convert_element_type3A_105, %cond3A_106 : i32
    scf.if %cond3A_107 {
      %dma_start3A_205 = tpu.memref_slice %arg5[%add3A_102] : memref<1600000xi32, #tpu.memory_space<hbm>> -> memref<1392xi32, #tpu.memory_space<hbm>>
      %dma_start3A_206 = tpu.memref_slice %arg5[%add3A_102] : memref<1600000xi32, #tpu.memory_space<hbm>> -> memref<1392xi32, #tpu.memory_space<hbm>>
      tpu.enqueue_dma source(%dma_start3A_206 : memref<1392xi32, #tpu.memory_space<hbm>>) target(%arg22 : memref<1392xi32, #tpu.memory_space<vmem>>) target_semaphore(%arg56 : memref<!tpu.dma_semaphore, #tpu.memory_space<semaphore_mem>>)
      %dma_start3A_207 = tpu.memref_slice %arg6[%add3A_102] : memref<1600000xi32, #tpu.memory_space<hbm>> -> memref<1392xi32, #tpu.memory_space<hbm>>
      %dma_start3A_208 = tpu.memref_slice %arg6[%add3A_102] : memref<1600000xi32, #tpu.memory_space<hbm>> -> memref<1392xi32, #tpu.memory_space<hbm>>
      tpu.enqueue_dma source(%dma_start3A_208 : memref<1392xi32, #tpu.memory_space<hbm>>) target(%arg25 : memref<1392xi32, #tpu.memory_space<vmem>>) target_semaphore(%arg56 : memref<!tpu.dma_semaphore, #tpu.memory_space<semaphore_mem>>)
      %dma_start3A_209 = tpu.memref_slice %arg7[%add3A_102] : memref<1600000xf32, #tpu.memory_space<hbm>> -> memref<1392xf32, #tpu.memory_space<hbm>>
      %dma_start3A_210 = tpu.memref_slice %arg7[%add3A_102] : memref<1600000xf32, #tpu.memory_space<hbm>> -> memref<1392xf32, #tpu.memory_space<hbm>>
      tpu.enqueue_dma source(%dma_start3A_210 : memref<1392xf32, #tpu.memory_space<hbm>>) target(%arg28 : memref<1392xf32, #tpu.memory_space<vmem>>) target_semaphore(%arg56 : memref<!tpu.dma_semaphore, #tpu.memory_space<semaphore_mem>>)
      %dma_start3A_211 = tpu.memref_slice %arg8[%add3A_102] : memref<1600000xf32, #tpu.memory_space<hbm>> -> memref<1392xf32, #tpu.memory_space<hbm>>
      %dma_start3A_212 = tpu.memref_slice %arg8[%add3A_102] : memref<1600000xf32, #tpu.memory_space<hbm>> -> memref<1392xf32, #tpu.memory_space<hbm>>
      tpu.enqueue_dma source(%dma_start3A_212 : memref<1392xf32, #tpu.memory_space<hbm>>) target(%arg30 : memref<1392xf32, #tpu.memory_space<vmem>>) target_semaphore(%arg56 : memref<!tpu.dma_semaphore, #tpu.memory_space<semaphore_mem>>)
    } else {
    }
    %ge3A_108 = arith.constant 1599408 : i32
    %ge3A_109 = arith.cmpi sge, %add3A_102, %ge3A_108 : i32
    %convert_element_type3A_110 = arith.extui %ge3A_109 : i1 to i32
    %cond3A_111 = arith.constant 0 : i32
    %cond3A_112 = arith.cmpi ne, %convert_element_type3A_110, %cond3A_111 : i32
    scf.if %cond3A_112 {
      %sub3A = arith.constant 1599408 : i32
      %sub3A_205 = arith.subi %add3A_102, %sub3A : i32
      %dma_start3A_206 = tpu.memref_slice %arg9[%sub3A_205] : memref<4176xi32, #tpu.memory_space<hbm>> -> memref<1392xi32, #tpu.memory_space<hbm>>
      %dma_start3A_207 = tpu.memref_slice %arg9[%sub3A_205] : memref<4176xi32, #tpu.memory_space<hbm>> -> memref<1392xi32, #tpu.memory_space<hbm>>
      tpu.enqueue_dma source(%dma_start3A_207 : memref<1392xi32, #tpu.memory_space<hbm>>) target(%arg22 : memref<1392xi32, #tpu.memory_space<vmem>>) target_semaphore(%arg56 : memref<!tpu.dma_semaphore, #tpu.memory_space<semaphore_mem>>)
      %dma_start3A_208 = tpu.memref_slice %arg10[%sub3A_205] : memref<4176xi32, #tpu.memory_space<hbm>> -> memref<1392xi32, #tpu.memory_space<hbm>>
      %dma_start3A_209 = tpu.memref_slice %arg10[%sub3A_205] : memref<4176xi32, #tpu.memory_space<hbm>> -> memref<1392xi32, #tpu.memory_space<hbm>>
      tpu.enqueue_dma source(%dma_start3A_209 : memref<1392xi32, #tpu.memory_space<hbm>>) target(%arg25 : memref<1392xi32, #tpu.memory_space<vmem>>) target_semaphore(%arg56 : memref<!tpu.dma_semaphore, #tpu.memory_space<semaphore_mem>>)
      %dma_start3A_210 = tpu.memref_slice %arg11[%sub3A_205] : memref<4176xf32, #tpu.memory_space<hbm>> -> memref<1392xf32, #tpu.memory_space<hbm>>
      %dma_start3A_211 = tpu.memref_slice %arg11[%sub3A_205] : memref<4176xf32, #tpu.memory_space<hbm>> -> memref<1392xf32, #tpu.memory_space<hbm>>
      tpu.enqueue_dma source(%dma_start3A_211 : memref<1392xf32, #tpu.memory_space<hbm>>) target(%arg28 : memref<1392xf32, #tpu.memory_space<vmem>>) target_semaphore(%arg56 : memref<!tpu.dma_semaphore, #tpu.memory_space<semaphore_mem>>)
      %dma_start3A_212 = tpu.memref_slice %arg12[%sub3A_205] : memref<4176xf32, #tpu.memory_space<hbm>> -> memref<1392xf32, #tpu.memory_space<hbm>>
      %dma_start3A_213 = tpu.memref_slice %arg12[%sub3A_205] : memref<4176xf32, #tpu.memory_space<hbm>> -> memref<1392xf32, #tpu.memory_space<hbm>>
      tpu.enqueue_dma source(%dma_start3A_213 : memref<1392xf32, #tpu.memory_space<hbm>>) target(%arg30 : memref<1392xf32, #tpu.memory_space<vmem>>) target_semaphore(%arg56 : memref<!tpu.dma_semaphore, #tpu.memory_space<semaphore_mem>>)
    } else {
    }
    %broadcast_in_dim3A = arith.constant 0.000000e+00 : f32
    %broadcast_in_dim3A_113 = vector.broadcast %broadcast_in_dim3A : f32 to vector<16xf32>
    %scan3A_114 = arith.constant 0 : i32
    %scan3A_115 = arith.constant 6 : i32
    %scan3A_116 = arith.addi %scan3A_114, %scan3A_115 : i32
    %scan3A_117 = arith.constant 1 : i32
    %scan3A_118 = scf.for %scan3A_205 = %scan3A_114 to %scan3A_116 step %scan3A_117 iter_args(%scan3A_206 = %broadcast_in_dim3A_113) -> (vector<16xf32>)  : i32 {
      %mul3A_207 = arith.constant 6 : i32
      %mul3A_208 = arith.muli %mul3A_207, %scan3A_205 : i32
      %add3A_209 = arith.constant 0 : i32
      %add3A_210 = arith.addi %mul3A_208, %add3A_209 : i32
      %dma_wait3A_211 = arith.constant 0 : i32
      %dma_wait3A_212 = tpu.memref_slice %arg15[%dma_wait3A_211] : memref<50048xf32, #tpu.memory_space<vmem_shared>> -> memref<50048xf32, #tpu.memory_space<vmem_shared>>
      tpu.wait_indirect_dma semaphore(%arg57 : memref<!tpu.dma_semaphore, #tpu.memory_space<semaphore_mem>>) src(%dma_wait3A_212 : memref<50048xf32, #tpu.memory_space<vmem_shared>>) dst(%arg31 : memref<1392xf32, #tpu.memory_space<vmem>>)
      %dma_wait3A_213 = arith.constant 0 : i32
      %dma_wait3A_214 = tpu.memref_slice %arg16[%dma_wait3A_213] : memref<50048xf32, #tpu.memory_space<vmem_shared>> -> memref<50048xf32, #tpu.memory_space<vmem_shared>>
      tpu.wait_indirect_dma semaphore(%arg57 : memref<!tpu.dma_semaphore, #tpu.memory_space<semaphore_mem>>) src(%dma_wait3A_214 : memref<50048xf32, #tpu.memory_space<vmem_shared>>) dst(%arg33 : memref<1392xf32, #tpu.memory_space<vmem>>)
      %dma_wait3A_215 = arith.constant 0 : i32
      %dma_wait3A_216 = tpu.memref_slice %arg17[%dma_wait3A_215] : memref<50048xf32, #tpu.memory_space<vmem_shared>> -> memref<50048xf32, #tpu.memory_space<vmem_shared>>
      tpu.wait_indirect_dma semaphore(%arg57 : memref<!tpu.dma_semaphore, #tpu.memory_space<semaphore_mem>>) src(%dma_wait3A_216 : memref<50048xf32, #tpu.memory_space<vmem_shared>>) dst(%arg35 : memref<1392xf32, #tpu.memory_space<vmem>>)
      %dma_wait3A_217 = arith.constant 0 : i32
      %dma_wait3A_218 = tpu.memref_slice %arg15[%dma_wait3A_217] : memref<50048xf32, #tpu.memory_space<vmem_shared>> -> memref<50048xf32, #tpu.memory_space<vmem_shared>>
      tpu.wait_indirect_dma semaphore(%arg57 : memref<!tpu.dma_semaphore, #tpu.memory_space<semaphore_mem>>) src(%dma_wait3A_218 : memref<50048xf32, #tpu.memory_space<vmem_shared>>) dst(%arg37 : memref<1392xf32, #tpu.memory_space<vmem>>)
      %dma_wait3A_219 = arith.constant 0 : i32
      %dma_wait3A_220 = tpu.memref_slice %arg16[%dma_wait3A_219] : memref<50048xf32, #tpu.memory_space<vmem_shared>> -> memref<50048xf32, #tpu.memory_space<vmem_shared>>
      tpu.wait_indirect_dma semaphore(%arg57 : memref<!tpu.dma_semaphore, #tpu.memory_space<semaphore_mem>>) src(%dma_wait3A_220 : memref<50048xf32, #tpu.memory_space<vmem_shared>>) dst(%arg39 : memref<1392xf32, #tpu.memory_space<vmem>>)
      %dma_wait3A_221 = arith.constant 0 : i32
      %dma_wait3A_222 = tpu.memref_slice %arg17[%dma_wait3A_221] : memref<50048xf32, #tpu.memory_space<vmem_shared>> -> memref<50048xf32, #tpu.memory_space<vmem_shared>>
      tpu.wait_indirect_dma semaphore(%arg57 : memref<!tpu.dma_semaphore, #tpu.memory_space<semaphore_mem>>) src(%dma_wait3A_222 : memref<50048xf32, #tpu.memory_space<vmem_shared>>) dst(%arg41 : memref<1392xf32, #tpu.memory_space<vmem>>)
      %add3A_223 = arith.constant 1 : i32
      %add3A_224 = arith.addi %add3A_210, %add3A_223 : i32
      %mul3A_225 = arith.constant 1392 : i32
      %mul3A_226 = arith.muli %add3A_224, %mul3A_225 : i32
      %add3A_227 = arith.addi %mul3A_64, %mul3A_226 : i32
      %dma_wait3A_228 = arith.constant 0 : i32
      %dma_wait3A_229 = tpu.memref_slice %arg5[%dma_wait3A_228] : memref<1600000xi32, #tpu.memory_space<hbm>> -> memref<1392xi32, #tpu.memory_space<hbm>>
      %dma_wait3A_230 = arith.constant 0 : i32
      %dma_wait3A_231 = tpu.memref_slice %arg5[%dma_wait3A_230] : memref<1600000xi32, #tpu.memory_space<hbm>> -> memref<1392xi32, #tpu.memory_space<hbm>>
      tpu.wait_dma2 semaphore(%arg56 : memref<!tpu.dma_semaphore, #tpu.memory_space<semaphore_mem>>) src(%dma_wait3A_231 : memref<1392xi32, #tpu.memory_space<hbm>>) dst(%arg22 : memref<1392xi32, #tpu.memory_space<vmem>>)
      %dma_wait3A_232 = arith.constant 0 : i32
      %dma_wait3A_233 = tpu.memref_slice %arg6[%dma_wait3A_232] : memref<1600000xi32, #tpu.memory_space<hbm>> -> memref<1392xi32, #tpu.memory_space<hbm>>
      %dma_wait3A_234 = arith.constant 0 : i32
      %dma_wait3A_235 = tpu.memref_slice %arg6[%dma_wait3A_234] : memref<1600000xi32, #tpu.memory_space<hbm>> -> memref<1392xi32, #tpu.memory_space<hbm>>
      tpu.wait_dma2 semaphore(%arg56 : memref<!tpu.dma_semaphore, #tpu.memory_space<semaphore_mem>>) src(%dma_wait3A_235 : memref<1392xi32, #tpu.memory_space<hbm>>) dst(%arg25 : memref<1392xi32, #tpu.memory_space<vmem>>)
      %dma_wait3A_236 = arith.constant 0 : i32
      %dma_wait3A_237 = tpu.memref_slice %arg7[%dma_wait3A_236] : memref<1600000xf32, #tpu.memory_space<hbm>> -> memref<1392xf32, #tpu.memory_space<hbm>>
      %dma_wait3A_238 = arith.constant 0 : i32
      %dma_wait3A_239 = tpu.memref_slice %arg7[%dma_wait3A_238] : memref<1600000xf32, #tpu.memory_space<hbm>> -> memref<1392xf32, #tpu.memory_space<hbm>>
      tpu.wait_dma2 semaphore(%arg56 : memref<!tpu.dma_semaphore, #tpu.memory_space<semaphore_mem>>) src(%dma_wait3A_239 : memref<1392xf32, #tpu.memory_space<hbm>>) dst(%arg28 : memref<1392xf32, #tpu.memory_space<vmem>>)
      %dma_wait3A_240 = arith.constant 0 : i32
      %dma_wait3A_241 = tpu.memref_slice %arg8[%dma_wait3A_240] : memref<1600000xf32, #tpu.memory_space<hbm>> -> memref<1392xf32, #tpu.memory_space<hbm>>
      %dma_wait3A_242 = arith.constant 0 : i32
      %dma_wait3A_243 = tpu.memref_slice %arg8[%dma_wait3A_242] : memref<1600000xf32, #tpu.memory_space<hbm>> -> memref<1392xf32, #tpu.memory_space<hbm>>
      tpu.wait_dma2 semaphore(%arg56 : memref<!tpu.dma_semaphore, #tpu.memory_space<semaphore_mem>>) src(%dma_wait3A_243 : memref<1392xf32, #tpu.memory_space<hbm>>) dst(%arg30 : memref<1392xf32, #tpu.memory_space<vmem>>)
      %dma_start3A_244 = arith.constant 0 : i32
      %dma_start3A_245 = tpu.memref_slice %arg15[%dma_start3A_244] : memref<50048xf32, #tpu.memory_space<vmem_shared>> -> memref<50048xf32, #tpu.memory_space<vmem_shared>>
      tpu.enqueue_indirect_dma source(%dma_start3A_245 : memref<50048xf32, #tpu.memory_space<vmem_shared>>) target(%arg32 : memref<1392xf32, #tpu.memory_space<vmem>>) offsets(%arg22 : memref<1392xi32, #tpu.memory_space<vmem>>) semaphore(%arg57 : memref<!tpu.dma_semaphore, #tpu.memory_space<semaphore_mem>>)
      %dma_start3A_246 = arith.constant 0 : i32
      %dma_start3A_247 = tpu.memref_slice %arg16[%dma_start3A_246] : memref<50048xf32, #tpu.memory_space<vmem_shared>> -> memref<50048xf32, #tpu.memory_space<vmem_shared>>
      tpu.enqueue_indirect_dma source(%dma_start3A_247 : memref<50048xf32, #tpu.memory_space<vmem_shared>>) target(%arg34 : memref<1392xf32, #tpu.memory_space<vmem>>) offsets(%arg22 : memref<1392xi32, #tpu.memory_space<vmem>>) semaphore(%arg57 : memref<!tpu.dma_semaphore, #tpu.memory_space<semaphore_mem>>)
      %dma_start3A_248 = arith.constant 0 : i32
      %dma_start3A_249 = tpu.memref_slice %arg17[%dma_start3A_248] : memref<50048xf32, #tpu.memory_space<vmem_shared>> -> memref<50048xf32, #tpu.memory_space<vmem_shared>>
      tpu.enqueue_indirect_dma source(%dma_start3A_249 : memref<50048xf32, #tpu.memory_space<vmem_shared>>) target(%arg36 : memref<1392xf32, #tpu.memory_space<vmem>>) offsets(%arg22 : memref<1392xi32, #tpu.memory_space<vmem>>) semaphore(%arg57 : memref<!tpu.dma_semaphore, #tpu.memory_space<semaphore_mem>>)
      %dma_start3A_250 = arith.constant 0 : i32
      %dma_start3A_251 = tpu.memref_slice %arg15[%dma_start3A_250] : memref<50048xf32, #tpu.memory_space<vmem_shared>> -> memref<50048xf32, #tpu.memory_space<vmem_shared>>
      tpu.enqueue_indirect_dma source(%dma_start3A_251 : memref<50048xf32, #tpu.memory_space<vmem_shared>>) target(%arg38 : memref<1392xf32, #tpu.memory_space<vmem>>) offsets(%arg25 : memref<1392xi32, #tpu.memory_space<vmem>>) semaphore(%arg57 : memref<!tpu.dma_semaphore, #tpu.memory_space<semaphore_mem>>)
      %dma_start3A_252 = arith.constant 0 : i32
      %dma_start3A_253 = tpu.memref_slice %arg16[%dma_start3A_252] : memref<50048xf32, #tpu.memory_space<vmem_shared>> -> memref<50048xf32, #tpu.memory_space<vmem_shared>>
      tpu.enqueue_indirect_dma source(%dma_start3A_253 : memref<50048xf32, #tpu.memory_space<vmem_shared>>) target(%arg40 : memref<1392xf32, #tpu.memory_space<vmem>>) offsets(%arg25 : memref<1392xi32, #tpu.memory_space<vmem>>) semaphore(%arg57 : memref<!tpu.dma_semaphore, #tpu.memory_space<semaphore_mem>>)
      %dma_start3A_254 = arith.constant 0 : i32
      %dma_start3A_255 = tpu.memref_slice %arg17[%dma_start3A_254] : memref<50048xf32, #tpu.memory_space<vmem_shared>> -> memref<50048xf32, #tpu.memory_space<vmem_shared>>
      tpu.enqueue_indirect_dma source(%dma_start3A_255 : memref<50048xf32, #tpu.memory_space<vmem_shared>>) target(%arg42 : memref<1392xf32, #tpu.memory_space<vmem>>) offsets(%arg25 : memref<1392xi32, #tpu.memory_space<vmem>>) semaphore(%arg57 : memref<!tpu.dma_semaphore, #tpu.memory_space<semaphore_mem>>)
      %scan3A_256 = arith.constant 0 : i32
      %scan3A_257 = arith.constant 87 : i32
      %scan3A_258 = arith.addi %scan3A_256, %scan3A_257 : i32
      %scan3A_259 = arith.constant 1 : i32
      %scan3A_260 = scf.for %scan3A_715 = %scan3A_256 to %scan3A_258 step %scan3A_259 iter_args(%scan3A_716 = %scan3A_206) -> (vector<16xf32>)  : i32 {
        %mul3A_717 = arith.constant 16 : i32
        %mul3A_718 = arith.muli %scan3A_715, %mul3A_717 : i32
        %get3A = arith.index_cast %mul3A_718 : i32 to index
        %get3A_719 = tpu.vector_load %arg31[%get3A] {strides = array<i32>} : memref<1392xf32, #tpu.memory_space<vmem>>, vector<16xf32>,
        %get3A_720 = vector.shape_cast %get3A_719 : vector<16xf32> to vector<16xf32>
        %get3A_721 = arith.index_cast %mul3A_718 : i32 to index
        %get3A_722 = tpu.vector_load %arg37[%get3A_721] {strides = array<i32>} : memref<1392xf32, #tpu.memory_space<vmem>>, vector<16xf32>,
        %get3A_723 = vector.shape_cast %get3A_722 : vector<16xf32> to vector<16xf32>
        %sub3A = arith.subf %get3A_720, %get3A_723 : vector<16xf32>
        %get3A_724 = arith.index_cast %mul3A_718 : i32 to index
        %get3A_725 = tpu.vector_load %arg33[%get3A_724] {strides = array<i32>} : memref<1392xf32, #tpu.memory_space<vmem>>, vector<16xf32>,
        %get3A_726 = vector.shape_cast %get3A_725 : vector<16xf32> to vector<16xf32>
        %get3A_727 = arith.index_cast %mul3A_718 : i32 to index
        %get3A_728 = tpu.vector_load %arg39[%get3A_727] {strides = array<i32>} : memref<1392xf32, #tpu.memory_space<vmem>>, vector<16xf32>,
        %get3A_729 = vector.shape_cast %get3A_728 : vector<16xf32> to vector<16xf32>
        %sub3A_730 = arith.subf %get3A_726, %get3A_729 : vector<16xf32>
        %get3A_731 = arith.index_cast %mul3A_718 : i32 to index
        %get3A_732 = tpu.vector_load %arg35[%get3A_731] {strides = array<i32>} : memref<1392xf32, #tpu.memory_space<vmem>>, vector<16xf32>,
        %get3A_733 = vector.shape_cast %get3A_732 : vector<16xf32> to vector<16xf32>
        %get3A_734 = arith.index_cast %mul3A_718 : i32 to index
        %get3A_735 = tpu.vector_load %arg41[%get3A_734] {strides = array<i32>} : memref<1392xf32, #tpu.memory_space<vmem>>, vector<16xf32>,
        %get3A_736 = vector.shape_cast %get3A_735 : vector<16xf32> to vector<16xf32>
        %sub3A_737 = arith.subf %get3A_733, %get3A_736 : vector<16xf32>
        %gt3A_738 = arith.constant 1.500000e+01 : f32
        %gt3A_739 = vector.broadcast %gt3A_738 : f32 to vector<16xf32>
        %gt3A_740 = arith.cmpf ogt, %sub3A, %gt3A_739 : vector<16xf32>
        %lt3A_741 = arith.constant -1.500000e+01 : f32
        %lt3A_742 = vector.broadcast %lt3A_741 : f32 to vector<16xf32>
        %lt3A_743 = arith.cmpf olt, %sub3A, %lt3A_742 : vector<16xf32>
        %jit3A = arith.constant -3.000000e+01 : f32
        %jit3A_744 = arith.constant 0.000000e+00 : f32
        %broadcast_in_dim3A_745 = vector.broadcast %jit3A : f32 to vector<16xf32>
        %broadcast_in_dim3A_746 = vector.broadcast %jit3A_744 : f32 to vector<16xf32>
        %select_n3A = arith.select %lt3A_743, %broadcast_in_dim3A_745, %broadcast_in_dim3A_746 : vector<16xi1>, vector<16xf32>
        %jit3A_747 = arith.constant 3.000000e+01 : f32
        %broadcast_in_dim3A_748 = vector.broadcast %jit3A_747 : f32 to vector<16xf32>
        %select_n3A_749 = arith.select %gt3A_740, %broadcast_in_dim3A_748, %select_n3A : vector<16xi1>, vector<16xf32>
        %sub3A_750 = arith.subf %sub3A, %select_n3A_749 : vector<16xf32>
        %gt3A_751 = arith.constant 1.500000e+01 : f32
        %gt3A_752 = vector.broadcast %gt3A_751 : f32 to vector<16xf32>
        %gt3A_753 = arith.cmpf ogt, %sub3A_730, %gt3A_752 : vector<16xf32>
        %lt3A_754 = arith.constant -1.500000e+01 : f32
        %lt3A_755 = vector.broadcast %lt3A_754 : f32 to vector<16xf32>
        %lt3A_756 = arith.cmpf olt, %sub3A_730, %lt3A_755 : vector<16xf32>
        %jit3A_757 = arith.constant -3.000000e+01 : f32
        %jit3A_758 = arith.constant 0.000000e+00 : f32
        %broadcast_in_dim3A_759 = vector.broadcast %jit3A_757 : f32 to vector<16xf32>
        %broadcast_in_dim3A_760 = vector.broadcast %jit3A_758 : f32 to vector<16xf32>
        %select_n3A_761 = arith.select %lt3A_756, %broadcast_in_dim3A_759, %broadcast_in_dim3A_760 : vector<16xi1>, vector<16xf32>
        %jit3A_762 = arith.constant 3.000000e+01 : f32
        %broadcast_in_dim3A_763 = vector.broadcast %jit3A_762 : f32 to vector<16xf32>
        %select_n3A_764 = arith.select %gt3A_753, %broadcast_in_dim3A_763, %select_n3A_761 : vector<16xi1>, vector<16xf32>
        %sub3A_765 = arith.subf %sub3A_730, %select_n3A_764 : vector<16xf32>
        %gt3A_766 = arith.constant 1.500000e+01 : f32
        %gt3A_767 = vector.broadcast %gt3A_766 : f32 to vector<16xf32>
        %gt3A_768 = arith.cmpf ogt, %sub3A_737, %gt3A_767 : vector<16xf32>
        %lt3A_769 = arith.constant -1.500000e+01 : f32
        %lt3A_770 = vector.broadcast %lt3A_769 : f32 to vector<16xf32>
        %lt3A_771 = arith.cmpf olt, %sub3A_737, %lt3A_770 : vector<16xf32>
        %jit3A_772 = arith.constant -3.000000e+01 : f32
        %jit3A_773 = arith.constant 0.000000e+00 : f32
        %broadcast_in_dim3A_774 = vector.broadcast %jit3A_772 : f32 to vector<16xf32>
        %broadcast_in_dim3A_775 = vector.broadcast %jit3A_773 : f32 to vector<16xf32>
        %select_n3A_776 = arith.select %lt3A_771, %broadcast_in_dim3A_774, %broadcast_in_dim3A_775 : vector<16xi1>, vector<16xf32>
        %jit3A_777 = arith.constant 3.000000e+01 : f32
        %broadcast_in_dim3A_778 = vector.broadcast %jit3A_777 : f32 to vector<16xf32>
        %select_n3A_779 = arith.select %gt3A_768, %broadcast_in_dim3A_778, %select_n3A_776 : vector<16xi1>, vector<16xf32>
        %sub3A_780 = arith.subf %sub3A_737, %select_n3A_779 : vector<16xf32>
        %mul3A_781 = arith.mulf %sub3A_750, %sub3A_750 : vector<16xf32>
        %mul3A_782 = arith.mulf %sub3A_765, %sub3A_765 : vector<16xf32>
        %add3A_783 = arith.addf %mul3A_781, %mul3A_782 : vector<16xf32>
        %mul3A_784 = arith.mulf %sub3A_780, %sub3A_780 : vector<16xf32>
        %add3A_785 = arith.addf %add3A_783, %mul3A_784 : vector<16xf32>
        %max3A = arith.constant 1.000000e-24 : f32
        %max3A_786 = vector.broadcast %max3A : f32 to vector<16xf32>
        %max3A_787 = arith.maximumf %add3A_785, %max3A_786 : vector<16xf32>
        %div3A = arith.constant 1.000000e+00 : f32
        %div3A_788 = vector.broadcast %div3A : f32 to vector<16xf32>
        %div3A_789 = arith.divf %div3A_788, %max3A_787 : vector<16xf32>
        %get3A_790 = arith.index_cast %mul3A_718 : i32 to index
        %get3A_791 = tpu.vector_load %arg27[%get3A_790] {strides = array<i32>} : memref<1392xf32, #tpu.memory_space<vmem>>, vector<16xf32>,
        %get3A_792 = vector.shape_cast %get3A_791 : vector<16xf32> to vector<16xf32>
        %get3A_793 = arith.index_cast %mul3A_718 : i32 to index
        %get3A_794 = tpu.vector_load %arg29[%get3A_793] {strides = array<i32>} : memref<1392xf32, #tpu.memory_space<vmem>>, vector<16xf32>,
        %get3A_795 = vector.shape_cast %get3A_794 : vector<16xf32> to vector<16xf32>
        %mul3A_796 = arith.mulf %get3A_795, %get3A_795 : vector<16xf32>
        %mul3A_797 = arith.mulf %mul3A_796, %div3A_789 : vector<16xf32>
        %mul3A_798 = arith.mulf %mul3A_797, %mul3A_797 : vector<16xf32>
        %mul3A_799 = arith.mulf %mul3A_798, %mul3A_797 : vector<16xf32>
        %mul3A_800 = arith.mulf %mul3A_799, %mul3A_799 : vector<16xf32>
        %lt3A_801 = arith.constant 9.000000e+00 : f32
        %lt3A_802 = vector.broadcast %lt3A_801 : f32 to vector<16xf32>
        %lt3A_803 = arith.cmpf olt, %max3A_787, %lt3A_802 : vector<16xf32>
        %mul3A_804 = arith.constant 4.000000e+00 : f32
        %mul3A_805 = vector.broadcast %mul3A_804 : f32 to vector<16xf32>
        %mul3A_806 = arith.mulf %mul3A_805, %get3A_792 : vector<16xf32>
        %sub3A_807 = arith.subf %mul3A_800, %mul3A_799 : vector<16xf32>
        %mul3A_808 = arith.mulf %mul3A_806, %sub3A_807 : vector<16xf32>
        %jit3A_809 = arith.constant 0.000000e+00 : f32
        %broadcast_in_dim3A_810 = vector.broadcast %jit3A_809 : f32 to vector<16xf32>
        %select_n3A_811 = arith.select %lt3A_803, %mul3A_808, %broadcast_in_dim3A_810 : vector<16xi1>, vector<16xf32>
        %mul3A_812 = arith.constant 2.400000e+01 : f32
        %mul3A_813 = vector.broadcast %mul3A_812 : f32 to vector<16xf32>
        %mul3A_814 = arith.mulf %mul3A_813, %get3A_792 : vector<16xf32>
        %mul3A_815 = arith.mulf %mul3A_814, %div3A_789 : vector<16xf32>
        %mul3A_816 = arith.constant 2.000000e+00 : f32
        %mul3A_817 = vector.broadcast %mul3A_816 : f32 to vector<16xf32>
        %mul3A_818 = arith.mulf %mul3A_817, %mul3A_800 : vector<16xf32>
        %sub3A_819 = arith.subf %mul3A_818, %mul3A_799 : vector<16xf32>
        %mul3A_820 = arith.mulf %mul3A_815, %sub3A_819 : vector<16xf32>
        %jit3A_821 = arith.constant 0.000000e+00 : f32
        %broadcast_in_dim3A_822 = vector.broadcast %jit3A_821 : f32 to vector<16xf32>
        %select_n3A_823 = arith.select %lt3A_803, %mul3A_820, %broadcast_in_dim3A_822 : vector<16xi1>, vector<16xf32>
        %mul3A_824 = arith.mulf %select_n3A_823, %sub3A_750 : vector<16xf32>
        %mul3A_825 = arith.mulf %select_n3A_823, %sub3A_765 : vector<16xf32>
        %mul3A_826 = arith.mulf %select_n3A_823, %sub3A_780 : vector<16xf32>
        %swap3A_827 = arith.index_cast %mul3A_718 : i32 to index
        %swap3A_828 = tpu.vector_load %arg43[%swap3A_827] {strides = array<i32>} : memref<1392xf32, #tpu.memory_space<vmem>>, vector<16xf32>,
        %swap3A_829 = vector.shape_cast %swap3A_828 : vector<16xf32> to vector<16xf32>
        %swap3A_830 = vector.shape_cast %mul3A_824 : vector<16xf32> to vector<16xf32>
        tpu.vector_store %arg43[%swap3A_827], %swap3A_830 {strides = array<i32>} : memref<1392xf32, #tpu.memory_space<vmem>>, vector<16xf32>,
        %swap3A_831 = arith.index_cast %mul3A_718 : i32 to index
        %swap3A_832 = tpu.vector_load %arg45[%swap3A_831] {strides = array<i32>} : memref<1392xf32, #tpu.memory_space<vmem>>, vector<16xf32>,
        %swap3A_833 = vector.shape_cast %swap3A_832 : vector<16xf32> to vector<16xf32>
        %swap3A_834 = vector.shape_cast %mul3A_825 : vector<16xf32> to vector<16xf32>
        tpu.vector_store %arg45[%swap3A_831], %swap3A_834 {strides = array<i32>} : memref<1392xf32, #tpu.memory_space<vmem>>, vector<16xf32>,
        %swap3A_835 = arith.index_cast %mul3A_718 : i32 to index
        %swap3A_836 = tpu.vector_load %arg47[%swap3A_835] {strides = array<i32>} : memref<1392xf32, #tpu.memory_space<vmem>>, vector<16xf32>,
        %swap3A_837 = vector.shape_cast %swap3A_836 : vector<16xf32> to vector<16xf32>
        %swap3A_838 = vector.shape_cast %mul3A_826 : vector<16xf32> to vector<16xf32>
        tpu.vector_store %arg47[%swap3A_835], %swap3A_838 {strides = array<i32>} : memref<1392xf32, #tpu.memory_space<vmem>>, vector<16xf32>,
        %neg3A = arith.constant 0.000000e+00 : f32
        %neg3A_839 = vector.broadcast %neg3A : f32 to vector<16xf32>
        %neg3A_840 = arith.subf %neg3A_839, %mul3A_824 : vector<16xf32>
        %swap3A_841 = arith.index_cast %mul3A_718 : i32 to index
        %swap3A_842 = tpu.vector_load %arg49[%swap3A_841] {strides = array<i32>} : memref<1392xf32, #tpu.memory_space<vmem>>, vector<16xf32>,
        %swap3A_843 = vector.shape_cast %swap3A_842 : vector<16xf32> to vector<16xf32>
        %swap3A_844 = vector.shape_cast %neg3A_840 : vector<16xf32> to vector<16xf32>
        tpu.vector_store %arg49[%swap3A_841], %swap3A_844 {strides = array<i32>} : memref<1392xf32, #tpu.memory_space<vmem>>, vector<16xf32>,
        %neg3A_845 = arith.constant 0.000000e+00 : f32
        %neg3A_846 = vector.broadcast %neg3A_845 : f32 to vector<16xf32>
        %neg3A_847 = arith.subf %neg3A_846, %mul3A_825 : vector<16xf32>
        %swap3A_848 = arith.index_cast %mul3A_718 : i32 to index
        %swap3A_849 = tpu.vector_load %arg51[%swap3A_848] {strides = array<i32>} : memref<1392xf32, #tpu.memory_space<vmem>>, vector<16xf32>,
        %swap3A_850 = vector.shape_cast %swap3A_849 : vector<16xf32> to vector<16xf32>
        %swap3A_851 = vector.shape_cast %neg3A_847 : vector<16xf32> to vector<16xf32>
        tpu.vector_store %arg51[%swap3A_848], %swap3A_851 {strides = array<i32>} : memref<1392xf32, #tpu.memory_space<vmem>>, vector<16xf32>,
        %neg3A_852 = arith.constant 0.000000e+00 : f32
        %neg3A_853 = vector.broadcast %neg3A_852 : f32 to vector<16xf32>
        %neg3A_854 = arith.subf %neg3A_853, %mul3A_826 : vector<16xf32>
        %swap3A_855 = arith.index_cast %mul3A_718 : i32 to index
        %swap3A_856 = tpu.vector_load %arg53[%swap3A_855] {strides = array<i32>} : memref<1392xf32, #tpu.memory_space<vmem>>, vector<16xf32>,
        %swap3A_857 = vector.shape_cast %swap3A_856 : vector<16xf32> to vector<16xf32>
        %swap3A_858 = vector.shape_cast %neg3A_854 : vector<16xf32> to vector<16xf32>
        tpu.vector_store %arg53[%swap3A_855], %swap3A_858 {strides = array<i32>} : memref<1392xf32, #tpu.memory_space<vmem>>, vector<16xf32>,
        %add3A_859 = arith.addf %scan3A_716, %select_n3A_811 : vector<16xf32>
        scf.yield %add3A_859 : vector<16xf32>
      }
      %scan3A_261 = arith.constant 87 : i32
      %gt3A = arith.constant 0 : i32
      %gt3A_262 = arith.cmpi sgt, %scan3A_205, %gt3A : i32
      %convert_element_type3A_263 = arith.extui %gt3A_262 : i1 to i32
      %cond3A_264 = arith.constant 0 : i32
      %cond3A_265 = arith.cmpi ne, %convert_element_type3A_263, %cond3A_264 : i32
      scf.if %cond3A_265 {
        %dma_wait3A_715 = arith.constant 0 : i32
        %dma_wait3A_716 = tpu.memref_slice %arg18[%dma_wait3A_715] : memref<50048xf32, #tpu.memory_space<vmem_shared>> -> memref<50048xf32, #tpu.memory_space<vmem_shared>>
        tpu.wait_indirect_dma semaphore(%arg58 : memref<!tpu.dma_semaphore, #tpu.memory_space<semaphore_mem>>) src(%arg44 : memref<1392xf32, #tpu.memory_space<vmem>>) dst(%dma_wait3A_716 : memref<50048xf32, #tpu.memory_space<vmem_shared>>)
        %dma_wait3A_717 = arith.constant 0 : i32
        %dma_wait3A_718 = tpu.memref_slice %arg19[%dma_wait3A_717] : memref<50048xf32, #tpu.memory_space<vmem_shared>> -> memref<50048xf32, #tpu.memory_space<vmem_shared>>
        tpu.wait_indirect_dma semaphore(%arg58 : memref<!tpu.dma_semaphore, #tpu.memory_space<semaphore_mem>>) src(%arg46 : memref<1392xf32, #tpu.memory_space<vmem>>) dst(%dma_wait3A_718 : memref<50048xf32, #tpu.memory_space<vmem_shared>>)
        %dma_wait3A_719 = arith.constant 0 : i32
        %dma_wait3A_720 = tpu.memref_slice %arg20[%dma_wait3A_719] : memref<50048xf32, #tpu.memory_space<vmem_shared>> -> memref<50048xf32, #tpu.memory_space<vmem_shared>>
        tpu.wait_indirect_dma semaphore(%arg58 : memref<!tpu.dma_semaphore, #tpu.memory_space<semaphore_mem>>) src(%arg48 : memref<1392xf32, #tpu.memory_space<vmem>>) dst(%dma_wait3A_720 : memref<50048xf32, #tpu.memory_space<vmem_shared>>)
        %dma_wait3A_721 = arith.constant 0 : i32
        %dma_wait3A_722 = tpu.memref_slice %arg18[%dma_wait3A_721] : memref<50048xf32, #tpu.memory_space<vmem_shared>> -> memref<50048xf32, #tpu.memory_space<vmem_shared>>
        tpu.wait_indirect_dma semaphore(%arg58 : memref<!tpu.dma_semaphore, #tpu.memory_space<semaphore_mem>>) src(%arg50 : memref<1392xf32, #tpu.memory_space<vmem>>) dst(%dma_wait3A_722 : memref<50048xf32, #tpu.memory_space<vmem_shared>>)
        %dma_wait3A_723 = arith.constant 0 : i32
        %dma_wait3A_724 = tpu.memref_slice %arg19[%dma_wait3A_723] : memref<50048xf32, #tpu.memory_space<vmem_shared>> -> memref<50048xf32, #tpu.memory_space<vmem_shared>>
        tpu.wait_indirect_dma semaphore(%arg58 : memref<!tpu.dma_semaphore, #tpu.memory_space<semaphore_mem>>) src(%arg52 : memref<1392xf32, #tpu.memory_space<vmem>>) dst(%dma_wait3A_724 : memref<50048xf32, #tpu.memory_space<vmem_shared>>)
        %dma_wait3A_725 = arith.constant 0 : i32
        %dma_wait3A_726 = tpu.memref_slice %arg20[%dma_wait3A_725] : memref<50048xf32, #tpu.memory_space<vmem_shared>> -> memref<50048xf32, #tpu.memory_space<vmem_shared>>
        tpu.wait_indirect_dma semaphore(%arg58 : memref<!tpu.dma_semaphore, #tpu.memory_space<semaphore_mem>>) src(%arg54 : memref<1392xf32, #tpu.memory_space<vmem>>) dst(%dma_wait3A_726 : memref<50048xf32, #tpu.memory_space<vmem_shared>>)
      } else {
      }
      %dma_start3A_266 = arith.constant 0 : i32
      %dma_start3A_267 = tpu.memref_slice %arg18[%dma_start3A_266] : memref<50048xf32, #tpu.memory_space<vmem_shared>> -> memref<50048xf32, #tpu.memory_space<vmem_shared>>
      tpu.enqueue_indirect_dma source(%arg43 : memref<1392xf32, #tpu.memory_space<vmem>>) target(%dma_start3A_267 : memref<50048xf32, #tpu.memory_space<vmem_shared>>) offsets(%arg21 : memref<1392xi32, #tpu.memory_space<vmem>>) semaphore(%arg58 : memref<!tpu.dma_semaphore, #tpu.memory_space<semaphore_mem>>) {add = true}
      %dma_start3A_268 = arith.constant 0 : i32
      %dma_start3A_269 = tpu.memref_slice %arg19[%dma_start3A_268] : memref<50048xf32, #tpu.memory_space<vmem_shared>> -> memref<50048xf32, #tpu.memory_space<vmem_shared>>
      tpu.enqueue_indirect_dma source(%arg45 : memref<1392xf32, #tpu.memory_space<vmem>>) target(%dma_start3A_269 : memref<50048xf32, #tpu.memory_space<vmem_shared>>) offsets(%arg21 : memref<1392xi32, #tpu.memory_space<vmem>>) semaphore(%arg58 : memref<!tpu.dma_semaphore, #tpu.memory_space<semaphore_mem>>) {add = true}
      %dma_start3A_270 = arith.constant 0 : i32
      %dma_start3A_271 = tpu.memref_slice %arg20[%dma_start3A_270] : memref<50048xf32, #tpu.memory_space<vmem_shared>> -> memref<50048xf32, #tpu.memory_space<vmem_shared>>
      tpu.enqueue_indirect_dma source(%arg47 : memref<1392xf32, #tpu.memory_space<vmem>>) target(%dma_start3A_271 : memref<50048xf32, #tpu.memory_space<vmem_shared>>) offsets(%arg21 : memref<1392xi32, #tpu.memory_space<vmem>>) semaphore(%arg58 : memref<!tpu.dma_semaphore, #tpu.memory_space<semaphore_mem>>) {add = true}
      %dma_start3A_272 = arith.constant 0 : i32
      %dma_start3A_273 = tpu.memref_slice %arg18[%dma_start3A_272] : memref<50048xf32, #tpu.memory_space<vmem_shared>> -> memref<50048xf32, #tpu.memory_space<vmem_shared>>
      tpu.enqueue_indirect_dma source(%arg49 : memref<1392xf32, #tpu.memory_space<vmem>>) target(%dma_start3A_273 : memref<50048xf32, #tpu.memory_space<vmem_shared>>) offsets(%arg24 : memref<1392xi32, #tpu.memory_space<vmem>>) semaphore(%arg58 : memref<!tpu.dma_semaphore, #tpu.memory_space<semaphore_mem>>) {add = true}
      %dma_start3A_274 = arith.constant 0 : i32
      %dma_start3A_275 = tpu.memref_slice %arg19[%dma_start3A_274] : memref<50048xf32, #tpu.memory_space<vmem_shared>> -> memref<50048xf32, #tpu.memory_space<vmem_shared>>
      tpu.enqueue_indirect_dma source(%arg51 : memref<1392xf32, #tpu.memory_space<vmem>>) target(%dma_start3A_275 : memref<50048xf32, #tpu.memory_space<vmem_shared>>) offsets(%arg24 : memref<1392xi32, #tpu.memory_space<vmem>>) semaphore(%arg58 : memref<!tpu.dma_semaphore, #tpu.memory_space<semaphore_mem>>) {add = true}
      %dma_start3A_276 = arith.constant 0 : i32
      %dma_start3A_277 = tpu.memref_slice %arg20[%dma_start3A_276] : memref<50048xf32, #tpu.memory_space<vmem_shared>> -> memref<50048xf32, #tpu.memory_space<vmem_shared>>
      tpu.enqueue_indirect_dma source(%arg53 : memref<1392xf32, #tpu.memory_space<vmem>>) target(%dma_start3A_277 : memref<50048xf32, #tpu.memory_space<vmem_shared>>) offsets(%arg24 : memref<1392xi32, #tpu.memory_space<vmem>>) semaphore(%arg58 : memref<!tpu.dma_semaphore, #tpu.memory_space<semaphore_mem>>) {add = true}
      %add3A_278 = arith.constant 2 : i32
      %add3A_279 = arith.addi %add3A_210, %add3A_278 : i32
      %mul3A_280 = arith.constant 1392 : i32
      %mul3A_281 = arith.muli %add3A_279, %mul3A_280 : i32
      %add3A_282 = arith.addi %mul3A_64, %mul3A_281 : i32
      %lt3A_283 = arith.constant 1599408 : i32
      %lt3A_284 = arith.cmpi slt, %add3A_282, %lt3A_283 : i32
      %convert_element_type3A_285 = arith.extui %lt3A_284 : i1 to i32
      %cond3A_286 = arith.constant 0 : i32
      %cond3A_287 = arith.cmpi ne, %convert_element_type3A_285, %cond3A_286 : i32
      scf.if %cond3A_287 {
        %dma_start3A_715 = tpu.memref_slice %arg5[%add3A_282] : memref<1600000xi32, #tpu.memory_space<hbm>> -> memref<1392xi32, #tpu.memory_space<hbm>>
        %dma_start3A_716 = tpu.memref_slice %arg5[%add3A_282] : memref<1600000xi32, #tpu.memory_space<hbm>> -> memref<1392xi32, #tpu.memory_space<hbm>>
        tpu.enqueue_dma source(%dma_start3A_716 : memref<1392xi32, #tpu.memory_space<hbm>>) target(%arg23 : memref<1392xi32, #tpu.memory_space<vmem>>) target_semaphore(%arg56 : memref<!tpu.dma_semaphore, #tpu.memory_space<semaphore_mem>>)
        %dma_start3A_717 = tpu.memref_slice %arg6[%add3A_282] : memref<1600000xi32, #tpu.memory_space<hbm>> -> memref<1392xi32, #tpu.memory_space<hbm>>
        %dma_start3A_718 = tpu.memref_slice %arg6[%add3A_282] : memref<1600000xi32, #tpu.memory_space<hbm>> -> memref<1392xi32, #tpu.memory_space<hbm>>
        tpu.enqueue_dma source(%dma_start3A_718 : memref<1392xi32, #tpu.memory_space<hbm>>) target(%arg26 : memref<1392xi32, #tpu.memory_space<vmem>>) target_semaphore(%arg56 : memref<!tpu.dma_semaphore, #tpu.memory_space<semaphore_mem>>)
        %dma_start3A_719 = tpu.memref_slice %arg7[%add3A_282] : memref<1600000xf32, #tpu.memory_space<hbm>> -> memref<1392xf32, #tpu.memory_space<hbm>>
        %dma_start3A_720 = tpu.memref_slice %arg7[%add3A_282] : memref<1600000xf32, #tpu.memory_space<hbm>> -> memref<1392xf32, #tpu.memory_space<hbm>>
        tpu.enqueue_dma source(%dma_start3A_720 : memref<1392xf32, #tpu.memory_space<hbm>>) target(%arg27 : memref<1392xf32, #tpu.memory_space<vmem>>) target_semaphore(%arg56 : memref<!tpu.dma_semaphore, #tpu.memory_space<semaphore_mem>>)
        %dma_start3A_721 = tpu.memref_slice %arg8[%add3A_282] : memref<1600000xf32, #tpu.memory_space<hbm>> -> memref<1392xf32, #tpu.memory_space<hbm>>
        %dma_start3A_722 = tpu.memref_slice %arg8[%add3A_282] : memref<1600000xf32, #tpu.memory_space<hbm>> -> memref<1392xf32, #tpu.memory_space<hbm>>
        tpu.enqueue_dma source(%dma_start3A_722 : memref<1392xf32, #tpu.memory_space<hbm>>) target(%arg29 : memref<1392xf32, #tpu.memory_space<vmem>>) target_semaphore(%arg56 : memref<!tpu.dma_semaphore, #tpu.memory_space<semaphore_mem>>)
      } else {
      }
      %ge3A_288 = arith.constant 1599408 : i32
      %ge3A_289 = arith.cmpi sge, %add3A_282, %ge3A_288 : i32
      %convert_element_type3A_290 = arith.extui %ge3A_289 : i1 to i32
      %cond3A_291 = arith.constant 0 : i32
      %cond3A_292 = arith.cmpi ne, %convert_element_type3A_290, %cond3A_291 : i32
      scf.if %cond3A_292 {
        %sub3A = arith.constant 1599408 : i32
        %sub3A_715 = arith.subi %add3A_282, %sub3A : i32
        %dma_start3A_716 = tpu.memref_slice %arg9[%sub3A_715] : memref<4176xi32, #tpu.memory_space<hbm>> -> memref<1392xi32, #tpu.memory_space<hbm>>
        %dma_start3A_717 = tpu.memref_slice %arg9[%sub3A_715] : memref<4176xi32, #tpu.memory_space<hbm>> -> memref<1392xi32, #tpu.memory_space<hbm>>
        tpu.enqueue_dma source(%dma_start3A_717 : memref<1392xi32, #tpu.memory_space<hbm>>) target(%arg23 : memref<1392xi32, #tpu.memory_space<vmem>>) target_semaphore(%arg56 : memref<!tpu.dma_semaphore, #tpu.memory_space<semaphore_mem>>)
        %dma_start3A_718 = tpu.memref_slice %arg10[%sub3A_715] : memref<4176xi32, #tpu.memory_space<hbm>> -> memref<1392xi32, #tpu.memory_space<hbm>>
        %dma_start3A_719 = tpu.memref_slice %arg10[%sub3A_715] : memref<4176xi32, #tpu.memory_space<hbm>> -> memref<1392xi32, #tpu.memory_space<hbm>>
        tpu.enqueue_dma source(%dma_start3A_719 : memref<1392xi32, #tpu.memory_space<hbm>>) target(%arg26 : memref<1392xi32, #tpu.memory_space<vmem>>) target_semaphore(%arg56 : memref<!tpu.dma_semaphore, #tpu.memory_space<semaphore_mem>>)
        %dma_start3A_720 = tpu.memref_slice %arg11[%sub3A_715] : memref<4176xf32, #tpu.memory_space<hbm>> -> memref<1392xf32, #tpu.memory_space<hbm>>
        %dma_start3A_721 = tpu.memref_slice %arg11[%sub3A_715] : memref<4176xf32, #tpu.memory_space<hbm>> -> memref<1392xf32, #tpu.memory_space<hbm>>
        tpu.enqueue_dma source(%dma_start3A_721 : memref<1392xf32, #tpu.memory_space<hbm>>) target(%arg27 : memref<1392xf32, #tpu.memory_space<vmem>>) target_semaphore(%arg56 : memref<!tpu.dma_semaphore, #tpu.memory_space<semaphore_mem>>)
        %dma_start3A_722 = tpu.memref_slice %arg12[%sub3A_715] : memref<4176xf32, #tpu.memory_space<hbm>> -> memref<1392xf32, #tpu.memory_space<hbm>>
        %dma_start3A_723 = tpu.memref_slice %arg12[%sub3A_715] : memref<4176xf32, #tpu.memory_space<hbm>> -> memref<1392xf32, #tpu.memory_space<hbm>>
        tpu.enqueue_dma source(%dma_start3A_723 : memref<1392xf32, #tpu.memory_space<hbm>>) target(%arg29 : memref<1392xf32, #tpu.memory_space<vmem>>) target_semaphore(%arg56 : memref<!tpu.dma_semaphore, #tpu.memory_space<semaphore_mem>>)
      } else {
      }
      %mul3A_293 = arith.constant 6 : i32
      %mul3A_294 = arith.muli %mul3A_293, %scan3A_205 : i32
      %add3A_295 = arith.constant 1 : i32
      %add3A_296 = arith.addi %mul3A_294, %add3A_295 : i32
      %dma_wait3A_297 = arith.constant 0 : i32
      %dma_wait3A_298 = tpu.memref_slice %arg15[%dma_wait3A_297] : memref<50048xf32, #tpu.memory_space<vmem_shared>> -> memref<50048xf32, #tpu.memory_space<vmem_shared>>
      tpu.wait_indirect_dma semaphore(%arg57 : memref<!tpu.dma_semaphore, #tpu.memory_space<semaphore_mem>>) src(%dma_wait3A_298 : memref<50048xf32, #tpu.memory_space<vmem_shared>>) dst(%arg32 : memref<1392xf32, #tpu.memory_space<vmem>>)
      %dma_wait3A_299 = arith.constant 0 : i32
      %dma_wait3A_300 = tpu.memref_slice %arg16[%dma_wait3A_299] : memref<50048xf32, #tpu.memory_space<vmem_shared>> -> memref<50048xf32, #tpu.memory_space<vmem_shared>>
      tpu.wait_indirect_dma semaphore(%arg57 : memref<!tpu.dma_semaphore, #tpu.memory_space<semaphore_mem>>) src(%dma_wait3A_300 : memref<50048xf32, #tpu.memory_space<vmem_shared>>) dst(%arg34 : memref<1392xf32, #tpu.memory_space<vmem>>)
      %dma_wait3A_301 = arith.constant 0 : i32
      %dma_wait3A_302 = tpu.memref_slice %arg17[%dma_wait3A_301] : memref<50048xf32, #tpu.memory_space<vmem_shared>> -> memref<50048xf32, #tpu.memory_space<vmem_shared>>
      tpu.wait_indirect_dma semaphore(%arg57 : memref<!tpu.dma_semaphore, #tpu.memory_space<semaphore_mem>>) src(%dma_wait3A_302 : memref<50048xf32, #tpu.memory_space<vmem_shared>>) dst(%arg36 : memref<1392xf32, #tpu.memory_space<vmem>>)
      %dma_wait3A_303 = arith.constant 0 : i32
      %dma_wait3A_304 = tpu.memref_slice %arg15[%dma_wait3A_303] : memref<50048xf32, #tpu.memory_space<vmem_shared>> -> memref<50048xf32, #tpu.memory_space<vmem_shared>>
      tpu.wait_indirect_dma semaphore(%arg57 : memref<!tpu.dma_semaphore, #tpu.memory_space<semaphore_mem>>) src(%dma_wait3A_304 : memref<50048xf32, #tpu.memory_space<vmem_shared>>) dst(%arg38 : memref<1392xf32, #tpu.memory_space<vmem>>)
      %dma_wait3A_305 = arith.constant 0 : i32
      %dma_wait3A_306 = tpu.memref_slice %arg16[%dma_wait3A_305] : memref<50048xf32, #tpu.memory_space<vmem_shared>> -> memref<50048xf32, #tpu.memory_space<vmem_shared>>
      tpu.wait_indirect_dma semaphore(%arg57 : memref<!tpu.dma_semaphore, #tpu.memory_space<semaphore_mem>>) src(%dma_wait3A_306 : memref<50048xf32, #tpu.memory_space<vmem_shared>>) dst(%arg40 : memref<1392xf32, #tpu.memory_space<vmem>>)
      %dma_wait3A_307 = arith.constant 0 : i32
      %dma_wait3A_308 = tpu.memref_slice %arg17[%dma_wait3A_307] : memref<50048xf32, #tpu.memory_space<vmem_shared>> -> memref<50048xf32, #tpu.memory_space<vmem_shared>>
      tpu.wait_indirect_dma semaphore(%arg57 : memref<!tpu.dma_semaphore, #tpu.memory_space<semaphore_mem>>) src(%dma_wait3A_308 : memref<50048xf32, #tpu.memory_space<vmem_shared>>) dst(%arg42 : memref<1392xf32, #tpu.memory_space<vmem>>)
      %add3A_309 = arith.constant 1 : i32
      %add3A_310 = arith.addi %add3A_296, %add3A_309 : i32
      %mul3A_311 = arith.constant 1392 : i32
      %mul3A_312 = arith.muli %add3A_310, %mul3A_311 : i32
      %add3A_313 = arith.addi %mul3A_64, %mul3A_312 : i32
      %dma_wait3A_314 = arith.constant 0 : i32
      %dma_wait3A_315 = tpu.memref_slice %arg5[%dma_wait3A_314] : memref<1600000xi32, #tpu.memory_space<hbm>> -> memref<1392xi32, #tpu.memory_space<hbm>>
      %dma_wait3A_316 = arith.constant 0 : i32
      %dma_wait3A_317 = tpu.memref_slice %arg5[%dma_wait3A_316] : memref<1600000xi32, #tpu.memory_space<hbm>> -> memref<1392xi32, #tpu.memory_space<hbm>>
      tpu.wait_dma2 semaphore(%arg56 : memref<!tpu.dma_semaphore, #tpu.memory_space<semaphore_mem>>) src(%dma_wait3A_317 : memref<1392xi32, #tpu.memory_space<hbm>>) dst(%arg23 : memref<1392xi32, #tpu.memory_space<vmem>>)
      %dma_wait3A_318 = arith.constant 0 : i32
      %dma_wait3A_319 = tpu.memref_slice %arg6[%dma_wait3A_318] : memref<1600000xi32, #tpu.memory_space<hbm>> -> memref<1392xi32, #tpu.memory_space<hbm>>
      %dma_wait3A_320 = arith.constant 0 : i32
      %dma_wait3A_321 = tpu.memref_slice %arg6[%dma_wait3A_320] : memref<1600000xi32, #tpu.memory_space<hbm>> -> memref<1392xi32, #tpu.memory_space<hbm>>
      tpu.wait_dma2 semaphore(%arg56 : memref<!tpu.dma_semaphore, #tpu.memory_space<semaphore_mem>>) src(%dma_wait3A_321 : memref<1392xi32, #tpu.memory_space<hbm>>) dst(%arg26 : memref<1392xi32, #tpu.memory_space<vmem>>)
      %dma_wait3A_322 = arith.constant 0 : i32
      %dma_wait3A_323 = tpu.memref_slice %arg7[%dma_wait3A_322] : memref<1600000xf32, #tpu.memory_space<hbm>> -> memref<1392xf32, #tpu.memory_space<hbm>>
      %dma_wait3A_324 = arith.constant 0 : i32
      %dma_wait3A_325 = tpu.memref_slice %arg7[%dma_wait3A_324] : memref<1600000xf32, #tpu.memory_space<hbm>> -> memref<1392xf32, #tpu.memory_space<hbm>>
      tpu.wait_dma2 semaphore(%arg56 : memref<!tpu.dma_semaphore, #tpu.memory_space<semaphore_mem>>) src(%dma_wait3A_325 : memref<1392xf32, #tpu.memory_space<hbm>>) dst(%arg27 : memref<1392xf32, #tpu.memory_space<vmem>>)
      %dma_wait3A_326 = arith.constant 0 : i32
      %dma_wait3A_327 = tpu.memref_slice %arg8[%dma_wait3A_326] : memref<1600000xf32, #tpu.memory_space<hbm>> -> memref<1392xf32, #tpu.memory_space<hbm>>
      %dma_wait3A_328 = arith.constant 0 : i32
      %dma_wait3A_329 = tpu.memref_slice %arg8[%dma_wait3A_328] : memref<1600000xf32, #tpu.memory_space<hbm>> -> memref<1392xf32, #tpu.memory_space<hbm>>
      tpu.wait_dma2 semaphore(%arg56 : memref<!tpu.dma_semaphore, #tpu.memory_space<semaphore_mem>>) src(%dma_wait3A_329 : memref<1392xf32, #tpu.memory_space<hbm>>) dst(%arg29 : memref<1392xf32, #tpu.memory_space<vmem>>)
      %dma_start3A_330 = arith.constant 0 : i32
      %dma_start3A_331 = tpu.memref_slice %arg15[%dma_start3A_330] : memref<50048xf32, #tpu.memory_space<vmem_shared>> -> memref<50048xf32, #tpu.memory_space<vmem_shared>>
      tpu.enqueue_indirect_dma source(%dma_start3A_331 : memref<50048xf32, #tpu.memory_space<vmem_shared>>) target(%arg31 : memref<1392xf32, #tpu.memory_space<vmem>>) offsets(%arg23 : memref<1392xi32, #tpu.memory_space<vmem>>) semaphore(%arg57 : memref<!tpu.dma_semaphore, #tpu.memory_space<semaphore_mem>>)
      %dma_start3A_332 = arith.constant 0 : i32
      %dma_start3A_333 = tpu.memref_slice %arg16[%dma_start3A_332] : memref<50048xf32, #tpu.memory_space<vmem_shared>> -> memref<50048xf32, #tpu.memory_space<vmem_shared>>
      tpu.enqueue_indirect_dma source(%dma_start3A_333 : memref<50048xf32, #tpu.memory_space<vmem_shared>>) target(%arg33 : memref<1392xf32, #tpu.memory_space<vmem>>) offsets(%arg23 : memref<1392xi32, #tpu.memory_space<vmem>>) semaphore(%arg57 : memref<!tpu.dma_semaphore, #tpu.memory_space<semaphore_mem>>)
      %dma_start3A_334 = arith.constant 0 : i32
      %dma_start3A_335 = tpu.memref_slice %arg17[%dma_start3A_334] : memref<50048xf32, #tpu.memory_space<vmem_shared>> -> memref<50048xf32, #tpu.memory_space<vmem_shared>>
      tpu.enqueue_indirect_dma source(%dma_start3A_335 : memref<50048xf32, #tpu.memory_space<vmem_shared>>) target(%arg35 : memref<1392xf32, #tpu.memory_space<vmem>>) offsets(%arg23 : memref<1392xi32, #tpu.memory_space<vmem>>) semaphore(%arg57 : memref<!tpu.dma_semaphore, #tpu.memory_space<semaphore_mem>>)
      %dma_start3A_336 = arith.constant 0 : i32
      %dma_start3A_337 = tpu.memref_slice %arg15[%dma_start3A_336] : memref<50048xf32, #tpu.memory_space<vmem_shared>> -> memref<50048xf32, #tpu.memory_space<vmem_shared>>
      tpu.enqueue_indirect_dma source(%dma_start3A_337 : memref<50048xf32, #tpu.memory_space<vmem_shared>>) target(%arg37 : memref<1392xf32, #tpu.memory_space<vmem>>) offsets(%arg26 : memref<1392xi32, #tpu.memory_space<vmem>>) semaphore(%arg57 : memref<!tpu.dma_semaphore, #tpu.memory_space<semaphore_mem>>)
      %dma_start3A_338 = arith.constant 0 : i32
      %dma_start3A_339 = tpu.memref_slice %arg16[%dma_start3A_338] : memref<50048xf32, #tpu.memory_space<vmem_shared>> -> memref<50048xf32, #tpu.memory_space<vmem_shared>>
      tpu.enqueue_indirect_dma source(%dma_start3A_339 : memref<50048xf32, #tpu.memory_space<vmem_shared>>) target(%arg39 : memref<1392xf32, #tpu.memory_space<vmem>>) offsets(%arg26 : memref<1392xi32, #tpu.memory_space<vmem>>) semaphore(%arg57 : memref<!tpu.dma_semaphore, #tpu.memory_space<semaphore_mem>>)
      %dma_start3A_340 = arith.constant 0 : i32
      %dma_start3A_341 = tpu.memref_slice %arg17[%dma_start3A_340] : memref<50048xf32, #tpu.memory_space<vmem_shared>> -> memref<50048xf32, #tpu.memory_space<vmem_shared>>
      tpu.enqueue_indirect_dma source(%dma_start3A_341 : memref<50048xf32, #tpu.memory_space<vmem_shared>>) target(%arg41 : memref<1392xf32, #tpu.memory_space<vmem>>) offsets(%arg26 : memref<1392xi32, #tpu.memory_space<vmem>>) semaphore(%arg57 : memref<!tpu.dma_semaphore, #tpu.memory_space<semaphore_mem>>)
      %scan3A_342 = arith.constant 0 : i32
      %scan3A_343 = arith.constant 87 : i32
      %scan3A_344 = arith.addi %scan3A_342, %scan3A_343 : i32
      %scan3A_345 = arith.constant 1 : i32
      %scan3A_346 = scf.for %scan3A_715 = %scan3A_342 to %scan3A_344 step %scan3A_345 iter_args(%scan3A_716 = %scan3A_260) -> (vector<16xf32>)  : i32 {
        %mul3A_717 = arith.constant 16 : i32
        %mul3A_718 = arith.muli %scan3A_715, %mul3A_717 : i32
        %get3A = arith.index_cast %mul3A_718 : i32 to index
        %get3A_719 = tpu.vector_load %arg32[%get3A] {strides = array<i32>} : memref<1392xf32, #tpu.memory_space<vmem>>, vector<16xf32>,
        %get3A_720 = vector.shape_cast %get3A_719 : vector<16xf32> to vector<16xf32>
        %get3A_721 = arith.index_cast %mul3A_718 : i32 to index
        %get3A_722 = tpu.vector_load %arg38[%get3A_721] {strides = array<i32>} : memref<1392xf32, #tpu.memory_space<vmem>>, vector<16xf32>,
        %get3A_723 = vector.shape_cast %get3A_722 : vector<16xf32> to vector<16xf32>
        %sub3A = arith.subf %get3A_720, %get3A_723 : vector<16xf32>
        %get3A_724 = arith.index_cast %mul3A_718 : i32 to index
        %get3A_725 = tpu.vector_load %arg34[%get3A_724] {strides = array<i32>} : memref<1392xf32, #tpu.memory_space<vmem>>, vector<16xf32>,
        %get3A_726 = vector.shape_cast %get3A_725 : vector<16xf32> to vector<16xf32>
        %get3A_727 = arith.index_cast %mul3A_718 : i32 to index
        %get3A_728 = tpu.vector_load %arg40[%get3A_727] {strides = array<i32>} : memref<1392xf32, #tpu.memory_space<vmem>>, vector<16xf32>,
        %get3A_729 = vector.shape_cast %get3A_728 : vector<16xf32> to vector<16xf32>
        %sub3A_730 = arith.subf %get3A_726, %get3A_729 : vector<16xf32>
        %get3A_731 = arith.index_cast %mul3A_718 : i32 to index
        %get3A_732 = tpu.vector_load %arg36[%get3A_731] {strides = array<i32>} : memref<1392xf32, #tpu.memory_space<vmem>>, vector<16xf32>,
        %get3A_733 = vector.shape_cast %get3A_732 : vector<16xf32> to vector<16xf32>
        %get3A_734 = arith.index_cast %mul3A_718 : i32 to index
        %get3A_735 = tpu.vector_load %arg42[%get3A_734] {strides = array<i32>} : memref<1392xf32, #tpu.memory_space<vmem>>, vector<16xf32>,
        %get3A_736 = vector.shape_cast %get3A_735 : vector<16xf32> to vector<16xf32>
        %sub3A_737 = arith.subf %get3A_733, %get3A_736 : vector<16xf32>
        %gt3A_738 = arith.constant 1.500000e+01 : f32
        %gt3A_739 = vector.broadcast %gt3A_738 : f32 to vector<16xf32>
        %gt3A_740 = arith.cmpf ogt, %sub3A, %gt3A_739 : vector<16xf32>
        %lt3A_741 = arith.constant -1.500000e+01 : f32
        %lt3A_742 = vector.broadcast %lt3A_741 : f32 to vector<16xf32>
        %lt3A_743 = arith.cmpf olt, %sub3A, %lt3A_742 : vector<16xf32>
        %jit3A = arith.constant -3.000000e+01 : f32
        %jit3A_744 = arith.constant 0.000000e+00 : f32
        %broadcast_in_dim3A_745 = vector.broadcast %jit3A : f32 to vector<16xf32>
        %broadcast_in_dim3A_746 = vector.broadcast %jit3A_744 : f32 to vector<16xf32>
        %select_n3A = arith.select %lt3A_743, %broadcast_in_dim3A_745, %broadcast_in_dim3A_746 : vector<16xi1>, vector<16xf32>
        %jit3A_747 = arith.constant 3.000000e+01 : f32
        %broadcast_in_dim3A_748 = vector.broadcast %jit3A_747 : f32 to vector<16xf32>
        %select_n3A_749 = arith.select %gt3A_740, %broadcast_in_dim3A_748, %select_n3A : vector<16xi1>, vector<16xf32>
        %sub3A_750 = arith.subf %sub3A, %select_n3A_749 : vector<16xf32>
        %gt3A_751 = arith.constant 1.500000e+01 : f32
        %gt3A_752 = vector.broadcast %gt3A_751 : f32 to vector<16xf32>
        %gt3A_753 = arith.cmpf ogt, %sub3A_730, %gt3A_752 : vector<16xf32>
        %lt3A_754 = arith.constant -1.500000e+01 : f32
        %lt3A_755 = vector.broadcast %lt3A_754 : f32 to vector<16xf32>
        %lt3A_756 = arith.cmpf olt, %sub3A_730, %lt3A_755 : vector<16xf32>
        %jit3A_757 = arith.constant -3.000000e+01 : f32
        %jit3A_758 = arith.constant 0.000000e+00 : f32
        %broadcast_in_dim3A_759 = vector.broadcast %jit3A_757 : f32 to vector<16xf32>
        %broadcast_in_dim3A_760 = vector.broadcast %jit3A_758 : f32 to vector<16xf32>
        %select_n3A_761 = arith.select %lt3A_756, %broadcast_in_dim3A_759, %broadcast_in_dim3A_760 : vector<16xi1>, vector<16xf32>
        %jit3A_762 = arith.constant 3.000000e+01 : f32
        %broadcast_in_dim3A_763 = vector.broadcast %jit3A_762 : f32 to vector<16xf32>
        %select_n3A_764 = arith.select %gt3A_753, %broadcast_in_dim3A_763, %select_n3A_761 : vector<16xi1>, vector<16xf32>
        %sub3A_765 = arith.subf %sub3A_730, %select_n3A_764 : vector<16xf32>
        %gt3A_766 = arith.constant 1.500000e+01 : f32
        %gt3A_767 = vector.broadcast %gt3A_766 : f32 to vector<16xf32>
        %gt3A_768 = arith.cmpf ogt, %sub3A_737, %gt3A_767 : vector<16xf32>
        %lt3A_769 = arith.constant -1.500000e+01 : f32
        %lt3A_770 = vector.broadcast %lt3A_769 : f32 to vector<16xf32>
        %lt3A_771 = arith.cmpf olt, %sub3A_737, %lt3A_770 : vector<16xf32>
        %jit3A_772 = arith.constant -3.000000e+01 : f32
        %jit3A_773 = arith.constant 0.000000e+00 : f32
        %broadcast_in_dim3A_774 = vector.broadcast %jit3A_772 : f32 to vector<16xf32>
        %broadcast_in_dim3A_775 = vector.broadcast %jit3A_773 : f32 to vector<16xf32>
        %select_n3A_776 = arith.select %lt3A_771, %broadcast_in_dim3A_774, %broadcast_in_dim3A_775 : vector<16xi1>, vector<16xf32>
        %jit3A_777 = arith.constant 3.000000e+01 : f32
        %broadcast_in_dim3A_778 = vector.broadcast %jit3A_777 : f32 to vector<16xf32>
        %select_n3A_779 = arith.select %gt3A_768, %broadcast_in_dim3A_778, %select_n3A_776 : vector<16xi1>, vector<16xf32>
        %sub3A_780 = arith.subf %sub3A_737, %select_n3A_779 : vector<16xf32>
        %mul3A_781 = arith.mulf %sub3A_750, %sub3A_750 : vector<16xf32>
        %mul3A_782 = arith.mulf %sub3A_765, %sub3A_765 : vector<16xf32>
        %add3A_783 = arith.addf %mul3A_781, %mul3A_782 : vector<16xf32>
        %mul3A_784 = arith.mulf %sub3A_780, %sub3A_780 : vector<16xf32>
        %add3A_785 = arith.addf %add3A_783, %mul3A_784 : vector<16xf32>
        %max3A = arith.constant 1.000000e-24 : f32
        %max3A_786 = vector.broadcast %max3A : f32 to vector<16xf32>
        %max3A_787 = arith.maximumf %add3A_785, %max3A_786 : vector<16xf32>
        %div3A = arith.constant 1.000000e+00 : f32
        %div3A_788 = vector.broadcast %div3A : f32 to vector<16xf32>
        %div3A_789 = arith.divf %div3A_788, %max3A_787 : vector<16xf32>
        %get3A_790 = arith.index_cast %mul3A_718 : i32 to index
        %get3A_791 = tpu.vector_load %arg28[%get3A_790] {strides = array<i32>} : memref<1392xf32, #tpu.memory_space<vmem>>, vector<16xf32>,
        %get3A_792 = vector.shape_cast %get3A_791 : vector<16xf32> to vector<16xf32>
        %get3A_793 = arith.index_cast %mul3A_718 : i32 to index
        %get3A_794 = tpu.vector_load %arg30[%get3A_793] {strides = array<i32>} : memref<1392xf32, #tpu.memory_space<vmem>>, vector<16xf32>,
        %get3A_795 = vector.shape_cast %get3A_794 : vector<16xf32> to vector<16xf32>
        %mul3A_796 = arith.mulf %get3A_795, %get3A_795 : vector<16xf32>
        %mul3A_797 = arith.mulf %mul3A_796, %div3A_789 : vector<16xf32>
        %mul3A_798 = arith.mulf %mul3A_797, %mul3A_797 : vector<16xf32>
        %mul3A_799 = arith.mulf %mul3A_798, %mul3A_797 : vector<16xf32>
        %mul3A_800 = arith.mulf %mul3A_799, %mul3A_799 : vector<16xf32>
        %lt3A_801 = arith.constant 9.000000e+00 : f32
        %lt3A_802 = vector.broadcast %lt3A_801 : f32 to vector<16xf32>
        %lt3A_803 = arith.cmpf olt, %max3A_787, %lt3A_802 : vector<16xf32>
        %mul3A_804 = arith.constant 4.000000e+00 : f32
        %mul3A_805 = vector.broadcast %mul3A_804 : f32 to vector<16xf32>
        %mul3A_806 = arith.mulf %mul3A_805, %get3A_792 : vector<16xf32>
        %sub3A_807 = arith.subf %mul3A_800, %mul3A_799 : vector<16xf32>
        %mul3A_808 = arith.mulf %mul3A_806, %sub3A_807 : vector<16xf32>
        %jit3A_809 = arith.constant 0.000000e+00 : f32
        %broadcast_in_dim3A_810 = vector.broadcast %jit3A_809 : f32 to vector<16xf32>
        %select_n3A_811 = arith.select %lt3A_803, %mul3A_808, %broadcast_in_dim3A_810 : vector<16xi1>, vector<16xf32>
        %mul3A_812 = arith.constant 2.400000e+01 : f32
        %mul3A_813 = vector.broadcast %mul3A_812 : f32 to vector<16xf32>
        %mul3A_814 = arith.mulf %mul3A_813, %get3A_792 : vector<16xf32>
        %mul3A_815 = arith.mulf %mul3A_814, %div3A_789 : vector<16xf32>
        %mul3A_816 = arith.constant 2.000000e+00 : f32
        %mul3A_817 = vector.broadcast %mul3A_816 : f32 to vector<16xf32>
        %mul3A_818 = arith.mulf %mul3A_817, %mul3A_800 : vector<16xf32>
        %sub3A_819 = arith.subf %mul3A_818, %mul3A_799 : vector<16xf32>
        %mul3A_820 = arith.mulf %mul3A_815, %sub3A_819 : vector<16xf32>
        %jit3A_821 = arith.constant 0.000000e+00 : f32
        %broadcast_in_dim3A_822 = vector.broadcast %jit3A_821 : f32 to vector<16xf32>
        %select_n3A_823 = arith.select %lt3A_803, %mul3A_820, %broadcast_in_dim3A_822 : vector<16xi1>, vector<16xf32>
        %mul3A_824 = arith.mulf %select_n3A_823, %sub3A_750 : vector<16xf32>
        %mul3A_825 = arith.mulf %select_n3A_823, %sub3A_765 : vector<16xf32>
        %mul3A_826 = arith.mulf %select_n3A_823, %sub3A_780 : vector<16xf32>
        %swap3A_827 = arith.index_cast %mul3A_718 : i32 to index
        %swap3A_828 = tpu.vector_load %arg44[%swap3A_827] {strides = array<i32>} : memref<1392xf32, #tpu.memory_space<vmem>>, vector<16xf32>,
        %swap3A_829 = vector.shape_cast %swap3A_828 : vector<16xf32> to vector<16xf32>
        %swap3A_830 = vector.shape_cast %mul3A_824 : vector<16xf32> to vector<16xf32>
        tpu.vector_store %arg44[%swap3A_827], %swap3A_830 {strides = array<i32>} : memref<1392xf32, #tpu.memory_space<vmem>>, vector<16xf32>,
        %swap3A_831 = arith.index_cast %mul3A_718 : i32 to index
        %swap3A_832 = tpu.vector_load %arg46[%swap3A_831] {strides = array<i32>} : memref<1392xf32, #tpu.memory_space<vmem>>, vector<16xf32>,
        %swap3A_833 = vector.shape_cast %swap3A_832 : vector<16xf32> to vector<16xf32>
        %swap3A_834 = vector.shape_cast %mul3A_825 : vector<16xf32> to vector<16xf32>
        tpu.vector_store %arg46[%swap3A_831], %swap3A_834 {strides = array<i32>} : memref<1392xf32, #tpu.memory_space<vmem>>, vector<16xf32>,
        %swap3A_835 = arith.index_cast %mul3A_718 : i32 to index
        %swap3A_836 = tpu.vector_load %arg48[%swap3A_835] {strides = array<i32>} : memref<1392xf32, #tpu.memory_space<vmem>>, vector<16xf32>,
        %swap3A_837 = vector.shape_cast %swap3A_836 : vector<16xf32> to vector<16xf32>
        %swap3A_838 = vector.shape_cast %mul3A_826 : vector<16xf32> to vector<16xf32>
        tpu.vector_store %arg48[%swap3A_835], %swap3A_838 {strides = array<i32>} : memref<1392xf32, #tpu.memory_space<vmem>>, vector<16xf32>,
        %neg3A = arith.constant 0.000000e+00 : f32
        %neg3A_839 = vector.broadcast %neg3A : f32 to vector<16xf32>
        %neg3A_840 = arith.subf %neg3A_839, %mul3A_824 : vector<16xf32>
        %swap3A_841 = arith.index_cast %mul3A_718 : i32 to index
        %swap3A_842 = tpu.vector_load %arg50[%swap3A_841] {strides = array<i32>} : memref<1392xf32, #tpu.memory_space<vmem>>, vector<16xf32>,
        %swap3A_843 = vector.shape_cast %swap3A_842 : vector<16xf32> to vector<16xf32>
        %swap3A_844 = vector.shape_cast %neg3A_840 : vector<16xf32> to vector<16xf32>
        tpu.vector_store %arg50[%swap3A_841], %swap3A_844 {strides = array<i32>} : memref<1392xf32, #tpu.memory_space<vmem>>, vector<16xf32>,
        %neg3A_845 = arith.constant 0.000000e+00 : f32
        %neg3A_846 = vector.broadcast %neg3A_845 : f32 to vector<16xf32>
        %neg3A_847 = arith.subf %neg3A_846, %mul3A_825 : vector<16xf32>
        %swap3A_848 = arith.index_cast %mul3A_718 : i32 to index
        %swap3A_849 = tpu.vector_load %arg52[%swap3A_848] {strides = array<i32>} : memref<1392xf32, #tpu.memory_space<vmem>>, vector<16xf32>,
        %swap3A_850 = vector.shape_cast %swap3A_849 : vector<16xf32> to vector<16xf32>
        %swap3A_851 = vector.shape_cast %neg3A_847 : vector<16xf32> to vector<16xf32>
        tpu.vector_store %arg52[%swap3A_848], %swap3A_851 {strides = array<i32>} : memref<1392xf32, #tpu.memory_space<vmem>>, vector<16xf32>,
        %neg3A_852 = arith.constant 0.000000e+00 : f32
        %neg3A_853 = vector.broadcast %neg3A_852 : f32 to vector<16xf32>
        %neg3A_854 = arith.subf %neg3A_853, %mul3A_826 : vector<16xf32>
        %swap3A_855 = arith.index_cast %mul3A_718 : i32 to index
        %swap3A_856 = tpu.vector_load %arg54[%swap3A_855] {strides = array<i32>} : memref<1392xf32, #tpu.memory_space<vmem>>, vector<16xf32>,
        %swap3A_857 = vector.shape_cast %swap3A_856 : vector<16xf32> to vector<16xf32>
        %swap3A_858 = vector.shape_cast %neg3A_854 : vector<16xf32> to vector<16xf32>
        tpu.vector_store %arg54[%swap3A_855], %swap3A_858 {strides = array<i32>} : memref<1392xf32, #tpu.memory_space<vmem>>, vector<16xf32>,
        %add3A_859 = arith.addf %scan3A_716, %select_n3A_811 : vector<16xf32>
        scf.yield %add3A_859 : vector<16xf32>
      }
      %scan3A_347 = arith.constant 87 : i32
      %dma_wait3A_348 = arith.constant 0 : i32
      %dma_wait3A_349 = tpu.memref_slice %arg18[%dma_wait3A_348] : memref<50048xf32, #tpu.memory_space<vmem_shared>> -> memref<50048xf32, #tpu.memory_space<vmem_shared>>
      tpu.wait_indirect_dma semaphore(%arg58 : memref<!tpu.dma_semaphore, #tpu.memory_space<semaphore_mem>>) src(%arg43 : memref<1392xf32, #tpu.memory_space<vmem>>) dst(%dma_wait3A_349 : memref<50048xf32, #tpu.memory_space<vmem_shared>>)
      %dma_wait3A_350 = arith.constant 0 : i32
      %dma_wait3A_351 = tpu.memref_slice %arg19[%dma_wait3A_350] : memref<50048xf32, #tpu.memory_space<vmem_shared>> -> memref<50048xf32, #tpu.memory_space<vmem_shared>>
      tpu.wait_indirect_dma semaphore(%arg58 : memref<!tpu.dma_semaphore, #tpu.memory_space<semaphore_mem>>) src(%arg45 : memref<1392xf32, #tpu.memory_space<vmem>>) dst(%dma_wait3A_351 : memref<50048xf32, #tpu.memory_space<vmem_shared>>)
      %dma_wait3A_352 = arith.constant 0 : i32
      %dma_wait3A_353 = tpu.memref_slice %arg20[%dma_wait3A_352] : memref<50048xf32, #tpu.memory_space<vmem_shared>> -> memref<50048xf32, #tpu.memory_space<vmem_shared>>
      tpu.wait_indirect_dma semaphore(%arg58 : memref<!tpu.dma_semaphore, #tpu.memory_space<semaphore_mem>>) src(%arg47 : memref<1392xf32, #tpu.memory_space<vmem>>) dst(%dma_wait3A_353 : memref<50048xf32, #tpu.memory_space<vmem_shared>>)
      %dma_wait3A_354 = arith.constant 0 : i32
      %dma_wait3A_355 = tpu.memref_slice %arg18[%dma_wait3A_354] : memref<50048xf32, #tpu.memory_space<vmem_shared>> -> memref<50048xf32, #tpu.memory_space<vmem_shared>>
      tpu.wait_indirect_dma semaphore(%arg58 : memref<!tpu.dma_semaphore, #tpu.memory_space<semaphore_mem>>) src(%arg49 : memref<1392xf32, #tpu.memory_space<vmem>>) dst(%dma_wait3A_355 : memref<50048xf32, #tpu.memory_space<vmem_shared>>)
      %dma_wait3A_356 = arith.constant 0 : i32
      %dma_wait3A_357 = tpu.memref_slice %arg19[%dma_wait3A_356] : memref<50048xf32, #tpu.memory_space<vmem_shared>> -> memref<50048xf32, #tpu.memory_space<vmem_shared>>
      tpu.wait_indirect_dma semaphore(%arg58 : memref<!tpu.dma_semaphore, #tpu.memory_space<semaphore_mem>>) src(%arg51 : memref<1392xf32, #tpu.memory_space<vmem>>) dst(%dma_wait3A_357 : memref<50048xf32, #tpu.memory_space<vmem_shared>>)
      %dma_wait3A_358 = arith.constant 0 : i32
      %dma_wait3A_359 = tpu.memref_slice %arg20[%dma_wait3A_358] : memref<50048xf32, #tpu.memory_space<vmem_shared>> -> memref<50048xf32, #tpu.memory_space<vmem_shared>>
      tpu.wait_indirect_dma semaphore(%arg58 : memref<!tpu.dma_semaphore, #tpu.memory_space<semaphore_mem>>) src(%arg53 : memref<1392xf32, #tpu.memory_space<vmem>>) dst(%dma_wait3A_359 : memref<50048xf32, #tpu.memory_space<vmem_shared>>)
      %dma_start3A_360 = arith.constant 0 : i32
      %dma_start3A_361 = tpu.memref_slice %arg18[%dma_start3A_360] : memref<50048xf32, #tpu.memory_space<vmem_shared>> -> memref<50048xf32, #tpu.memory_space<vmem_shared>>
      tpu.enqueue_indirect_dma source(%arg44 : memref<1392xf32, #tpu.memory_space<vmem>>) target(%dma_start3A_361 : memref<50048xf32, #tpu.memory_space<vmem_shared>>) offsets(%arg22 : memref<1392xi32, #tpu.memory_space<vmem>>) semaphore(%arg58 : memref<!tpu.dma_semaphore, #tpu.memory_space<semaphore_mem>>) {add = true}
      %dma_start3A_362 = arith.constant 0 : i32
      %dma_start3A_363 = tpu.memref_slice %arg19[%dma_start3A_362] : memref<50048xf32, #tpu.memory_space<vmem_shared>> -> memref<50048xf32, #tpu.memory_space<vmem_shared>>
      tpu.enqueue_indirect_dma source(%arg46 : memref<1392xf32, #tpu.memory_space<vmem>>) target(%dma_start3A_363 : memref<50048xf32, #tpu.memory_space<vmem_shared>>) offsets(%arg22 : memref<1392xi32, #tpu.memory_space<vmem>>) semaphore(%arg58 : memref<!tpu.dma_semaphore, #tpu.memory_space<semaphore_mem>>) {add = true}
      %dma_start3A_364 = arith.constant 0 : i32
      %dma_start3A_365 = tpu.memref_slice %arg20[%dma_start3A_364] : memref<50048xf32, #tpu.memory_space<vmem_shared>> -> memref<50048xf32, #tpu.memory_space<vmem_shared>>
      tpu.enqueue_indirect_dma source(%arg48 : memref<1392xf32, #tpu.memory_space<vmem>>) target(%dma_start3A_365 : memref<50048xf32, #tpu.memory_space<vmem_shared>>) offsets(%arg22 : memref<1392xi32, #tpu.memory_space<vmem>>) semaphore(%arg58 : memref<!tpu.dma_semaphore, #tpu.memory_space<semaphore_mem>>) {add = true}
      %dma_start3A_366 = arith.constant 0 : i32
      %dma_start3A_367 = tpu.memref_slice %arg18[%dma_start3A_366] : memref<50048xf32, #tpu.memory_space<vmem_shared>> -> memref<50048xf32, #tpu.memory_space<vmem_shared>>
      tpu.enqueue_indirect_dma source(%arg50 : memref<1392xf32, #tpu.memory_space<vmem>>) target(%dma_start3A_367 : memref<50048xf32, #tpu.memory_space<vmem_shared>>) offsets(%arg25 : memref<1392xi32, #tpu.memory_space<vmem>>) semaphore(%arg58 : memref<!tpu.dma_semaphore, #tpu.memory_space<semaphore_mem>>) {add = true}
      %dma_start3A_368 = arith.constant 0 : i32
      %dma_start3A_369 = tpu.memref_slice %arg19[%dma_start3A_368] : memref<50048xf32, #tpu.memory_space<vmem_shared>> -> memref<50048xf32, #tpu.memory_space<vmem_shared>>
      tpu.enqueue_indirect_dma source(%arg52 : memref<1392xf32, #tpu.memory_space<vmem>>) target(%dma_start3A_369 : memref<50048xf32, #tpu.memory_space<vmem_shared>>) offsets(%arg25 : memref<1392xi32, #tpu.memory_space<vmem>>) semaphore(%arg58 : memref<!tpu.dma_semaphore, #tpu.memory_space<semaphore_mem>>) {add = true}
      %dma_start3A_370 = arith.constant 0 : i32
      %dma_start3A_371 = tpu.memref_slice %arg20[%dma_start3A_370] : memref<50048xf32, #tpu.memory_space<vmem_shared>> -> memref<50048xf32, #tpu.memory_space<vmem_shared>>
      tpu.enqueue_indirect_dma source(%arg54 : memref<1392xf32, #tpu.memory_space<vmem>>) target(%dma_start3A_371 : memref<50048xf32, #tpu.memory_space<vmem_shared>>) offsets(%arg25 : memref<1392xi32, #tpu.memory_space<vmem>>) semaphore(%arg58 : memref<!tpu.dma_semaphore, #tpu.memory_space<semaphore_mem>>) {add = true}
      %add3A_372 = arith.constant 2 : i32
      %add3A_373 = arith.addi %add3A_296, %add3A_372 : i32
      %mul3A_374 = arith.constant 1392 : i32
      %mul3A_375 = arith.muli %add3A_373, %mul3A_374 : i32
      %add3A_376 = arith.addi %mul3A_64, %mul3A_375 : i32
      %lt3A_377 = arith.constant 1599408 : i32
      %lt3A_378 = arith.cmpi slt, %add3A_376, %lt3A_377 : i32
      %convert_element_type3A_379 = arith.extui %lt3A_378 : i1 to i32
      %cond3A_380 = arith.constant 0 : i32
      %cond3A_381 = arith.cmpi ne, %convert_element_type3A_379, %cond3A_380 : i32
      scf.if %cond3A_381 {
        %dma_start3A_715 = tpu.memref_slice %arg5[%add3A_376] : memref<1600000xi32, #tpu.memory_space<hbm>> -> memref<1392xi32, #tpu.memory_space<hbm>>
        %dma_start3A_716 = tpu.memref_slice %arg5[%add3A_376] : memref<1600000xi32, #tpu.memory_space<hbm>> -> memref<1392xi32, #tpu.memory_space<hbm>>
        tpu.enqueue_dma source(%dma_start3A_716 : memref<1392xi32, #tpu.memory_space<hbm>>) target(%arg21 : memref<1392xi32, #tpu.memory_space<vmem>>) target_semaphore(%arg56 : memref<!tpu.dma_semaphore, #tpu.memory_space<semaphore_mem>>)
        %dma_start3A_717 = tpu.memref_slice %arg6[%add3A_376] : memref<1600000xi32, #tpu.memory_space<hbm>> -> memref<1392xi32, #tpu.memory_space<hbm>>
        %dma_start3A_718 = tpu.memref_slice %arg6[%add3A_376] : memref<1600000xi32, #tpu.memory_space<hbm>> -> memref<1392xi32, #tpu.memory_space<hbm>>
        tpu.enqueue_dma source(%dma_start3A_718 : memref<1392xi32, #tpu.memory_space<hbm>>) target(%arg24 : memref<1392xi32, #tpu.memory_space<vmem>>) target_semaphore(%arg56 : memref<!tpu.dma_semaphore, #tpu.memory_space<semaphore_mem>>)
        %dma_start3A_719 = tpu.memref_slice %arg7[%add3A_376] : memref<1600000xf32, #tpu.memory_space<hbm>> -> memref<1392xf32, #tpu.memory_space<hbm>>
        %dma_start3A_720 = tpu.memref_slice %arg7[%add3A_376] : memref<1600000xf32, #tpu.memory_space<hbm>> -> memref<1392xf32, #tpu.memory_space<hbm>>
        tpu.enqueue_dma source(%dma_start3A_720 : memref<1392xf32, #tpu.memory_space<hbm>>) target(%arg28 : memref<1392xf32, #tpu.memory_space<vmem>>) target_semaphore(%arg56 : memref<!tpu.dma_semaphore, #tpu.memory_space<semaphore_mem>>)
        %dma_start3A_721 = tpu.memref_slice %arg8[%add3A_376] : memref<1600000xf32, #tpu.memory_space<hbm>> -> memref<1392xf32, #tpu.memory_space<hbm>>
        %dma_start3A_722 = tpu.memref_slice %arg8[%add3A_376] : memref<1600000xf32, #tpu.memory_space<hbm>> -> memref<1392xf32, #tpu.memory_space<hbm>>
        tpu.enqueue_dma source(%dma_start3A_722 : memref<1392xf32, #tpu.memory_space<hbm>>) target(%arg30 : memref<1392xf32, #tpu.memory_space<vmem>>) target_semaphore(%arg56 : memref<!tpu.dma_semaphore, #tpu.memory_space<semaphore_mem>>)
      } else {
      }
      %ge3A_382 = arith.constant 1599408 : i32
      %ge3A_383 = arith.cmpi sge, %add3A_376, %ge3A_382 : i32
      %convert_element_type3A_384 = arith.extui %ge3A_383 : i1 to i32
      %cond3A_385 = arith.constant 0 : i32
      %cond3A_386 = arith.cmpi ne, %convert_element_type3A_384, %cond3A_385 : i32
      scf.if %cond3A_386 {
        %sub3A = arith.constant 1599408 : i32
        %sub3A_715 = arith.subi %add3A_376, %sub3A : i32
        %dma_start3A_716 = tpu.memref_slice %arg9[%sub3A_715] : memref<4176xi32, #tpu.memory_space<hbm>> -> memref<1392xi32, #tpu.memory_space<hbm>>
        %dma_start3A_717 = tpu.memref_slice %arg9[%sub3A_715] : memref<4176xi32, #tpu.memory_space<hbm>> -> memref<1392xi32, #tpu.memory_space<hbm>>
        tpu.enqueue_dma source(%dma_start3A_717 : memref<1392xi32, #tpu.memory_space<hbm>>) target(%arg21 : memref<1392xi32, #tpu.memory_space<vmem>>) target_semaphore(%arg56 : memref<!tpu.dma_semaphore, #tpu.memory_space<semaphore_mem>>)
        %dma_start3A_718 = tpu.memref_slice %arg10[%sub3A_715] : memref<4176xi32, #tpu.memory_space<hbm>> -> memref<1392xi32, #tpu.memory_space<hbm>>
        %dma_start3A_719 = tpu.memref_slice %arg10[%sub3A_715] : memref<4176xi32, #tpu.memory_space<hbm>> -> memref<1392xi32, #tpu.memory_space<hbm>>
        tpu.enqueue_dma source(%dma_start3A_719 : memref<1392xi32, #tpu.memory_space<hbm>>) target(%arg24 : memref<1392xi32, #tpu.memory_space<vmem>>) target_semaphore(%arg56 : memref<!tpu.dma_semaphore, #tpu.memory_space<semaphore_mem>>)
        %dma_start3A_720 = tpu.memref_slice %arg11[%sub3A_715] : memref<4176xf32, #tpu.memory_space<hbm>> -> memref<1392xf32, #tpu.memory_space<hbm>>
        %dma_start3A_721 = tpu.memref_slice %arg11[%sub3A_715] : memref<4176xf32, #tpu.memory_space<hbm>> -> memref<1392xf32, #tpu.memory_space<hbm>>
        tpu.enqueue_dma source(%dma_start3A_721 : memref<1392xf32, #tpu.memory_space<hbm>>) target(%arg28 : memref<1392xf32, #tpu.memory_space<vmem>>) target_semaphore(%arg56 : memref<!tpu.dma_semaphore, #tpu.memory_space<semaphore_mem>>)
        %dma_start3A_722 = tpu.memref_slice %arg12[%sub3A_715] : memref<4176xf32, #tpu.memory_space<hbm>> -> memref<1392xf32, #tpu.memory_space<hbm>>
        %dma_start3A_723 = tpu.memref_slice %arg12[%sub3A_715] : memref<4176xf32, #tpu.memory_space<hbm>> -> memref<1392xf32, #tpu.memory_space<hbm>>
        tpu.enqueue_dma source(%dma_start3A_723 : memref<1392xf32, #tpu.memory_space<hbm>>) target(%arg30 : memref<1392xf32, #tpu.memory_space<vmem>>) target_semaphore(%arg56 : memref<!tpu.dma_semaphore, #tpu.memory_space<semaphore_mem>>)
      } else {
      }
      %mul3A_387 = arith.constant 6 : i32
      %mul3A_388 = arith.muli %mul3A_387, %scan3A_205 : i32
      %add3A_389 = arith.constant 2 : i32
      %add3A_390 = arith.addi %mul3A_388, %add3A_389 : i32
      %dma_wait3A_391 = arith.constant 0 : i32
      %dma_wait3A_392 = tpu.memref_slice %arg15[%dma_wait3A_391] : memref<50048xf32, #tpu.memory_space<vmem_shared>> -> memref<50048xf32, #tpu.memory_space<vmem_shared>>
      tpu.wait_indirect_dma semaphore(%arg57 : memref<!tpu.dma_semaphore, #tpu.memory_space<semaphore_mem>>) src(%dma_wait3A_392 : memref<50048xf32, #tpu.memory_space<vmem_shared>>) dst(%arg31 : memref<1392xf32, #tpu.memory_space<vmem>>)
      %dma_wait3A_393 = arith.constant 0 : i32
      %dma_wait3A_394 = tpu.memref_slice %arg16[%dma_wait3A_393] : memref<50048xf32, #tpu.memory_space<vmem_shared>> -> memref<50048xf32, #tpu.memory_space<vmem_shared>>
      tpu.wait_indirect_dma semaphore(%arg57 : memref<!tpu.dma_semaphore, #tpu.memory_space<semaphore_mem>>) src(%dma_wait3A_394 : memref<50048xf32, #tpu.memory_space<vmem_shared>>) dst(%arg33 : memref<1392xf32, #tpu.memory_space<vmem>>)
      %dma_wait3A_395 = arith.constant 0 : i32
      %dma_wait3A_396 = tpu.memref_slice %arg17[%dma_wait3A_395] : memref<50048xf32, #tpu.memory_space<vmem_shared>> -> memref<50048xf32, #tpu.memory_space<vmem_shared>>
      tpu.wait_indirect_dma semaphore(%arg57 : memref<!tpu.dma_semaphore, #tpu.memory_space<semaphore_mem>>) src(%dma_wait3A_396 : memref<50048xf32, #tpu.memory_space<vmem_shared>>) dst(%arg35 : memref<1392xf32, #tpu.memory_space<vmem>>)
      %dma_wait3A_397 = arith.constant 0 : i32
      %dma_wait3A_398 = tpu.memref_slice %arg15[%dma_wait3A_397] : memref<50048xf32, #tpu.memory_space<vmem_shared>> -> memref<50048xf32, #tpu.memory_space<vmem_shared>>
      tpu.wait_indirect_dma semaphore(%arg57 : memref<!tpu.dma_semaphore, #tpu.memory_space<semaphore_mem>>) src(%dma_wait3A_398 : memref<50048xf32, #tpu.memory_space<vmem_shared>>) dst(%arg37 : memref<1392xf32, #tpu.memory_space<vmem>>)
      %dma_wait3A_399 = arith.constant 0 : i32
      %dma_wait3A_400 = tpu.memref_slice %arg16[%dma_wait3A_399] : memref<50048xf32, #tpu.memory_space<vmem_shared>> -> memref<50048xf32, #tpu.memory_space<vmem_shared>>
      tpu.wait_indirect_dma semaphore(%arg57 : memref<!tpu.dma_semaphore, #tpu.memory_space<semaphore_mem>>) src(%dma_wait3A_400 : memref<50048xf32, #tpu.memory_space<vmem_shared>>) dst(%arg39 : memref<1392xf32, #tpu.memory_space<vmem>>)
      %dma_wait3A_401 = arith.constant 0 : i32
      %dma_wait3A_402 = tpu.memref_slice %arg17[%dma_wait3A_401] : memref<50048xf32, #tpu.memory_space<vmem_shared>> -> memref<50048xf32, #tpu.memory_space<vmem_shared>>
      tpu.wait_indirect_dma semaphore(%arg57 : memref<!tpu.dma_semaphore, #tpu.memory_space<semaphore_mem>>) src(%dma_wait3A_402 : memref<50048xf32, #tpu.memory_space<vmem_shared>>) dst(%arg41 : memref<1392xf32, #tpu.memory_space<vmem>>)
      %add3A_403 = arith.constant 1 : i32
      %add3A_404 = arith.addi %add3A_390, %add3A_403 : i32
      %mul3A_405 = arith.constant 1392 : i32
      %mul3A_406 = arith.muli %add3A_404, %mul3A_405 : i32
      %add3A_407 = arith.addi %mul3A_64, %mul3A_406 : i32
      %dma_wait3A_408 = arith.constant 0 : i32
      %dma_wait3A_409 = tpu.memref_slice %arg5[%dma_wait3A_408] : memref<1600000xi32, #tpu.memory_space<hbm>> -> memref<1392xi32, #tpu.memory_space<hbm>>
      %dma_wait3A_410 = arith.constant 0 : i32
      %dma_wait3A_411 = tpu.memref_slice %arg5[%dma_wait3A_410] : memref<1600000xi32, #tpu.memory_space<hbm>> -> memref<1392xi32, #tpu.memory_space<hbm>>
      tpu.wait_dma2 semaphore(%arg56 : memref<!tpu.dma_semaphore, #tpu.memory_space<semaphore_mem>>) src(%dma_wait3A_411 : memref<1392xi32, #tpu.memory_space<hbm>>) dst(%arg21 : memref<1392xi32, #tpu.memory_space<vmem>>)
      %dma_wait3A_412 = arith.constant 0 : i32
      %dma_wait3A_413 = tpu.memref_slice %arg6[%dma_wait3A_412] : memref<1600000xi32, #tpu.memory_space<hbm>> -> memref<1392xi32, #tpu.memory_space<hbm>>
      %dma_wait3A_414 = arith.constant 0 : i32
      %dma_wait3A_415 = tpu.memref_slice %arg6[%dma_wait3A_414] : memref<1600000xi32, #tpu.memory_space<hbm>> -> memref<1392xi32, #tpu.memory_space<hbm>>
      tpu.wait_dma2 semaphore(%arg56 : memref<!tpu.dma_semaphore, #tpu.memory_space<semaphore_mem>>) src(%dma_wait3A_415 : memref<1392xi32, #tpu.memory_space<hbm>>) dst(%arg24 : memref<1392xi32, #tpu.memory_space<vmem>>)
      %dma_wait3A_416 = arith.constant 0 : i32
      %dma_wait3A_417 = tpu.memref_slice %arg7[%dma_wait3A_416] : memref<1600000xf32, #tpu.memory_space<hbm>> -> memref<1392xf32, #tpu.memory_space<hbm>>
      %dma_wait3A_418 = arith.constant 0 : i32
      %dma_wait3A_419 = tpu.memref_slice %arg7[%dma_wait3A_418] : memref<1600000xf32, #tpu.memory_space<hbm>> -> memref<1392xf32, #tpu.memory_space<hbm>>
      tpu.wait_dma2 semaphore(%arg56 : memref<!tpu.dma_semaphore, #tpu.memory_space<semaphore_mem>>) src(%dma_wait3A_419 : memref<1392xf32, #tpu.memory_space<hbm>>) dst(%arg28 : memref<1392xf32, #tpu.memory_space<vmem>>)
      %dma_wait3A_420 = arith.constant 0 : i32
      %dma_wait3A_421 = tpu.memref_slice %arg8[%dma_wait3A_420] : memref<1600000xf32, #tpu.memory_space<hbm>> -> memref<1392xf32, #tpu.memory_space<hbm>>
      %dma_wait3A_422 = arith.constant 0 : i32
      %dma_wait3A_423 = tpu.memref_slice %arg8[%dma_wait3A_422] : memref<1600000xf32, #tpu.memory_space<hbm>> -> memref<1392xf32, #tpu.memory_space<hbm>>
      tpu.wait_dma2 semaphore(%arg56 : memref<!tpu.dma_semaphore, #tpu.memory_space<semaphore_mem>>) src(%dma_wait3A_423 : memref<1392xf32, #tpu.memory_space<hbm>>) dst(%arg30 : memref<1392xf32, #tpu.memory_space<vmem>>)
      %dma_start3A_424 = arith.constant 0 : i32
      %dma_start3A_425 = tpu.memref_slice %arg15[%dma_start3A_424] : memref<50048xf32, #tpu.memory_space<vmem_shared>> -> memref<50048xf32, #tpu.memory_space<vmem_shared>>
      tpu.enqueue_indirect_dma source(%dma_start3A_425 : memref<50048xf32, #tpu.memory_space<vmem_shared>>) target(%arg32 : memref<1392xf32, #tpu.memory_space<vmem>>) offsets(%arg21 : memref<1392xi32, #tpu.memory_space<vmem>>) semaphore(%arg57 : memref<!tpu.dma_semaphore, #tpu.memory_space<semaphore_mem>>)
      %dma_start3A_426 = arith.constant 0 : i32
      %dma_start3A_427 = tpu.memref_slice %arg16[%dma_start3A_426] : memref<50048xf32, #tpu.memory_space<vmem_shared>> -> memref<50048xf32, #tpu.memory_space<vmem_shared>>
      tpu.enqueue_indirect_dma source(%dma_start3A_427 : memref<50048xf32, #tpu.memory_space<vmem_shared>>) target(%arg34 : memref<1392xf32, #tpu.memory_space<vmem>>) offsets(%arg21 : memref<1392xi32, #tpu.memory_space<vmem>>) semaphore(%arg57 : memref<!tpu.dma_semaphore, #tpu.memory_space<semaphore_mem>>)
      %dma_start3A_428 = arith.constant 0 : i32
      %dma_start3A_429 = tpu.memref_slice %arg17[%dma_start3A_428] : memref<50048xf32, #tpu.memory_space<vmem_shared>> -> memref<50048xf32, #tpu.memory_space<vmem_shared>>
      tpu.enqueue_indirect_dma source(%dma_start3A_429 : memref<50048xf32, #tpu.memory_space<vmem_shared>>) target(%arg36 : memref<1392xf32, #tpu.memory_space<vmem>>) offsets(%arg21 : memref<1392xi32, #tpu.memory_space<vmem>>) semaphore(%arg57 : memref<!tpu.dma_semaphore, #tpu.memory_space<semaphore_mem>>)
      %dma_start3A_430 = arith.constant 0 : i32
      %dma_start3A_431 = tpu.memref_slice %arg15[%dma_start3A_430] : memref<50048xf32, #tpu.memory_space<vmem_shared>> -> memref<50048xf32, #tpu.memory_space<vmem_shared>>
      tpu.enqueue_indirect_dma source(%dma_start3A_431 : memref<50048xf32, #tpu.memory_space<vmem_shared>>) target(%arg38 : memref<1392xf32, #tpu.memory_space<vmem>>) offsets(%arg24 : memref<1392xi32, #tpu.memory_space<vmem>>) semaphore(%arg57 : memref<!tpu.dma_semaphore, #tpu.memory_space<semaphore_mem>>)
      %dma_start3A_432 = arith.constant 0 : i32
      %dma_start3A_433 = tpu.memref_slice %arg16[%dma_start3A_432] : memref<50048xf32, #tpu.memory_space<vmem_shared>> -> memref<50048xf32, #tpu.memory_space<vmem_shared>>
      tpu.enqueue_indirect_dma source(%dma_start3A_433 : memref<50048xf32, #tpu.memory_space<vmem_shared>>) target(%arg40 : memref<1392xf32, #tpu.memory_space<vmem>>) offsets(%arg24 : memref<1392xi32, #tpu.memory_space<vmem>>) semaphore(%arg57 : memref<!tpu.dma_semaphore, #tpu.memory_space<semaphore_mem>>)
      %dma_start3A_434 = arith.constant 0 : i32
      %dma_start3A_435 = tpu.memref_slice %arg17[%dma_start3A_434] : memref<50048xf32, #tpu.memory_space<vmem_shared>> -> memref<50048xf32, #tpu.memory_space<vmem_shared>>
      tpu.enqueue_indirect_dma source(%dma_start3A_435 : memref<50048xf32, #tpu.memory_space<vmem_shared>>) target(%arg42 : memref<1392xf32, #tpu.memory_space<vmem>>) offsets(%arg24 : memref<1392xi32, #tpu.memory_space<vmem>>) semaphore(%arg57 : memref<!tpu.dma_semaphore, #tpu.memory_space<semaphore_mem>>)
      %scan3A_436 = arith.constant 0 : i32
      %scan3A_437 = arith.constant 87 : i32
      %scan3A_438 = arith.addi %scan3A_436, %scan3A_437 : i32
      %scan3A_439 = arith.constant 1 : i32
      %scan3A_440 = scf.for %scan3A_715 = %scan3A_436 to %scan3A_438 step %scan3A_439 iter_args(%scan3A_716 = %scan3A_346) -> (vector<16xf32>)  : i32 {
        %mul3A_717 = arith.constant 16 : i32
        %mul3A_718 = arith.muli %scan3A_715, %mul3A_717 : i32
        %get3A = arith.index_cast %mul3A_718 : i32 to index
        %get3A_719 = tpu.vector_load %arg31[%get3A] {strides = array<i32>} : memref<1392xf32, #tpu.memory_space<vmem>>, vector<16xf32>,
        %get3A_720 = vector.shape_cast %get3A_719 : vector<16xf32> to vector<16xf32>
        %get3A_721 = arith.index_cast %mul3A_718 : i32 to index
        %get3A_722 = tpu.vector_load %arg37[%get3A_721] {strides = array<i32>} : memref<1392xf32, #tpu.memory_space<vmem>>, vector<16xf32>,
        %get3A_723 = vector.shape_cast %get3A_722 : vector<16xf32> to vector<16xf32>
        %sub3A = arith.subf %get3A_720, %get3A_723 : vector<16xf32>
        %get3A_724 = arith.index_cast %mul3A_718 : i32 to index
        %get3A_725 = tpu.vector_load %arg33[%get3A_724] {strides = array<i32>} : memref<1392xf32, #tpu.memory_space<vmem>>, vector<16xf32>,
        %get3A_726 = vector.shape_cast %get3A_725 : vector<16xf32> to vector<16xf32>
        %get3A_727 = arith.index_cast %mul3A_718 : i32 to index
        %get3A_728 = tpu.vector_load %arg39[%get3A_727] {strides = array<i32>} : memref<1392xf32, #tpu.memory_space<vmem>>, vector<16xf32>,
        %get3A_729 = vector.shape_cast %get3A_728 : vector<16xf32> to vector<16xf32>
        %sub3A_730 = arith.subf %get3A_726, %get3A_729 : vector<16xf32>
        %get3A_731 = arith.index_cast %mul3A_718 : i32 to index
        %get3A_732 = tpu.vector_load %arg35[%get3A_731] {strides = array<i32>} : memref<1392xf32, #tpu.memory_space<vmem>>, vector<16xf32>,
        %get3A_733 = vector.shape_cast %get3A_732 : vector<16xf32> to vector<16xf32>
        %get3A_734 = arith.index_cast %mul3A_718 : i32 to index
        %get3A_735 = tpu.vector_load %arg41[%get3A_734] {strides = array<i32>} : memref<1392xf32, #tpu.memory_space<vmem>>, vector<16xf32>,
        %get3A_736 = vector.shape_cast %get3A_735 : vector<16xf32> to vector<16xf32>
        %sub3A_737 = arith.subf %get3A_733, %get3A_736 : vector<16xf32>
        %gt3A_738 = arith.constant 1.500000e+01 : f32
        %gt3A_739 = vector.broadcast %gt3A_738 : f32 to vector<16xf32>
        %gt3A_740 = arith.cmpf ogt, %sub3A, %gt3A_739 : vector<16xf32>
        %lt3A_741 = arith.constant -1.500000e+01 : f32
        %lt3A_742 = vector.broadcast %lt3A_741 : f32 to vector<16xf32>
        %lt3A_743 = arith.cmpf olt, %sub3A, %lt3A_742 : vector<16xf32>
        %jit3A = arith.constant -3.000000e+01 : f32
        %jit3A_744 = arith.constant 0.000000e+00 : f32
        %broadcast_in_dim3A_745 = vector.broadcast %jit3A : f32 to vector<16xf32>
        %broadcast_in_dim3A_746 = vector.broadcast %jit3A_744 : f32 to vector<16xf32>
        %select_n3A = arith.select %lt3A_743, %broadcast_in_dim3A_745, %broadcast_in_dim3A_746 : vector<16xi1>, vector<16xf32>
        %jit3A_747 = arith.constant 3.000000e+01 : f32
        %broadcast_in_dim3A_748 = vector.broadcast %jit3A_747 : f32 to vector<16xf32>
        %select_n3A_749 = arith.select %gt3A_740, %broadcast_in_dim3A_748, %select_n3A : vector<16xi1>, vector<16xf32>
        %sub3A_750 = arith.subf %sub3A, %select_n3A_749 : vector<16xf32>
        %gt3A_751 = arith.constant 1.500000e+01 : f32
        %gt3A_752 = vector.broadcast %gt3A_751 : f32 to vector<16xf32>
        %gt3A_753 = arith.cmpf ogt, %sub3A_730, %gt3A_752 : vector<16xf32>
        %lt3A_754 = arith.constant -1.500000e+01 : f32
        %lt3A_755 = vector.broadcast %lt3A_754 : f32 to vector<16xf32>
        %lt3A_756 = arith.cmpf olt, %sub3A_730, %lt3A_755 : vector<16xf32>
        %jit3A_757 = arith.constant -3.000000e+01 : f32
        %jit3A_758 = arith.constant 0.000000e+00 : f32
        %broadcast_in_dim3A_759 = vector.broadcast %jit3A_757 : f32 to vector<16xf32>
        %broadcast_in_dim3A_760 = vector.broadcast %jit3A_758 : f32 to vector<16xf32>
        %select_n3A_761 = arith.select %lt3A_756, %broadcast_in_dim3A_759, %broadcast_in_dim3A_760 : vector<16xi1>, vector<16xf32>
        %jit3A_762 = arith.constant 3.000000e+01 : f32
        %broadcast_in_dim3A_763 = vector.broadcast %jit3A_762 : f32 to vector<16xf32>
        %select_n3A_764 = arith.select %gt3A_753, %broadcast_in_dim3A_763, %select_n3A_761 : vector<16xi1>, vector<16xf32>
        %sub3A_765 = arith.subf %sub3A_730, %select_n3A_764 : vector<16xf32>
        %gt3A_766 = arith.constant 1.500000e+01 : f32
        %gt3A_767 = vector.broadcast %gt3A_766 : f32 to vector<16xf32>
        %gt3A_768 = arith.cmpf ogt, %sub3A_737, %gt3A_767 : vector<16xf32>
        %lt3A_769 = arith.constant -1.500000e+01 : f32
        %lt3A_770 = vector.broadcast %lt3A_769 : f32 to vector<16xf32>
        %lt3A_771 = arith.cmpf olt, %sub3A_737, %lt3A_770 : vector<16xf32>
        %jit3A_772 = arith.constant -3.000000e+01 : f32
        %jit3A_773 = arith.constant 0.000000e+00 : f32
        %broadcast_in_dim3A_774 = vector.broadcast %jit3A_772 : f32 to vector<16xf32>
        %broadcast_in_dim3A_775 = vector.broadcast %jit3A_773 : f32 to vector<16xf32>
        %select_n3A_776 = arith.select %lt3A_771, %broadcast_in_dim3A_774, %broadcast_in_dim3A_775 : vector<16xi1>, vector<16xf32>
        %jit3A_777 = arith.constant 3.000000e+01 : f32
        %broadcast_in_dim3A_778 = vector.broadcast %jit3A_777 : f32 to vector<16xf32>
        %select_n3A_779 = arith.select %gt3A_768, %broadcast_in_dim3A_778, %select_n3A_776 : vector<16xi1>, vector<16xf32>
        %sub3A_780 = arith.subf %sub3A_737, %select_n3A_779 : vector<16xf32>
        %mul3A_781 = arith.mulf %sub3A_750, %sub3A_750 : vector<16xf32>
        %mul3A_782 = arith.mulf %sub3A_765, %sub3A_765 : vector<16xf32>
        %add3A_783 = arith.addf %mul3A_781, %mul3A_782 : vector<16xf32>
        %mul3A_784 = arith.mulf %sub3A_780, %sub3A_780 : vector<16xf32>
        %add3A_785 = arith.addf %add3A_783, %mul3A_784 : vector<16xf32>
        %max3A = arith.constant 1.000000e-24 : f32
        %max3A_786 = vector.broadcast %max3A : f32 to vector<16xf32>
        %max3A_787 = arith.maximumf %add3A_785, %max3A_786 : vector<16xf32>
        %div3A = arith.constant 1.000000e+00 : f32
        %div3A_788 = vector.broadcast %div3A : f32 to vector<16xf32>
        %div3A_789 = arith.divf %div3A_788, %max3A_787 : vector<16xf32>
        %get3A_790 = arith.index_cast %mul3A_718 : i32 to index
        %get3A_791 = tpu.vector_load %arg27[%get3A_790] {strides = array<i32>} : memref<1392xf32, #tpu.memory_space<vmem>>, vector<16xf32>,
        %get3A_792 = vector.shape_cast %get3A_791 : vector<16xf32> to vector<16xf32>
        %get3A_793 = arith.index_cast %mul3A_718 : i32 to index
        %get3A_794 = tpu.vector_load %arg29[%get3A_793] {strides = array<i32>} : memref<1392xf32, #tpu.memory_space<vmem>>, vector<16xf32>,
        %get3A_795 = vector.shape_cast %get3A_794 : vector<16xf32> to vector<16xf32>
        %mul3A_796 = arith.mulf %get3A_795, %get3A_795 : vector<16xf32>
        %mul3A_797 = arith.mulf %mul3A_796, %div3A_789 : vector<16xf32>
        %mul3A_798 = arith.mulf %mul3A_797, %mul3A_797 : vector<16xf32>
        %mul3A_799 = arith.mulf %mul3A_798, %mul3A_797 : vector<16xf32>
        %mul3A_800 = arith.mulf %mul3A_799, %mul3A_799 : vector<16xf32>
        %lt3A_801 = arith.constant 9.000000e+00 : f32
        %lt3A_802 = vector.broadcast %lt3A_801 : f32 to vector<16xf32>
        %lt3A_803 = arith.cmpf olt, %max3A_787, %lt3A_802 : vector<16xf32>
        %mul3A_804 = arith.constant 4.000000e+00 : f32
        %mul3A_805 = vector.broadcast %mul3A_804 : f32 to vector<16xf32>
        %mul3A_806 = arith.mulf %mul3A_805, %get3A_792 : vector<16xf32>
        %sub3A_807 = arith.subf %mul3A_800, %mul3A_799 : vector<16xf32>
        %mul3A_808 = arith.mulf %mul3A_806, %sub3A_807 : vector<16xf32>
        %jit3A_809 = arith.constant 0.000000e+00 : f32
        %broadcast_in_dim3A_810 = vector.broadcast %jit3A_809 : f32 to vector<16xf32>
        %select_n3A_811 = arith.select %lt3A_803, %mul3A_808, %broadcast_in_dim3A_810 : vector<16xi1>, vector<16xf32>
        %mul3A_812 = arith.constant 2.400000e+01 : f32
        %mul3A_813 = vector.broadcast %mul3A_812 : f32 to vector<16xf32>
        %mul3A_814 = arith.mulf %mul3A_813, %get3A_792 : vector<16xf32>
        %mul3A_815 = arith.mulf %mul3A_814, %div3A_789 : vector<16xf32>
        %mul3A_816 = arith.constant 2.000000e+00 : f32
        %mul3A_817 = vector.broadcast %mul3A_816 : f32 to vector<16xf32>
        %mul3A_818 = arith.mulf %mul3A_817, %mul3A_800 : vector<16xf32>
        %sub3A_819 = arith.subf %mul3A_818, %mul3A_799 : vector<16xf32>
        %mul3A_820 = arith.mulf %mul3A_815, %sub3A_819 : vector<16xf32>
        %jit3A_821 = arith.constant 0.000000e+00 : f32
        %broadcast_in_dim3A_822 = vector.broadcast %jit3A_821 : f32 to vector<16xf32>
        %select_n3A_823 = arith.select %lt3A_803, %mul3A_820, %broadcast_in_dim3A_822 : vector<16xi1>, vector<16xf32>
        %mul3A_824 = arith.mulf %select_n3A_823, %sub3A_750 : vector<16xf32>
        %mul3A_825 = arith.mulf %select_n3A_823, %sub3A_765 : vector<16xf32>
        %mul3A_826 = arith.mulf %select_n3A_823, %sub3A_780 : vector<16xf32>
        %swap3A_827 = arith.index_cast %mul3A_718 : i32 to index
        %swap3A_828 = tpu.vector_load %arg43[%swap3A_827] {strides = array<i32>} : memref<1392xf32, #tpu.memory_space<vmem>>, vector<16xf32>,
        %swap3A_829 = vector.shape_cast %swap3A_828 : vector<16xf32> to vector<16xf32>
        %swap3A_830 = vector.shape_cast %mul3A_824 : vector<16xf32> to vector<16xf32>
        tpu.vector_store %arg43[%swap3A_827], %swap3A_830 {strides = array<i32>} : memref<1392xf32, #tpu.memory_space<vmem>>, vector<16xf32>,
        %swap3A_831 = arith.index_cast %mul3A_718 : i32 to index
        %swap3A_832 = tpu.vector_load %arg45[%swap3A_831] {strides = array<i32>} : memref<1392xf32, #tpu.memory_space<vmem>>, vector<16xf32>,
        %swap3A_833 = vector.shape_cast %swap3A_832 : vector<16xf32> to vector<16xf32>
        %swap3A_834 = vector.shape_cast %mul3A_825 : vector<16xf32> to vector<16xf32>
        tpu.vector_store %arg45[%swap3A_831], %swap3A_834 {strides = array<i32>} : memref<1392xf32, #tpu.memory_space<vmem>>, vector<16xf32>,
        %swap3A_835 = arith.index_cast %mul3A_718 : i32 to index
        %swap3A_836 = tpu.vector_load %arg47[%swap3A_835] {strides = array<i32>} : memref<1392xf32, #tpu.memory_space<vmem>>, vector<16xf32>,
        %swap3A_837 = vector.shape_cast %swap3A_836 : vector<16xf32> to vector<16xf32>
        %swap3A_838 = vector.shape_cast %mul3A_826 : vector<16xf32> to vector<16xf32>
        tpu.vector_store %arg47[%swap3A_835], %swap3A_838 {strides = array<i32>} : memref<1392xf32, #tpu.memory_space<vmem>>, vector<16xf32>,
        %neg3A = arith.constant 0.000000e+00 : f32
        %neg3A_839 = vector.broadcast %neg3A : f32 to vector<16xf32>
        %neg3A_840 = arith.subf %neg3A_839, %mul3A_824 : vector<16xf32>
        %swap3A_841 = arith.index_cast %mul3A_718 : i32 to index
        %swap3A_842 = tpu.vector_load %arg49[%swap3A_841] {strides = array<i32>} : memref<1392xf32, #tpu.memory_space<vmem>>, vector<16xf32>,
        %swap3A_843 = vector.shape_cast %swap3A_842 : vector<16xf32> to vector<16xf32>
        %swap3A_844 = vector.shape_cast %neg3A_840 : vector<16xf32> to vector<16xf32>
        tpu.vector_store %arg49[%swap3A_841], %swap3A_844 {strides = array<i32>} : memref<1392xf32, #tpu.memory_space<vmem>>, vector<16xf32>,
        %neg3A_845 = arith.constant 0.000000e+00 : f32
        %neg3A_846 = vector.broadcast %neg3A_845 : f32 to vector<16xf32>
        %neg3A_847 = arith.subf %neg3A_846, %mul3A_825 : vector<16xf32>
        %swap3A_848 = arith.index_cast %mul3A_718 : i32 to index
        %swap3A_849 = tpu.vector_load %arg51[%swap3A_848] {strides = array<i32>} : memref<1392xf32, #tpu.memory_space<vmem>>, vector<16xf32>,
        %swap3A_850 = vector.shape_cast %swap3A_849 : vector<16xf32> to vector<16xf32>
        %swap3A_851 = vector.shape_cast %neg3A_847 : vector<16xf32> to vector<16xf32>
        tpu.vector_store %arg51[%swap3A_848], %swap3A_851 {strides = array<i32>} : memref<1392xf32, #tpu.memory_space<vmem>>, vector<16xf32>,
        %neg3A_852 = arith.constant 0.000000e+00 : f32
        %neg3A_853 = vector.broadcast %neg3A_852 : f32 to vector<16xf32>
        %neg3A_854 = arith.subf %neg3A_853, %mul3A_826 : vector<16xf32>
        %swap3A_855 = arith.index_cast %mul3A_718 : i32 to index
        %swap3A_856 = tpu.vector_load %arg53[%swap3A_855] {strides = array<i32>} : memref<1392xf32, #tpu.memory_space<vmem>>, vector<16xf32>,
        %swap3A_857 = vector.shape_cast %swap3A_856 : vector<16xf32> to vector<16xf32>
        %swap3A_858 = vector.shape_cast %neg3A_854 : vector<16xf32> to vector<16xf32>
        tpu.vector_store %arg53[%swap3A_855], %swap3A_858 {strides = array<i32>} : memref<1392xf32, #tpu.memory_space<vmem>>, vector<16xf32>,
        %add3A_859 = arith.addf %scan3A_716, %select_n3A_811 : vector<16xf32>
        scf.yield %add3A_859 : vector<16xf32>
      }
      %scan3A_441 = arith.constant 87 : i32
      %dma_wait3A_442 = arith.constant 0 : i32
      %dma_wait3A_443 = tpu.memref_slice %arg18[%dma_wait3A_442] : memref<50048xf32, #tpu.memory_space<vmem_shared>> -> memref<50048xf32, #tpu.memory_space<vmem_shared>>
      tpu.wait_indirect_dma semaphore(%arg58 : memref<!tpu.dma_semaphore, #tpu.memory_space<semaphore_mem>>) src(%arg44 : memref<1392xf32, #tpu.memory_space<vmem>>) dst(%dma_wait3A_443 : memref<50048xf32, #tpu.memory_space<vmem_shared>>)
      %dma_wait3A_444 = arith.constant 0 : i32
      %dma_wait3A_445 = tpu.memref_slice %arg19[%dma_wait3A_444] : memref<50048xf32, #tpu.memory_space<vmem_shared>> -> memref<50048xf32, #tpu.memory_space<vmem_shared>>
      tpu.wait_indirect_dma semaphore(%arg58 : memref<!tpu.dma_semaphore, #tpu.memory_space<semaphore_mem>>) src(%arg46 : memref<1392xf32, #tpu.memory_space<vmem>>) dst(%dma_wait3A_445 : memref<50048xf32, #tpu.memory_space<vmem_shared>>)
      %dma_wait3A_446 = arith.constant 0 : i32
      %dma_wait3A_447 = tpu.memref_slice %arg20[%dma_wait3A_446] : memref<50048xf32, #tpu.memory_space<vmem_shared>> -> memref<50048xf32, #tpu.memory_space<vmem_shared>>
      tpu.wait_indirect_dma semaphore(%arg58 : memref<!tpu.dma_semaphore, #tpu.memory_space<semaphore_mem>>) src(%arg48 : memref<1392xf32, #tpu.memory_space<vmem>>) dst(%dma_wait3A_447 : memref<50048xf32, #tpu.memory_space<vmem_shared>>)
      %dma_wait3A_448 = arith.constant 0 : i32
      %dma_wait3A_449 = tpu.memref_slice %arg18[%dma_wait3A_448] : memref<50048xf32, #tpu.memory_space<vmem_shared>> -> memref<50048xf32, #tpu.memory_space<vmem_shared>>
      tpu.wait_indirect_dma semaphore(%arg58 : memref<!tpu.dma_semaphore, #tpu.memory_space<semaphore_mem>>) src(%arg50 : memref<1392xf32, #tpu.memory_space<vmem>>) dst(%dma_wait3A_449 : memref<50048xf32, #tpu.memory_space<vmem_shared>>)
      %dma_wait3A_450 = arith.constant 0 : i32
      %dma_wait3A_451 = tpu.memref_slice %arg19[%dma_wait3A_450] : memref<50048xf32, #tpu.memory_space<vmem_shared>> -> memref<50048xf32, #tpu.memory_space<vmem_shared>>
      tpu.wait_indirect_dma semaphore(%arg58 : memref<!tpu.dma_semaphore, #tpu.memory_space<semaphore_mem>>) src(%arg52 : memref<1392xf32, #tpu.memory_space<vmem>>) dst(%dma_wait3A_451 : memref<50048xf32, #tpu.memory_space<vmem_shared>>)
      %dma_wait3A_452 = arith.constant 0 : i32
      %dma_wait3A_453 = tpu.memref_slice %arg20[%dma_wait3A_452] : memref<50048xf32, #tpu.memory_space<vmem_shared>> -> memref<50048xf32, #tpu.memory_space<vmem_shared>>
      tpu.wait_indirect_dma semaphore(%arg58 : memref<!tpu.dma_semaphore, #tpu.memory_space<semaphore_mem>>) src(%arg54 : memref<1392xf32, #tpu.memory_space<vmem>>) dst(%dma_wait3A_453 : memref<50048xf32, #tpu.memory_space<vmem_shared>>)
      %dma_start3A_454 = arith.constant 0 : i32
      %dma_start3A_455 = tpu.memref_slice %arg18[%dma_start3A_454] : memref<50048xf32, #tpu.memory_space<vmem_shared>> -> memref<50048xf32, #tpu.memory_space<vmem_shared>>
      tpu.enqueue_indirect_dma source(%arg43 : memref<1392xf32, #tpu.memory_space<vmem>>) target(%dma_start3A_455 : memref<50048xf32, #tpu.memory_space<vmem_shared>>) offsets(%arg23 : memref<1392xi32, #tpu.memory_space<vmem>>) semaphore(%arg58 : memref<!tpu.dma_semaphore, #tpu.memory_space<semaphore_mem>>) {add = true}
      %dma_start3A_456 = arith.constant 0 : i32
      %dma_start3A_457 = tpu.memref_slice %arg19[%dma_start3A_456] : memref<50048xf32, #tpu.memory_space<vmem_shared>> -> memref<50048xf32, #tpu.memory_space<vmem_shared>>
      tpu.enqueue_indirect_dma source(%arg45 : memref<1392xf32, #tpu.memory_space<vmem>>) target(%dma_start3A_457 : memref<50048xf32, #tpu.memory_space<vmem_shared>>) offsets(%arg23 : memref<1392xi32, #tpu.memory_space<vmem>>) semaphore(%arg58 : memref<!tpu.dma_semaphore, #tpu.memory_space<semaphore_mem>>) {add = true}
      %dma_start3A_458 = arith.constant 0 : i32
      %dma_start3A_459 = tpu.memref_slice %arg20[%dma_start3A_458] : memref<50048xf32, #tpu.memory_space<vmem_shared>> -> memref<50048xf32, #tpu.memory_space<vmem_shared>>
      tpu.enqueue_indirect_dma source(%arg47 : memref<1392xf32, #tpu.memory_space<vmem>>) target(%dma_start3A_459 : memref<50048xf32, #tpu.memory_space<vmem_shared>>) offsets(%arg23 : memref<1392xi32, #tpu.memory_space<vmem>>) semaphore(%arg58 : memref<!tpu.dma_semaphore, #tpu.memory_space<semaphore_mem>>) {add = true}
      %dma_start3A_460 = arith.constant 0 : i32
      %dma_start3A_461 = tpu.memref_slice %arg18[%dma_start3A_460] : memref<50048xf32, #tpu.memory_space<vmem_shared>> -> memref<50048xf32, #tpu.memory_space<vmem_shared>>
      tpu.enqueue_indirect_dma source(%arg49 : memref<1392xf32, #tpu.memory_space<vmem>>) target(%dma_start3A_461 : memref<50048xf32, #tpu.memory_space<vmem_shared>>) offsets(%arg26 : memref<1392xi32, #tpu.memory_space<vmem>>) semaphore(%arg58 : memref<!tpu.dma_semaphore, #tpu.memory_space<semaphore_mem>>) {add = true}
      %dma_start3A_462 = arith.constant 0 : i32
      %dma_start3A_463 = tpu.memref_slice %arg19[%dma_start3A_462] : memref<50048xf32, #tpu.memory_space<vmem_shared>> -> memref<50048xf32, #tpu.memory_space<vmem_shared>>
      tpu.enqueue_indirect_dma source(%arg51 : memref<1392xf32, #tpu.memory_space<vmem>>) target(%dma_start3A_463 : memref<50048xf32, #tpu.memory_space<vmem_shared>>) offsets(%arg26 : memref<1392xi32, #tpu.memory_space<vmem>>) semaphore(%arg58 : memref<!tpu.dma_semaphore, #tpu.memory_space<semaphore_mem>>) {add = true}
      %dma_start3A_464 = arith.constant 0 : i32
      %dma_start3A_465 = tpu.memref_slice %arg20[%dma_start3A_464] : memref<50048xf32, #tpu.memory_space<vmem_shared>> -> memref<50048xf32, #tpu.memory_space<vmem_shared>>
      tpu.enqueue_indirect_dma source(%arg53 : memref<1392xf32, #tpu.memory_space<vmem>>) target(%dma_start3A_465 : memref<50048xf32, #tpu.memory_space<vmem_shared>>) offsets(%arg26 : memref<1392xi32, #tpu.memory_space<vmem>>) semaphore(%arg58 : memref<!tpu.dma_semaphore, #tpu.memory_space<semaphore_mem>>) {add = true}
      %add3A_466 = arith.constant 2 : i32
      %add3A_467 = arith.addi %add3A_390, %add3A_466 : i32
      %mul3A_468 = arith.constant 1392 : i32
      %mul3A_469 = arith.muli %add3A_467, %mul3A_468 : i32
      %add3A_470 = arith.addi %mul3A_64, %mul3A_469 : i32
      %lt3A_471 = arith.constant 1599408 : i32
      %lt3A_472 = arith.cmpi slt, %add3A_470, %lt3A_471 : i32
      %convert_element_type3A_473 = arith.extui %lt3A_472 : i1 to i32
      %cond3A_474 = arith.constant 0 : i32
      %cond3A_475 = arith.cmpi ne, %convert_element_type3A_473, %cond3A_474 : i32
      scf.if %cond3A_475 {
        %dma_start3A_715 = tpu.memref_slice %arg5[%add3A_470] : memref<1600000xi32, #tpu.memory_space<hbm>> -> memref<1392xi32, #tpu.memory_space<hbm>>
        %dma_start3A_716 = tpu.memref_slice %arg5[%add3A_470] : memref<1600000xi32, #tpu.memory_space<hbm>> -> memref<1392xi32, #tpu.memory_space<hbm>>
        tpu.enqueue_dma source(%dma_start3A_716 : memref<1392xi32, #tpu.memory_space<hbm>>) target(%arg22 : memref<1392xi32, #tpu.memory_space<vmem>>) target_semaphore(%arg56 : memref<!tpu.dma_semaphore, #tpu.memory_space<semaphore_mem>>)
        %dma_start3A_717 = tpu.memref_slice %arg6[%add3A_470] : memref<1600000xi32, #tpu.memory_space<hbm>> -> memref<1392xi32, #tpu.memory_space<hbm>>
        %dma_start3A_718 = tpu.memref_slice %arg6[%add3A_470] : memref<1600000xi32, #tpu.memory_space<hbm>> -> memref<1392xi32, #tpu.memory_space<hbm>>
        tpu.enqueue_dma source(%dma_start3A_718 : memref<1392xi32, #tpu.memory_space<hbm>>) target(%arg25 : memref<1392xi32, #tpu.memory_space<vmem>>) target_semaphore(%arg56 : memref<!tpu.dma_semaphore, #tpu.memory_space<semaphore_mem>>)
        %dma_start3A_719 = tpu.memref_slice %arg7[%add3A_470] : memref<1600000xf32, #tpu.memory_space<hbm>> -> memref<1392xf32, #tpu.memory_space<hbm>>
        %dma_start3A_720 = tpu.memref_slice %arg7[%add3A_470] : memref<1600000xf32, #tpu.memory_space<hbm>> -> memref<1392xf32, #tpu.memory_space<hbm>>
        tpu.enqueue_dma source(%dma_start3A_720 : memref<1392xf32, #tpu.memory_space<hbm>>) target(%arg27 : memref<1392xf32, #tpu.memory_space<vmem>>) target_semaphore(%arg56 : memref<!tpu.dma_semaphore, #tpu.memory_space<semaphore_mem>>)
        %dma_start3A_721 = tpu.memref_slice %arg8[%add3A_470] : memref<1600000xf32, #tpu.memory_space<hbm>> -> memref<1392xf32, #tpu.memory_space<hbm>>
        %dma_start3A_722 = tpu.memref_slice %arg8[%add3A_470] : memref<1600000xf32, #tpu.memory_space<hbm>> -> memref<1392xf32, #tpu.memory_space<hbm>>
        tpu.enqueue_dma source(%dma_start3A_722 : memref<1392xf32, #tpu.memory_space<hbm>>) target(%arg29 : memref<1392xf32, #tpu.memory_space<vmem>>) target_semaphore(%arg56 : memref<!tpu.dma_semaphore, #tpu.memory_space<semaphore_mem>>)
      } else {
      }
      %ge3A_476 = arith.constant 1599408 : i32
      %ge3A_477 = arith.cmpi sge, %add3A_470, %ge3A_476 : i32
      %convert_element_type3A_478 = arith.extui %ge3A_477 : i1 to i32
      %cond3A_479 = arith.constant 0 : i32
      %cond3A_480 = arith.cmpi ne, %convert_element_type3A_478, %cond3A_479 : i32
      scf.if %cond3A_480 {
        %sub3A = arith.constant 1599408 : i32
        %sub3A_715 = arith.subi %add3A_470, %sub3A : i32
        %dma_start3A_716 = tpu.memref_slice %arg9[%sub3A_715] : memref<4176xi32, #tpu.memory_space<hbm>> -> memref<1392xi32, #tpu.memory_space<hbm>>
        %dma_start3A_717 = tpu.memref_slice %arg9[%sub3A_715] : memref<4176xi32, #tpu.memory_space<hbm>> -> memref<1392xi32, #tpu.memory_space<hbm>>
        tpu.enqueue_dma source(%dma_start3A_717 : memref<1392xi32, #tpu.memory_space<hbm>>) target(%arg22 : memref<1392xi32, #tpu.memory_space<vmem>>) target_semaphore(%arg56 : memref<!tpu.dma_semaphore, #tpu.memory_space<semaphore_mem>>)
        %dma_start3A_718 = tpu.memref_slice %arg10[%sub3A_715] : memref<4176xi32, #tpu.memory_space<hbm>> -> memref<1392xi32, #tpu.memory_space<hbm>>
        %dma_start3A_719 = tpu.memref_slice %arg10[%sub3A_715] : memref<4176xi32, #tpu.memory_space<hbm>> -> memref<1392xi32, #tpu.memory_space<hbm>>
        tpu.enqueue_dma source(%dma_start3A_719 : memref<1392xi32, #tpu.memory_space<hbm>>) target(%arg25 : memref<1392xi32, #tpu.memory_space<vmem>>) target_semaphore(%arg56 : memref<!tpu.dma_semaphore, #tpu.memory_space<semaphore_mem>>)
        %dma_start3A_720 = tpu.memref_slice %arg11[%sub3A_715] : memref<4176xf32, #tpu.memory_space<hbm>> -> memref<1392xf32, #tpu.memory_space<hbm>>
        %dma_start3A_721 = tpu.memref_slice %arg11[%sub3A_715] : memref<4176xf32, #tpu.memory_space<hbm>> -> memref<1392xf32, #tpu.memory_space<hbm>>
        tpu.enqueue_dma source(%dma_start3A_721 : memref<1392xf32, #tpu.memory_space<hbm>>) target(%arg27 : memref<1392xf32, #tpu.memory_space<vmem>>) target_semaphore(%arg56 : memref<!tpu.dma_semaphore, #tpu.memory_space<semaphore_mem>>)
        %dma_start3A_722 = tpu.memref_slice %arg12[%sub3A_715] : memref<4176xf32, #tpu.memory_space<hbm>> -> memref<1392xf32, #tpu.memory_space<hbm>>
        %dma_start3A_723 = tpu.memref_slice %arg12[%sub3A_715] : memref<4176xf32, #tpu.memory_space<hbm>> -> memref<1392xf32, #tpu.memory_space<hbm>>
        tpu.enqueue_dma source(%dma_start3A_723 : memref<1392xf32, #tpu.memory_space<hbm>>) target(%arg29 : memref<1392xf32, #tpu.memory_space<vmem>>) target_semaphore(%arg56 : memref<!tpu.dma_semaphore, #tpu.memory_space<semaphore_mem>>)
      } else {
      }
      %mul3A_481 = arith.constant 6 : i32
      %mul3A_482 = arith.muli %mul3A_481, %scan3A_205 : i32
      %add3A_483 = arith.constant 3 : i32
      %add3A_484 = arith.addi %mul3A_482, %add3A_483 : i32
      %dma_wait3A_485 = arith.constant 0 : i32
      %dma_wait3A_486 = tpu.memref_slice %arg15[%dma_wait3A_485] : memref<50048xf32, #tpu.memory_space<vmem_shared>> -> memref<50048xf32, #tpu.memory_space<vmem_shared>>
      tpu.wait_indirect_dma semaphore(%arg57 : memref<!tpu.dma_semaphore, #tpu.memory_space<semaphore_mem>>) src(%dma_wait3A_486 : memref<50048xf32, #tpu.memory_space<vmem_shared>>) dst(%arg32 : memref<1392xf32, #tpu.memory_space<vmem>>)
      %dma_wait3A_487 = arith.constant 0 : i32
      %dma_wait3A_488 = tpu.memref_slice %arg16[%dma_wait3A_487] : memref<50048xf32, #tpu.memory_space<vmem_shared>> -> memref<50048xf32, #tpu.memory_space<vmem_shared>>
      tpu.wait_indirect_dma semaphore(%arg57 : memref<!tpu.dma_semaphore, #tpu.memory_space<semaphore_mem>>) src(%dma_wait3A_488 : memref<50048xf32, #tpu.memory_space<vmem_shared>>) dst(%arg34 : memref<1392xf32, #tpu.memory_space<vmem>>)
      %dma_wait3A_489 = arith.constant 0 : i32
      %dma_wait3A_490 = tpu.memref_slice %arg17[%dma_wait3A_489] : memref<50048xf32, #tpu.memory_space<vmem_shared>> -> memref<50048xf32, #tpu.memory_space<vmem_shared>>
      tpu.wait_indirect_dma semaphore(%arg57 : memref<!tpu.dma_semaphore, #tpu.memory_space<semaphore_mem>>) src(%dma_wait3A_490 : memref<50048xf32, #tpu.memory_space<vmem_shared>>) dst(%arg36 : memref<1392xf32, #tpu.memory_space<vmem>>)
      %dma_wait3A_491 = arith.constant 0 : i32
      %dma_wait3A_492 = tpu.memref_slice %arg15[%dma_wait3A_491] : memref<50048xf32, #tpu.memory_space<vmem_shared>> -> memref<50048xf32, #tpu.memory_space<vmem_shared>>
      tpu.wait_indirect_dma semaphore(%arg57 : memref<!tpu.dma_semaphore, #tpu.memory_space<semaphore_mem>>) src(%dma_wait3A_492 : memref<50048xf32, #tpu.memory_space<vmem_shared>>) dst(%arg38 : memref<1392xf32, #tpu.memory_space<vmem>>)
      %dma_wait3A_493 = arith.constant 0 : i32
      %dma_wait3A_494 = tpu.memref_slice %arg16[%dma_wait3A_493] : memref<50048xf32, #tpu.memory_space<vmem_shared>> -> memref<50048xf32, #tpu.memory_space<vmem_shared>>
      tpu.wait_indirect_dma semaphore(%arg57 : memref<!tpu.dma_semaphore, #tpu.memory_space<semaphore_mem>>) src(%dma_wait3A_494 : memref<50048xf32, #tpu.memory_space<vmem_shared>>) dst(%arg40 : memref<1392xf32, #tpu.memory_space<vmem>>)
      %dma_wait3A_495 = arith.constant 0 : i32
      %dma_wait3A_496 = tpu.memref_slice %arg17[%dma_wait3A_495] : memref<50048xf32, #tpu.memory_space<vmem_shared>> -> memref<50048xf32, #tpu.memory_space<vmem_shared>>
      tpu.wait_indirect_dma semaphore(%arg57 : memref<!tpu.dma_semaphore, #tpu.memory_space<semaphore_mem>>) src(%dma_wait3A_496 : memref<50048xf32, #tpu.memory_space<vmem_shared>>) dst(%arg42 : memref<1392xf32, #tpu.memory_space<vmem>>)
      %add3A_497 = arith.constant 1 : i32
      %add3A_498 = arith.addi %add3A_484, %add3A_497 : i32
      %mul3A_499 = arith.constant 1392 : i32
      %mul3A_500 = arith.muli %add3A_498, %mul3A_499 : i32
      %add3A_501 = arith.addi %mul3A_64, %mul3A_500 : i32
      %dma_wait3A_502 = arith.constant 0 : i32
      %dma_wait3A_503 = tpu.memref_slice %arg5[%dma_wait3A_502] : memref<1600000xi32, #tpu.memory_space<hbm>> -> memref<1392xi32, #tpu.memory_space<hbm>>
      %dma_wait3A_504 = arith.constant 0 : i32
      %dma_wait3A_505 = tpu.memref_slice %arg5[%dma_wait3A_504] : memref<1600000xi32, #tpu.memory_space<hbm>> -> memref<1392xi32, #tpu.memory_space<hbm>>
      tpu.wait_dma2 semaphore(%arg56 : memref<!tpu.dma_semaphore, #tpu.memory_space<semaphore_mem>>) src(%dma_wait3A_505 : memref<1392xi32, #tpu.memory_space<hbm>>) dst(%arg22 : memref<1392xi32, #tpu.memory_space<vmem>>)
      %dma_wait3A_506 = arith.constant 0 : i32
      %dma_wait3A_507 = tpu.memref_slice %arg6[%dma_wait3A_506] : memref<1600000xi32, #tpu.memory_space<hbm>> -> memref<1392xi32, #tpu.memory_space<hbm>>
      %dma_wait3A_508 = arith.constant 0 : i32
      %dma_wait3A_509 = tpu.memref_slice %arg6[%dma_wait3A_508] : memref<1600000xi32, #tpu.memory_space<hbm>> -> memref<1392xi32, #tpu.memory_space<hbm>>
      tpu.wait_dma2 semaphore(%arg56 : memref<!tpu.dma_semaphore, #tpu.memory_space<semaphore_mem>>) src(%dma_wait3A_509 : memref<1392xi32, #tpu.memory_space<hbm>>) dst(%arg25 : memref<1392xi32, #tpu.memory_space<vmem>>)
      %dma_wait3A_510 = arith.constant 0 : i32
      %dma_wait3A_511 = tpu.memref_slice %arg7[%dma_wait3A_510] : memref<1600000xf32, #tpu.memory_space<hbm>> -> memref<1392xf32, #tpu.memory_space<hbm>>
      %dma_wait3A_512 = arith.constant 0 : i32
      %dma_wait3A_513 = tpu.memref_slice %arg7[%dma_wait3A_512] : memref<1600000xf32, #tpu.memory_space<hbm>> -> memref<1392xf32, #tpu.memory_space<hbm>>
      tpu.wait_dma2 semaphore(%arg56 : memref<!tpu.dma_semaphore, #tpu.memory_space<semaphore_mem>>) src(%dma_wait3A_513 : memref<1392xf32, #tpu.memory_space<hbm>>) dst(%arg27 : memref<1392xf32, #tpu.memory_space<vmem>>)
      %dma_wait3A_514 = arith.constant 0 : i32
      %dma_wait3A_515 = tpu.memref_slice %arg8[%dma_wait3A_514] : memref<1600000xf32, #tpu.memory_space<hbm>> -> memref<1392xf32, #tpu.memory_space<hbm>>
      %dma_wait3A_516 = arith.constant 0 : i32
      %dma_wait3A_517 = tpu.memref_slice %arg8[%dma_wait3A_516] : memref<1600000xf32, #tpu.memory_space<hbm>> -> memref<1392xf32, #tpu.memory_space<hbm>>
      tpu.wait_dma2 semaphore(%arg56 : memref<!tpu.dma_semaphore, #tpu.memory_space<semaphore_mem>>) src(%dma_wait3A_517 : memref<1392xf32, #tpu.memory_space<hbm>>) dst(%arg29 : memref<1392xf32, #tpu.memory_space<vmem>>)
      %dma_start3A_518 = arith.constant 0 : i32
      %dma_start3A_519 = tpu.memref_slice %arg15[%dma_start3A_518] : memref<50048xf32, #tpu.memory_space<vmem_shared>> -> memref<50048xf32, #tpu.memory_space<vmem_shared>>
      tpu.enqueue_indirect_dma source(%dma_start3A_519 : memref<50048xf32, #tpu.memory_space<vmem_shared>>) target(%arg31 : memref<1392xf32, #tpu.memory_space<vmem>>) offsets(%arg22 : memref<1392xi32, #tpu.memory_space<vmem>>) semaphore(%arg57 : memref<!tpu.dma_semaphore, #tpu.memory_space<semaphore_mem>>)
      %dma_start3A_520 = arith.constant 0 : i32
      %dma_start3A_521 = tpu.memref_slice %arg16[%dma_start3A_520] : memref<50048xf32, #tpu.memory_space<vmem_shared>> -> memref<50048xf32, #tpu.memory_space<vmem_shared>>
      tpu.enqueue_indirect_dma source(%dma_start3A_521 : memref<50048xf32, #tpu.memory_space<vmem_shared>>) target(%arg33 : memref<1392xf32, #tpu.memory_space<vmem>>) offsets(%arg22 : memref<1392xi32, #tpu.memory_space<vmem>>) semaphore(%arg57 : memref<!tpu.dma_semaphore, #tpu.memory_space<semaphore_mem>>)
      %dma_start3A_522 = arith.constant 0 : i32
      %dma_start3A_523 = tpu.memref_slice %arg17[%dma_start3A_522] : memref<50048xf32, #tpu.memory_space<vmem_shared>> -> memref<50048xf32, #tpu.memory_space<vmem_shared>>
      tpu.enqueue_indirect_dma source(%dma_start3A_523 : memref<50048xf32, #tpu.memory_space<vmem_shared>>) target(%arg35 : memref<1392xf32, #tpu.memory_space<vmem>>) offsets(%arg22 : memref<1392xi32, #tpu.memory_space<vmem>>) semaphore(%arg57 : memref<!tpu.dma_semaphore, #tpu.memory_space<semaphore_mem>>)
      %dma_start3A_524 = arith.constant 0 : i32
      %dma_start3A_525 = tpu.memref_slice %arg15[%dma_start3A_524] : memref<50048xf32, #tpu.memory_space<vmem_shared>> -> memref<50048xf32, #tpu.memory_space<vmem_shared>>
      tpu.enqueue_indirect_dma source(%dma_start3A_525 : memref<50048xf32, #tpu.memory_space<vmem_shared>>) target(%arg37 : memref<1392xf32, #tpu.memory_space<vmem>>) offsets(%arg25 : memref<1392xi32, #tpu.memory_space<vmem>>) semaphore(%arg57 : memref<!tpu.dma_semaphore, #tpu.memory_space<semaphore_mem>>)
      %dma_start3A_526 = arith.constant 0 : i32
      %dma_start3A_527 = tpu.memref_slice %arg16[%dma_start3A_526] : memref<50048xf32, #tpu.memory_space<vmem_shared>> -> memref<50048xf32, #tpu.memory_space<vmem_shared>>
      tpu.enqueue_indirect_dma source(%dma_start3A_527 : memref<50048xf32, #tpu.memory_space<vmem_shared>>) target(%arg39 : memref<1392xf32, #tpu.memory_space<vmem>>) offsets(%arg25 : memref<1392xi32, #tpu.memory_space<vmem>>) semaphore(%arg57 : memref<!tpu.dma_semaphore, #tpu.memory_space<semaphore_mem>>)
      %dma_start3A_528 = arith.constant 0 : i32
      %dma_start3A_529 = tpu.memref_slice %arg17[%dma_start3A_528] : memref<50048xf32, #tpu.memory_space<vmem_shared>> -> memref<50048xf32, #tpu.memory_space<vmem_shared>>
      tpu.enqueue_indirect_dma source(%dma_start3A_529 : memref<50048xf32, #tpu.memory_space<vmem_shared>>) target(%arg41 : memref<1392xf32, #tpu.memory_space<vmem>>) offsets(%arg25 : memref<1392xi32, #tpu.memory_space<vmem>>) semaphore(%arg57 : memref<!tpu.dma_semaphore, #tpu.memory_space<semaphore_mem>>)
      %scan3A_530 = arith.constant 0 : i32
      %scan3A_531 = arith.constant 87 : i32
      %scan3A_532 = arith.addi %scan3A_530, %scan3A_531 : i32
      %scan3A_533 = arith.constant 1 : i32
      %scan3A_534 = scf.for %scan3A_715 = %scan3A_530 to %scan3A_532 step %scan3A_533 iter_args(%scan3A_716 = %scan3A_440) -> (vector<16xf32>)  : i32 {
        %mul3A_717 = arith.constant 16 : i32
        %mul3A_718 = arith.muli %scan3A_715, %mul3A_717 : i32
        %get3A = arith.index_cast %mul3A_718 : i32 to index
        %get3A_719 = tpu.vector_load %arg32[%get3A] {strides = array<i32>} : memref<1392xf32, #tpu.memory_space<vmem>>, vector<16xf32>,
        %get3A_720 = vector.shape_cast %get3A_719 : vector<16xf32> to vector<16xf32>
        %get3A_721 = arith.index_cast %mul3A_718 : i32 to index
        %get3A_722 = tpu.vector_load %arg38[%get3A_721] {strides = array<i32>} : memref<1392xf32, #tpu.memory_space<vmem>>, vector<16xf32>,
        %get3A_723 = vector.shape_cast %get3A_722 : vector<16xf32> to vector<16xf32>
        %sub3A = arith.subf %get3A_720, %get3A_723 : vector<16xf32>
        %get3A_724 = arith.index_cast %mul3A_718 : i32 to index
        %get3A_725 = tpu.vector_load %arg34[%get3A_724] {strides = array<i32>} : memref<1392xf32, #tpu.memory_space<vmem>>, vector<16xf32>,
        %get3A_726 = vector.shape_cast %get3A_725 : vector<16xf32> to vector<16xf32>
        %get3A_727 = arith.index_cast %mul3A_718 : i32 to index
        %get3A_728 = tpu.vector_load %arg40[%get3A_727] {strides = array<i32>} : memref<1392xf32, #tpu.memory_space<vmem>>, vector<16xf32>,
        %get3A_729 = vector.shape_cast %get3A_728 : vector<16xf32> to vector<16xf32>
        %sub3A_730 = arith.subf %get3A_726, %get3A_729 : vector<16xf32>
        %get3A_731 = arith.index_cast %mul3A_718 : i32 to index
        %get3A_732 = tpu.vector_load %arg36[%get3A_731] {strides = array<i32>} : memref<1392xf32, #tpu.memory_space<vmem>>, vector<16xf32>,
        %get3A_733 = vector.shape_cast %get3A_732 : vector<16xf32> to vector<16xf32>
        %get3A_734 = arith.index_cast %mul3A_718 : i32 to index
        %get3A_735 = tpu.vector_load %arg42[%get3A_734] {strides = array<i32>} : memref<1392xf32, #tpu.memory_space<vmem>>, vector<16xf32>,
        %get3A_736 = vector.shape_cast %get3A_735 : vector<16xf32> to vector<16xf32>
        %sub3A_737 = arith.subf %get3A_733, %get3A_736 : vector<16xf32>
        %gt3A_738 = arith.constant 1.500000e+01 : f32
        %gt3A_739 = vector.broadcast %gt3A_738 : f32 to vector<16xf32>
        %gt3A_740 = arith.cmpf ogt, %sub3A, %gt3A_739 : vector<16xf32>
        %lt3A_741 = arith.constant -1.500000e+01 : f32
        %lt3A_742 = vector.broadcast %lt3A_741 : f32 to vector<16xf32>
        %lt3A_743 = arith.cmpf olt, %sub3A, %lt3A_742 : vector<16xf32>
        %jit3A = arith.constant -3.000000e+01 : f32
        %jit3A_744 = arith.constant 0.000000e+00 : f32
        %broadcast_in_dim3A_745 = vector.broadcast %jit3A : f32 to vector<16xf32>
        %broadcast_in_dim3A_746 = vector.broadcast %jit3A_744 : f32 to vector<16xf32>
        %select_n3A = arith.select %lt3A_743, %broadcast_in_dim3A_745, %broadcast_in_dim3A_746 : vector<16xi1>, vector<16xf32>
        %jit3A_747 = arith.constant 3.000000e+01 : f32
        %broadcast_in_dim3A_748 = vector.broadcast %jit3A_747 : f32 to vector<16xf32>
        %select_n3A_749 = arith.select %gt3A_740, %broadcast_in_dim3A_748, %select_n3A : vector<16xi1>, vector<16xf32>
        %sub3A_750 = arith.subf %sub3A, %select_n3A_749 : vector<16xf32>
        %gt3A_751 = arith.constant 1.500000e+01 : f32
        %gt3A_752 = vector.broadcast %gt3A_751 : f32 to vector<16xf32>
        %gt3A_753 = arith.cmpf ogt, %sub3A_730, %gt3A_752 : vector<16xf32>
        %lt3A_754 = arith.constant -1.500000e+01 : f32
        %lt3A_755 = vector.broadcast %lt3A_754 : f32 to vector<16xf32>
        %lt3A_756 = arith.cmpf olt, %sub3A_730, %lt3A_755 : vector<16xf32>
        %jit3A_757 = arith.constant -3.000000e+01 : f32
        %jit3A_758 = arith.constant 0.000000e+00 : f32
        %broadcast_in_dim3A_759 = vector.broadcast %jit3A_757 : f32 to vector<16xf32>
        %broadcast_in_dim3A_760 = vector.broadcast %jit3A_758 : f32 to vector<16xf32>
        %select_n3A_761 = arith.select %lt3A_756, %broadcast_in_dim3A_759, %broadcast_in_dim3A_760 : vector<16xi1>, vector<16xf32>
        %jit3A_762 = arith.constant 3.000000e+01 : f32
        %broadcast_in_dim3A_763 = vector.broadcast %jit3A_762 : f32 to vector<16xf32>
        %select_n3A_764 = arith.select %gt3A_753, %broadcast_in_dim3A_763, %select_n3A_761 : vector<16xi1>, vector<16xf32>
        %sub3A_765 = arith.subf %sub3A_730, %select_n3A_764 : vector<16xf32>
        %gt3A_766 = arith.constant 1.500000e+01 : f32
        %gt3A_767 = vector.broadcast %gt3A_766 : f32 to vector<16xf32>
        %gt3A_768 = arith.cmpf ogt, %sub3A_737, %gt3A_767 : vector<16xf32>
        %lt3A_769 = arith.constant -1.500000e+01 : f32
        %lt3A_770 = vector.broadcast %lt3A_769 : f32 to vector<16xf32>
        %lt3A_771 = arith.cmpf olt, %sub3A_737, %lt3A_770 : vector<16xf32>
        %jit3A_772 = arith.constant -3.000000e+01 : f32
        %jit3A_773 = arith.constant 0.000000e+00 : f32
        %broadcast_in_dim3A_774 = vector.broadcast %jit3A_772 : f32 to vector<16xf32>
        %broadcast_in_dim3A_775 = vector.broadcast %jit3A_773 : f32 to vector<16xf32>
        %select_n3A_776 = arith.select %lt3A_771, %broadcast_in_dim3A_774, %broadcast_in_dim3A_775 : vector<16xi1>, vector<16xf32>
        %jit3A_777 = arith.constant 3.000000e+01 : f32
        %broadcast_in_dim3A_778 = vector.broadcast %jit3A_777 : f32 to vector<16xf32>
        %select_n3A_779 = arith.select %gt3A_768, %broadcast_in_dim3A_778, %select_n3A_776 : vector<16xi1>, vector<16xf32>
        %sub3A_780 = arith.subf %sub3A_737, %select_n3A_779 : vector<16xf32>
        %mul3A_781 = arith.mulf %sub3A_750, %sub3A_750 : vector<16xf32>
        %mul3A_782 = arith.mulf %sub3A_765, %sub3A_765 : vector<16xf32>
        %add3A_783 = arith.addf %mul3A_781, %mul3A_782 : vector<16xf32>
        %mul3A_784 = arith.mulf %sub3A_780, %sub3A_780 : vector<16xf32>
        %add3A_785 = arith.addf %add3A_783, %mul3A_784 : vector<16xf32>
        %max3A = arith.constant 1.000000e-24 : f32
        %max3A_786 = vector.broadcast %max3A : f32 to vector<16xf32>
        %max3A_787 = arith.maximumf %add3A_785, %max3A_786 : vector<16xf32>
        %div3A = arith.constant 1.000000e+00 : f32
        %div3A_788 = vector.broadcast %div3A : f32 to vector<16xf32>
        %div3A_789 = arith.divf %div3A_788, %max3A_787 : vector<16xf32>
        %get3A_790 = arith.index_cast %mul3A_718 : i32 to index
        %get3A_791 = tpu.vector_load %arg28[%get3A_790] {strides = array<i32>} : memref<1392xf32, #tpu.memory_space<vmem>>, vector<16xf32>,
        %get3A_792 = vector.shape_cast %get3A_791 : vector<16xf32> to vector<16xf32>
        %get3A_793 = arith.index_cast %mul3A_718 : i32 to index
        %get3A_794 = tpu.vector_load %arg30[%get3A_793] {strides = array<i32>} : memref<1392xf32, #tpu.memory_space<vmem>>, vector<16xf32>,
        %get3A_795 = vector.shape_cast %get3A_794 : vector<16xf32> to vector<16xf32>
        %mul3A_796 = arith.mulf %get3A_795, %get3A_795 : vector<16xf32>
        %mul3A_797 = arith.mulf %mul3A_796, %div3A_789 : vector<16xf32>
        %mul3A_798 = arith.mulf %mul3A_797, %mul3A_797 : vector<16xf32>
        %mul3A_799 = arith.mulf %mul3A_798, %mul3A_797 : vector<16xf32>
        %mul3A_800 = arith.mulf %mul3A_799, %mul3A_799 : vector<16xf32>
        %lt3A_801 = arith.constant 9.000000e+00 : f32
        %lt3A_802 = vector.broadcast %lt3A_801 : f32 to vector<16xf32>
        %lt3A_803 = arith.cmpf olt, %max3A_787, %lt3A_802 : vector<16xf32>
        %mul3A_804 = arith.constant 4.000000e+00 : f32
        %mul3A_805 = vector.broadcast %mul3A_804 : f32 to vector<16xf32>
        %mul3A_806 = arith.mulf %mul3A_805, %get3A_792 : vector<16xf32>
        %sub3A_807 = arith.subf %mul3A_800, %mul3A_799 : vector<16xf32>
        %mul3A_808 = arith.mulf %mul3A_806, %sub3A_807 : vector<16xf32>
        %jit3A_809 = arith.constant 0.000000e+00 : f32
        %broadcast_in_dim3A_810 = vector.broadcast %jit3A_809 : f32 to vector<16xf32>
        %select_n3A_811 = arith.select %lt3A_803, %mul3A_808, %broadcast_in_dim3A_810 : vector<16xi1>, vector<16xf32>
        %mul3A_812 = arith.constant 2.400000e+01 : f32
        %mul3A_813 = vector.broadcast %mul3A_812 : f32 to vector<16xf32>
        %mul3A_814 = arith.mulf %mul3A_813, %get3A_792 : vector<16xf32>
        %mul3A_815 = arith.mulf %mul3A_814, %div3A_789 : vector<16xf32>
        %mul3A_816 = arith.constant 2.000000e+00 : f32
        %mul3A_817 = vector.broadcast %mul3A_816 : f32 to vector<16xf32>
        %mul3A_818 = arith.mulf %mul3A_817, %mul3A_800 : vector<16xf32>
        %sub3A_819 = arith.subf %mul3A_818, %mul3A_799 : vector<16xf32>
        %mul3A_820 = arith.mulf %mul3A_815, %sub3A_819 : vector<16xf32>
        %jit3A_821 = arith.constant 0.000000e+00 : f32
        %broadcast_in_dim3A_822 = vector.broadcast %jit3A_821 : f32 to vector<16xf32>
        %select_n3A_823 = arith.select %lt3A_803, %mul3A_820, %broadcast_in_dim3A_822 : vector<16xi1>, vector<16xf32>
        %mul3A_824 = arith.mulf %select_n3A_823, %sub3A_750 : vector<16xf32>
        %mul3A_825 = arith.mulf %select_n3A_823, %sub3A_765 : vector<16xf32>
        %mul3A_826 = arith.mulf %select_n3A_823, %sub3A_780 : vector<16xf32>
        %swap3A_827 = arith.index_cast %mul3A_718 : i32 to index
        %swap3A_828 = tpu.vector_load %arg44[%swap3A_827] {strides = array<i32>} : memref<1392xf32, #tpu.memory_space<vmem>>, vector<16xf32>,
        %swap3A_829 = vector.shape_cast %swap3A_828 : vector<16xf32> to vector<16xf32>
        %swap3A_830 = vector.shape_cast %mul3A_824 : vector<16xf32> to vector<16xf32>
        tpu.vector_store %arg44[%swap3A_827], %swap3A_830 {strides = array<i32>} : memref<1392xf32, #tpu.memory_space<vmem>>, vector<16xf32>,
        %swap3A_831 = arith.index_cast %mul3A_718 : i32 to index
        %swap3A_832 = tpu.vector_load %arg46[%swap3A_831] {strides = array<i32>} : memref<1392xf32, #tpu.memory_space<vmem>>, vector<16xf32>,
        %swap3A_833 = vector.shape_cast %swap3A_832 : vector<16xf32> to vector<16xf32>
        %swap3A_834 = vector.shape_cast %mul3A_825 : vector<16xf32> to vector<16xf32>
        tpu.vector_store %arg46[%swap3A_831], %swap3A_834 {strides = array<i32>} : memref<1392xf32, #tpu.memory_space<vmem>>, vector<16xf32>,
        %swap3A_835 = arith.index_cast %mul3A_718 : i32 to index
        %swap3A_836 = tpu.vector_load %arg48[%swap3A_835] {strides = array<i32>} : memref<1392xf32, #tpu.memory_space<vmem>>, vector<16xf32>,
        %swap3A_837 = vector.shape_cast %swap3A_836 : vector<16xf32> to vector<16xf32>
        %swap3A_838 = vector.shape_cast %mul3A_826 : vector<16xf32> to vector<16xf32>
        tpu.vector_store %arg48[%swap3A_835], %swap3A_838 {strides = array<i32>} : memref<1392xf32, #tpu.memory_space<vmem>>, vector<16xf32>,
        %neg3A = arith.constant 0.000000e+00 : f32
        %neg3A_839 = vector.broadcast %neg3A : f32 to vector<16xf32>
        %neg3A_840 = arith.subf %neg3A_839, %mul3A_824 : vector<16xf32>
        %swap3A_841 = arith.index_cast %mul3A_718 : i32 to index
        %swap3A_842 = tpu.vector_load %arg50[%swap3A_841] {strides = array<i32>} : memref<1392xf32, #tpu.memory_space<vmem>>, vector<16xf32>,
        %swap3A_843 = vector.shape_cast %swap3A_842 : vector<16xf32> to vector<16xf32>
        %swap3A_844 = vector.shape_cast %neg3A_840 : vector<16xf32> to vector<16xf32>
        tpu.vector_store %arg50[%swap3A_841], %swap3A_844 {strides = array<i32>} : memref<1392xf32, #tpu.memory_space<vmem>>, vector<16xf32>,
        %neg3A_845 = arith.constant 0.000000e+00 : f32
        %neg3A_846 = vector.broadcast %neg3A_845 : f32 to vector<16xf32>
        %neg3A_847 = arith.subf %neg3A_846, %mul3A_825 : vector<16xf32>
        %swap3A_848 = arith.index_cast %mul3A_718 : i32 to index
        %swap3A_849 = tpu.vector_load %arg52[%swap3A_848] {strides = array<i32>} : memref<1392xf32, #tpu.memory_space<vmem>>, vector<16xf32>,
        %swap3A_850 = vector.shape_cast %swap3A_849 : vector<16xf32> to vector<16xf32>
        %swap3A_851 = vector.shape_cast %neg3A_847 : vector<16xf32> to vector<16xf32>
        tpu.vector_store %arg52[%swap3A_848], %swap3A_851 {strides = array<i32>} : memref<1392xf32, #tpu.memory_space<vmem>>, vector<16xf32>,
        %neg3A_852 = arith.constant 0.000000e+00 : f32
        %neg3A_853 = vector.broadcast %neg3A_852 : f32 to vector<16xf32>
        %neg3A_854 = arith.subf %neg3A_853, %mul3A_826 : vector<16xf32>
        %swap3A_855 = arith.index_cast %mul3A_718 : i32 to index
        %swap3A_856 = tpu.vector_load %arg54[%swap3A_855] {strides = array<i32>} : memref<1392xf32, #tpu.memory_space<vmem>>, vector<16xf32>,
        %swap3A_857 = vector.shape_cast %swap3A_856 : vector<16xf32> to vector<16xf32>
        %swap3A_858 = vector.shape_cast %neg3A_854 : vector<16xf32> to vector<16xf32>
        tpu.vector_store %arg54[%swap3A_855], %swap3A_858 {strides = array<i32>} : memref<1392xf32, #tpu.memory_space<vmem>>, vector<16xf32>,
        %add3A_859 = arith.addf %scan3A_716, %select_n3A_811 : vector<16xf32>
        scf.yield %add3A_859 : vector<16xf32>
      }
      %scan3A_535 = arith.constant 87 : i32
      %dma_wait3A_536 = arith.constant 0 : i32
      %dma_wait3A_537 = tpu.memref_slice %arg18[%dma_wait3A_536] : memref<50048xf32, #tpu.memory_space<vmem_shared>> -> memref<50048xf32, #tpu.memory_space<vmem_shared>>
      tpu.wait_indirect_dma semaphore(%arg58 : memref<!tpu.dma_semaphore, #tpu.memory_space<semaphore_mem>>) src(%arg43 : memref<1392xf32, #tpu.memory_space<vmem>>) dst(%dma_wait3A_537 : memref<50048xf32, #tpu.memory_space<vmem_shared>>)
      %dma_wait3A_538 = arith.constant 0 : i32
      %dma_wait3A_539 = tpu.memref_slice %arg19[%dma_wait3A_538] : memref<50048xf32, #tpu.memory_space<vmem_shared>> -> memref<50048xf32, #tpu.memory_space<vmem_shared>>
      tpu.wait_indirect_dma semaphore(%arg58 : memref<!tpu.dma_semaphore, #tpu.memory_space<semaphore_mem>>) src(%arg45 : memref<1392xf32, #tpu.memory_space<vmem>>) dst(%dma_wait3A_539 : memref<50048xf32, #tpu.memory_space<vmem_shared>>)
      %dma_wait3A_540 = arith.constant 0 : i32
      %dma_wait3A_541 = tpu.memref_slice %arg20[%dma_wait3A_540] : memref<50048xf32, #tpu.memory_space<vmem_shared>> -> memref<50048xf32, #tpu.memory_space<vmem_shared>>
      tpu.wait_indirect_dma semaphore(%arg58 : memref<!tpu.dma_semaphore, #tpu.memory_space<semaphore_mem>>) src(%arg47 : memref<1392xf32, #tpu.memory_space<vmem>>) dst(%dma_wait3A_541 : memref<50048xf32, #tpu.memory_space<vmem_shared>>)
      %dma_wait3A_542 = arith.constant 0 : i32
      %dma_wait3A_543 = tpu.memref_slice %arg18[%dma_wait3A_542] : memref<50048xf32, #tpu.memory_space<vmem_shared>> -> memref<50048xf32, #tpu.memory_space<vmem_shared>>
      tpu.wait_indirect_dma semaphore(%arg58 : memref<!tpu.dma_semaphore, #tpu.memory_space<semaphore_mem>>) src(%arg49 : memref<1392xf32, #tpu.memory_space<vmem>>) dst(%dma_wait3A_543 : memref<50048xf32, #tpu.memory_space<vmem_shared>>)
      %dma_wait3A_544 = arith.constant 0 : i32
      %dma_wait3A_545 = tpu.memref_slice %arg19[%dma_wait3A_544] : memref<50048xf32, #tpu.memory_space<vmem_shared>> -> memref<50048xf32, #tpu.memory_space<vmem_shared>>
      tpu.wait_indirect_dma semaphore(%arg58 : memref<!tpu.dma_semaphore, #tpu.memory_space<semaphore_mem>>) src(%arg51 : memref<1392xf32, #tpu.memory_space<vmem>>) dst(%dma_wait3A_545 : memref<50048xf32, #tpu.memory_space<vmem_shared>>)
      %dma_wait3A_546 = arith.constant 0 : i32
      %dma_wait3A_547 = tpu.memref_slice %arg20[%dma_wait3A_546] : memref<50048xf32, #tpu.memory_space<vmem_shared>> -> memref<50048xf32, #tpu.memory_space<vmem_shared>>
      tpu.wait_indirect_dma semaphore(%arg58 : memref<!tpu.dma_semaphore, #tpu.memory_space<semaphore_mem>>) src(%arg53 : memref<1392xf32, #tpu.memory_space<vmem>>) dst(%dma_wait3A_547 : memref<50048xf32, #tpu.memory_space<vmem_shared>>)
      %dma_start3A_548 = arith.constant 0 : i32
      %dma_start3A_549 = tpu.memref_slice %arg18[%dma_start3A_548] : memref<50048xf32, #tpu.memory_space<vmem_shared>> -> memref<50048xf32, #tpu.memory_space<vmem_shared>>
      tpu.enqueue_indirect_dma source(%arg44 : memref<1392xf32, #tpu.memory_space<vmem>>) target(%dma_start3A_549 : memref<50048xf32, #tpu.memory_space<vmem_shared>>) offsets(%arg21 : memref<1392xi32, #tpu.memory_space<vmem>>) semaphore(%arg58 : memref<!tpu.dma_semaphore, #tpu.memory_space<semaphore_mem>>) {add = true}
      %dma_start3A_550 = arith.constant 0 : i32
      %dma_start3A_551 = tpu.memref_slice %arg19[%dma_start3A_550] : memref<50048xf32, #tpu.memory_space<vmem_shared>> -> memref<50048xf32, #tpu.memory_space<vmem_shared>>
      tpu.enqueue_indirect_dma source(%arg46 : memref<1392xf32, #tpu.memory_space<vmem>>) target(%dma_start3A_551 : memref<50048xf32, #tpu.memory_space<vmem_shared>>) offsets(%arg21 : memref<1392xi32, #tpu.memory_space<vmem>>) semaphore(%arg58 : memref<!tpu.dma_semaphore, #tpu.memory_space<semaphore_mem>>) {add = true}
      %dma_start3A_552 = arith.constant 0 : i32
      %dma_start3A_553 = tpu.memref_slice %arg20[%dma_start3A_552] : memref<50048xf32, #tpu.memory_space<vmem_shared>> -> memref<50048xf32, #tpu.memory_space<vmem_shared>>
      tpu.enqueue_indirect_dma source(%arg48 : memref<1392xf32, #tpu.memory_space<vmem>>) target(%dma_start3A_553 : memref<50048xf32, #tpu.memory_space<vmem_shared>>) offsets(%arg21 : memref<1392xi32, #tpu.memory_space<vmem>>) semaphore(%arg58 : memref<!tpu.dma_semaphore, #tpu.memory_space<semaphore_mem>>) {add = true}
      %dma_start3A_554 = arith.constant 0 : i32
      %dma_start3A_555 = tpu.memref_slice %arg18[%dma_start3A_554] : memref<50048xf32, #tpu.memory_space<vmem_shared>> -> memref<50048xf32, #tpu.memory_space<vmem_shared>>
      tpu.enqueue_indirect_dma source(%arg50 : memref<1392xf32, #tpu.memory_space<vmem>>) target(%dma_start3A_555 : memref<50048xf32, #tpu.memory_space<vmem_shared>>) offsets(%arg24 : memref<1392xi32, #tpu.memory_space<vmem>>) semaphore(%arg58 : memref<!tpu.dma_semaphore, #tpu.memory_space<semaphore_mem>>) {add = true}
      %dma_start3A_556 = arith.constant 0 : i32
      %dma_start3A_557 = tpu.memref_slice %arg19[%dma_start3A_556] : memref<50048xf32, #tpu.memory_space<vmem_shared>> -> memref<50048xf32, #tpu.memory_space<vmem_shared>>
      tpu.enqueue_indirect_dma source(%arg52 : memref<1392xf32, #tpu.memory_space<vmem>>) target(%dma_start3A_557 : memref<50048xf32, #tpu.memory_space<vmem_shared>>) offsets(%arg24 : memref<1392xi32, #tpu.memory_space<vmem>>) semaphore(%arg58 : memref<!tpu.dma_semaphore, #tpu.memory_space<semaphore_mem>>) {add = true}
      %dma_start3A_558 = arith.constant 0 : i32
      %dma_start3A_559 = tpu.memref_slice %arg20[%dma_start3A_558] : memref<50048xf32, #tpu.memory_space<vmem_shared>> -> memref<50048xf32, #tpu.memory_space<vmem_shared>>
      tpu.enqueue_indirect_dma source(%arg54 : memref<1392xf32, #tpu.memory_space<vmem>>) target(%dma_start3A_559 : memref<50048xf32, #tpu.memory_space<vmem_shared>>) offsets(%arg24 : memref<1392xi32, #tpu.memory_space<vmem>>) semaphore(%arg58 : memref<!tpu.dma_semaphore, #tpu.memory_space<semaphore_mem>>) {add = true}
      %add3A_560 = arith.constant 2 : i32
      %add3A_561 = arith.addi %add3A_484, %add3A_560 : i32
      %mul3A_562 = arith.constant 1392 : i32
      %mul3A_563 = arith.muli %add3A_561, %mul3A_562 : i32
      %add3A_564 = arith.addi %mul3A_64, %mul3A_563 : i32
      %lt3A_565 = arith.constant 1599408 : i32
      %lt3A_566 = arith.cmpi slt, %add3A_564, %lt3A_565 : i32
      %convert_element_type3A_567 = arith.extui %lt3A_566 : i1 to i32
      %cond3A_568 = arith.constant 0 : i32
      %cond3A_569 = arith.cmpi ne, %convert_element_type3A_567, %cond3A_568 : i32
      scf.if %cond3A_569 {
        %dma_start3A_715 = tpu.memref_slice %arg5[%add3A_564] : memref<1600000xi32, #tpu.memory_space<hbm>> -> memref<1392xi32, #tpu.memory_space<hbm>>
        %dma_start3A_716 = tpu.memref_slice %arg5[%add3A_564] : memref<1600000xi32, #tpu.memory_space<hbm>> -> memref<1392xi32, #tpu.memory_space<hbm>>
        tpu.enqueue_dma source(%dma_start3A_716 : memref<1392xi32, #tpu.memory_space<hbm>>) target(%arg23 : memref<1392xi32, #tpu.memory_space<vmem>>) target_semaphore(%arg56 : memref<!tpu.dma_semaphore, #tpu.memory_space<semaphore_mem>>)
        %dma_start3A_717 = tpu.memref_slice %arg6[%add3A_564] : memref<1600000xi32, #tpu.memory_space<hbm>> -> memref<1392xi32, #tpu.memory_space<hbm>>
        %dma_start3A_718 = tpu.memref_slice %arg6[%add3A_564] : memref<1600000xi32, #tpu.memory_space<hbm>> -> memref<1392xi32, #tpu.memory_space<hbm>>
        tpu.enqueue_dma source(%dma_start3A_718 : memref<1392xi32, #tpu.memory_space<hbm>>) target(%arg26 : memref<1392xi32, #tpu.memory_space<vmem>>) target_semaphore(%arg56 : memref<!tpu.dma_semaphore, #tpu.memory_space<semaphore_mem>>)
        %dma_start3A_719 = tpu.memref_slice %arg7[%add3A_564] : memref<1600000xf32, #tpu.memory_space<hbm>> -> memref<1392xf32, #tpu.memory_space<hbm>>
        %dma_start3A_720 = tpu.memref_slice %arg7[%add3A_564] : memref<1600000xf32, #tpu.memory_space<hbm>> -> memref<1392xf32, #tpu.memory_space<hbm>>
        tpu.enqueue_dma source(%dma_start3A_720 : memref<1392xf32, #tpu.memory_space<hbm>>) target(%arg28 : memref<1392xf32, #tpu.memory_space<vmem>>) target_semaphore(%arg56 : memref<!tpu.dma_semaphore, #tpu.memory_space<semaphore_mem>>)
        %dma_start3A_721 = tpu.memref_slice %arg8[%add3A_564] : memref<1600000xf32, #tpu.memory_space<hbm>> -> memref<1392xf32, #tpu.memory_space<hbm>>
        %dma_start3A_722 = tpu.memref_slice %arg8[%add3A_564] : memref<1600000xf32, #tpu.memory_space<hbm>> -> memref<1392xf32, #tpu.memory_space<hbm>>
        tpu.enqueue_dma source(%dma_start3A_722 : memref<1392xf32, #tpu.memory_space<hbm>>) target(%arg30 : memref<1392xf32, #tpu.memory_space<vmem>>) target_semaphore(%arg56 : memref<!tpu.dma_semaphore, #tpu.memory_space<semaphore_mem>>)
      } else {
      }
      %ge3A_570 = arith.constant 1599408 : i32
      %ge3A_571 = arith.cmpi sge, %add3A_564, %ge3A_570 : i32
      %convert_element_type3A_572 = arith.extui %ge3A_571 : i1 to i32
      %cond3A_573 = arith.constant 0 : i32
      %cond3A_574 = arith.cmpi ne, %convert_element_type3A_572, %cond3A_573 : i32
      scf.if %cond3A_574 {
        %sub3A = arith.constant 1599408 : i32
        %sub3A_715 = arith.subi %add3A_564, %sub3A : i32
        %dma_start3A_716 = tpu.memref_slice %arg9[%sub3A_715] : memref<4176xi32, #tpu.memory_space<hbm>> -> memref<1392xi32, #tpu.memory_space<hbm>>
        %dma_start3A_717 = tpu.memref_slice %arg9[%sub3A_715] : memref<4176xi32, #tpu.memory_space<hbm>> -> memref<1392xi32, #tpu.memory_space<hbm>>
        tpu.enqueue_dma source(%dma_start3A_717 : memref<1392xi32, #tpu.memory_space<hbm>>) target(%arg23 : memref<1392xi32, #tpu.memory_space<vmem>>) target_semaphore(%arg56 : memref<!tpu.dma_semaphore, #tpu.memory_space<semaphore_mem>>)
        %dma_start3A_718 = tpu.memref_slice %arg10[%sub3A_715] : memref<4176xi32, #tpu.memory_space<hbm>> -> memref<1392xi32, #tpu.memory_space<hbm>>
        %dma_start3A_719 = tpu.memref_slice %arg10[%sub3A_715] : memref<4176xi32, #tpu.memory_space<hbm>> -> memref<1392xi32, #tpu.memory_space<hbm>>
        tpu.enqueue_dma source(%dma_start3A_719 : memref<1392xi32, #tpu.memory_space<hbm>>) target(%arg26 : memref<1392xi32, #tpu.memory_space<vmem>>) target_semaphore(%arg56 : memref<!tpu.dma_semaphore, #tpu.memory_space<semaphore_mem>>)
        %dma_start3A_720 = tpu.memref_slice %arg11[%sub3A_715] : memref<4176xf32, #tpu.memory_space<hbm>> -> memref<1392xf32, #tpu.memory_space<hbm>>
        %dma_start3A_721 = tpu.memref_slice %arg11[%sub3A_715] : memref<4176xf32, #tpu.memory_space<hbm>> -> memref<1392xf32, #tpu.memory_space<hbm>>
        tpu.enqueue_dma source(%dma_start3A_721 : memref<1392xf32, #tpu.memory_space<hbm>>) target(%arg28 : memref<1392xf32, #tpu.memory_space<vmem>>) target_semaphore(%arg56 : memref<!tpu.dma_semaphore, #tpu.memory_space<semaphore_mem>>)
        %dma_start3A_722 = tpu.memref_slice %arg12[%sub3A_715] : memref<4176xf32, #tpu.memory_space<hbm>> -> memref<1392xf32, #tpu.memory_space<hbm>>
        %dma_start3A_723 = tpu.memref_slice %arg12[%sub3A_715] : memref<4176xf32, #tpu.memory_space<hbm>> -> memref<1392xf32, #tpu.memory_space<hbm>>
        tpu.enqueue_dma source(%dma_start3A_723 : memref<1392xf32, #tpu.memory_space<hbm>>) target(%arg30 : memref<1392xf32, #tpu.memory_space<vmem>>) target_semaphore(%arg56 : memref<!tpu.dma_semaphore, #tpu.memory_space<semaphore_mem>>)
      } else {
      }
      %mul3A_575 = arith.constant 6 : i32
      %mul3A_576 = arith.muli %mul3A_575, %scan3A_205 : i32
      %add3A_577 = arith.constant 4 : i32
      %add3A_578 = arith.addi %mul3A_576, %add3A_577 : i32
      %dma_wait3A_579 = arith.constant 0 : i32
      %dma_wait3A_580 = tpu.memref_slice %arg15[%dma_wait3A_579] : memref<50048xf32, #tpu.memory_space<vmem_shared>> -> memref<50048xf32, #tpu.memory_space<vmem_shared>>
      tpu.wait_indirect_dma semaphore(%arg57 : memref<!tpu.dma_semaphore, #tpu.memory_space<semaphore_mem>>) src(%dma_wait3A_580 : memref<50048xf32, #tpu.memory_space<vmem_shared>>) dst(%arg31 : memref<1392xf32, #tpu.memory_space<vmem>>)
      %dma_wait3A_581 = arith.constant 0 : i32
      %dma_wait3A_582 = tpu.memref_slice %arg16[%dma_wait3A_581] : memref<50048xf32, #tpu.memory_space<vmem_shared>> -> memref<50048xf32, #tpu.memory_space<vmem_shared>>
      tpu.wait_indirect_dma semaphore(%arg57 : memref<!tpu.dma_semaphore, #tpu.memory_space<semaphore_mem>>) src(%dma_wait3A_582 : memref<50048xf32, #tpu.memory_space<vmem_shared>>) dst(%arg33 : memref<1392xf32, #tpu.memory_space<vmem>>)
      %dma_wait3A_583 = arith.constant 0 : i32
      %dma_wait3A_584 = tpu.memref_slice %arg17[%dma_wait3A_583] : memref<50048xf32, #tpu.memory_space<vmem_shared>> -> memref<50048xf32, #tpu.memory_space<vmem_shared>>
      tpu.wait_indirect_dma semaphore(%arg57 : memref<!tpu.dma_semaphore, #tpu.memory_space<semaphore_mem>>) src(%dma_wait3A_584 : memref<50048xf32, #tpu.memory_space<vmem_shared>>) dst(%arg35 : memref<1392xf32, #tpu.memory_space<vmem>>)
      %dma_wait3A_585 = arith.constant 0 : i32
      %dma_wait3A_586 = tpu.memref_slice %arg15[%dma_wait3A_585] : memref<50048xf32, #tpu.memory_space<vmem_shared>> -> memref<50048xf32, #tpu.memory_space<vmem_shared>>
      tpu.wait_indirect_dma semaphore(%arg57 : memref<!tpu.dma_semaphore, #tpu.memory_space<semaphore_mem>>) src(%dma_wait3A_586 : memref<50048xf32, #tpu.memory_space<vmem_shared>>) dst(%arg37 : memref<1392xf32, #tpu.memory_space<vmem>>)
      %dma_wait3A_587 = arith.constant 0 : i32
      %dma_wait3A_588 = tpu.memref_slice %arg16[%dma_wait3A_587] : memref<50048xf32, #tpu.memory_space<vmem_shared>> -> memref<50048xf32, #tpu.memory_space<vmem_shared>>
      tpu.wait_indirect_dma semaphore(%arg57 : memref<!tpu.dma_semaphore, #tpu.memory_space<semaphore_mem>>) src(%dma_wait3A_588 : memref<50048xf32, #tpu.memory_space<vmem_shared>>) dst(%arg39 : memref<1392xf32, #tpu.memory_space<vmem>>)
      %dma_wait3A_589 = arith.constant 0 : i32
      %dma_wait3A_590 = tpu.memref_slice %arg17[%dma_wait3A_589] : memref<50048xf32, #tpu.memory_space<vmem_shared>> -> memref<50048xf32, #tpu.memory_space<vmem_shared>>
      tpu.wait_indirect_dma semaphore(%arg57 : memref<!tpu.dma_semaphore, #tpu.memory_space<semaphore_mem>>) src(%dma_wait3A_590 : memref<50048xf32, #tpu.memory_space<vmem_shared>>) dst(%arg41 : memref<1392xf32, #tpu.memory_space<vmem>>)
      %add3A_591 = arith.constant 1 : i32
      %add3A_592 = arith.addi %add3A_578, %add3A_591 : i32
      %mul3A_593 = arith.constant 1392 : i32
      %mul3A_594 = arith.muli %add3A_592, %mul3A_593 : i32
      %add3A_595 = arith.addi %mul3A_64, %mul3A_594 : i32
      %dma_wait3A_596 = arith.constant 0 : i32
      %dma_wait3A_597 = tpu.memref_slice %arg5[%dma_wait3A_596] : memref<1600000xi32, #tpu.memory_space<hbm>> -> memref<1392xi32, #tpu.memory_space<hbm>>
      %dma_wait3A_598 = arith.constant 0 : i32
      %dma_wait3A_599 = tpu.memref_slice %arg5[%dma_wait3A_598] : memref<1600000xi32, #tpu.memory_space<hbm>> -> memref<1392xi32, #tpu.memory_space<hbm>>
      tpu.wait_dma2 semaphore(%arg56 : memref<!tpu.dma_semaphore, #tpu.memory_space<semaphore_mem>>) src(%dma_wait3A_599 : memref<1392xi32, #tpu.memory_space<hbm>>) dst(%arg23 : memref<1392xi32, #tpu.memory_space<vmem>>)
      %dma_wait3A_600 = arith.constant 0 : i32
      %dma_wait3A_601 = tpu.memref_slice %arg6[%dma_wait3A_600] : memref<1600000xi32, #tpu.memory_space<hbm>> -> memref<1392xi32, #tpu.memory_space<hbm>>
      %dma_wait3A_602 = arith.constant 0 : i32
      %dma_wait3A_603 = tpu.memref_slice %arg6[%dma_wait3A_602] : memref<1600000xi32, #tpu.memory_space<hbm>> -> memref<1392xi32, #tpu.memory_space<hbm>>
      tpu.wait_dma2 semaphore(%arg56 : memref<!tpu.dma_semaphore, #tpu.memory_space<semaphore_mem>>) src(%dma_wait3A_603 : memref<1392xi32, #tpu.memory_space<hbm>>) dst(%arg26 : memref<1392xi32, #tpu.memory_space<vmem>>)
      %dma_wait3A_604 = arith.constant 0 : i32
      %dma_wait3A_605 = tpu.memref_slice %arg7[%dma_wait3A_604] : memref<1600000xf32, #tpu.memory_space<hbm>> -> memref<1392xf32, #tpu.memory_space<hbm>>
      %dma_wait3A_606 = arith.constant 0 : i32
      %dma_wait3A_607 = tpu.memref_slice %arg7[%dma_wait3A_606] : memref<1600000xf32, #tpu.memory_space<hbm>> -> memref<1392xf32, #tpu.memory_space<hbm>>
      tpu.wait_dma2 semaphore(%arg56 : memref<!tpu.dma_semaphore, #tpu.memory_space<semaphore_mem>>) src(%dma_wait3A_607 : memref<1392xf32, #tpu.memory_space<hbm>>) dst(%arg28 : memref<1392xf32, #tpu.memory_space<vmem>>)
      %dma_wait3A_608 = arith.constant 0 : i32
      %dma_wait3A_609 = tpu.memref_slice %arg8[%dma_wait3A_608] : memref<1600000xf32, #tpu.memory_space<hbm>> -> memref<1392xf32, #tpu.memory_space<hbm>>
      %dma_wait3A_610 = arith.constant 0 : i32
      %dma_wait3A_611 = tpu.memref_slice %arg8[%dma_wait3A_610] : memref<1600000xf32, #tpu.memory_space<hbm>> -> memref<1392xf32, #tpu.memory_space<hbm>>
      tpu.wait_dma2 semaphore(%arg56 : memref<!tpu.dma_semaphore, #tpu.memory_space<semaphore_mem>>) src(%dma_wait3A_611 : memref<1392xf32, #tpu.memory_space<hbm>>) dst(%arg30 : memref<1392xf32, #tpu.memory_space<vmem>>)
      %dma_start3A_612 = arith.constant 0 : i32
      %dma_start3A_613 = tpu.memref_slice %arg15[%dma_start3A_612] : memref<50048xf32, #tpu.memory_space<vmem_shared>> -> memref<50048xf32, #tpu.memory_space<vmem_shared>>
      tpu.enqueue_indirect_dma source(%dma_start3A_613 : memref<50048xf32, #tpu.memory_space<vmem_shared>>) target(%arg32 : memref<1392xf32, #tpu.memory_space<vmem>>) offsets(%arg23 : memref<1392xi32, #tpu.memory_space<vmem>>) semaphore(%arg57 : memref<!tpu.dma_semaphore, #tpu.memory_space<semaphore_mem>>)
      %dma_start3A_614 = arith.constant 0 : i32
      %dma_start3A_615 = tpu.memref_slice %arg16[%dma_start3A_614] : memref<50048xf32, #tpu.memory_space<vmem_shared>> -> memref<50048xf32, #tpu.memory_space<vmem_shared>>
      tpu.enqueue_indirect_dma source(%dma_start3A_615 : memref<50048xf32, #tpu.memory_space<vmem_shared>>) target(%arg34 : memref<1392xf32, #tpu.memory_space<vmem>>) offsets(%arg23 : memref<1392xi32, #tpu.memory_space<vmem>>) semaphore(%arg57 : memref<!tpu.dma_semaphore, #tpu.memory_space<semaphore_mem>>)
      %dma_start3A_616 = arith.constant 0 : i32
      %dma_start3A_617 = tpu.memref_slice %arg17[%dma_start3A_616] : memref<50048xf32, #tpu.memory_space<vmem_shared>> -> memref<50048xf32, #tpu.memory_space<vmem_shared>>
      tpu.enqueue_indirect_dma source(%dma_start3A_617 : memref<50048xf32, #tpu.memory_space<vmem_shared>>) target(%arg36 : memref<1392xf32, #tpu.memory_space<vmem>>) offsets(%arg23 : memref<1392xi32, #tpu.memory_space<vmem>>) semaphore(%arg57 : memref<!tpu.dma_semaphore, #tpu.memory_space<semaphore_mem>>)
      %dma_start3A_618 = arith.constant 0 : i32
      %dma_start3A_619 = tpu.memref_slice %arg15[%dma_start3A_618] : memref<50048xf32, #tpu.memory_space<vmem_shared>> -> memref<50048xf32, #tpu.memory_space<vmem_shared>>
      tpu.enqueue_indirect_dma source(%dma_start3A_619 : memref<50048xf32, #tpu.memory_space<vmem_shared>>) target(%arg38 : memref<1392xf32, #tpu.memory_space<vmem>>) offsets(%arg26 : memref<1392xi32, #tpu.memory_space<vmem>>) semaphore(%arg57 : memref<!tpu.dma_semaphore, #tpu.memory_space<semaphore_mem>>)
      %dma_start3A_620 = arith.constant 0 : i32
      %dma_start3A_621 = tpu.memref_slice %arg16[%dma_start3A_620] : memref<50048xf32, #tpu.memory_space<vmem_shared>> -> memref<50048xf32, #tpu.memory_space<vmem_shared>>
      tpu.enqueue_indirect_dma source(%dma_start3A_621 : memref<50048xf32, #tpu.memory_space<vmem_shared>>) target(%arg40 : memref<1392xf32, #tpu.memory_space<vmem>>) offsets(%arg26 : memref<1392xi32, #tpu.memory_space<vmem>>) semaphore(%arg57 : memref<!tpu.dma_semaphore, #tpu.memory_space<semaphore_mem>>)
      %dma_start3A_622 = arith.constant 0 : i32
      %dma_start3A_623 = tpu.memref_slice %arg17[%dma_start3A_622] : memref<50048xf32, #tpu.memory_space<vmem_shared>> -> memref<50048xf32, #tpu.memory_space<vmem_shared>>
      tpu.enqueue_indirect_dma source(%dma_start3A_623 : memref<50048xf32, #tpu.memory_space<vmem_shared>>) target(%arg42 : memref<1392xf32, #tpu.memory_space<vmem>>) offsets(%arg26 : memref<1392xi32, #tpu.memory_space<vmem>>) semaphore(%arg57 : memref<!tpu.dma_semaphore, #tpu.memory_space<semaphore_mem>>)
      %scan3A_624 = arith.constant 0 : i32
      %scan3A_625 = arith.constant 87 : i32
      %scan3A_626 = arith.addi %scan3A_624, %scan3A_625 : i32
      %scan3A_627 = arith.constant 1 : i32
      %scan3A_628 = scf.for %scan3A_715 = %scan3A_624 to %scan3A_626 step %scan3A_627 iter_args(%scan3A_716 = %scan3A_534) -> (vector<16xf32>)  : i32 {
        %mul3A_717 = arith.constant 16 : i32
        %mul3A_718 = arith.muli %scan3A_715, %mul3A_717 : i32
        %get3A = arith.index_cast %mul3A_718 : i32 to index
        %get3A_719 = tpu.vector_load %arg31[%get3A] {strides = array<i32>} : memref<1392xf32, #tpu.memory_space<vmem>>, vector<16xf32>,
        %get3A_720 = vector.shape_cast %get3A_719 : vector<16xf32> to vector<16xf32>
        %get3A_721 = arith.index_cast %mul3A_718 : i32 to index
        %get3A_722 = tpu.vector_load %arg37[%get3A_721] {strides = array<i32>} : memref<1392xf32, #tpu.memory_space<vmem>>, vector<16xf32>,
        %get3A_723 = vector.shape_cast %get3A_722 : vector<16xf32> to vector<16xf32>
        %sub3A = arith.subf %get3A_720, %get3A_723 : vector<16xf32>
        %get3A_724 = arith.index_cast %mul3A_718 : i32 to index
        %get3A_725 = tpu.vector_load %arg33[%get3A_724] {strides = array<i32>} : memref<1392xf32, #tpu.memory_space<vmem>>, vector<16xf32>,
        %get3A_726 = vector.shape_cast %get3A_725 : vector<16xf32> to vector<16xf32>
        %get3A_727 = arith.index_cast %mul3A_718 : i32 to index
        %get3A_728 = tpu.vector_load %arg39[%get3A_727] {strides = array<i32>} : memref<1392xf32, #tpu.memory_space<vmem>>, vector<16xf32>,
        %get3A_729 = vector.shape_cast %get3A_728 : vector<16xf32> to vector<16xf32>
        %sub3A_730 = arith.subf %get3A_726, %get3A_729 : vector<16xf32>
        %get3A_731 = arith.index_cast %mul3A_718 : i32 to index
        %get3A_732 = tpu.vector_load %arg35[%get3A_731] {strides = array<i32>} : memref<1392xf32, #tpu.memory_space<vmem>>, vector<16xf32>,
        %get3A_733 = vector.shape_cast %get3A_732 : vector<16xf32> to vector<16xf32>
        %get3A_734 = arith.index_cast %mul3A_718 : i32 to index
        %get3A_735 = tpu.vector_load %arg41[%get3A_734] {strides = array<i32>} : memref<1392xf32, #tpu.memory_space<vmem>>, vector<16xf32>,
        %get3A_736 = vector.shape_cast %get3A_735 : vector<16xf32> to vector<16xf32>
        %sub3A_737 = arith.subf %get3A_733, %get3A_736 : vector<16xf32>
        %gt3A_738 = arith.constant 1.500000e+01 : f32
        %gt3A_739 = vector.broadcast %gt3A_738 : f32 to vector<16xf32>
        %gt3A_740 = arith.cmpf ogt, %sub3A, %gt3A_739 : vector<16xf32>
        %lt3A_741 = arith.constant -1.500000e+01 : f32
        %lt3A_742 = vector.broadcast %lt3A_741 : f32 to vector<16xf32>
        %lt3A_743 = arith.cmpf olt, %sub3A, %lt3A_742 : vector<16xf32>
        %jit3A = arith.constant -3.000000e+01 : f32
        %jit3A_744 = arith.constant 0.000000e+00 : f32
        %broadcast_in_dim3A_745 = vector.broadcast %jit3A : f32 to vector<16xf32>
        %broadcast_in_dim3A_746 = vector.broadcast %jit3A_744 : f32 to vector<16xf32>
        %select_n3A = arith.select %lt3A_743, %broadcast_in_dim3A_745, %broadcast_in_dim3A_746 : vector<16xi1>, vector<16xf32>
        %jit3A_747 = arith.constant 3.000000e+01 : f32
        %broadcast_in_dim3A_748 = vector.broadcast %jit3A_747 : f32 to vector<16xf32>
        %select_n3A_749 = arith.select %gt3A_740, %broadcast_in_dim3A_748, %select_n3A : vector<16xi1>, vector<16xf32>
        %sub3A_750 = arith.subf %sub3A, %select_n3A_749 : vector<16xf32>
        %gt3A_751 = arith.constant 1.500000e+01 : f32
        %gt3A_752 = vector.broadcast %gt3A_751 : f32 to vector<16xf32>
        %gt3A_753 = arith.cmpf ogt, %sub3A_730, %gt3A_752 : vector<16xf32>
        %lt3A_754 = arith.constant -1.500000e+01 : f32
        %lt3A_755 = vector.broadcast %lt3A_754 : f32 to vector<16xf32>
        %lt3A_756 = arith.cmpf olt, %sub3A_730, %lt3A_755 : vector<16xf32>
        %jit3A_757 = arith.constant -3.000000e+01 : f32
        %jit3A_758 = arith.constant 0.000000e+00 : f32
        %broadcast_in_dim3A_759 = vector.broadcast %jit3A_757 : f32 to vector<16xf32>
        %broadcast_in_dim3A_760 = vector.broadcast %jit3A_758 : f32 to vector<16xf32>
        %select_n3A_761 = arith.select %lt3A_756, %broadcast_in_dim3A_759, %broadcast_in_dim3A_760 : vector<16xi1>, vector<16xf32>
        %jit3A_762 = arith.constant 3.000000e+01 : f32
        %broadcast_in_dim3A_763 = vector.broadcast %jit3A_762 : f32 to vector<16xf32>
        %select_n3A_764 = arith.select %gt3A_753, %broadcast_in_dim3A_763, %select_n3A_761 : vector<16xi1>, vector<16xf32>
        %sub3A_765 = arith.subf %sub3A_730, %select_n3A_764 : vector<16xf32>
        %gt3A_766 = arith.constant 1.500000e+01 : f32
        %gt3A_767 = vector.broadcast %gt3A_766 : f32 to vector<16xf32>
        %gt3A_768 = arith.cmpf ogt, %sub3A_737, %gt3A_767 : vector<16xf32>
        %lt3A_769 = arith.constant -1.500000e+01 : f32
        %lt3A_770 = vector.broadcast %lt3A_769 : f32 to vector<16xf32>
        %lt3A_771 = arith.cmpf olt, %sub3A_737, %lt3A_770 : vector<16xf32>
        %jit3A_772 = arith.constant -3.000000e+01 : f32
        %jit3A_773 = arith.constant 0.000000e+00 : f32
        %broadcast_in_dim3A_774 = vector.broadcast %jit3A_772 : f32 to vector<16xf32>
        %broadcast_in_dim3A_775 = vector.broadcast %jit3A_773 : f32 to vector<16xf32>
        %select_n3A_776 = arith.select %lt3A_771, %broadcast_in_dim3A_774, %broadcast_in_dim3A_775 : vector<16xi1>, vector<16xf32>
        %jit3A_777 = arith.constant 3.000000e+01 : f32
        %broadcast_in_dim3A_778 = vector.broadcast %jit3A_777 : f32 to vector<16xf32>
        %select_n3A_779 = arith.select %gt3A_768, %broadcast_in_dim3A_778, %select_n3A_776 : vector<16xi1>, vector<16xf32>
        %sub3A_780 = arith.subf %sub3A_737, %select_n3A_779 : vector<16xf32>
        %mul3A_781 = arith.mulf %sub3A_750, %sub3A_750 : vector<16xf32>
        %mul3A_782 = arith.mulf %sub3A_765, %sub3A_765 : vector<16xf32>
        %add3A_783 = arith.addf %mul3A_781, %mul3A_782 : vector<16xf32>
        %mul3A_784 = arith.mulf %sub3A_780, %sub3A_780 : vector<16xf32>
        %add3A_785 = arith.addf %add3A_783, %mul3A_784 : vector<16xf32>
        %max3A = arith.constant 1.000000e-24 : f32
        %max3A_786 = vector.broadcast %max3A : f32 to vector<16xf32>
        %max3A_787 = arith.maximumf %add3A_785, %max3A_786 : vector<16xf32>
        %div3A = arith.constant 1.000000e+00 : f32
        %div3A_788 = vector.broadcast %div3A : f32 to vector<16xf32>
        %div3A_789 = arith.divf %div3A_788, %max3A_787 : vector<16xf32>
        %get3A_790 = arith.index_cast %mul3A_718 : i32 to index
        %get3A_791 = tpu.vector_load %arg27[%get3A_790] {strides = array<i32>} : memref<1392xf32, #tpu.memory_space<vmem>>, vector<16xf32>,
        %get3A_792 = vector.shape_cast %get3A_791 : vector<16xf32> to vector<16xf32>
        %get3A_793 = arith.index_cast %mul3A_718 : i32 to index
        %get3A_794 = tpu.vector_load %arg29[%get3A_793] {strides = array<i32>} : memref<1392xf32, #tpu.memory_space<vmem>>, vector<16xf32>,
        %get3A_795 = vector.shape_cast %get3A_794 : vector<16xf32> to vector<16xf32>
        %mul3A_796 = arith.mulf %get3A_795, %get3A_795 : vector<16xf32>
        %mul3A_797 = arith.mulf %mul3A_796, %div3A_789 : vector<16xf32>
        %mul3A_798 = arith.mulf %mul3A_797, %mul3A_797 : vector<16xf32>
        %mul3A_799 = arith.mulf %mul3A_798, %mul3A_797 : vector<16xf32>
        %mul3A_800 = arith.mulf %mul3A_799, %mul3A_799 : vector<16xf32>
        %lt3A_801 = arith.constant 9.000000e+00 : f32
        %lt3A_802 = vector.broadcast %lt3A_801 : f32 to vector<16xf32>
        %lt3A_803 = arith.cmpf olt, %max3A_787, %lt3A_802 : vector<16xf32>
        %mul3A_804 = arith.constant 4.000000e+00 : f32
        %mul3A_805 = vector.broadcast %mul3A_804 : f32 to vector<16xf32>
        %mul3A_806 = arith.mulf %mul3A_805, %get3A_792 : vector<16xf32>
        %sub3A_807 = arith.subf %mul3A_800, %mul3A_799 : vector<16xf32>
        %mul3A_808 = arith.mulf %mul3A_806, %sub3A_807 : vector<16xf32>
        %jit3A_809 = arith.constant 0.000000e+00 : f32
        %broadcast_in_dim3A_810 = vector.broadcast %jit3A_809 : f32 to vector<16xf32>
        %select_n3A_811 = arith.select %lt3A_803, %mul3A_808, %broadcast_in_dim3A_810 : vector<16xi1>, vector<16xf32>
        %mul3A_812 = arith.constant 2.400000e+01 : f32
        %mul3A_813 = vector.broadcast %mul3A_812 : f32 to vector<16xf32>
        %mul3A_814 = arith.mulf %mul3A_813, %get3A_792 : vector<16xf32>
        %mul3A_815 = arith.mulf %mul3A_814, %div3A_789 : vector<16xf32>
        %mul3A_816 = arith.constant 2.000000e+00 : f32
        %mul3A_817 = vector.broadcast %mul3A_816 : f32 to vector<16xf32>
        %mul3A_818 = arith.mulf %mul3A_817, %mul3A_800 : vector<16xf32>
        %sub3A_819 = arith.subf %mul3A_818, %mul3A_799 : vector<16xf32>
        %mul3A_820 = arith.mulf %mul3A_815, %sub3A_819 : vector<16xf32>
        %jit3A_821 = arith.constant 0.000000e+00 : f32
        %broadcast_in_dim3A_822 = vector.broadcast %jit3A_821 : f32 to vector<16xf32>
        %select_n3A_823 = arith.select %lt3A_803, %mul3A_820, %broadcast_in_dim3A_822 : vector<16xi1>, vector<16xf32>
        %mul3A_824 = arith.mulf %select_n3A_823, %sub3A_750 : vector<16xf32>
        %mul3A_825 = arith.mulf %select_n3A_823, %sub3A_765 : vector<16xf32>
        %mul3A_826 = arith.mulf %select_n3A_823, %sub3A_780 : vector<16xf32>
        %swap3A_827 = arith.index_cast %mul3A_718 : i32 to index
        %swap3A_828 = tpu.vector_load %arg43[%swap3A_827] {strides = array<i32>} : memref<1392xf32, #tpu.memory_space<vmem>>, vector<16xf32>,
        %swap3A_829 = vector.shape_cast %swap3A_828 : vector<16xf32> to vector<16xf32>
        %swap3A_830 = vector.shape_cast %mul3A_824 : vector<16xf32> to vector<16xf32>
        tpu.vector_store %arg43[%swap3A_827], %swap3A_830 {strides = array<i32>} : memref<1392xf32, #tpu.memory_space<vmem>>, vector<16xf32>,
        %swap3A_831 = arith.index_cast %mul3A_718 : i32 to index
        %swap3A_832 = tpu.vector_load %arg45[%swap3A_831] {strides = array<i32>} : memref<1392xf32, #tpu.memory_space<vmem>>, vector<16xf32>,
        %swap3A_833 = vector.shape_cast %swap3A_832 : vector<16xf32> to vector<16xf32>
        %swap3A_834 = vector.shape_cast %mul3A_825 : vector<16xf32> to vector<16xf32>
        tpu.vector_store %arg45[%swap3A_831], %swap3A_834 {strides = array<i32>} : memref<1392xf32, #tpu.memory_space<vmem>>, vector<16xf32>,
        %swap3A_835 = arith.index_cast %mul3A_718 : i32 to index
        %swap3A_836 = tpu.vector_load %arg47[%swap3A_835] {strides = array<i32>} : memref<1392xf32, #tpu.memory_space<vmem>>, vector<16xf32>,
        %swap3A_837 = vector.shape_cast %swap3A_836 : vector<16xf32> to vector<16xf32>
        %swap3A_838 = vector.shape_cast %mul3A_826 : vector<16xf32> to vector<16xf32>
        tpu.vector_store %arg47[%swap3A_835], %swap3A_838 {strides = array<i32>} : memref<1392xf32, #tpu.memory_space<vmem>>, vector<16xf32>,
        %neg3A = arith.constant 0.000000e+00 : f32
        %neg3A_839 = vector.broadcast %neg3A : f32 to vector<16xf32>
        %neg3A_840 = arith.subf %neg3A_839, %mul3A_824 : vector<16xf32>
        %swap3A_841 = arith.index_cast %mul3A_718 : i32 to index
        %swap3A_842 = tpu.vector_load %arg49[%swap3A_841] {strides = array<i32>} : memref<1392xf32, #tpu.memory_space<vmem>>, vector<16xf32>,
        %swap3A_843 = vector.shape_cast %swap3A_842 : vector<16xf32> to vector<16xf32>
        %swap3A_844 = vector.shape_cast %neg3A_840 : vector<16xf32> to vector<16xf32>
        tpu.vector_store %arg49[%swap3A_841], %swap3A_844 {strides = array<i32>} : memref<1392xf32, #tpu.memory_space<vmem>>, vector<16xf32>,
        %neg3A_845 = arith.constant 0.000000e+00 : f32
        %neg3A_846 = vector.broadcast %neg3A_845 : f32 to vector<16xf32>
        %neg3A_847 = arith.subf %neg3A_846, %mul3A_825 : vector<16xf32>
        %swap3A_848 = arith.index_cast %mul3A_718 : i32 to index
        %swap3A_849 = tpu.vector_load %arg51[%swap3A_848] {strides = array<i32>} : memref<1392xf32, #tpu.memory_space<vmem>>, vector<16xf32>,
        %swap3A_850 = vector.shape_cast %swap3A_849 : vector<16xf32> to vector<16xf32>
        %swap3A_851 = vector.shape_cast %neg3A_847 : vector<16xf32> to vector<16xf32>
        tpu.vector_store %arg51[%swap3A_848], %swap3A_851 {strides = array<i32>} : memref<1392xf32, #tpu.memory_space<vmem>>, vector<16xf32>,
        %neg3A_852 = arith.constant 0.000000e+00 : f32
        %neg3A_853 = vector.broadcast %neg3A_852 : f32 to vector<16xf32>
        %neg3A_854 = arith.subf %neg3A_853, %mul3A_826 : vector<16xf32>
        %swap3A_855 = arith.index_cast %mul3A_718 : i32 to index
        %swap3A_856 = tpu.vector_load %arg53[%swap3A_855] {strides = array<i32>} : memref<1392xf32, #tpu.memory_space<vmem>>, vector<16xf32>,
        %swap3A_857 = vector.shape_cast %swap3A_856 : vector<16xf32> to vector<16xf32>
        %swap3A_858 = vector.shape_cast %neg3A_854 : vector<16xf32> to vector<16xf32>
        tpu.vector_store %arg53[%swap3A_855], %swap3A_858 {strides = array<i32>} : memref<1392xf32, #tpu.memory_space<vmem>>, vector<16xf32>,
        %add3A_859 = arith.addf %scan3A_716, %select_n3A_811 : vector<16xf32>
        scf.yield %add3A_859 : vector<16xf32>
      }
      %scan3A_629 = arith.constant 87 : i32
      %dma_wait3A_630 = arith.constant 0 : i32
      %dma_wait3A_631 = tpu.memref_slice %arg18[%dma_wait3A_630] : memref<50048xf32, #tpu.memory_space<vmem_shared>> -> memref<50048xf32, #tpu.memory_space<vmem_shared>>
      tpu.wait_indirect_dma semaphore(%arg58 : memref<!tpu.dma_semaphore, #tpu.memory_space<semaphore_mem>>) src(%arg44 : memref<1392xf32, #tpu.memory_space<vmem>>) dst(%dma_wait3A_631 : memref<50048xf32, #tpu.memory_space<vmem_shared>>)
      %dma_wait3A_632 = arith.constant 0 : i32
      %dma_wait3A_633 = tpu.memref_slice %arg19[%dma_wait3A_632] : memref<50048xf32, #tpu.memory_space<vmem_shared>> -> memref<50048xf32, #tpu.memory_space<vmem_shared>>
      tpu.wait_indirect_dma semaphore(%arg58 : memref<!tpu.dma_semaphore, #tpu.memory_space<semaphore_mem>>) src(%arg46 : memref<1392xf32, #tpu.memory_space<vmem>>) dst(%dma_wait3A_633 : memref<50048xf32, #tpu.memory_space<vmem_shared>>)
      %dma_wait3A_634 = arith.constant 0 : i32
      %dma_wait3A_635 = tpu.memref_slice %arg20[%dma_wait3A_634] : memref<50048xf32, #tpu.memory_space<vmem_shared>> -> memref<50048xf32, #tpu.memory_space<vmem_shared>>
      tpu.wait_indirect_dma semaphore(%arg58 : memref<!tpu.dma_semaphore, #tpu.memory_space<semaphore_mem>>) src(%arg48 : memref<1392xf32, #tpu.memory_space<vmem>>) dst(%dma_wait3A_635 : memref<50048xf32, #tpu.memory_space<vmem_shared>>)
      %dma_wait3A_636 = arith.constant 0 : i32
      %dma_wait3A_637 = tpu.memref_slice %arg18[%dma_wait3A_636] : memref<50048xf32, #tpu.memory_space<vmem_shared>> -> memref<50048xf32, #tpu.memory_space<vmem_shared>>
      tpu.wait_indirect_dma semaphore(%arg58 : memref<!tpu.dma_semaphore, #tpu.memory_space<semaphore_mem>>) src(%arg50 : memref<1392xf32, #tpu.memory_space<vmem>>) dst(%dma_wait3A_637 : memref<50048xf32, #tpu.memory_space<vmem_shared>>)
      %dma_wait3A_638 = arith.constant 0 : i32
      %dma_wait3A_639 = tpu.memref_slice %arg19[%dma_wait3A_638] : memref<50048xf32, #tpu.memory_space<vmem_shared>> -> memref<50048xf32, #tpu.memory_space<vmem_shared>>
      tpu.wait_indirect_dma semaphore(%arg58 : memref<!tpu.dma_semaphore, #tpu.memory_space<semaphore_mem>>) src(%arg52 : memref<1392xf32, #tpu.memory_space<vmem>>) dst(%dma_wait3A_639 : memref<50048xf32, #tpu.memory_space<vmem_shared>>)
      %dma_wait3A_640 = arith.constant 0 : i32
      %dma_wait3A_641 = tpu.memref_slice %arg20[%dma_wait3A_640] : memref<50048xf32, #tpu.memory_space<vmem_shared>> -> memref<50048xf32, #tpu.memory_space<vmem_shared>>
      tpu.wait_indirect_dma semaphore(%arg58 : memref<!tpu.dma_semaphore, #tpu.memory_space<semaphore_mem>>) src(%arg54 : memref<1392xf32, #tpu.memory_space<vmem>>) dst(%dma_wait3A_641 : memref<50048xf32, #tpu.memory_space<vmem_shared>>)
      %dma_start3A_642 = arith.constant 0 : i32
      %dma_start3A_643 = tpu.memref_slice %arg18[%dma_start3A_642] : memref<50048xf32, #tpu.memory_space<vmem_shared>> -> memref<50048xf32, #tpu.memory_space<vmem_shared>>
      tpu.enqueue_indirect_dma source(%arg43 : memref<1392xf32, #tpu.memory_space<vmem>>) target(%dma_start3A_643 : memref<50048xf32, #tpu.memory_space<vmem_shared>>) offsets(%arg22 : memref<1392xi32, #tpu.memory_space<vmem>>) semaphore(%arg58 : memref<!tpu.dma_semaphore, #tpu.memory_space<semaphore_mem>>) {add = true}
      %dma_start3A_644 = arith.constant 0 : i32
      %dma_start3A_645 = tpu.memref_slice %arg19[%dma_start3A_644] : memref<50048xf32, #tpu.memory_space<vmem_shared>> -> memref<50048xf32, #tpu.memory_space<vmem_shared>>
      tpu.enqueue_indirect_dma source(%arg45 : memref<1392xf32, #tpu.memory_space<vmem>>) target(%dma_start3A_645 : memref<50048xf32, #tpu.memory_space<vmem_shared>>) offsets(%arg22 : memref<1392xi32, #tpu.memory_space<vmem>>) semaphore(%arg58 : memref<!tpu.dma_semaphore, #tpu.memory_space<semaphore_mem>>) {add = true}
      %dma_start3A_646 = arith.constant 0 : i32
      %dma_start3A_647 = tpu.memref_slice %arg20[%dma_start3A_646] : memref<50048xf32, #tpu.memory_space<vmem_shared>> -> memref<50048xf32, #tpu.memory_space<vmem_shared>>
      tpu.enqueue_indirect_dma source(%arg47 : memref<1392xf32, #tpu.memory_space<vmem>>) target(%dma_start3A_647 : memref<50048xf32, #tpu.memory_space<vmem_shared>>) offsets(%arg22 : memref<1392xi32, #tpu.memory_space<vmem>>) semaphore(%arg58 : memref<!tpu.dma_semaphore, #tpu.memory_space<semaphore_mem>>) {add = true}
      %dma_start3A_648 = arith.constant 0 : i32
      %dma_start3A_649 = tpu.memref_slice %arg18[%dma_start3A_648] : memref<50048xf32, #tpu.memory_space<vmem_shared>> -> memref<50048xf32, #tpu.memory_space<vmem_shared>>
      tpu.enqueue_indirect_dma source(%arg49 : memref<1392xf32, #tpu.memory_space<vmem>>) target(%dma_start3A_649 : memref<50048xf32, #tpu.memory_space<vmem_shared>>) offsets(%arg25 : memref<1392xi32, #tpu.memory_space<vmem>>) semaphore(%arg58 : memref<!tpu.dma_semaphore, #tpu.memory_space<semaphore_mem>>) {add = true}
      %dma_start3A_650 = arith.constant 0 : i32
      %dma_start3A_651 = tpu.memref_slice %arg19[%dma_start3A_650] : memref<50048xf32, #tpu.memory_space<vmem_shared>> -> memref<50048xf32, #tpu.memory_space<vmem_shared>>
      tpu.enqueue_indirect_dma source(%arg51 : memref<1392xf32, #tpu.memory_space<vmem>>) target(%dma_start3A_651 : memref<50048xf32, #tpu.memory_space<vmem_shared>>) offsets(%arg25 : memref<1392xi32, #tpu.memory_space<vmem>>) semaphore(%arg58 : memref<!tpu.dma_semaphore, #tpu.memory_space<semaphore_mem>>) {add = true}
      %dma_start3A_652 = arith.constant 0 : i32
      %dma_start3A_653 = tpu.memref_slice %arg20[%dma_start3A_652] : memref<50048xf32, #tpu.memory_space<vmem_shared>> -> memref<50048xf32, #tpu.memory_space<vmem_shared>>
      tpu.enqueue_indirect_dma source(%arg53 : memref<1392xf32, #tpu.memory_space<vmem>>) target(%dma_start3A_653 : memref<50048xf32, #tpu.memory_space<vmem_shared>>) offsets(%arg25 : memref<1392xi32, #tpu.memory_space<vmem>>) semaphore(%arg58 : memref<!tpu.dma_semaphore, #tpu.memory_space<semaphore_mem>>) {add = true}
      %lt3A_654 = arith.constant 5 : i32
      %lt3A_655 = arith.cmpi slt, %scan3A_205, %lt3A_654 : i32
      %convert_element_type3A_656 = arith.extui %lt3A_655 : i1 to i32
      %cond3A_657 = arith.constant 0 : i32
      %cond3A_658 = arith.cmpi ne, %convert_element_type3A_656, %cond3A_657 : i32
      scf.if %cond3A_658 {
        %add3A_715 = arith.constant 2 : i32
        %add3A_716 = arith.addi %add3A_578, %add3A_715 : i32
        %mul3A_717 = arith.constant 1392 : i32
        %mul3A_718 = arith.muli %add3A_716, %mul3A_717 : i32
        %add3A_719 = arith.addi %mul3A_64, %mul3A_718 : i32
        %lt3A_720 = arith.constant 1599408 : i32
        %lt3A_721 = arith.cmpi slt, %add3A_719, %lt3A_720 : i32
        %convert_element_type3A_722 = arith.extui %lt3A_721 : i1 to i32
        %cond3A_723 = arith.constant 0 : i32
        %cond3A_724 = arith.cmpi ne, %convert_element_type3A_722, %cond3A_723 : i32
        scf.if %cond3A_724 {
          %dma_start3A_730 = tpu.memref_slice %arg5[%add3A_719] : memref<1600000xi32, #tpu.memory_space<hbm>> -> memref<1392xi32, #tpu.memory_space<hbm>>
          %dma_start3A_731 = tpu.memref_slice %arg5[%add3A_719] : memref<1600000xi32, #tpu.memory_space<hbm>> -> memref<1392xi32, #tpu.memory_space<hbm>>
          tpu.enqueue_dma source(%dma_start3A_731 : memref<1392xi32, #tpu.memory_space<hbm>>) target(%arg21 : memref<1392xi32, #tpu.memory_space<vmem>>) target_semaphore(%arg56 : memref<!tpu.dma_semaphore, #tpu.memory_space<semaphore_mem>>)
          %dma_start3A_732 = tpu.memref_slice %arg6[%add3A_719] : memref<1600000xi32, #tpu.memory_space<hbm>> -> memref<1392xi32, #tpu.memory_space<hbm>>
          %dma_start3A_733 = tpu.memref_slice %arg6[%add3A_719] : memref<1600000xi32, #tpu.memory_space<hbm>> -> memref<1392xi32, #tpu.memory_space<hbm>>
          tpu.enqueue_dma source(%dma_start3A_733 : memref<1392xi32, #tpu.memory_space<hbm>>) target(%arg24 : memref<1392xi32, #tpu.memory_space<vmem>>) target_semaphore(%arg56 : memref<!tpu.dma_semaphore, #tpu.memory_space<semaphore_mem>>)
          %dma_start3A_734 = tpu.memref_slice %arg7[%add3A_719] : memref<1600000xf32, #tpu.memory_space<hbm>> -> memref<1392xf32, #tpu.memory_space<hbm>>
          %dma_start3A_735 = tpu.memref_slice %arg7[%add3A_719] : memref<1600000xf32, #tpu.memory_space<hbm>> -> memref<1392xf32, #tpu.memory_space<hbm>>
          tpu.enqueue_dma source(%dma_start3A_735 : memref<1392xf32, #tpu.memory_space<hbm>>) target(%arg27 : memref<1392xf32, #tpu.memory_space<vmem>>) target_semaphore(%arg56 : memref<!tpu.dma_semaphore, #tpu.memory_space<semaphore_mem>>)
          %dma_start3A_736 = tpu.memref_slice %arg8[%add3A_719] : memref<1600000xf32, #tpu.memory_space<hbm>> -> memref<1392xf32, #tpu.memory_space<hbm>>
          %dma_start3A_737 = tpu.memref_slice %arg8[%add3A_719] : memref<1600000xf32, #tpu.memory_space<hbm>> -> memref<1392xf32, #tpu.memory_space<hbm>>
          tpu.enqueue_dma source(%dma_start3A_737 : memref<1392xf32, #tpu.memory_space<hbm>>) target(%arg29 : memref<1392xf32, #tpu.memory_space<vmem>>) target_semaphore(%arg56 : memref<!tpu.dma_semaphore, #tpu.memory_space<semaphore_mem>>)
        } else {
        }
        %ge3A_725 = arith.constant 1599408 : i32
        %ge3A_726 = arith.cmpi sge, %add3A_719, %ge3A_725 : i32
        %convert_element_type3A_727 = arith.extui %ge3A_726 : i1 to i32
        %cond3A_728 = arith.constant 0 : i32
        %cond3A_729 = arith.cmpi ne, %convert_element_type3A_727, %cond3A_728 : i32
        scf.if %cond3A_729 {
          %sub3A = arith.constant 1599408 : i32
          %sub3A_730 = arith.subi %add3A_719, %sub3A : i32
          %dma_start3A_731 = tpu.memref_slice %arg9[%sub3A_730] : memref<4176xi32, #tpu.memory_space<hbm>> -> memref<1392xi32, #tpu.memory_space<hbm>>
          %dma_start3A_732 = tpu.memref_slice %arg9[%sub3A_730] : memref<4176xi32, #tpu.memory_space<hbm>> -> memref<1392xi32, #tpu.memory_space<hbm>>
          tpu.enqueue_dma source(%dma_start3A_732 : memref<1392xi32, #tpu.memory_space<hbm>>) target(%arg21 : memref<1392xi32, #tpu.memory_space<vmem>>) target_semaphore(%arg56 : memref<!tpu.dma_semaphore, #tpu.memory_space<semaphore_mem>>)
          %dma_start3A_733 = tpu.memref_slice %arg10[%sub3A_730] : memref<4176xi32, #tpu.memory_space<hbm>> -> memref<1392xi32, #tpu.memory_space<hbm>>
          %dma_start3A_734 = tpu.memref_slice %arg10[%sub3A_730] : memref<4176xi32, #tpu.memory_space<hbm>> -> memref<1392xi32, #tpu.memory_space<hbm>>
          tpu.enqueue_dma source(%dma_start3A_734 : memref<1392xi32, #tpu.memory_space<hbm>>) target(%arg24 : memref<1392xi32, #tpu.memory_space<vmem>>) target_semaphore(%arg56 : memref<!tpu.dma_semaphore, #tpu.memory_space<semaphore_mem>>)
          %dma_start3A_735 = tpu.memref_slice %arg11[%sub3A_730] : memref<4176xf32, #tpu.memory_space<hbm>> -> memref<1392xf32, #tpu.memory_space<hbm>>
          %dma_start3A_736 = tpu.memref_slice %arg11[%sub3A_730] : memref<4176xf32, #tpu.memory_space<hbm>> -> memref<1392xf32, #tpu.memory_space<hbm>>
          tpu.enqueue_dma source(%dma_start3A_736 : memref<1392xf32, #tpu.memory_space<hbm>>) target(%arg27 : memref<1392xf32, #tpu.memory_space<vmem>>) target_semaphore(%arg56 : memref<!tpu.dma_semaphore, #tpu.memory_space<semaphore_mem>>)
          %dma_start3A_737 = tpu.memref_slice %arg12[%sub3A_730] : memref<4176xf32, #tpu.memory_space<hbm>> -> memref<1392xf32, #tpu.memory_space<hbm>>
          %dma_start3A_738 = tpu.memref_slice %arg12[%sub3A_730] : memref<4176xf32, #tpu.memory_space<hbm>> -> memref<1392xf32, #tpu.memory_space<hbm>>
          tpu.enqueue_dma source(%dma_start3A_738 : memref<1392xf32, #tpu.memory_space<hbm>>) target(%arg29 : memref<1392xf32, #tpu.memory_space<vmem>>) target_semaphore(%arg56 : memref<!tpu.dma_semaphore, #tpu.memory_space<semaphore_mem>>)
        } else {
        }
      } else {
      }
      %mul3A_659 = arith.constant 6 : i32
      %mul3A_660 = arith.muli %mul3A_659, %scan3A_205 : i32
      %add3A_661 = arith.constant 5 : i32
      %add3A_662 = arith.addi %mul3A_660, %add3A_661 : i32
      %dma_wait3A_663 = arith.constant 0 : i32
      %dma_wait3A_664 = tpu.memref_slice %arg15[%dma_wait3A_663] : memref<50048xf32, #tpu.memory_space<vmem_shared>> -> memref<50048xf32, #tpu.memory_space<vmem_shared>>
      tpu.wait_indirect_dma semaphore(%arg57 : memref<!tpu.dma_semaphore, #tpu.memory_space<semaphore_mem>>) src(%dma_wait3A_664 : memref<50048xf32, #tpu.memory_space<vmem_shared>>) dst(%arg32 : memref<1392xf32, #tpu.memory_space<vmem>>)
      %dma_wait3A_665 = arith.constant 0 : i32
      %dma_wait3A_666 = tpu.memref_slice %arg16[%dma_wait3A_665] : memref<50048xf32, #tpu.memory_space<vmem_shared>> -> memref<50048xf32, #tpu.memory_space<vmem_shared>>
      tpu.wait_indirect_dma semaphore(%arg57 : memref<!tpu.dma_semaphore, #tpu.memory_space<semaphore_mem>>) src(%dma_wait3A_666 : memref<50048xf32, #tpu.memory_space<vmem_shared>>) dst(%arg34 : memref<1392xf32, #tpu.memory_space<vmem>>)
      %dma_wait3A_667 = arith.constant 0 : i32
      %dma_wait3A_668 = tpu.memref_slice %arg17[%dma_wait3A_667] : memref<50048xf32, #tpu.memory_space<vmem_shared>> -> memref<50048xf32, #tpu.memory_space<vmem_shared>>
      tpu.wait_indirect_dma semaphore(%arg57 : memref<!tpu.dma_semaphore, #tpu.memory_space<semaphore_mem>>) src(%dma_wait3A_668 : memref<50048xf32, #tpu.memory_space<vmem_shared>>) dst(%arg36 : memref<1392xf32, #tpu.memory_space<vmem>>)
      %dma_wait3A_669 = arith.constant 0 : i32
      %dma_wait3A_670 = tpu.memref_slice %arg15[%dma_wait3A_669] : memref<50048xf32, #tpu.memory_space<vmem_shared>> -> memref<50048xf32, #tpu.memory_space<vmem_shared>>
      tpu.wait_indirect_dma semaphore(%arg57 : memref<!tpu.dma_semaphore, #tpu.memory_space<semaphore_mem>>) src(%dma_wait3A_670 : memref<50048xf32, #tpu.memory_space<vmem_shared>>) dst(%arg38 : memref<1392xf32, #tpu.memory_space<vmem>>)
      %dma_wait3A_671 = arith.constant 0 : i32
      %dma_wait3A_672 = tpu.memref_slice %arg16[%dma_wait3A_671] : memref<50048xf32, #tpu.memory_space<vmem_shared>> -> memref<50048xf32, #tpu.memory_space<vmem_shared>>
      tpu.wait_indirect_dma semaphore(%arg57 : memref<!tpu.dma_semaphore, #tpu.memory_space<semaphore_mem>>) src(%dma_wait3A_672 : memref<50048xf32, #tpu.memory_space<vmem_shared>>) dst(%arg40 : memref<1392xf32, #tpu.memory_space<vmem>>)
      %dma_wait3A_673 = arith.constant 0 : i32
      %dma_wait3A_674 = tpu.memref_slice %arg17[%dma_wait3A_673] : memref<50048xf32, #tpu.memory_space<vmem_shared>> -> memref<50048xf32, #tpu.memory_space<vmem_shared>>
      tpu.wait_indirect_dma semaphore(%arg57 : memref<!tpu.dma_semaphore, #tpu.memory_space<semaphore_mem>>) src(%dma_wait3A_674 : memref<50048xf32, #tpu.memory_space<vmem_shared>>) dst(%arg42 : memref<1392xf32, #tpu.memory_space<vmem>>)
      %lt3A_675 = arith.constant 5 : i32
      %lt3A_676 = arith.cmpi slt, %scan3A_205, %lt3A_675 : i32
      %convert_element_type3A_677 = arith.extui %lt3A_676 : i1 to i32
      %cond3A_678 = arith.constant 0 : i32
      %cond3A_679 = arith.cmpi ne, %convert_element_type3A_677, %cond3A_678 : i32
      scf.if %cond3A_679 {
        %add3A_715 = arith.constant 1 : i32
        %add3A_716 = arith.addi %add3A_662, %add3A_715 : i32
        %mul3A_717 = arith.constant 1392 : i32
        %mul3A_718 = arith.muli %add3A_716, %mul3A_717 : i32
        %add3A_719 = arith.addi %mul3A_64, %mul3A_718 : i32
        %dma_wait3A_720 = arith.constant 0 : i32
        %dma_wait3A_721 = tpu.memref_slice %arg5[%dma_wait3A_720] : memref<1600000xi32, #tpu.memory_space<hbm>> -> memref<1392xi32, #tpu.memory_space<hbm>>
        %dma_wait3A_722 = arith.constant 0 : i32
        %dma_wait3A_723 = tpu.memref_slice %arg5[%dma_wait3A_722] : memref<1600000xi32, #tpu.memory_space<hbm>> -> memref<1392xi32, #tpu.memory_space<hbm>>
        tpu.wait_dma2 semaphore(%arg56 : memref<!tpu.dma_semaphore, #tpu.memory_space<semaphore_mem>>) src(%dma_wait3A_723 : memref<1392xi32, #tpu.memory_space<hbm>>) dst(%arg21 : memref<1392xi32, #tpu.memory_space<vmem>>)
        %dma_wait3A_724 = arith.constant 0 : i32
        %dma_wait3A_725 = tpu.memref_slice %arg6[%dma_wait3A_724] : memref<1600000xi32, #tpu.memory_space<hbm>> -> memref<1392xi32, #tpu.memory_space<hbm>>
        %dma_wait3A_726 = arith.constant 0 : i32
        %dma_wait3A_727 = tpu.memref_slice %arg6[%dma_wait3A_726] : memref<1600000xi32, #tpu.memory_space<hbm>> -> memref<1392xi32, #tpu.memory_space<hbm>>
        tpu.wait_dma2 semaphore(%arg56 : memref<!tpu.dma_semaphore, #tpu.memory_space<semaphore_mem>>) src(%dma_wait3A_727 : memref<1392xi32, #tpu.memory_space<hbm>>) dst(%arg24 : memref<1392xi32, #tpu.memory_space<vmem>>)
        %dma_wait3A_728 = arith.constant 0 : i32
        %dma_wait3A_729 = tpu.memref_slice %arg7[%dma_wait3A_728] : memref<1600000xf32, #tpu.memory_space<hbm>> -> memref<1392xf32, #tpu.memory_space<hbm>>
        %dma_wait3A_730 = arith.constant 0 : i32
        %dma_wait3A_731 = tpu.memref_slice %arg7[%dma_wait3A_730] : memref<1600000xf32, #tpu.memory_space<hbm>> -> memref<1392xf32, #tpu.memory_space<hbm>>
        tpu.wait_dma2 semaphore(%arg56 : memref<!tpu.dma_semaphore, #tpu.memory_space<semaphore_mem>>) src(%dma_wait3A_731 : memref<1392xf32, #tpu.memory_space<hbm>>) dst(%arg27 : memref<1392xf32, #tpu.memory_space<vmem>>)
        %dma_wait3A_732 = arith.constant 0 : i32
        %dma_wait3A_733 = tpu.memref_slice %arg8[%dma_wait3A_732] : memref<1600000xf32, #tpu.memory_space<hbm>> -> memref<1392xf32, #tpu.memory_space<hbm>>
        %dma_wait3A_734 = arith.constant 0 : i32
        %dma_wait3A_735 = tpu.memref_slice %arg8[%dma_wait3A_734] : memref<1600000xf32, #tpu.memory_space<hbm>> -> memref<1392xf32, #tpu.memory_space<hbm>>
        tpu.wait_dma2 semaphore(%arg56 : memref<!tpu.dma_semaphore, #tpu.memory_space<semaphore_mem>>) src(%dma_wait3A_735 : memref<1392xf32, #tpu.memory_space<hbm>>) dst(%arg29 : memref<1392xf32, #tpu.memory_space<vmem>>)
        %dma_start3A_736 = arith.constant 0 : i32
        %dma_start3A_737 = tpu.memref_slice %arg15[%dma_start3A_736] : memref<50048xf32, #tpu.memory_space<vmem_shared>> -> memref<50048xf32, #tpu.memory_space<vmem_shared>>
        tpu.enqueue_indirect_dma source(%dma_start3A_737 : memref<50048xf32, #tpu.memory_space<vmem_shared>>) target(%arg31 : memref<1392xf32, #tpu.memory_space<vmem>>) offsets(%arg21 : memref<1392xi32, #tpu.memory_space<vmem>>) semaphore(%arg57 : memref<!tpu.dma_semaphore, #tpu.memory_space<semaphore_mem>>)
        %dma_start3A_738 = arith.constant 0 : i32
        %dma_start3A_739 = tpu.memref_slice %arg16[%dma_start3A_738] : memref<50048xf32, #tpu.memory_space<vmem_shared>> -> memref<50048xf32, #tpu.memory_space<vmem_shared>>
        tpu.enqueue_indirect_dma source(%dma_start3A_739 : memref<50048xf32, #tpu.memory_space<vmem_shared>>) target(%arg33 : memref<1392xf32, #tpu.memory_space<vmem>>) offsets(%arg21 : memref<1392xi32, #tpu.memory_space<vmem>>) semaphore(%arg57 : memref<!tpu.dma_semaphore, #tpu.memory_space<semaphore_mem>>)
        %dma_start3A_740 = arith.constant 0 : i32
        %dma_start3A_741 = tpu.memref_slice %arg17[%dma_start3A_740] : memref<50048xf32, #tpu.memory_space<vmem_shared>> -> memref<50048xf32, #tpu.memory_space<vmem_shared>>
        tpu.enqueue_indirect_dma source(%dma_start3A_741 : memref<50048xf32, #tpu.memory_space<vmem_shared>>) target(%arg35 : memref<1392xf32, #tpu.memory_space<vmem>>) offsets(%arg21 : memref<1392xi32, #tpu.memory_space<vmem>>) semaphore(%arg57 : memref<!tpu.dma_semaphore, #tpu.memory_space<semaphore_mem>>)
        %dma_start3A_742 = arith.constant 0 : i32
        %dma_start3A_743 = tpu.memref_slice %arg15[%dma_start3A_742] : memref<50048xf32, #tpu.memory_space<vmem_shared>> -> memref<50048xf32, #tpu.memory_space<vmem_shared>>
        tpu.enqueue_indirect_dma source(%dma_start3A_743 : memref<50048xf32, #tpu.memory_space<vmem_shared>>) target(%arg37 : memref<1392xf32, #tpu.memory_space<vmem>>) offsets(%arg24 : memref<1392xi32, #tpu.memory_space<vmem>>) semaphore(%arg57 : memref<!tpu.dma_semaphore, #tpu.memory_space<semaphore_mem>>)
        %dma_start3A_744 = arith.constant 0 : i32
        %dma_start3A_745 = tpu.memref_slice %arg16[%dma_start3A_744] : memref<50048xf32, #tpu.memory_space<vmem_shared>> -> memref<50048xf32, #tpu.memory_space<vmem_shared>>
        tpu.enqueue_indirect_dma source(%dma_start3A_745 : memref<50048xf32, #tpu.memory_space<vmem_shared>>) target(%arg39 : memref<1392xf32, #tpu.memory_space<vmem>>) offsets(%arg24 : memref<1392xi32, #tpu.memory_space<vmem>>) semaphore(%arg57 : memref<!tpu.dma_semaphore, #tpu.memory_space<semaphore_mem>>)
        %dma_start3A_746 = arith.constant 0 : i32
        %dma_start3A_747 = tpu.memref_slice %arg17[%dma_start3A_746] : memref<50048xf32, #tpu.memory_space<vmem_shared>> -> memref<50048xf32, #tpu.memory_space<vmem_shared>>
        tpu.enqueue_indirect_dma source(%dma_start3A_747 : memref<50048xf32, #tpu.memory_space<vmem_shared>>) target(%arg41 : memref<1392xf32, #tpu.memory_space<vmem>>) offsets(%arg24 : memref<1392xi32, #tpu.memory_space<vmem>>) semaphore(%arg57 : memref<!tpu.dma_semaphore, #tpu.memory_space<semaphore_mem>>)
      } else {
      }
      %scan3A_680 = arith.constant 0 : i32
      %scan3A_681 = arith.constant 87 : i32
      %scan3A_682 = arith.addi %scan3A_680, %scan3A_681 : i32
      %scan3A_683 = arith.constant 1 : i32
      %scan3A_684 = scf.for %scan3A_715 = %scan3A_680 to %scan3A_682 step %scan3A_683 iter_args(%scan3A_716 = %scan3A_628) -> (vector<16xf32>)  : i32 {
        %mul3A_717 = arith.constant 16 : i32
        %mul3A_718 = arith.muli %scan3A_715, %mul3A_717 : i32
        %get3A = arith.index_cast %mul3A_718 : i32 to index
        %get3A_719 = tpu.vector_load %arg32[%get3A] {strides = array<i32>} : memref<1392xf32, #tpu.memory_space<vmem>>, vector<16xf32>,
        %get3A_720 = vector.shape_cast %get3A_719 : vector<16xf32> to vector<16xf32>
        %get3A_721 = arith.index_cast %mul3A_718 : i32 to index
        %get3A_722 = tpu.vector_load %arg38[%get3A_721] {strides = array<i32>} : memref<1392xf32, #tpu.memory_space<vmem>>, vector<16xf32>,
        %get3A_723 = vector.shape_cast %get3A_722 : vector<16xf32> to vector<16xf32>
        %sub3A = arith.subf %get3A_720, %get3A_723 : vector<16xf32>
        %get3A_724 = arith.index_cast %mul3A_718 : i32 to index
        %get3A_725 = tpu.vector_load %arg34[%get3A_724] {strides = array<i32>} : memref<1392xf32, #tpu.memory_space<vmem>>, vector<16xf32>,
        %get3A_726 = vector.shape_cast %get3A_725 : vector<16xf32> to vector<16xf32>
        %get3A_727 = arith.index_cast %mul3A_718 : i32 to index
        %get3A_728 = tpu.vector_load %arg40[%get3A_727] {strides = array<i32>} : memref<1392xf32, #tpu.memory_space<vmem>>, vector<16xf32>,
        %get3A_729 = vector.shape_cast %get3A_728 : vector<16xf32> to vector<16xf32>
        %sub3A_730 = arith.subf %get3A_726, %get3A_729 : vector<16xf32>
        %get3A_731 = arith.index_cast %mul3A_718 : i32 to index
        %get3A_732 = tpu.vector_load %arg36[%get3A_731] {strides = array<i32>} : memref<1392xf32, #tpu.memory_space<vmem>>, vector<16xf32>,
        %get3A_733 = vector.shape_cast %get3A_732 : vector<16xf32> to vector<16xf32>
        %get3A_734 = arith.index_cast %mul3A_718 : i32 to index
        %get3A_735 = tpu.vector_load %arg42[%get3A_734] {strides = array<i32>} : memref<1392xf32, #tpu.memory_space<vmem>>, vector<16xf32>,
        %get3A_736 = vector.shape_cast %get3A_735 : vector<16xf32> to vector<16xf32>
        %sub3A_737 = arith.subf %get3A_733, %get3A_736 : vector<16xf32>
        %gt3A_738 = arith.constant 1.500000e+01 : f32
        %gt3A_739 = vector.broadcast %gt3A_738 : f32 to vector<16xf32>
        %gt3A_740 = arith.cmpf ogt, %sub3A, %gt3A_739 : vector<16xf32>
        %lt3A_741 = arith.constant -1.500000e+01 : f32
        %lt3A_742 = vector.broadcast %lt3A_741 : f32 to vector<16xf32>
        %lt3A_743 = arith.cmpf olt, %sub3A, %lt3A_742 : vector<16xf32>
        %jit3A = arith.constant -3.000000e+01 : f32
        %jit3A_744 = arith.constant 0.000000e+00 : f32
        %broadcast_in_dim3A_745 = vector.broadcast %jit3A : f32 to vector<16xf32>
        %broadcast_in_dim3A_746 = vector.broadcast %jit3A_744 : f32 to vector<16xf32>
        %select_n3A = arith.select %lt3A_743, %broadcast_in_dim3A_745, %broadcast_in_dim3A_746 : vector<16xi1>, vector<16xf32>
        %jit3A_747 = arith.constant 3.000000e+01 : f32
        %broadcast_in_dim3A_748 = vector.broadcast %jit3A_747 : f32 to vector<16xf32>
        %select_n3A_749 = arith.select %gt3A_740, %broadcast_in_dim3A_748, %select_n3A : vector<16xi1>, vector<16xf32>
        %sub3A_750 = arith.subf %sub3A, %select_n3A_749 : vector<16xf32>
        %gt3A_751 = arith.constant 1.500000e+01 : f32
        %gt3A_752 = vector.broadcast %gt3A_751 : f32 to vector<16xf32>
        %gt3A_753 = arith.cmpf ogt, %sub3A_730, %gt3A_752 : vector<16xf32>
        %lt3A_754 = arith.constant -1.500000e+01 : f32
        %lt3A_755 = vector.broadcast %lt3A_754 : f32 to vector<16xf32>
        %lt3A_756 = arith.cmpf olt, %sub3A_730, %lt3A_755 : vector<16xf32>
        %jit3A_757 = arith.constant -3.000000e+01 : f32
        %jit3A_758 = arith.constant 0.000000e+00 : f32
        %broadcast_in_dim3A_759 = vector.broadcast %jit3A_757 : f32 to vector<16xf32>
        %broadcast_in_dim3A_760 = vector.broadcast %jit3A_758 : f32 to vector<16xf32>
        %select_n3A_761 = arith.select %lt3A_756, %broadcast_in_dim3A_759, %broadcast_in_dim3A_760 : vector<16xi1>, vector<16xf32>
        %jit3A_762 = arith.constant 3.000000e+01 : f32
        %broadcast_in_dim3A_763 = vector.broadcast %jit3A_762 : f32 to vector<16xf32>
        %select_n3A_764 = arith.select %gt3A_753, %broadcast_in_dim3A_763, %select_n3A_761 : vector<16xi1>, vector<16xf32>
        %sub3A_765 = arith.subf %sub3A_730, %select_n3A_764 : vector<16xf32>
        %gt3A_766 = arith.constant 1.500000e+01 : f32
        %gt3A_767 = vector.broadcast %gt3A_766 : f32 to vector<16xf32>
        %gt3A_768 = arith.cmpf ogt, %sub3A_737, %gt3A_767 : vector<16xf32>
        %lt3A_769 = arith.constant -1.500000e+01 : f32
        %lt3A_770 = vector.broadcast %lt3A_769 : f32 to vector<16xf32>
        %lt3A_771 = arith.cmpf olt, %sub3A_737, %lt3A_770 : vector<16xf32>
        %jit3A_772 = arith.constant -3.000000e+01 : f32
        %jit3A_773 = arith.constant 0.000000e+00 : f32
        %broadcast_in_dim3A_774 = vector.broadcast %jit3A_772 : f32 to vector<16xf32>
        %broadcast_in_dim3A_775 = vector.broadcast %jit3A_773 : f32 to vector<16xf32>
        %select_n3A_776 = arith.select %lt3A_771, %broadcast_in_dim3A_774, %broadcast_in_dim3A_775 : vector<16xi1>, vector<16xf32>
        %jit3A_777 = arith.constant 3.000000e+01 : f32
        %broadcast_in_dim3A_778 = vector.broadcast %jit3A_777 : f32 to vector<16xf32>
        %select_n3A_779 = arith.select %gt3A_768, %broadcast_in_dim3A_778, %select_n3A_776 : vector<16xi1>, vector<16xf32>
        %sub3A_780 = arith.subf %sub3A_737, %select_n3A_779 : vector<16xf32>
        %mul3A_781 = arith.mulf %sub3A_750, %sub3A_750 : vector<16xf32>
        %mul3A_782 = arith.mulf %sub3A_765, %sub3A_765 : vector<16xf32>
        %add3A_783 = arith.addf %mul3A_781, %mul3A_782 : vector<16xf32>
        %mul3A_784 = arith.mulf %sub3A_780, %sub3A_780 : vector<16xf32>
        %add3A_785 = arith.addf %add3A_783, %mul3A_784 : vector<16xf32>
        %max3A = arith.constant 1.000000e-24 : f32
        %max3A_786 = vector.broadcast %max3A : f32 to vector<16xf32>
        %max3A_787 = arith.maximumf %add3A_785, %max3A_786 : vector<16xf32>
        %div3A = arith.constant 1.000000e+00 : f32
        %div3A_788 = vector.broadcast %div3A : f32 to vector<16xf32>
        %div3A_789 = arith.divf %div3A_788, %max3A_787 : vector<16xf32>
        %get3A_790 = arith.index_cast %mul3A_718 : i32 to index
        %get3A_791 = tpu.vector_load %arg28[%get3A_790] {strides = array<i32>} : memref<1392xf32, #tpu.memory_space<vmem>>, vector<16xf32>,
        %get3A_792 = vector.shape_cast %get3A_791 : vector<16xf32> to vector<16xf32>
        %get3A_793 = arith.index_cast %mul3A_718 : i32 to index
        %get3A_794 = tpu.vector_load %arg30[%get3A_793] {strides = array<i32>} : memref<1392xf32, #tpu.memory_space<vmem>>, vector<16xf32>,
        %get3A_795 = vector.shape_cast %get3A_794 : vector<16xf32> to vector<16xf32>
        %mul3A_796 = arith.mulf %get3A_795, %get3A_795 : vector<16xf32>
        %mul3A_797 = arith.mulf %mul3A_796, %div3A_789 : vector<16xf32>
        %mul3A_798 = arith.mulf %mul3A_797, %mul3A_797 : vector<16xf32>
        %mul3A_799 = arith.mulf %mul3A_798, %mul3A_797 : vector<16xf32>
        %mul3A_800 = arith.mulf %mul3A_799, %mul3A_799 : vector<16xf32>
        %lt3A_801 = arith.constant 9.000000e+00 : f32
        %lt3A_802 = vector.broadcast %lt3A_801 : f32 to vector<16xf32>
        %lt3A_803 = arith.cmpf olt, %max3A_787, %lt3A_802 : vector<16xf32>
        %mul3A_804 = arith.constant 4.000000e+00 : f32
        %mul3A_805 = vector.broadcast %mul3A_804 : f32 to vector<16xf32>
        %mul3A_806 = arith.mulf %mul3A_805, %get3A_792 : vector<16xf32>
        %sub3A_807 = arith.subf %mul3A_800, %mul3A_799 : vector<16xf32>
        %mul3A_808 = arith.mulf %mul3A_806, %sub3A_807 : vector<16xf32>
        %jit3A_809 = arith.constant 0.000000e+00 : f32
        %broadcast_in_dim3A_810 = vector.broadcast %jit3A_809 : f32 to vector<16xf32>
        %select_n3A_811 = arith.select %lt3A_803, %mul3A_808, %broadcast_in_dim3A_810 : vector<16xi1>, vector<16xf32>
        %mul3A_812 = arith.constant 2.400000e+01 : f32
        %mul3A_813 = vector.broadcast %mul3A_812 : f32 to vector<16xf32>
        %mul3A_814 = arith.mulf %mul3A_813, %get3A_792 : vector<16xf32>
        %mul3A_815 = arith.mulf %mul3A_814, %div3A_789 : vector<16xf32>
        %mul3A_816 = arith.constant 2.000000e+00 : f32
        %mul3A_817 = vector.broadcast %mul3A_816 : f32 to vector<16xf32>
        %mul3A_818 = arith.mulf %mul3A_817, %mul3A_800 : vector<16xf32>
        %sub3A_819 = arith.subf %mul3A_818, %mul3A_799 : vector<16xf32>
        %mul3A_820 = arith.mulf %mul3A_815, %sub3A_819 : vector<16xf32>
        %jit3A_821 = arith.constant 0.000000e+00 : f32
        %broadcast_in_dim3A_822 = vector.broadcast %jit3A_821 : f32 to vector<16xf32>
        %select_n3A_823 = arith.select %lt3A_803, %mul3A_820, %broadcast_in_dim3A_822 : vector<16xi1>, vector<16xf32>
        %mul3A_824 = arith.mulf %select_n3A_823, %sub3A_750 : vector<16xf32>
        %mul3A_825 = arith.mulf %select_n3A_823, %sub3A_765 : vector<16xf32>
        %mul3A_826 = arith.mulf %select_n3A_823, %sub3A_780 : vector<16xf32>
        %swap3A_827 = arith.index_cast %mul3A_718 : i32 to index
        %swap3A_828 = tpu.vector_load %arg44[%swap3A_827] {strides = array<i32>} : memref<1392xf32, #tpu.memory_space<vmem>>, vector<16xf32>,
        %swap3A_829 = vector.shape_cast %swap3A_828 : vector<16xf32> to vector<16xf32>
        %swap3A_830 = vector.shape_cast %mul3A_824 : vector<16xf32> to vector<16xf32>
        tpu.vector_store %arg44[%swap3A_827], %swap3A_830 {strides = array<i32>} : memref<1392xf32, #tpu.memory_space<vmem>>, vector<16xf32>,
        %swap3A_831 = arith.index_cast %mul3A_718 : i32 to index
        %swap3A_832 = tpu.vector_load %arg46[%swap3A_831] {strides = array<i32>} : memref<1392xf32, #tpu.memory_space<vmem>>, vector<16xf32>,
        %swap3A_833 = vector.shape_cast %swap3A_832 : vector<16xf32> to vector<16xf32>
        %swap3A_834 = vector.shape_cast %mul3A_825 : vector<16xf32> to vector<16xf32>
        tpu.vector_store %arg46[%swap3A_831], %swap3A_834 {strides = array<i32>} : memref<1392xf32, #tpu.memory_space<vmem>>, vector<16xf32>,
        %swap3A_835 = arith.index_cast %mul3A_718 : i32 to index
        %swap3A_836 = tpu.vector_load %arg48[%swap3A_835] {strides = array<i32>} : memref<1392xf32, #tpu.memory_space<vmem>>, vector<16xf32>,
        %swap3A_837 = vector.shape_cast %swap3A_836 : vector<16xf32> to vector<16xf32>
        %swap3A_838 = vector.shape_cast %mul3A_826 : vector<16xf32> to vector<16xf32>
        tpu.vector_store %arg48[%swap3A_835], %swap3A_838 {strides = array<i32>} : memref<1392xf32, #tpu.memory_space<vmem>>, vector<16xf32>,
        %neg3A = arith.constant 0.000000e+00 : f32
        %neg3A_839 = vector.broadcast %neg3A : f32 to vector<16xf32>
        %neg3A_840 = arith.subf %neg3A_839, %mul3A_824 : vector<16xf32>
        %swap3A_841 = arith.index_cast %mul3A_718 : i32 to index
        %swap3A_842 = tpu.vector_load %arg50[%swap3A_841] {strides = array<i32>} : memref<1392xf32, #tpu.memory_space<vmem>>, vector<16xf32>,
        %swap3A_843 = vector.shape_cast %swap3A_842 : vector<16xf32> to vector<16xf32>
        %swap3A_844 = vector.shape_cast %neg3A_840 : vector<16xf32> to vector<16xf32>
        tpu.vector_store %arg50[%swap3A_841], %swap3A_844 {strides = array<i32>} : memref<1392xf32, #tpu.memory_space<vmem>>, vector<16xf32>,
        %neg3A_845 = arith.constant 0.000000e+00 : f32
        %neg3A_846 = vector.broadcast %neg3A_845 : f32 to vector<16xf32>
        %neg3A_847 = arith.subf %neg3A_846, %mul3A_825 : vector<16xf32>
        %swap3A_848 = arith.index_cast %mul3A_718 : i32 to index
        %swap3A_849 = tpu.vector_load %arg52[%swap3A_848] {strides = array<i32>} : memref<1392xf32, #tpu.memory_space<vmem>>, vector<16xf32>,
        %swap3A_850 = vector.shape_cast %swap3A_849 : vector<16xf32> to vector<16xf32>
        %swap3A_851 = vector.shape_cast %neg3A_847 : vector<16xf32> to vector<16xf32>
        tpu.vector_store %arg52[%swap3A_848], %swap3A_851 {strides = array<i32>} : memref<1392xf32, #tpu.memory_space<vmem>>, vector<16xf32>,
        %neg3A_852 = arith.constant 0.000000e+00 : f32
        %neg3A_853 = vector.broadcast %neg3A_852 : f32 to vector<16xf32>
        %neg3A_854 = arith.subf %neg3A_853, %mul3A_826 : vector<16xf32>
        %swap3A_855 = arith.index_cast %mul3A_718 : i32 to index
        %swap3A_856 = tpu.vector_load %arg54[%swap3A_855] {strides = array<i32>} : memref<1392xf32, #tpu.memory_space<vmem>>, vector<16xf32>,
        %swap3A_857 = vector.shape_cast %swap3A_856 : vector<16xf32> to vector<16xf32>
        %swap3A_858 = vector.shape_cast %neg3A_854 : vector<16xf32> to vector<16xf32>
        tpu.vector_store %arg54[%swap3A_855], %swap3A_858 {strides = array<i32>} : memref<1392xf32, #tpu.memory_space<vmem>>, vector<16xf32>,
        %add3A_859 = arith.addf %scan3A_716, %select_n3A_811 : vector<16xf32>
        scf.yield %add3A_859 : vector<16xf32>
      }
      %scan3A_685 = arith.constant 87 : i32
      %dma_wait3A_686 = arith.constant 0 : i32
      %dma_wait3A_687 = tpu.memref_slice %arg18[%dma_wait3A_686] : memref<50048xf32, #tpu.memory_space<vmem_shared>> -> memref<50048xf32, #tpu.memory_space<vmem_shared>>
      tpu.wait_indirect_dma semaphore(%arg58 : memref<!tpu.dma_semaphore, #tpu.memory_space<semaphore_mem>>) src(%arg43 : memref<1392xf32, #tpu.memory_space<vmem>>) dst(%dma_wait3A_687 : memref<50048xf32, #tpu.memory_space<vmem_shared>>)
      %dma_wait3A_688 = arith.constant 0 : i32
      %dma_wait3A_689 = tpu.memref_slice %arg19[%dma_wait3A_688] : memref<50048xf32, #tpu.memory_space<vmem_shared>> -> memref<50048xf32, #tpu.memory_space<vmem_shared>>
      tpu.wait_indirect_dma semaphore(%arg58 : memref<!tpu.dma_semaphore, #tpu.memory_space<semaphore_mem>>) src(%arg45 : memref<1392xf32, #tpu.memory_space<vmem>>) dst(%dma_wait3A_689 : memref<50048xf32, #tpu.memory_space<vmem_shared>>)
      %dma_wait3A_690 = arith.constant 0 : i32
      %dma_wait3A_691 = tpu.memref_slice %arg20[%dma_wait3A_690] : memref<50048xf32, #tpu.memory_space<vmem_shared>> -> memref<50048xf32, #tpu.memory_space<vmem_shared>>
      tpu.wait_indirect_dma semaphore(%arg58 : memref<!tpu.dma_semaphore, #tpu.memory_space<semaphore_mem>>) src(%arg47 : memref<1392xf32, #tpu.memory_space<vmem>>) dst(%dma_wait3A_691 : memref<50048xf32, #tpu.memory_space<vmem_shared>>)
      %dma_wait3A_692 = arith.constant 0 : i32
      %dma_wait3A_693 = tpu.memref_slice %arg18[%dma_wait3A_692] : memref<50048xf32, #tpu.memory_space<vmem_shared>> -> memref<50048xf32, #tpu.memory_space<vmem_shared>>
      tpu.wait_indirect_dma semaphore(%arg58 : memref<!tpu.dma_semaphore, #tpu.memory_space<semaphore_mem>>) src(%arg49 : memref<1392xf32, #tpu.memory_space<vmem>>) dst(%dma_wait3A_693 : memref<50048xf32, #tpu.memory_space<vmem_shared>>)
      %dma_wait3A_694 = arith.constant 0 : i32
      %dma_wait3A_695 = tpu.memref_slice %arg19[%dma_wait3A_694] : memref<50048xf32, #tpu.memory_space<vmem_shared>> -> memref<50048xf32, #tpu.memory_space<vmem_shared>>
      tpu.wait_indirect_dma semaphore(%arg58 : memref<!tpu.dma_semaphore, #tpu.memory_space<semaphore_mem>>) src(%arg51 : memref<1392xf32, #tpu.memory_space<vmem>>) dst(%dma_wait3A_695 : memref<50048xf32, #tpu.memory_space<vmem_shared>>)
      %dma_wait3A_696 = arith.constant 0 : i32
      %dma_wait3A_697 = tpu.memref_slice %arg20[%dma_wait3A_696] : memref<50048xf32, #tpu.memory_space<vmem_shared>> -> memref<50048xf32, #tpu.memory_space<vmem_shared>>
      tpu.wait_indirect_dma semaphore(%arg58 : memref<!tpu.dma_semaphore, #tpu.memory_space<semaphore_mem>>) src(%arg53 : memref<1392xf32, #tpu.memory_space<vmem>>) dst(%dma_wait3A_697 : memref<50048xf32, #tpu.memory_space<vmem_shared>>)
      %dma_start3A_698 = arith.constant 0 : i32
      %dma_start3A_699 = tpu.memref_slice %arg18[%dma_start3A_698] : memref<50048xf32, #tpu.memory_space<vmem_shared>> -> memref<50048xf32, #tpu.memory_space<vmem_shared>>
      tpu.enqueue_indirect_dma source(%arg44 : memref<1392xf32, #tpu.memory_space<vmem>>) target(%dma_start3A_699 : memref<50048xf32, #tpu.memory_space<vmem_shared>>) offsets(%arg23 : memref<1392xi32, #tpu.memory_space<vmem>>) semaphore(%arg58 : memref<!tpu.dma_semaphore, #tpu.memory_space<semaphore_mem>>) {add = true}
      %dma_start3A_700 = arith.constant 0 : i32
      %dma_start3A_701 = tpu.memref_slice %arg19[%dma_start3A_700] : memref<50048xf32, #tpu.memory_space<vmem_shared>> -> memref<50048xf32, #tpu.memory_space<vmem_shared>>
      tpu.enqueue_indirect_dma source(%arg46 : memref<1392xf32, #tpu.memory_space<vmem>>) target(%dma_start3A_701 : memref<50048xf32, #tpu.memory_space<vmem_shared>>) offsets(%arg23 : memref<1392xi32, #tpu.memory_space<vmem>>) semaphore(%arg58 : memref<!tpu.dma_semaphore, #tpu.memory_space<semaphore_mem>>) {add = true}
      %dma_start3A_702 = arith.constant 0 : i32
      %dma_start3A_703 = tpu.memref_slice %arg20[%dma_start3A_702] : memref<50048xf32, #tpu.memory_space<vmem_shared>> -> memref<50048xf32, #tpu.memory_space<vmem_shared>>
      tpu.enqueue_indirect_dma source(%arg48 : memref<1392xf32, #tpu.memory_space<vmem>>) target(%dma_start3A_703 : memref<50048xf32, #tpu.memory_space<vmem_shared>>) offsets(%arg23 : memref<1392xi32, #tpu.memory_space<vmem>>) semaphore(%arg58 : memref<!tpu.dma_semaphore, #tpu.memory_space<semaphore_mem>>) {add = true}
      %dma_start3A_704 = arith.constant 0 : i32
      %dma_start3A_705 = tpu.memref_slice %arg18[%dma_start3A_704] : memref<50048xf32, #tpu.memory_space<vmem_shared>> -> memref<50048xf32, #tpu.memory_space<vmem_shared>>
      tpu.enqueue_indirect_dma source(%arg50 : memref<1392xf32, #tpu.memory_space<vmem>>) target(%dma_start3A_705 : memref<50048xf32, #tpu.memory_space<vmem_shared>>) offsets(%arg26 : memref<1392xi32, #tpu.memory_space<vmem>>) semaphore(%arg58 : memref<!tpu.dma_semaphore, #tpu.memory_space<semaphore_mem>>) {add = true}
      %dma_start3A_706 = arith.constant 0 : i32
      %dma_start3A_707 = tpu.memref_slice %arg19[%dma_start3A_706] : memref<50048xf32, #tpu.memory_space<vmem_shared>> -> memref<50048xf32, #tpu.memory_space<vmem_shared>>
      tpu.enqueue_indirect_dma source(%arg52 : memref<1392xf32, #tpu.memory_space<vmem>>) target(%dma_start3A_707 : memref<50048xf32, #tpu.memory_space<vmem_shared>>) offsets(%arg26 : memref<1392xi32, #tpu.memory_space<vmem>>) semaphore(%arg58 : memref<!tpu.dma_semaphore, #tpu.memory_space<semaphore_mem>>) {add = true}
      %dma_start3A_708 = arith.constant 0 : i32
      %dma_start3A_709 = tpu.memref_slice %arg20[%dma_start3A_708] : memref<50048xf32, #tpu.memory_space<vmem_shared>> -> memref<50048xf32, #tpu.memory_space<vmem_shared>>
      tpu.enqueue_indirect_dma source(%arg54 : memref<1392xf32, #tpu.memory_space<vmem>>) target(%dma_start3A_709 : memref<50048xf32, #tpu.memory_space<vmem_shared>>) offsets(%arg26 : memref<1392xi32, #tpu.memory_space<vmem>>) semaphore(%arg58 : memref<!tpu.dma_semaphore, #tpu.memory_space<semaphore_mem>>) {add = true}
      %lt3A_710 = arith.constant 5 : i32
      %lt3A_711 = arith.cmpi slt, %scan3A_205, %lt3A_710 : i32
      %convert_element_type3A_712 = arith.extui %lt3A_711 : i1 to i32
      %cond3A_713 = arith.constant 0 : i32
      %cond3A_714 = arith.cmpi ne, %convert_element_type3A_712, %cond3A_713 : i32
      scf.if %cond3A_714 {
        %add3A_715 = arith.constant 2 : i32
        %add3A_716 = arith.addi %add3A_662, %add3A_715 : i32
        %mul3A_717 = arith.constant 1392 : i32
        %mul3A_718 = arith.muli %add3A_716, %mul3A_717 : i32
        %add3A_719 = arith.addi %mul3A_64, %mul3A_718 : i32
        %lt3A_720 = arith.constant 1599408 : i32
        %lt3A_721 = arith.cmpi slt, %add3A_719, %lt3A_720 : i32
        %convert_element_type3A_722 = arith.extui %lt3A_721 : i1 to i32
        %cond3A_723 = arith.constant 0 : i32
        %cond3A_724 = arith.cmpi ne, %convert_element_type3A_722, %cond3A_723 : i32
        scf.if %cond3A_724 {
          %dma_start3A_730 = tpu.memref_slice %arg5[%add3A_719] : memref<1600000xi32, #tpu.memory_space<hbm>> -> memref<1392xi32, #tpu.memory_space<hbm>>
          %dma_start3A_731 = tpu.memref_slice %arg5[%add3A_719] : memref<1600000xi32, #tpu.memory_space<hbm>> -> memref<1392xi32, #tpu.memory_space<hbm>>
          tpu.enqueue_dma source(%dma_start3A_731 : memref<1392xi32, #tpu.memory_space<hbm>>) target(%arg22 : memref<1392xi32, #tpu.memory_space<vmem>>) target_semaphore(%arg56 : memref<!tpu.dma_semaphore, #tpu.memory_space<semaphore_mem>>)
          %dma_start3A_732 = tpu.memref_slice %arg6[%add3A_719] : memref<1600000xi32, #tpu.memory_space<hbm>> -> memref<1392xi32, #tpu.memory_space<hbm>>
          %dma_start3A_733 = tpu.memref_slice %arg6[%add3A_719] : memref<1600000xi32, #tpu.memory_space<hbm>> -> memref<1392xi32, #tpu.memory_space<hbm>>
          tpu.enqueue_dma source(%dma_start3A_733 : memref<1392xi32, #tpu.memory_space<hbm>>) target(%arg25 : memref<1392xi32, #tpu.memory_space<vmem>>) target_semaphore(%arg56 : memref<!tpu.dma_semaphore, #tpu.memory_space<semaphore_mem>>)
          %dma_start3A_734 = tpu.memref_slice %arg7[%add3A_719] : memref<1600000xf32, #tpu.memory_space<hbm>> -> memref<1392xf32, #tpu.memory_space<hbm>>
          %dma_start3A_735 = tpu.memref_slice %arg7[%add3A_719] : memref<1600000xf32, #tpu.memory_space<hbm>> -> memref<1392xf32, #tpu.memory_space<hbm>>
          tpu.enqueue_dma source(%dma_start3A_735 : memref<1392xf32, #tpu.memory_space<hbm>>) target(%arg28 : memref<1392xf32, #tpu.memory_space<vmem>>) target_semaphore(%arg56 : memref<!tpu.dma_semaphore, #tpu.memory_space<semaphore_mem>>)
          %dma_start3A_736 = tpu.memref_slice %arg8[%add3A_719] : memref<1600000xf32, #tpu.memory_space<hbm>> -> memref<1392xf32, #tpu.memory_space<hbm>>
          %dma_start3A_737 = tpu.memref_slice %arg8[%add3A_719] : memref<1600000xf32, #tpu.memory_space<hbm>> -> memref<1392xf32, #tpu.memory_space<hbm>>
          tpu.enqueue_dma source(%dma_start3A_737 : memref<1392xf32, #tpu.memory_space<hbm>>) target(%arg30 : memref<1392xf32, #tpu.memory_space<vmem>>) target_semaphore(%arg56 : memref<!tpu.dma_semaphore, #tpu.memory_space<semaphore_mem>>)
        } else {
        }
        %ge3A_725 = arith.constant 1599408 : i32
        %ge3A_726 = arith.cmpi sge, %add3A_719, %ge3A_725 : i32
        %convert_element_type3A_727 = arith.extui %ge3A_726 : i1 to i32
        %cond3A_728 = arith.constant 0 : i32
        %cond3A_729 = arith.cmpi ne, %convert_element_type3A_727, %cond3A_728 : i32
        scf.if %cond3A_729 {
          %sub3A = arith.constant 1599408 : i32
          %sub3A_730 = arith.subi %add3A_719, %sub3A : i32
          %dma_start3A_731 = tpu.memref_slice %arg9[%sub3A_730] : memref<4176xi32, #tpu.memory_space<hbm>> -> memref<1392xi32, #tpu.memory_space<hbm>>
          %dma_start3A_732 = tpu.memref_slice %arg9[%sub3A_730] : memref<4176xi32, #tpu.memory_space<hbm>> -> memref<1392xi32, #tpu.memory_space<hbm>>
          tpu.enqueue_dma source(%dma_start3A_732 : memref<1392xi32, #tpu.memory_space<hbm>>) target(%arg22 : memref<1392xi32, #tpu.memory_space<vmem>>) target_semaphore(%arg56 : memref<!tpu.dma_semaphore, #tpu.memory_space<semaphore_mem>>)
          %dma_start3A_733 = tpu.memref_slice %arg10[%sub3A_730] : memref<4176xi32, #tpu.memory_space<hbm>> -> memref<1392xi32, #tpu.memory_space<hbm>>
          %dma_start3A_734 = tpu.memref_slice %arg10[%sub3A_730] : memref<4176xi32, #tpu.memory_space<hbm>> -> memref<1392xi32, #tpu.memory_space<hbm>>
          tpu.enqueue_dma source(%dma_start3A_734 : memref<1392xi32, #tpu.memory_space<hbm>>) target(%arg25 : memref<1392xi32, #tpu.memory_space<vmem>>) target_semaphore(%arg56 : memref<!tpu.dma_semaphore, #tpu.memory_space<semaphore_mem>>)
          %dma_start3A_735 = tpu.memref_slice %arg11[%sub3A_730] : memref<4176xf32, #tpu.memory_space<hbm>> -> memref<1392xf32, #tpu.memory_space<hbm>>
          %dma_start3A_736 = tpu.memref_slice %arg11[%sub3A_730] : memref<4176xf32, #tpu.memory_space<hbm>> -> memref<1392xf32, #tpu.memory_space<hbm>>
          tpu.enqueue_dma source(%dma_start3A_736 : memref<1392xf32, #tpu.memory_space<hbm>>) target(%arg28 : memref<1392xf32, #tpu.memory_space<vmem>>) target_semaphore(%arg56 : memref<!tpu.dma_semaphore, #tpu.memory_space<semaphore_mem>>)
          %dma_start3A_737 = tpu.memref_slice %arg12[%sub3A_730] : memref<4176xf32, #tpu.memory_space<hbm>> -> memref<1392xf32, #tpu.memory_space<hbm>>
          %dma_start3A_738 = tpu.memref_slice %arg12[%sub3A_730] : memref<4176xf32, #tpu.memory_space<hbm>> -> memref<1392xf32, #tpu.memory_space<hbm>>
          tpu.enqueue_dma source(%dma_start3A_738 : memref<1392xf32, #tpu.memory_space<hbm>>) target(%arg30 : memref<1392xf32, #tpu.memory_space<vmem>>) target_semaphore(%arg56 : memref<!tpu.dma_semaphore, #tpu.memory_space<semaphore_mem>>)
        } else {
        }
      } else {
      }
      scf.yield %scan3A_684 : vector<16xf32>
    }
    %scan3A_119 = arith.constant 6 : i32
    %dma_wait3A_120 = arith.constant 0 : i32
    %dma_wait3A_121 = tpu.memref_slice %arg18[%dma_wait3A_120] : memref<50048xf32, #tpu.memory_space<vmem_shared>> -> memref<50048xf32, #tpu.memory_space<vmem_shared>>
    tpu.wait_indirect_dma semaphore(%arg58 : memref<!tpu.dma_semaphore, #tpu.memory_space<semaphore_mem>>) src(%arg44 : memref<1392xf32, #tpu.memory_space<vmem>>) dst(%dma_wait3A_121 : memref<50048xf32, #tpu.memory_space<vmem_shared>>)
    %dma_wait3A_122 = arith.constant 0 : i32
    %dma_wait3A_123 = tpu.memref_slice %arg19[%dma_wait3A_122] : memref<50048xf32, #tpu.memory_space<vmem_shared>> -> memref<50048xf32, #tpu.memory_space<vmem_shared>>
    tpu.wait_indirect_dma semaphore(%arg58 : memref<!tpu.dma_semaphore, #tpu.memory_space<semaphore_mem>>) src(%arg46 : memref<1392xf32, #tpu.memory_space<vmem>>) dst(%dma_wait3A_123 : memref<50048xf32, #tpu.memory_space<vmem_shared>>)
    %dma_wait3A_124 = arith.constant 0 : i32
    %dma_wait3A_125 = tpu.memref_slice %arg20[%dma_wait3A_124] : memref<50048xf32, #tpu.memory_space<vmem_shared>> -> memref<50048xf32, #tpu.memory_space<vmem_shared>>
    tpu.wait_indirect_dma semaphore(%arg58 : memref<!tpu.dma_semaphore, #tpu.memory_space<semaphore_mem>>) src(%arg48 : memref<1392xf32, #tpu.memory_space<vmem>>) dst(%dma_wait3A_125 : memref<50048xf32, #tpu.memory_space<vmem_shared>>)
    %dma_wait3A_126 = arith.constant 0 : i32
    %dma_wait3A_127 = tpu.memref_slice %arg18[%dma_wait3A_126] : memref<50048xf32, #tpu.memory_space<vmem_shared>> -> memref<50048xf32, #tpu.memory_space<vmem_shared>>
    tpu.wait_indirect_dma semaphore(%arg58 : memref<!tpu.dma_semaphore, #tpu.memory_space<semaphore_mem>>) src(%arg50 : memref<1392xf32, #tpu.memory_space<vmem>>) dst(%dma_wait3A_127 : memref<50048xf32, #tpu.memory_space<vmem_shared>>)
    %dma_wait3A_128 = arith.constant 0 : i32
    %dma_wait3A_129 = tpu.memref_slice %arg19[%dma_wait3A_128] : memref<50048xf32, #tpu.memory_space<vmem_shared>> -> memref<50048xf32, #tpu.memory_space<vmem_shared>>
    tpu.wait_indirect_dma semaphore(%arg58 : memref<!tpu.dma_semaphore, #tpu.memory_space<semaphore_mem>>) src(%arg52 : memref<1392xf32, #tpu.memory_space<vmem>>) dst(%dma_wait3A_129 : memref<50048xf32, #tpu.memory_space<vmem_shared>>)
    %dma_wait3A_130 = arith.constant 0 : i32
    %dma_wait3A_131 = tpu.memref_slice %arg20[%dma_wait3A_130] : memref<50048xf32, #tpu.memory_space<vmem_shared>> -> memref<50048xf32, #tpu.memory_space<vmem_shared>>
    tpu.wait_indirect_dma semaphore(%arg58 : memref<!tpu.dma_semaphore, #tpu.memory_space<semaphore_mem>>) src(%arg54 : memref<1392xf32, #tpu.memory_space<vmem>>) dst(%dma_wait3A_131 : memref<50048xf32, #tpu.memory_space<vmem_shared>>)
    %barrier3A_132 = arith.constant 0 : index
    tpu.barrier barrier_id(%barrier3A_132)
    %mul3A_133 = arith.constant 3 : i32
    %mul3A_134 = arith.muli %arg0, %mul3A_133 : i32
    %mul3A_135 = arith.constant 50048 : i32
    %mul3A_136 = arith.muli %mul3A_134, %mul3A_135 : i32
    %add3A_137 = arith.constant 0 : i32
    %add3A_138 = arith.addi %mul3A_2, %add3A_137 : i32
    "tpu.region"() ({
      %run_scoped3A = tpu.sem_alloc : memref<!tpu.dma_semaphore, #tpu.memory_space<semaphore_mem>>
      %dma_start3A_205 = arith.constant 0 : i32
      %dma_start3A_206 = tpu.memref_slice %arg31[%dma_start3A_205] : memref<1392xf32, #tpu.memory_space<vmem>> -> memref<1392xf32, #tpu.memory_space<vmem>>
      %dma_start3A_207 = tpu.memref_slice %arg18[%add3A_138] : memref<50048xf32, #tpu.memory_space<vmem_shared>> -> memref<1392xf32, #tpu.memory_space<vmem_shared>>
      %dma_start3A_208 = arith.constant 0 : i32
      %dma_start3A_209 = tpu.memref_slice %arg31[%dma_start3A_208] : memref<1392xf32, #tpu.memory_space<vmem>> -> memref<1392xf32, #tpu.memory_space<vmem>>
      %dma_start3A_210 = tpu.memref_slice %arg18[%add3A_138] : memref<50048xf32, #tpu.memory_space<vmem_shared>> -> memref<1392xf32, #tpu.memory_space<vmem_shared>>
      tpu.enqueue_dma source(%dma_start3A_210 : memref<1392xf32, #tpu.memory_space<vmem_shared>>) target(%dma_start3A_209 : memref<1392xf32, #tpu.memory_space<vmem>>) target_semaphore(%run_scoped3A : memref<!tpu.dma_semaphore, #tpu.memory_space<semaphore_mem>>)
      %dma_wait3A_211 = arith.constant 0 : i32
      %dma_wait3A_212 = tpu.memref_slice %arg31[%dma_wait3A_211] : memref<1392xf32, #tpu.memory_space<vmem>> -> memref<1392xf32, #tpu.memory_space<vmem>>
      %dma_wait3A_213 = tpu.memref_slice %arg18[%add3A_138] : memref<50048xf32, #tpu.memory_space<vmem_shared>> -> memref<1392xf32, #tpu.memory_space<vmem_shared>>
      %dma_wait3A_214 = arith.constant 0 : i32
      %dma_wait3A_215 = tpu.memref_slice %arg31[%dma_wait3A_214] : memref<1392xf32, #tpu.memory_space<vmem>> -> memref<1392xf32, #tpu.memory_space<vmem>>
      %dma_wait3A_216 = tpu.memref_slice %arg18[%add3A_138] : memref<50048xf32, #tpu.memory_space<vmem_shared>> -> memref<1392xf32, #tpu.memory_space<vmem_shared>>
      tpu.wait_dma2 semaphore(%run_scoped3A : memref<!tpu.dma_semaphore, #tpu.memory_space<semaphore_mem>>) src(%dma_wait3A_216 : memref<1392xf32, #tpu.memory_space<vmem_shared>>) dst(%dma_wait3A_215 : memref<1392xf32, #tpu.memory_space<vmem>>)
      tpu.yield
    }) : () -> ()
    %add3A_139 = arith.constant 0 : i32
    %add3A_140 = arith.addi %mul3A_136, %add3A_139 : i32
    %add3A_141 = arith.addi %add3A_140, %mul3A_2 : i32
    %add3A_142 = arith.constant 0 : i32
    %add3A_143 = arith.addi %add3A_141, %add3A_142 : i32
    "tpu.region"() ({
      %run_scoped3A = tpu.sem_alloc : memref<!tpu.dma_semaphore, #tpu.memory_space<semaphore_mem>>
      %dma_start3A_205 = arith.constant 0 : i32
      %dma_start3A_206 = tpu.memref_slice %arg31[%dma_start3A_205] : memref<1392xf32, #tpu.memory_space<vmem>> -> memref<1392xf32, #tpu.memory_space<vmem>>
      %dma_start3A_207 = tpu.memref_slice %arg13[%add3A_143] : memref<300288xf32, #tpu.memory_space<hbm>> -> memref<1392xf32, #tpu.memory_space<hbm>>
      %dma_start3A_208 = tpu.memref_slice %arg13[%add3A_143] : memref<300288xf32, #tpu.memory_space<hbm>> -> memref<1392xf32, #tpu.memory_space<hbm>>
      %dma_start3A_209 = arith.constant 0 : i32
      %dma_start3A_210 = tpu.memref_slice %arg31[%dma_start3A_209] : memref<1392xf32, #tpu.memory_space<vmem>> -> memref<1392xf32, #tpu.memory_space<vmem>>
      tpu.enqueue_dma source(%dma_start3A_210 : memref<1392xf32, #tpu.memory_space<vmem>>) target(%dma_start3A_208 : memref<1392xf32, #tpu.memory_space<hbm>>) target_semaphore(%run_scoped3A : memref<!tpu.dma_semaphore, #tpu.memory_space<semaphore_mem>>)
      %dma_wait3A_211 = arith.constant 0 : i32
      %dma_wait3A_212 = tpu.memref_slice %arg31[%dma_wait3A_211] : memref<1392xf32, #tpu.memory_space<vmem>> -> memref<1392xf32, #tpu.memory_space<vmem>>
      %dma_wait3A_213 = tpu.memref_slice %arg13[%add3A_143] : memref<300288xf32, #tpu.memory_space<hbm>> -> memref<1392xf32, #tpu.memory_space<hbm>>
      %dma_wait3A_214 = tpu.memref_slice %arg13[%add3A_143] : memref<300288xf32, #tpu.memory_space<hbm>> -> memref<1392xf32, #tpu.memory_space<hbm>>
      %dma_wait3A_215 = arith.constant 0 : i32
      %dma_wait3A_216 = tpu.memref_slice %arg31[%dma_wait3A_215] : memref<1392xf32, #tpu.memory_space<vmem>> -> memref<1392xf32, #tpu.memory_space<vmem>>
      tpu.wait_dma2 semaphore(%run_scoped3A : memref<!tpu.dma_semaphore, #tpu.memory_space<semaphore_mem>>) src(%dma_wait3A_216 : memref<1392xf32, #tpu.memory_space<vmem>>) dst(%dma_wait3A_214 : memref<1392xf32, #tpu.memory_space<hbm>>)
      tpu.yield
    }) : () -> ()
    %add3A_144 = arith.constant 1392 : i32
    %add3A_145 = arith.addi %mul3A_2, %add3A_144 : i32
    "tpu.region"() ({
      %run_scoped3A = tpu.sem_alloc : memref<!tpu.dma_semaphore, #tpu.memory_space<semaphore_mem>>
      %dma_start3A_205 = arith.constant 0 : i32
      %dma_start3A_206 = tpu.memref_slice %arg31[%dma_start3A_205] : memref<1392xf32, #tpu.memory_space<vmem>> -> memref<1392xf32, #tpu.memory_space<vmem>>
      %dma_start3A_207 = tpu.memref_slice %arg18[%add3A_145] : memref<50048xf32, #tpu.memory_space<vmem_shared>> -> memref<1392xf32, #tpu.memory_space<vmem_shared>>
      %dma_start3A_208 = arith.constant 0 : i32
      %dma_start3A_209 = tpu.memref_slice %arg31[%dma_start3A_208] : memref<1392xf32, #tpu.memory_space<vmem>> -> memref<1392xf32, #tpu.memory_space<vmem>>
      %dma_start3A_210 = tpu.memref_slice %arg18[%add3A_145] : memref<50048xf32, #tpu.memory_space<vmem_shared>> -> memref<1392xf32, #tpu.memory_space<vmem_shared>>
      tpu.enqueue_dma source(%dma_start3A_210 : memref<1392xf32, #tpu.memory_space<vmem_shared>>) target(%dma_start3A_209 : memref<1392xf32, #tpu.memory_space<vmem>>) target_semaphore(%run_scoped3A : memref<!tpu.dma_semaphore, #tpu.memory_space<semaphore_mem>>)
      %dma_wait3A_211 = arith.constant 0 : i32
      %dma_wait3A_212 = tpu.memref_slice %arg31[%dma_wait3A_211] : memref<1392xf32, #tpu.memory_space<vmem>> -> memref<1392xf32, #tpu.memory_space<vmem>>
      %dma_wait3A_213 = tpu.memref_slice %arg18[%add3A_145] : memref<50048xf32, #tpu.memory_space<vmem_shared>> -> memref<1392xf32, #tpu.memory_space<vmem_shared>>
      %dma_wait3A_214 = arith.constant 0 : i32
      %dma_wait3A_215 = tpu.memref_slice %arg31[%dma_wait3A_214] : memref<1392xf32, #tpu.memory_space<vmem>> -> memref<1392xf32, #tpu.memory_space<vmem>>
      %dma_wait3A_216 = tpu.memref_slice %arg18[%add3A_145] : memref<50048xf32, #tpu.memory_space<vmem_shared>> -> memref<1392xf32, #tpu.memory_space<vmem_shared>>
      tpu.wait_dma2 semaphore(%run_scoped3A : memref<!tpu.dma_semaphore, #tpu.memory_space<semaphore_mem>>) src(%dma_wait3A_216 : memref<1392xf32, #tpu.memory_space<vmem_shared>>) dst(%dma_wait3A_215 : memref<1392xf32, #tpu.memory_space<vmem>>)
      tpu.yield
    }) : () -> ()
    %add3A_146 = arith.constant 0 : i32
    %add3A_147 = arith.addi %mul3A_136, %add3A_146 : i32
    %add3A_148 = arith.addi %add3A_147, %mul3A_2 : i32
    %add3A_149 = arith.constant 1392 : i32
    %add3A_150 = arith.addi %add3A_148, %add3A_149 : i32
    "tpu.region"() ({
      %run_scoped3A = tpu.sem_alloc : memref<!tpu.dma_semaphore, #tpu.memory_space<semaphore_mem>>
      %dma_start3A_205 = arith.constant 0 : i32
      %dma_start3A_206 = tpu.memref_slice %arg31[%dma_start3A_205] : memref<1392xf32, #tpu.memory_space<vmem>> -> memref<1392xf32, #tpu.memory_space<vmem>>
      %dma_start3A_207 = tpu.memref_slice %arg13[%add3A_150] : memref<300288xf32, #tpu.memory_space<hbm>> -> memref<1392xf32, #tpu.memory_space<hbm>>
      %dma_start3A_208 = tpu.memref_slice %arg13[%add3A_150] : memref<300288xf32, #tpu.memory_space<hbm>> -> memref<1392xf32, #tpu.memory_space<hbm>>
      %dma_start3A_209 = arith.constant 0 : i32
      %dma_start3A_210 = tpu.memref_slice %arg31[%dma_start3A_209] : memref<1392xf32, #tpu.memory_space<vmem>> -> memref<1392xf32, #tpu.memory_space<vmem>>
      tpu.enqueue_dma source(%dma_start3A_210 : memref<1392xf32, #tpu.memory_space<vmem>>) target(%dma_start3A_208 : memref<1392xf32, #tpu.memory_space<hbm>>) target_semaphore(%run_scoped3A : memref<!tpu.dma_semaphore, #tpu.memory_space<semaphore_mem>>)
      %dma_wait3A_211 = arith.constant 0 : i32
      %dma_wait3A_212 = tpu.memref_slice %arg31[%dma_wait3A_211] : memref<1392xf32, #tpu.memory_space<vmem>> -> memref<1392xf32, #tpu.memory_space<vmem>>
      %dma_wait3A_213 = tpu.memref_slice %arg13[%add3A_150] : memref<300288xf32, #tpu.memory_space<hbm>> -> memref<1392xf32, #tpu.memory_space<hbm>>
      %dma_wait3A_214 = tpu.memref_slice %arg13[%add3A_150] : memref<300288xf32, #tpu.memory_space<hbm>> -> memref<1392xf32, #tpu.memory_space<hbm>>
      %dma_wait3A_215 = arith.constant 0 : i32
      %dma_wait3A_216 = tpu.memref_slice %arg31[%dma_wait3A_215] : memref<1392xf32, #tpu.memory_space<vmem>> -> memref<1392xf32, #tpu.memory_space<vmem>>
      tpu.wait_dma2 semaphore(%run_scoped3A : memref<!tpu.dma_semaphore, #tpu.memory_space<semaphore_mem>>) src(%dma_wait3A_216 : memref<1392xf32, #tpu.memory_space<vmem>>) dst(%dma_wait3A_214 : memref<1392xf32, #tpu.memory_space<hbm>>)
      tpu.yield
    }) : () -> ()
    %add3A_151 = arith.constant 2784 : i32
    %add3A_152 = arith.addi %mul3A_2, %add3A_151 : i32
    "tpu.region"() ({
      %run_scoped3A = tpu.sem_alloc : memref<!tpu.dma_semaphore, #tpu.memory_space<semaphore_mem>>
      %dma_start3A_205 = arith.constant 0 : i32
      %dma_start3A_206 = tpu.memref_slice %arg31[%dma_start3A_205] : memref<1392xf32, #tpu.memory_space<vmem>> -> memref<344xf32, #tpu.memory_space<vmem>>
      %dma_start3A_207 = tpu.memref_slice %arg18[%add3A_152] : memref<50048xf32, #tpu.memory_space<vmem_shared>> -> memref<344xf32, #tpu.memory_space<vmem_shared>>
      %dma_start3A_208 = arith.constant 0 : i32
      %dma_start3A_209 = tpu.memref_slice %arg31[%dma_start3A_208] : memref<1392xf32, #tpu.memory_space<vmem>> -> memref<344xf32, #tpu.memory_space<vmem>>
      %dma_start3A_210 = tpu.memref_slice %arg18[%add3A_152] : memref<50048xf32, #tpu.memory_space<vmem_shared>> -> memref<344xf32, #tpu.memory_space<vmem_shared>>
      tpu.enqueue_dma source(%dma_start3A_210 : memref<344xf32, #tpu.memory_space<vmem_shared>>) target(%dma_start3A_209 : memref<344xf32, #tpu.memory_space<vmem>>) target_semaphore(%run_scoped3A : memref<!tpu.dma_semaphore, #tpu.memory_space<semaphore_mem>>)
      %dma_wait3A_211 = arith.constant 0 : i32
      %dma_wait3A_212 = tpu.memref_slice %arg31[%dma_wait3A_211] : memref<1392xf32, #tpu.memory_space<vmem>> -> memref<344xf32, #tpu.memory_space<vmem>>
      %dma_wait3A_213 = tpu.memref_slice %arg18[%add3A_152] : memref<50048xf32, #tpu.memory_space<vmem_shared>> -> memref<344xf32, #tpu.memory_space<vmem_shared>>
      %dma_wait3A_214 = arith.constant 0 : i32
      %dma_wait3A_215 = tpu.memref_slice %arg31[%dma_wait3A_214] : memref<1392xf32, #tpu.memory_space<vmem>> -> memref<344xf32, #tpu.memory_space<vmem>>
      %dma_wait3A_216 = tpu.memref_slice %arg18[%add3A_152] : memref<50048xf32, #tpu.memory_space<vmem_shared>> -> memref<344xf32, #tpu.memory_space<vmem_shared>>
      tpu.wait_dma2 semaphore(%run_scoped3A : memref<!tpu.dma_semaphore, #tpu.memory_space<semaphore_mem>>) src(%dma_wait3A_216 : memref<344xf32, #tpu.memory_space<vmem_shared>>) dst(%dma_wait3A_215 : memref<344xf32, #tpu.memory_space<vmem>>)
      tpu.yield
    }) : () -> ()
    %add3A_153 = arith.constant 0 : i32
    %add3A_154 = arith.addi %mul3A_136, %add3A_153 : i32
    %add3A_155 = arith.addi %add3A_154, %mul3A_2 : i32
    %add3A_156 = arith.constant 2784 : i32
    %add3A_157 = arith.addi %add3A_155, %add3A_156 : i32
    "tpu.region"() ({
      %run_scoped3A = tpu.sem_alloc : memref<!tpu.dma_semaphore, #tpu.memory_space<semaphore_mem>>
      %dma_start3A_205 = arith.constant 0 : i32
      %dma_start3A_206 = tpu.memref_slice %arg31[%dma_start3A_205] : memref<1392xf32, #tpu.memory_space<vmem>> -> memref<344xf32, #tpu.memory_space<vmem>>
      %dma_start3A_207 = tpu.memref_slice %arg13[%add3A_157] : memref<300288xf32, #tpu.memory_space<hbm>> -> memref<344xf32, #tpu.memory_space<hbm>>
      %dma_start3A_208 = tpu.memref_slice %arg13[%add3A_157] : memref<300288xf32, #tpu.memory_space<hbm>> -> memref<344xf32, #tpu.memory_space<hbm>>
      %dma_start3A_209 = arith.constant 0 : i32
      %dma_start3A_210 = tpu.memref_slice %arg31[%dma_start3A_209] : memref<1392xf32, #tpu.memory_space<vmem>> -> memref<344xf32, #tpu.memory_space<vmem>>
      tpu.enqueue_dma source(%dma_start3A_210 : memref<344xf32, #tpu.memory_space<vmem>>) target(%dma_start3A_208 : memref<344xf32, #tpu.memory_space<hbm>>) target_semaphore(%run_scoped3A : memref<!tpu.dma_semaphore, #tpu.memory_space<semaphore_mem>>)
      %dma_wait3A_211 = arith.constant 0 : i32
      %dma_wait3A_212 = tpu.memref_slice %arg31[%dma_wait3A_211] : memref<1392xf32, #tpu.memory_space<vmem>> -> memref<344xf32, #tpu.memory_space<vmem>>
      %dma_wait3A_213 = tpu.memref_slice %arg13[%add3A_157] : memref<300288xf32, #tpu.memory_space<hbm>> -> memref<344xf32, #tpu.memory_space<hbm>>
      %dma_wait3A_214 = tpu.memref_slice %arg13[%add3A_157] : memref<300288xf32, #tpu.memory_space<hbm>> -> memref<344xf32, #tpu.memory_space<hbm>>
      %dma_wait3A_215 = arith.constant 0 : i32
      %dma_wait3A_216 = tpu.memref_slice %arg31[%dma_wait3A_215] : memref<1392xf32, #tpu.memory_space<vmem>> -> memref<344xf32, #tpu.memory_space<vmem>>
      tpu.wait_dma2 semaphore(%run_scoped3A : memref<!tpu.dma_semaphore, #tpu.memory_space<semaphore_mem>>) src(%dma_wait3A_216 : memref<344xf32, #tpu.memory_space<vmem>>) dst(%dma_wait3A_214 : memref<344xf32, #tpu.memory_space<hbm>>)
      tpu.yield
    }) : () -> ()
    %add3A_158 = arith.constant 0 : i32
    %add3A_159 = arith.addi %mul3A_2, %add3A_158 : i32
    "tpu.region"() ({
      %run_scoped3A = tpu.sem_alloc : memref<!tpu.dma_semaphore, #tpu.memory_space<semaphore_mem>>
      %dma_start3A_205 = arith.constant 0 : i32
      %dma_start3A_206 = tpu.memref_slice %arg31[%dma_start3A_205] : memref<1392xf32, #tpu.memory_space<vmem>> -> memref<1392xf32, #tpu.memory_space<vmem>>
      %dma_start3A_207 = tpu.memref_slice %arg19[%add3A_159] : memref<50048xf32, #tpu.memory_space<vmem_shared>> -> memref<1392xf32, #tpu.memory_space<vmem_shared>>
      %dma_start3A_208 = arith.constant 0 : i32
      %dma_start3A_209 = tpu.memref_slice %arg31[%dma_start3A_208] : memref<1392xf32, #tpu.memory_space<vmem>> -> memref<1392xf32, #tpu.memory_space<vmem>>
      %dma_start3A_210 = tpu.memref_slice %arg19[%add3A_159] : memref<50048xf32, #tpu.memory_space<vmem_shared>> -> memref<1392xf32, #tpu.memory_space<vmem_shared>>
      tpu.enqueue_dma source(%dma_start3A_210 : memref<1392xf32, #tpu.memory_space<vmem_shared>>) target(%dma_start3A_209 : memref<1392xf32, #tpu.memory_space<vmem>>) target_semaphore(%run_scoped3A : memref<!tpu.dma_semaphore, #tpu.memory_space<semaphore_mem>>)
      %dma_wait3A_211 = arith.constant 0 : i32
      %dma_wait3A_212 = tpu.memref_slice %arg31[%dma_wait3A_211] : memref<1392xf32, #tpu.memory_space<vmem>> -> memref<1392xf32, #tpu.memory_space<vmem>>
      %dma_wait3A_213 = tpu.memref_slice %arg19[%add3A_159] : memref<50048xf32, #tpu.memory_space<vmem_shared>> -> memref<1392xf32, #tpu.memory_space<vmem_shared>>
      %dma_wait3A_214 = arith.constant 0 : i32
      %dma_wait3A_215 = tpu.memref_slice %arg31[%dma_wait3A_214] : memref<1392xf32, #tpu.memory_space<vmem>> -> memref<1392xf32, #tpu.memory_space<vmem>>
      %dma_wait3A_216 = tpu.memref_slice %arg19[%add3A_159] : memref<50048xf32, #tpu.memory_space<vmem_shared>> -> memref<1392xf32, #tpu.memory_space<vmem_shared>>
      tpu.wait_dma2 semaphore(%run_scoped3A : memref<!tpu.dma_semaphore, #tpu.memory_space<semaphore_mem>>) src(%dma_wait3A_216 : memref<1392xf32, #tpu.memory_space<vmem_shared>>) dst(%dma_wait3A_215 : memref<1392xf32, #tpu.memory_space<vmem>>)
      tpu.yield
    }) : () -> ()
    %add3A_160 = arith.constant 50048 : i32
    %add3A_161 = arith.addi %mul3A_136, %add3A_160 : i32
    %add3A_162 = arith.addi %add3A_161, %mul3A_2 : i32
    %add3A_163 = arith.constant 0 : i32
    %add3A_164 = arith.addi %add3A_162, %add3A_163 : i32
    "tpu.region"() ({
      %run_scoped3A = tpu.sem_alloc : memref<!tpu.dma_semaphore, #tpu.memory_space<semaphore_mem>>
      %dma_start3A_205 = arith.constant 0 : i32
      %dma_start3A_206 = tpu.memref_slice %arg31[%dma_start3A_205] : memref<1392xf32, #tpu.memory_space<vmem>> -> memref<1392xf32, #tpu.memory_space<vmem>>
      %dma_start3A_207 = tpu.memref_slice %arg13[%add3A_164] : memref<300288xf32, #tpu.memory_space<hbm>> -> memref<1392xf32, #tpu.memory_space<hbm>>
      %dma_start3A_208 = tpu.memref_slice %arg13[%add3A_164] : memref<300288xf32, #tpu.memory_space<hbm>> -> memref<1392xf32, #tpu.memory_space<hbm>>
      %dma_start3A_209 = arith.constant 0 : i32
      %dma_start3A_210 = tpu.memref_slice %arg31[%dma_start3A_209] : memref<1392xf32, #tpu.memory_space<vmem>> -> memref<1392xf32, #tpu.memory_space<vmem>>
      tpu.enqueue_dma source(%dma_start3A_210 : memref<1392xf32, #tpu.memory_space<vmem>>) target(%dma_start3A_208 : memref<1392xf32, #tpu.memory_space<hbm>>) target_semaphore(%run_scoped3A : memref<!tpu.dma_semaphore, #tpu.memory_space<semaphore_mem>>)
      %dma_wait3A_211 = arith.constant 0 : i32
      %dma_wait3A_212 = tpu.memref_slice %arg31[%dma_wait3A_211] : memref<1392xf32, #tpu.memory_space<vmem>> -> memref<1392xf32, #tpu.memory_space<vmem>>
      %dma_wait3A_213 = tpu.memref_slice %arg13[%add3A_164] : memref<300288xf32, #tpu.memory_space<hbm>> -> memref<1392xf32, #tpu.memory_space<hbm>>
      %dma_wait3A_214 = tpu.memref_slice %arg13[%add3A_164] : memref<300288xf32, #tpu.memory_space<hbm>> -> memref<1392xf32, #tpu.memory_space<hbm>>
      %dma_wait3A_215 = arith.constant 0 : i32
      %dma_wait3A_216 = tpu.memref_slice %arg31[%dma_wait3A_215] : memref<1392xf32, #tpu.memory_space<vmem>> -> memref<1392xf32, #tpu.memory_space<vmem>>
      tpu.wait_dma2 semaphore(%run_scoped3A : memref<!tpu.dma_semaphore, #tpu.memory_space<semaphore_mem>>) src(%dma_wait3A_216 : memref<1392xf32, #tpu.memory_space<vmem>>) dst(%dma_wait3A_214 : memref<1392xf32, #tpu.memory_space<hbm>>)
      tpu.yield
    }) : () -> ()
    %add3A_165 = arith.constant 1392 : i32
    %add3A_166 = arith.addi %mul3A_2, %add3A_165 : i32
    "tpu.region"() ({
      %run_scoped3A = tpu.sem_alloc : memref<!tpu.dma_semaphore, #tpu.memory_space<semaphore_mem>>
      %dma_start3A_205 = arith.constant 0 : i32
      %dma_start3A_206 = tpu.memref_slice %arg31[%dma_start3A_205] : memref<1392xf32, #tpu.memory_space<vmem>> -> memref<1392xf32, #tpu.memory_space<vmem>>
      %dma_start3A_207 = tpu.memref_slice %arg19[%add3A_166] : memref<50048xf32, #tpu.memory_space<vmem_shared>> -> memref<1392xf32, #tpu.memory_space<vmem_shared>>
      %dma_start3A_208 = arith.constant 0 : i32
      %dma_start3A_209 = tpu.memref_slice %arg31[%dma_start3A_208] : memref<1392xf32, #tpu.memory_space<vmem>> -> memref<1392xf32, #tpu.memory_space<vmem>>
      %dma_start3A_210 = tpu.memref_slice %arg19[%add3A_166] : memref<50048xf32, #tpu.memory_space<vmem_shared>> -> memref<1392xf32, #tpu.memory_space<vmem_shared>>
      tpu.enqueue_dma source(%dma_start3A_210 : memref<1392xf32, #tpu.memory_space<vmem_shared>>) target(%dma_start3A_209 : memref<1392xf32, #tpu.memory_space<vmem>>) target_semaphore(%run_scoped3A : memref<!tpu.dma_semaphore, #tpu.memory_space<semaphore_mem>>)
      %dma_wait3A_211 = arith.constant 0 : i32
      %dma_wait3A_212 = tpu.memref_slice %arg31[%dma_wait3A_211] : memref<1392xf32, #tpu.memory_space<vmem>> -> memref<1392xf32, #tpu.memory_space<vmem>>
      %dma_wait3A_213 = tpu.memref_slice %arg19[%add3A_166] : memref<50048xf32, #tpu.memory_space<vmem_shared>> -> memref<1392xf32, #tpu.memory_space<vmem_shared>>
      %dma_wait3A_214 = arith.constant 0 : i32
      %dma_wait3A_215 = tpu.memref_slice %arg31[%dma_wait3A_214] : memref<1392xf32, #tpu.memory_space<vmem>> -> memref<1392xf32, #tpu.memory_space<vmem>>
      %dma_wait3A_216 = tpu.memref_slice %arg19[%add3A_166] : memref<50048xf32, #tpu.memory_space<vmem_shared>> -> memref<1392xf32, #tpu.memory_space<vmem_shared>>
      tpu.wait_dma2 semaphore(%run_scoped3A : memref<!tpu.dma_semaphore, #tpu.memory_space<semaphore_mem>>) src(%dma_wait3A_216 : memref<1392xf32, #tpu.memory_space<vmem_shared>>) dst(%dma_wait3A_215 : memref<1392xf32, #tpu.memory_space<vmem>>)
      tpu.yield
    }) : () -> ()
    %add3A_167 = arith.constant 50048 : i32
    %add3A_168 = arith.addi %mul3A_136, %add3A_167 : i32
    %add3A_169 = arith.addi %add3A_168, %mul3A_2 : i32
    %add3A_170 = arith.constant 1392 : i32
    %add3A_171 = arith.addi %add3A_169, %add3A_170 : i32
    "tpu.region"() ({
      %run_scoped3A = tpu.sem_alloc : memref<!tpu.dma_semaphore, #tpu.memory_space<semaphore_mem>>
      %dma_start3A_205 = arith.constant 0 : i32
      %dma_start3A_206 = tpu.memref_slice %arg31[%dma_start3A_205] : memref<1392xf32, #tpu.memory_space<vmem>> -> memref<1392xf32, #tpu.memory_space<vmem>>
      %dma_start3A_207 = tpu.memref_slice %arg13[%add3A_171] : memref<300288xf32, #tpu.memory_space<hbm>> -> memref<1392xf32, #tpu.memory_space<hbm>>
      %dma_start3A_208 = tpu.memref_slice %arg13[%add3A_171] : memref<300288xf32, #tpu.memory_space<hbm>> -> memref<1392xf32, #tpu.memory_space<hbm>>
      %dma_start3A_209 = arith.constant 0 : i32
      %dma_start3A_210 = tpu.memref_slice %arg31[%dma_start3A_209] : memref<1392xf32, #tpu.memory_space<vmem>> -> memref<1392xf32, #tpu.memory_space<vmem>>
      tpu.enqueue_dma source(%dma_start3A_210 : memref<1392xf32, #tpu.memory_space<vmem>>) target(%dma_start3A_208 : memref<1392xf32, #tpu.memory_space<hbm>>) target_semaphore(%run_scoped3A : memref<!tpu.dma_semaphore, #tpu.memory_space<semaphore_mem>>)
      %dma_wait3A_211 = arith.constant 0 : i32
      %dma_wait3A_212 = tpu.memref_slice %arg31[%dma_wait3A_211] : memref<1392xf32, #tpu.memory_space<vmem>> -> memref<1392xf32, #tpu.memory_space<vmem>>
      %dma_wait3A_213 = tpu.memref_slice %arg13[%add3A_171] : memref<300288xf32, #tpu.memory_space<hbm>> -> memref<1392xf32, #tpu.memory_space<hbm>>
      %dma_wait3A_214 = tpu.memref_slice %arg13[%add3A_171] : memref<300288xf32, #tpu.memory_space<hbm>> -> memref<1392xf32, #tpu.memory_space<hbm>>
      %dma_wait3A_215 = arith.constant 0 : i32
      %dma_wait3A_216 = tpu.memref_slice %arg31[%dma_wait3A_215] : memref<1392xf32, #tpu.memory_space<vmem>> -> memref<1392xf32, #tpu.memory_space<vmem>>
      tpu.wait_dma2 semaphore(%run_scoped3A : memref<!tpu.dma_semaphore, #tpu.memory_space<semaphore_mem>>) src(%dma_wait3A_216 : memref<1392xf32, #tpu.memory_space<vmem>>) dst(%dma_wait3A_214 : memref<1392xf32, #tpu.memory_space<hbm>>)
      tpu.yield
    }) : () -> ()
    %add3A_172 = arith.constant 2784 : i32
    %add3A_173 = arith.addi %mul3A_2, %add3A_172 : i32
    "tpu.region"() ({
      %run_scoped3A = tpu.sem_alloc : memref<!tpu.dma_semaphore, #tpu.memory_space<semaphore_mem>>
      %dma_start3A_205 = arith.constant 0 : i32
      %dma_start3A_206 = tpu.memref_slice %arg31[%dma_start3A_205] : memref<1392xf32, #tpu.memory_space<vmem>> -> memref<344xf32, #tpu.memory_space<vmem>>
      %dma_start3A_207 = tpu.memref_slice %arg19[%add3A_173] : memref<50048xf32, #tpu.memory_space<vmem_shared>> -> memref<344xf32, #tpu.memory_space<vmem_shared>>
      %dma_start3A_208 = arith.constant 0 : i32
      %dma_start3A_209 = tpu.memref_slice %arg31[%dma_start3A_208] : memref<1392xf32, #tpu.memory_space<vmem>> -> memref<344xf32, #tpu.memory_space<vmem>>
      %dma_start3A_210 = tpu.memref_slice %arg19[%add3A_173] : memref<50048xf32, #tpu.memory_space<vmem_shared>> -> memref<344xf32, #tpu.memory_space<vmem_shared>>
      tpu.enqueue_dma source(%dma_start3A_210 : memref<344xf32, #tpu.memory_space<vmem_shared>>) target(%dma_start3A_209 : memref<344xf32, #tpu.memory_space<vmem>>) target_semaphore(%run_scoped3A : memref<!tpu.dma_semaphore, #tpu.memory_space<semaphore_mem>>)
      %dma_wait3A_211 = arith.constant 0 : i32
      %dma_wait3A_212 = tpu.memref_slice %arg31[%dma_wait3A_211] : memref<1392xf32, #tpu.memory_space<vmem>> -> memref<344xf32, #tpu.memory_space<vmem>>
      %dma_wait3A_213 = tpu.memref_slice %arg19[%add3A_173] : memref<50048xf32, #tpu.memory_space<vmem_shared>> -> memref<344xf32, #tpu.memory_space<vmem_shared>>
      %dma_wait3A_214 = arith.constant 0 : i32
      %dma_wait3A_215 = tpu.memref_slice %arg31[%dma_wait3A_214] : memref<1392xf32, #tpu.memory_space<vmem>> -> memref<344xf32, #tpu.memory_space<vmem>>
      %dma_wait3A_216 = tpu.memref_slice %arg19[%add3A_173] : memref<50048xf32, #tpu.memory_space<vmem_shared>> -> memref<344xf32, #tpu.memory_space<vmem_shared>>
      tpu.wait_dma2 semaphore(%run_scoped3A : memref<!tpu.dma_semaphore, #tpu.memory_space<semaphore_mem>>) src(%dma_wait3A_216 : memref<344xf32, #tpu.memory_space<vmem_shared>>) dst(%dma_wait3A_215 : memref<344xf32, #tpu.memory_space<vmem>>)
      tpu.yield
    }) : () -> ()
    %add3A_174 = arith.constant 50048 : i32
    %add3A_175 = arith.addi %mul3A_136, %add3A_174 : i32
    %add3A_176 = arith.addi %add3A_175, %mul3A_2 : i32
    %add3A_177 = arith.constant 2784 : i32
    %add3A_178 = arith.addi %add3A_176, %add3A_177 : i32
    "tpu.region"() ({
      %run_scoped3A = tpu.sem_alloc : memref<!tpu.dma_semaphore, #tpu.memory_space<semaphore_mem>>
      %dma_start3A_205 = arith.constant 0 : i32
      %dma_start3A_206 = tpu.memref_slice %arg31[%dma_start3A_205] : memref<1392xf32, #tpu.memory_space<vmem>> -> memref<344xf32, #tpu.memory_space<vmem>>
      %dma_start3A_207 = tpu.memref_slice %arg13[%add3A_178] : memref<300288xf32, #tpu.memory_space<hbm>> -> memref<344xf32, #tpu.memory_space<hbm>>
      %dma_start3A_208 = tpu.memref_slice %arg13[%add3A_178] : memref<300288xf32, #tpu.memory_space<hbm>> -> memref<344xf32, #tpu.memory_space<hbm>>
      %dma_start3A_209 = arith.constant 0 : i32
      %dma_start3A_210 = tpu.memref_slice %arg31[%dma_start3A_209] : memref<1392xf32, #tpu.memory_space<vmem>> -> memref<344xf32, #tpu.memory_space<vmem>>
      tpu.enqueue_dma source(%dma_start3A_210 : memref<344xf32, #tpu.memory_space<vmem>>) target(%dma_start3A_208 : memref<344xf32, #tpu.memory_space<hbm>>) target_semaphore(%run_scoped3A : memref<!tpu.dma_semaphore, #tpu.memory_space<semaphore_mem>>)
      %dma_wait3A_211 = arith.constant 0 : i32
      %dma_wait3A_212 = tpu.memref_slice %arg31[%dma_wait3A_211] : memref<1392xf32, #tpu.memory_space<vmem>> -> memref<344xf32, #tpu.memory_space<vmem>>
      %dma_wait3A_213 = tpu.memref_slice %arg13[%add3A_178] : memref<300288xf32, #tpu.memory_space<hbm>> -> memref<344xf32, #tpu.memory_space<hbm>>
      %dma_wait3A_214 = tpu.memref_slice %arg13[%add3A_178] : memref<300288xf32, #tpu.memory_space<hbm>> -> memref<344xf32, #tpu.memory_space<hbm>>
      %dma_wait3A_215 = arith.constant 0 : i32
      %dma_wait3A_216 = tpu.memref_slice %arg31[%dma_wait3A_215] : memref<1392xf32, #tpu.memory_space<vmem>> -> memref<344xf32, #tpu.memory_space<vmem>>
      tpu.wait_dma2 semaphore(%run_scoped3A : memref<!tpu.dma_semaphore, #tpu.memory_space<semaphore_mem>>) src(%dma_wait3A_216 : memref<344xf32, #tpu.memory_space<vmem>>) dst(%dma_wait3A_214 : memref<344xf32, #tpu.memory_space<hbm>>)
      tpu.yield
    }) : () -> ()
    %add3A_179 = arith.constant 0 : i32
    %add3A_180 = arith.addi %mul3A_2, %add3A_179 : i32
    "tpu.region"() ({
      %run_scoped3A = tpu.sem_alloc : memref<!tpu.dma_semaphore, #tpu.memory_space<semaphore_mem>>
      %dma_start3A_205 = arith.constant 0 : i32
      %dma_start3A_206 = tpu.memref_slice %arg31[%dma_start3A_205] : memref<1392xf32, #tpu.memory_space<vmem>> -> memref<1392xf32, #tpu.memory_space<vmem>>
      %dma_start3A_207 = tpu.memref_slice %arg20[%add3A_180] : memref<50048xf32, #tpu.memory_space<vmem_shared>> -> memref<1392xf32, #tpu.memory_space<vmem_shared>>
      %dma_start3A_208 = arith.constant 0 : i32
      %dma_start3A_209 = tpu.memref_slice %arg31[%dma_start3A_208] : memref<1392xf32, #tpu.memory_space<vmem>> -> memref<1392xf32, #tpu.memory_space<vmem>>
      %dma_start3A_210 = tpu.memref_slice %arg20[%add3A_180] : memref<50048xf32, #tpu.memory_space<vmem_shared>> -> memref<1392xf32, #tpu.memory_space<vmem_shared>>
      tpu.enqueue_dma source(%dma_start3A_210 : memref<1392xf32, #tpu.memory_space<vmem_shared>>) target(%dma_start3A_209 : memref<1392xf32, #tpu.memory_space<vmem>>) target_semaphore(%run_scoped3A : memref<!tpu.dma_semaphore, #tpu.memory_space<semaphore_mem>>)
      %dma_wait3A_211 = arith.constant 0 : i32
      %dma_wait3A_212 = tpu.memref_slice %arg31[%dma_wait3A_211] : memref<1392xf32, #tpu.memory_space<vmem>> -> memref<1392xf32, #tpu.memory_space<vmem>>
      %dma_wait3A_213 = tpu.memref_slice %arg20[%add3A_180] : memref<50048xf32, #tpu.memory_space<vmem_shared>> -> memref<1392xf32, #tpu.memory_space<vmem_shared>>
      %dma_wait3A_214 = arith.constant 0 : i32
      %dma_wait3A_215 = tpu.memref_slice %arg31[%dma_wait3A_214] : memref<1392xf32, #tpu.memory_space<vmem>> -> memref<1392xf32, #tpu.memory_space<vmem>>
      %dma_wait3A_216 = tpu.memref_slice %arg20[%add3A_180] : memref<50048xf32, #tpu.memory_space<vmem_shared>> -> memref<1392xf32, #tpu.memory_space<vmem_shared>>
      tpu.wait_dma2 semaphore(%run_scoped3A : memref<!tpu.dma_semaphore, #tpu.memory_space<semaphore_mem>>) src(%dma_wait3A_216 : memref<1392xf32, #tpu.memory_space<vmem_shared>>) dst(%dma_wait3A_215 : memref<1392xf32, #tpu.memory_space<vmem>>)
      tpu.yield
    }) : () -> ()
    %add3A_181 = arith.constant 100096 : i32
    %add3A_182 = arith.addi %mul3A_136, %add3A_181 : i32
    %add3A_183 = arith.addi %add3A_182, %mul3A_2 : i32
    %add3A_184 = arith.constant 0 : i32
    %add3A_185 = arith.addi %add3A_183, %add3A_184 : i32
    "tpu.region"() ({
      %run_scoped3A = tpu.sem_alloc : memref<!tpu.dma_semaphore, #tpu.memory_space<semaphore_mem>>
      %dma_start3A_205 = arith.constant 0 : i32
      %dma_start3A_206 = tpu.memref_slice %arg31[%dma_start3A_205] : memref<1392xf32, #tpu.memory_space<vmem>> -> memref<1392xf32, #tpu.memory_space<vmem>>
      %dma_start3A_207 = tpu.memref_slice %arg13[%add3A_185] : memref<300288xf32, #tpu.memory_space<hbm>> -> memref<1392xf32, #tpu.memory_space<hbm>>
      %dma_start3A_208 = tpu.memref_slice %arg13[%add3A_185] : memref<300288xf32, #tpu.memory_space<hbm>> -> memref<1392xf32, #tpu.memory_space<hbm>>
      %dma_start3A_209 = arith.constant 0 : i32
      %dma_start3A_210 = tpu.memref_slice %arg31[%dma_start3A_209] : memref<1392xf32, #tpu.memory_space<vmem>> -> memref<1392xf32, #tpu.memory_space<vmem>>
      tpu.enqueue_dma source(%dma_start3A_210 : memref<1392xf32, #tpu.memory_space<vmem>>) target(%dma_start3A_208 : memref<1392xf32, #tpu.memory_space<hbm>>) target_semaphore(%run_scoped3A : memref<!tpu.dma_semaphore, #tpu.memory_space<semaphore_mem>>)
      %dma_wait3A_211 = arith.constant 0 : i32
      %dma_wait3A_212 = tpu.memref_slice %arg31[%dma_wait3A_211] : memref<1392xf32, #tpu.memory_space<vmem>> -> memref<1392xf32, #tpu.memory_space<vmem>>
      %dma_wait3A_213 = tpu.memref_slice %arg13[%add3A_185] : memref<300288xf32, #tpu.memory_space<hbm>> -> memref<1392xf32, #tpu.memory_space<hbm>>
      %dma_wait3A_214 = tpu.memref_slice %arg13[%add3A_185] : memref<300288xf32, #tpu.memory_space<hbm>> -> memref<1392xf32, #tpu.memory_space<hbm>>
      %dma_wait3A_215 = arith.constant 0 : i32
      %dma_wait3A_216 = tpu.memref_slice %arg31[%dma_wait3A_215] : memref<1392xf32, #tpu.memory_space<vmem>> -> memref<1392xf32, #tpu.memory_space<vmem>>
      tpu.wait_dma2 semaphore(%run_scoped3A : memref<!tpu.dma_semaphore, #tpu.memory_space<semaphore_mem>>) src(%dma_wait3A_216 : memref<1392xf32, #tpu.memory_space<vmem>>) dst(%dma_wait3A_214 : memref<1392xf32, #tpu.memory_space<hbm>>)
      tpu.yield
    }) : () -> ()
    %add3A_186 = arith.constant 1392 : i32
    %add3A_187 = arith.addi %mul3A_2, %add3A_186 : i32
    "tpu.region"() ({
      %run_scoped3A = tpu.sem_alloc : memref<!tpu.dma_semaphore, #tpu.memory_space<semaphore_mem>>
      %dma_start3A_205 = arith.constant 0 : i32
      %dma_start3A_206 = tpu.memref_slice %arg31[%dma_start3A_205] : memref<1392xf32, #tpu.memory_space<vmem>> -> memref<1392xf32, #tpu.memory_space<vmem>>
      %dma_start3A_207 = tpu.memref_slice %arg20[%add3A_187] : memref<50048xf32, #tpu.memory_space<vmem_shared>> -> memref<1392xf32, #tpu.memory_space<vmem_shared>>
      %dma_start3A_208 = arith.constant 0 : i32
      %dma_start3A_209 = tpu.memref_slice %arg31[%dma_start3A_208] : memref<1392xf32, #tpu.memory_space<vmem>> -> memref<1392xf32, #tpu.memory_space<vmem>>
      %dma_start3A_210 = tpu.memref_slice %arg20[%add3A_187] : memref<50048xf32, #tpu.memory_space<vmem_shared>> -> memref<1392xf32, #tpu.memory_space<vmem_shared>>
      tpu.enqueue_dma source(%dma_start3A_210 : memref<1392xf32, #tpu.memory_space<vmem_shared>>) target(%dma_start3A_209 : memref<1392xf32, #tpu.memory_space<vmem>>) target_semaphore(%run_scoped3A : memref<!tpu.dma_semaphore, #tpu.memory_space<semaphore_mem>>)
      %dma_wait3A_211 = arith.constant 0 : i32
      %dma_wait3A_212 = tpu.memref_slice %arg31[%dma_wait3A_211] : memref<1392xf32, #tpu.memory_space<vmem>> -> memref<1392xf32, #tpu.memory_space<vmem>>
      %dma_wait3A_213 = tpu.memref_slice %arg20[%add3A_187] : memref<50048xf32, #tpu.memory_space<vmem_shared>> -> memref<1392xf32, #tpu.memory_space<vmem_shared>>
      %dma_wait3A_214 = arith.constant 0 : i32
      %dma_wait3A_215 = tpu.memref_slice %arg31[%dma_wait3A_214] : memref<1392xf32, #tpu.memory_space<vmem>> -> memref<1392xf32, #tpu.memory_space<vmem>>
      %dma_wait3A_216 = tpu.memref_slice %arg20[%add3A_187] : memref<50048xf32, #tpu.memory_space<vmem_shared>> -> memref<1392xf32, #tpu.memory_space<vmem_shared>>
      tpu.wait_dma2 semaphore(%run_scoped3A : memref<!tpu.dma_semaphore, #tpu.memory_space<semaphore_mem>>) src(%dma_wait3A_216 : memref<1392xf32, #tpu.memory_space<vmem_shared>>) dst(%dma_wait3A_215 : memref<1392xf32, #tpu.memory_space<vmem>>)
      tpu.yield
    }) : () -> ()
    %add3A_188 = arith.constant 100096 : i32
    %add3A_189 = arith.addi %mul3A_136, %add3A_188 : i32
    %add3A_190 = arith.addi %add3A_189, %mul3A_2 : i32
    %add3A_191 = arith.constant 1392 : i32
    %add3A_192 = arith.addi %add3A_190, %add3A_191 : i32
    "tpu.region"() ({
      %run_scoped3A = tpu.sem_alloc : memref<!tpu.dma_semaphore, #tpu.memory_space<semaphore_mem>>
      %dma_start3A_205 = arith.constant 0 : i32
      %dma_start3A_206 = tpu.memref_slice %arg31[%dma_start3A_205] : memref<1392xf32, #tpu.memory_space<vmem>> -> memref<1392xf32, #tpu.memory_space<vmem>>
      %dma_start3A_207 = tpu.memref_slice %arg13[%add3A_192] : memref<300288xf32, #tpu.memory_space<hbm>> -> memref<1392xf32, #tpu.memory_space<hbm>>
      %dma_start3A_208 = tpu.memref_slice %arg13[%add3A_192] : memref<300288xf32, #tpu.memory_space<hbm>> -> memref<1392xf32, #tpu.memory_space<hbm>>
      %dma_start3A_209 = arith.constant 0 : i32
      %dma_start3A_210 = tpu.memref_slice %arg31[%dma_start3A_209] : memref<1392xf32, #tpu.memory_space<vmem>> -> memref<1392xf32, #tpu.memory_space<vmem>>
      tpu.enqueue_dma source(%dma_start3A_210 : memref<1392xf32, #tpu.memory_space<vmem>>) target(%dma_start3A_208 : memref<1392xf32, #tpu.memory_space<hbm>>) target_semaphore(%run_scoped3A : memref<!tpu.dma_semaphore, #tpu.memory_space<semaphore_mem>>)
      %dma_wait3A_211 = arith.constant 0 : i32
      %dma_wait3A_212 = tpu.memref_slice %arg31[%dma_wait3A_211] : memref<1392xf32, #tpu.memory_space<vmem>> -> memref<1392xf32, #tpu.memory_space<vmem>>
      %dma_wait3A_213 = tpu.memref_slice %arg13[%add3A_192] : memref<300288xf32, #tpu.memory_space<hbm>> -> memref<1392xf32, #tpu.memory_space<hbm>>
      %dma_wait3A_214 = tpu.memref_slice %arg13[%add3A_192] : memref<300288xf32, #tpu.memory_space<hbm>> -> memref<1392xf32, #tpu.memory_space<hbm>>
      %dma_wait3A_215 = arith.constant 0 : i32
      %dma_wait3A_216 = tpu.memref_slice %arg31[%dma_wait3A_215] : memref<1392xf32, #tpu.memory_space<vmem>> -> memref<1392xf32, #tpu.memory_space<vmem>>
      tpu.wait_dma2 semaphore(%run_scoped3A : memref<!tpu.dma_semaphore, #tpu.memory_space<semaphore_mem>>) src(%dma_wait3A_216 : memref<1392xf32, #tpu.memory_space<vmem>>) dst(%dma_wait3A_214 : memref<1392xf32, #tpu.memory_space<hbm>>)
      tpu.yield
    }) : () -> ()
    %add3A_193 = arith.constant 2784 : i32
    %add3A_194 = arith.addi %mul3A_2, %add3A_193 : i32
    "tpu.region"() ({
      %run_scoped3A = tpu.sem_alloc : memref<!tpu.dma_semaphore, #tpu.memory_space<semaphore_mem>>
      %dma_start3A_205 = arith.constant 0 : i32
      %dma_start3A_206 = tpu.memref_slice %arg31[%dma_start3A_205] : memref<1392xf32, #tpu.memory_space<vmem>> -> memref<344xf32, #tpu.memory_space<vmem>>
      %dma_start3A_207 = tpu.memref_slice %arg20[%add3A_194] : memref<50048xf32, #tpu.memory_space<vmem_shared>> -> memref<344xf32, #tpu.memory_space<vmem_shared>>
      %dma_start3A_208 = arith.constant 0 : i32
      %dma_start3A_209 = tpu.memref_slice %arg31[%dma_start3A_208] : memref<1392xf32, #tpu.memory_space<vmem>> -> memref<344xf32, #tpu.memory_space<vmem>>
      %dma_start3A_210 = tpu.memref_slice %arg20[%add3A_194] : memref<50048xf32, #tpu.memory_space<vmem_shared>> -> memref<344xf32, #tpu.memory_space<vmem_shared>>
      tpu.enqueue_dma source(%dma_start3A_210 : memref<344xf32, #tpu.memory_space<vmem_shared>>) target(%dma_start3A_209 : memref<344xf32, #tpu.memory_space<vmem>>) target_semaphore(%run_scoped3A : memref<!tpu.dma_semaphore, #tpu.memory_space<semaphore_mem>>)
      %dma_wait3A_211 = arith.constant 0 : i32
      %dma_wait3A_212 = tpu.memref_slice %arg31[%dma_wait3A_211] : memref<1392xf32, #tpu.memory_space<vmem>> -> memref<344xf32, #tpu.memory_space<vmem>>
      %dma_wait3A_213 = tpu.memref_slice %arg20[%add3A_194] : memref<50048xf32, #tpu.memory_space<vmem_shared>> -> memref<344xf32, #tpu.memory_space<vmem_shared>>
      %dma_wait3A_214 = arith.constant 0 : i32
      %dma_wait3A_215 = tpu.memref_slice %arg31[%dma_wait3A_214] : memref<1392xf32, #tpu.memory_space<vmem>> -> memref<344xf32, #tpu.memory_space<vmem>>
      %dma_wait3A_216 = tpu.memref_slice %arg20[%add3A_194] : memref<50048xf32, #tpu.memory_space<vmem_shared>> -> memref<344xf32, #tpu.memory_space<vmem_shared>>
      tpu.wait_dma2 semaphore(%run_scoped3A : memref<!tpu.dma_semaphore, #tpu.memory_space<semaphore_mem>>) src(%dma_wait3A_216 : memref<344xf32, #tpu.memory_space<vmem_shared>>) dst(%dma_wait3A_215 : memref<344xf32, #tpu.memory_space<vmem>>)
      tpu.yield
    }) : () -> ()
    %add3A_195 = arith.constant 100096 : i32
    %add3A_196 = arith.addi %mul3A_136, %add3A_195 : i32
    %add3A_197 = arith.addi %add3A_196, %mul3A_2 : i32
    %add3A_198 = arith.constant 2784 : i32
    %add3A_199 = arith.addi %add3A_197, %add3A_198 : i32
    "tpu.region"() ({
      %run_scoped3A = tpu.sem_alloc : memref<!tpu.dma_semaphore, #tpu.memory_space<semaphore_mem>>
      %dma_start3A_205 = arith.constant 0 : i32
      %dma_start3A_206 = tpu.memref_slice %arg31[%dma_start3A_205] : memref<1392xf32, #tpu.memory_space<vmem>> -> memref<344xf32, #tpu.memory_space<vmem>>
      %dma_start3A_207 = tpu.memref_slice %arg13[%add3A_199] : memref<300288xf32, #tpu.memory_space<hbm>> -> memref<344xf32, #tpu.memory_space<hbm>>
      %dma_start3A_208 = tpu.memref_slice %arg13[%add3A_199] : memref<300288xf32, #tpu.memory_space<hbm>> -> memref<344xf32, #tpu.memory_space<hbm>>
      %dma_start3A_209 = arith.constant 0 : i32
      %dma_start3A_210 = tpu.memref_slice %arg31[%dma_start3A_209] : memref<1392xf32, #tpu.memory_space<vmem>> -> memref<344xf32, #tpu.memory_space<vmem>>
      tpu.enqueue_dma source(%dma_start3A_210 : memref<344xf32, #tpu.memory_space<vmem>>) target(%dma_start3A_208 : memref<344xf32, #tpu.memory_space<hbm>>) target_semaphore(%run_scoped3A : memref<!tpu.dma_semaphore, #tpu.memory_space<semaphore_mem>>)
      %dma_wait3A_211 = arith.constant 0 : i32
      %dma_wait3A_212 = tpu.memref_slice %arg31[%dma_wait3A_211] : memref<1392xf32, #tpu.memory_space<vmem>> -> memref<344xf32, #tpu.memory_space<vmem>>
      %dma_wait3A_213 = tpu.memref_slice %arg13[%add3A_199] : memref<300288xf32, #tpu.memory_space<hbm>> -> memref<344xf32, #tpu.memory_space<hbm>>
      %dma_wait3A_214 = tpu.memref_slice %arg13[%add3A_199] : memref<300288xf32, #tpu.memory_space<hbm>> -> memref<344xf32, #tpu.memory_space<hbm>>
      %dma_wait3A_215 = arith.constant 0 : i32
      %dma_wait3A_216 = tpu.memref_slice %arg31[%dma_wait3A_215] : memref<1392xf32, #tpu.memory_space<vmem>> -> memref<344xf32, #tpu.memory_space<vmem>>
      tpu.wait_dma2 semaphore(%run_scoped3A : memref<!tpu.dma_semaphore, #tpu.memory_space<semaphore_mem>>) src(%dma_wait3A_216 : memref<344xf32, #tpu.memory_space<vmem>>) dst(%dma_wait3A_214 : memref<344xf32, #tpu.memory_space<hbm>>)
      tpu.yield
    }) : () -> ()
    %swap3A = arith.constant 0 : index
    %swap3A_200 = tpu.vector_load %arg55[%swap3A] {strides = array<i32>} : memref<16xf32, #tpu.memory_space<vmem>>, vector<16xf32>,
    %swap3A_201 = vector.shape_cast %swap3A_200 : vector<16xf32> to vector<16xf32>
    %swap3A_202 = vector.shape_cast %scan3A_118 : vector<16xf32> to vector<16xf32>
    tpu.vector_store %arg55[%swap3A], %swap3A_202 {strides = array<i32>} : memref<16xf32, #tpu.memory_space<vmem>>, vector<16xf32>,
    %mul3A_203 = arith.constant 16 : i32
    %mul3A_204 = arith.muli %add3A, %mul3A_203 : i32
    "tpu.region"() ({
      %run_scoped3A = tpu.sem_alloc : memref<!tpu.dma_semaphore, #tpu.memory_space<semaphore_mem>>
      %dma_start3A_205 = tpu.memref_slice %arg14[%mul3A_204] : memref<512xf32, #tpu.memory_space<hbm>> -> memref<16xf32, #tpu.memory_space<hbm>>
      %dma_start3A_206 = tpu.memref_slice %arg14[%mul3A_204] : memref<512xf32, #tpu.memory_space<hbm>> -> memref<16xf32, #tpu.memory_space<hbm>>
      tpu.enqueue_dma source(%arg55 : memref<16xf32, #tpu.memory_space<vmem>>) target(%dma_start3A_206 : memref<16xf32, #tpu.memory_space<hbm>>) target_semaphore(%run_scoped3A : memref<!tpu.dma_semaphore, #tpu.memory_space<semaphore_mem>>)
      %dma_wait3A_207 = tpu.memref_slice %arg14[%mul3A_204] : memref<512xf32, #tpu.memory_space<hbm>> -> memref<16xf32, #tpu.memory_space<hbm>>
      %dma_wait3A_208 = tpu.memref_slice %arg14[%mul3A_204] : memref<512xf32, #tpu.memory_space<hbm>> -> memref<16xf32, #tpu.memory_space<hbm>>
      tpu.wait_dma2 semaphore(%run_scoped3A : memref<!tpu.dma_semaphore, #tpu.memory_space<semaphore_mem>>) src(%arg55 : memref<16xf32, #tpu.memory_space<vmem>>) dst(%dma_wait3A_208 : memref<16xf32, #tpu.memory_space<hbm>>)
      tpu.yield
    }) : () -> ()
    return
  }
}

</mosaic_0001>

<sc_bundles>
// kernel: kernel.3.cloned.1.call-start
scs
__scs_entry_jumppad:
0x0: {  	(pc) =	sbr.rel $0x88, $3  }
0x1: {  	(tag) =	ssettag $0x0;
	lr =	simm.s32 $0x1  }
0x2: {  	[smem:$0x3F9D] =	sst lr;
	_ =	strace $0xD0000000  }
0x3: {  	_ = 	snop  }
0x4: {  	_ = 	snop  }
0x5: {  	_ = 	snop  }
0x6: {  	_ = 	snop  }
0x7: {  	_ = 	snop  }
__scs_overlays_trampoline_lowered:
0x8: {  	[smem:$0x3FAC] =	sst s0  }
0x9: {  	[smem:$0x3FAD] =	sst s1  }
0xa: {  	[smem:$0x3FAE] =	sst s2  }
0xb: {  	[smem:$0x3FAF] =	sst s3  }
0xc: {  	[smem:$0x3FB0] =	sst s4  }
0xd: {  	[smem:$0x3FB1] =	sst s5  }
0xe: {  	[smem:$0x3FB2] =	sst s6  }
0xf: {  	[smem:$0x3FB3] =	sst s7  }
0x10: {  	[smem:$0x3FB4] =	sst s8  }
0x11: {  	[smem:$0x3FB5] =	sst s9;
	s0 =	simm.s32 @!p0 $0x0  }
0x12: {  	s1 =	sld [smem:$0x3F9B];
	s0 =	simm.s32 @p0 $0x1  }
0x13: {  	[smem:$0x3FB6] =	sst s0;
	s0 =	simm.s32 @!p1 $0x0  }
0x14: {  	s2 =	sld [smem:$0x3F9A];
	s0 =	simm.s32 @p1 $0x1  }
0x15: {  	[smem:$0x3FB7] =	sst s0;
	s0 =	simm.s32 @!p2 $0x0  }
0x16: {  	s3 =	sld [smem:$0x3FDB];
	s0 =	simm.s32 @p2 $0x1  }
0x17: {  	s4 =	simm.s32 $0x1BF5;
	[smem:$0x3FB9] =	sst s0  }
0x18: {  	s0 =	sld [smem:$0x3F9C];
	_ =	swait.ge [sflag:s4], $0x0  }
0x19: {  	s7 =	sld [smem:$0x3F9D]  }
0x1a: {  	s8 =	sadd.s32 $0xFFFFE003, lr  }
0x1b: {  	s9 =	sadd.s32 $0xFFFFFEF7, lr;
	s5 =	simm.s32 $0xFFFFFFFF;
	p2 =	slt.u32 s8, $0xFFFFF086  }
0x1c: {  	p1 =	slt.u32 s9, $0xF7A;
	s5 =	simm.s32 @!p2 $0x0  }
0x1d: {  	s5 =	simm.s32 @p1 $0x1;
	p0 =	seq.s32 s7, s2  }
0x1e: {  	s7 =	smul.u32 @!p0 $0xF7A, s2;
	p2 =	seq.s32 @!p0 s5, $0x0  }
0x1f: {  	s9 =	smul.u32 $0xF7A, s1;
	s8 =	simm.s32 @!p0 $0x1BF5;
	p2 =	por !p2, p0  }
0x20: {  	[sflag:s8] =	ssyncset.s32 @!p0 $0xFFFFF086;
	s6 =	sadd.s32 @!p0 s3, s7;
	s7 =	simm.s32 @!p0 $0x108  }
0x21: {  	s3 =	sadd.s32 s3, s9;
	s6 =	sadd.s32 @!p0 $0x88, s6;
	s7 =	simm.s32 @p2 $0x1082  }
0x22: {  	[simem:s7], [sflag:s8] =	dma.local @!p0 [hbm:s6], $0xF7A  }
0x23: {  	s9 =	sor.u32 $0xD0000000, s2;
	s6 =	simm.s32 $0x108;
	_ =	swait.ge @!p0 [sflag:s8], $0x0  }
0x24: {  	s3 =	sadd.s32 $0x88, s3;
	s6 =	simm.s32 @!p1 $0x1082;
	[sflag:s4] =	ssyncset.s32 $0xFFFFF086  }
0x25: {  	[simem:s6], [sflag:s4] =	dma.local [hbm:s3], $0xF7A  }
0x26: {  	[smem:$0x3F9D] =	sst s1;
	(tag) =	ssettag s2;
	_ =	strace s9  }
0x27: {  	s1 =	sld [smem:$0x3FAD]  }
0x28: {  	s2 =	sld [smem:$0x3FAE]  }
0x29: {  	s4 =	sld [smem:$0x3FB0]  }
0x2a: {  	p0 =	seq.s32 s5, $0x0;
	s5 =	sld [smem:$0x3FB1]  }
0x2b: {  	s6 =	sld [smem:$0x3FB2]  }
0x2c: {  	s7 =	sld [smem:$0x3FB3]  }
0x2d: {  	s3 =	simm.s32 $0x108;
	s8 =	sld [smem:$0x3FB4]  }
0x2e: {  	s3 =	simm.s32 @!p0 $0x1082;
	s9 =	sld [smem:$0x3FB5]  }
0x2f: {  	lr =	sadd.s32 s0, s3;
	s0 =	sld [smem:$0x3FAC]  }
0x30: {  	s3 =	sld [smem:$0x3FAF]  }
0x31: {  	[smem:$0x3FB8] =	sst s10  }
0x32: {  	s10 =	sld [smem:$0x3FB6];
	_ =	sdelay $0x3  }
0x33: {  	p0 =	seq.s32 s10, $0x1;
	s10 =	sld [smem:$0x3FB8];
	_ =	sdelay $0x3  }
0x34: {  	[smem:$0x3FB8] =	sst s10  }
0x35: {  	s10 =	sld [smem:$0x3FB7];
	_ =	sdelay $0x3  }
0x36: {  	p1 =	seq.s32 s10, $0x1;
	s10 =	sld [smem:$0x3FB8];
	_ =	sdelay $0x3  }
0x37: {  	[smem:$0x3FB8] =	sst s10  }
0x38: {  	s10 =	sld [smem:$0x3FB9]  }
0x39: {  	_ = 	snop;
	(pc) =	sbr.ind lr, $3  }
0x3a: {  	_ = 	snop  }
0x3b: {  	_ = 	snop  }
0x3c: {  	p2 =	seq.s32 s10, $0x1;
	s10 =	sld [smem:$0x3FB8]  }
0x3d: {  	_ =	shalt  }
0x3e: {  	_ =	shalt  }
0x3f: {  	_ =	shalt  }
0x40: {  	_ =	shalt  }
0x41: {  	_ =	shalt  }
0x42: {  	_ =	shalt  }
0x43: {  	_ =	shalt  }
0x44: {  	_ =	shalt  }
0x45: {  	_ =	shalt  }
0x46: {  	_ =	shalt  }
0x47: {  	_ =	shalt  }
0x48: {  	_ =	shalt  }
0x49: {  	_ =	shalt  }
0x4a: {  	_ =	shalt  }
0x4b: {  	_ =	shalt  }
0x4c: {  	_ =	shalt  }
0x4d: {  	_ =	shalt  }
0x4e: {  	_ =	shalt  }
0x4f: {  	_ =	shalt  }
0x50: {  	_ =	shalt  }
0x51: {  	_ =	shalt  }
0x52: {  	_ =	shalt  }
0x53: {  	_ =	shalt  }
0x54: {  	_ =	shalt  }
0x55: {  	_ =	shalt  }
0x56: {  	_ =	shalt  }
0x57: {  	_ =	shalt  }
0x58: {  	_ =	shalt  }
0x59: {  	_ =	shalt  }
0x5a: {  	_ =	shalt  }
0x5b: {  	_ =	shalt  }
0x5c: {  	_ =	shalt  }
0x5d: {  	_ =	shalt  }
0x5e: {  	_ =	shalt  }
0x5f: {  	_ =	shalt  }
0x60: {  	_ =	shalt  }
0x61: {  	_ =	shalt  }
0x62: {  	_ =	shalt  }
0x63: {  	_ =	shalt  }
0x64: {  	_ =	shalt  }
0x65: {  	_ =	shalt  }
0x66: {  	_ =	shalt  }
0x67: {  	_ =	shalt  }
0x68: {  	_ =	shalt  }
0x69: {  	_ =	shalt  }
0x6a: {  	_ =	shalt  }
0x6b: {  	_ =	shalt  }
0x6c: {  	_ =	shalt  }
0x6d: {  	_ =	shalt  }
0x6e: {  	_ =	shalt  }
0x6f: {  	_ =	shalt  }
0x70: {  	_ =	shalt  }
0x71: {  	_ =	shalt  }
0x72: {  	_ =	shalt  }
0x73: {  	_ =	shalt  }
0x74: {  	_ =	shalt  }
0x75: {  	_ =	shalt  }
0x76: {  	_ =	shalt  }
0x77: {  	_ =	shalt  }
0x78: {  	_ =	shalt  }
0x79: {  	_ =	shalt  }
0x7a: {  	_ =	shalt  }
0x7b: {  	_ =	shalt  }
0x7c: {  	_ =	shalt  }
0x7d: {  	_ =	shalt  }
0x7e: {  	_ =	shalt  }
0x7f: {  	_ =	shalt  }
0x80: {  	_ =	shalt  }
0x81: {  	_ =	shalt  }
0x82: {  	_ =	shalt  }
0x83: {  	_ =	shalt  }
0x84: {  	_ =	shalt  }
0x85: {  	_ =	shalt  }
0x86: {  	_ =	shalt  }
0x87: {  	_ =	shalt  }
.Lfunc_end0:
.L_simem_size_0:
called_computation_lowered:
.L_overlay_start_0:
0x88: {  	s2 =	sld [smem:$0x3FD9]  }
0x89: {  	s3 =	sld [smem:$0x3FFE];
	_ =	sdelay $0x1  }
0x8a: {  	s1 =	srdreg.scid  }
0x8b: {  	s0 =	sand.u32 $0x1, s1  }
0x8c: {  	s14 =	sshll.u32 s0, $0xA;
	s2 =	sadd.s32 s3, s2  }
0x8d: {  	s2 =	sadd.s32 s2, s14  }
0x8e: {  	[smem:$0x3FC4] =	sst s2  }
0x8f: {  	_ = 	snop  }
0x90: {  	s2 =	sld [smem:$0x3FD0];
	_ =	sdelay $0x1  }
0x91: {  	s15 =	sld [smem:$0x3FC7]  }
0x92: {  	s5 =	simm.s32 $0xA;
	s6 =	simm.s32 $0x10;
	s4 =	sld [smem:$0x3FC6]  }
0x93: {  	[smem:s6], [sflag:s5] =	dma.local [hbm:s2], $0x1  }
0x94: {  	_ =	swait.eq [sflag:s5], $0x1  }
0x95: {  	[sflag:s5] =	ssyncset.done $0x0  }
0x96: {  	[sflag:s5] =	ssyncadd.s32 $0xFFFFFFFF  }
0x97: {  	s16 =	sld [smem:$0x11];
	(tm) =	ssettm $0x1  }
0x98: {  	s17 =	sld [smem:$0x3FFB];
	_ =	sdelay $0x3  }
0x99: {  	_ =	strace s17  }
0x9a: {  	s5 =	sld [smem:$0x3FFC];
	_ =	sdelay $0x3  }
0x9b: {  	_ =	strace s5  }
0x9c: {  	s5 =	sld [smem:$0x3FFD];
	_ =	sdelay $0x3  }
0x9d: {  	_ =	strace s5  }
0x9e: {  	_ =	strace $0x8FFFFFFF  }
0x9f: {  	s18 =	sld [smem:$0x3FDB];
	_ =	sdelay $0x1  }
0xa0: {  	s19 =	simm.s32 $_scs_section_size  }
0xa1: {  	s7 =	simm.s32 $_size__tile_overlayer_lowered;
	s8 =	simm.s32 $_tile_overlayer_lowered  }
0xa2: {  	s22 =	simm.s32 $0x1BFF;
	s21 =	sshll.u32 s8, $0x1;
	s5 =	sadd.s32 s19, s18  }
0xa3: {  	s9 =	simm.s32 $0x0;
	s20 =	sshll.u32 s7, $0x1;
	s7 =	sadd.s32 s21, s5  }
0xa4: {  	[timem:s9], [sflag:s22] =	dma.local [hbm:s7], s20  }
0xa5: {  	_ =	swait.ge [sflag:s22], s20  }
0xa6: {  	s6 =	ssub.s32 $0x0, s20;
	[sflag:s22] =	ssyncset.done $0x0  }
0xa7: {  	[sflag:s22] =	ssyncadd.s32 s6;
	_ =	sdelay $0x1  }
0xa8: {  	s23 =	simm.s32 $0x1B8B  }
0xa9: {  	_ =	swait.ge [sflag:s23], $0x1  }
0xaa: {  	[sflag:s23] =	ssyncset.done $0x0  }
0xab: {  	s25 =	simm.s32 $0x1B8E;
	s24 =	sld [smem:$0x3FFE];
	[sflag:s23] =	ssyncadd.s32 $0xFFFFFFFF  }
0xac: {  	s26 =	simm.s32 $execute0_lowered;
	[smem:$0x3FD2] =	sst s25  }
0xad: {  	s7 =	sshll.u32 s26, $0x1;
	_ =	strace $0x80000046;
	[dreg:$0x1] =	wrdreg $0xFFFFFFFF  }
0xae: {  	s28 =	simm.s32 $_size_execute0_lowered;
	s5 =	sadd.s32 s5, s7;
	[dreg:$0x0] =	wrdreg $0x0  }
0xaf: {  	s7 =	sshll.u32 s28, $0x1;
	[dreg:$0x2] =	wrdreg s5  }
0xb0: {  	[dreg:$0x3] =	wrdreg s7  }
0xb1: {  	[dreg:$0x4] =	wrdreg $0xC0  }
0xb2: {  	_ =	task [dreg:s9], $0x5FFFF  }
0xb3: {  	[dreg:$0x1] =	wrdreg $0xFFFFFFFF  }
0xb4: {  	[dreg:$0x0] =	wrdreg $0x60  }
0xb5: {  	[dreg:$0x2] =	wrdreg s16  }
0xb6: {  	[dreg:$0x3] =	wrdreg s24  }
0xb7: {  	[dreg:$0x4] =	wrdreg s15  }
0xb8: {  	[dreg:$0x5] =	wrdreg s4  }
0xb9: {  	[dreg:$0x6] =	wrdreg $0x0  }
0xba: {  	[dreg:$0x7] =	wrdreg $0xC380  }
0xbb: {  	[dreg:$0x8] =	wrdreg $0x18700  }
0xbc: {  	[dreg:$0x9] =	wrdreg $0x24A80  }
0xbd: {  	[dreg:$0xa] =	wrdreg $0x30E00  }
0xbe: {  	[dreg:$0xb] =	wrdreg $0x3D180  }
0xbf: {  	[dreg:$0xc] =	wrdreg $0x9  }
0xc0: {  	_ =	task.clear_ibuf [dreg:s9], $0xDFFFF;
	_ =	strace $0x90000046  }
0xc1: {  	s29 =	simm.s32 $0x9;
	_ =	strace $0x80000048  }
0xc2: {  	_ =	swait.ge [sflag:s29], $0x1  }
0xc3: {  	[sflag:s29] =	ssyncadd.s32 $0xFFFFFFFF  }
0xc4: {  	_ =	strace $0x90000048  }
0xc5: {  	_ =	sfence  }
0xc6: {  	s30 =	sld [smem:$0x0];
	_ =	sdelay $0x2  }
0xc7: {  	s31 =	sshll.u32 s1, $0xD;
	s1 =	sshrl.u32 s1, $0x2  }
0xc8: {  	s3 =	sand.u32 $0x4000, s31;
	s1 =	sadd.s32 s1, s30  }
0xc9: {  	s0 =	sor.u32 s3, s0;
	s1 =	sshll.u32 s1, $0x11  }
0xca: {  	s0 =	sor.u32 s1, s0  }
0xcb: {  	s0 =	sadd.s32 $0x8F2B, s0  }
0xcc: {  	[sflag:s0] =	ssyncadd.remote.s32 $0x1  }
0xcd: {  	_ =	sfence.sel $0xFFFF  }
0xce: {  	[dreg:$0x0] =	wrdreg $0xFFFFFFFF;
	(pc) =	sbr.abs _section_cstart, $3  }
0xcf: {  	[dreg:$0x1] =	wrdreg $0xFFFFFFFF  }
0xd0: {  	_ =	task.clear_ibuf [dreg:s9], $0x2FFFF;
	_ =	strace $0x9FFFFFFF  }
0xd1: {  	(tm) =	ssettm $0x7FFFFFFF  }
tec
execute0_lowered:
.L_overlay_start_1:
0x0: {  	(tag) =	ssettag $0x1  }
0x1: {  	s10 =	rddreg [dreg:$0x0]  }
0x2: {  	s1 =	rddreg [dreg:$0x1]  }
0x3: {  	s0 =	rddreg [dreg:$0x2]  }
0x4: {  	s2 =	rddreg [dreg:$0x3]  }
0x5: {  	s3 =	rddreg [dreg:$0x4]  }
0x6: {  	s4 =	rddreg [dreg:$0x5]  }
0x7: {  	s5 =	rddreg [dreg:$0x6];
	s21 =	stileid.u32  }
0x8: {  	s6 =	rddreg [dreg:$0x7];
	s13 =	smul.u32 $0xC38, s21  }
0x9: {  	s8 =	rddreg [dreg:$0x8]  }
0xa: {  	s9 =	rddreg [dreg:$0x9];
	s12 =	sadd.s32 $0x2200, s1;
	s24 =	sshrl.u32 s13, $0x3  }
0xb: {  	s15 =	sadd.s32 $0x800, s1;
	s17 =	sadd.s32 $0x570, s13;
	s19 =	sadd.s32 s10, s24  }
0xc: {  	s18 =	sadd.s32 $0xAE0, s13;
	s26 =	sadd.s32 s12, s24;
	[dreg:$0xb] =	wrdreg s19  }
0xd: {  	s25 =	sshrl.u32 s17, $0x3;
	s24 =	sadd.s32 s15, s24;
	[dreg:$0xe] =	wrdreg s26  }
0xe: {  	s20 =	sshrl.u32 s18, $0x3;
	s22 =	sadd.s32 s10, s25;
	[dreg:$0x11] =	wrdreg s24  }
0xf: {  	s10 =	sadd.s32 s10, s20;
	[dreg:$0xc] =	wrdreg s22  }
0x10: {  	s23 =	sadd.s32 s12, s20;
	[dreg:$0xd] =	wrdreg s10  }
0x11: {  	s7 =	srdreg.scid;
	s26 =	sadd.s32 s15, s20;
	[dreg:$0x10] =	wrdreg s23  }
0x12: {  	s11 =	sand.u32 $0x1, s7;
	s20 =	simm.s32 $0x0;
	[dreg:$0x13] =	wrdreg s26  }
0x13: {  	s16 =	smul.u32 $0x24A80, s11;
	s22 =	sadd.s32 s12, s25;
	[smem:$0x7FF] =	sst s20  }
0x14: {  	s7 =	ssub.s32 $0x2, s11;
	s25 =	sadd.s32 s15, s25;
	[dreg:$0xf] =	wrdreg s22  }
0x15: {  	s12 =	sadd.s32 s13, s16;
	s15 =	sadd.s32 s13, s3;
	[dreg:$0x12] =	wrdreg s25  }
0x16: {  	s16 =	sadd.s32 s13, s4;
	_ =	strace $0x80000047;
	[dreg:$0x14] =	wrdreg s15  }
0x17: {  	s11 =	sshll.u32 s11, $0x4;
	s19 =	sadd.s32 s13, s5;
	[dreg:$0x15] =	wrdreg s16  }
0x18: {  	s11 =	sor.u32 s21, s11;
	s21 =	sadd.s32 s13, s6;
	[dreg:$0x16] =	wrdreg s19  }
0x19: {  	s14 =	sshrl.u32 s7, $0x1;
	s22 =	sadd.s32 s17, s3;
	[dreg:$0x17] =	wrdreg s21  }
0x1a: {  	s7 =	ssub.s32 s7, s14;
	s25 =	sadd.s32 s17, s4;
	[dreg:$0x1a] =	wrdreg s22  }
0x1b: {  	s24 =	sadd.s32 s13, s9;
	s26 =	sadd.s32 s17, s5;
	[dreg:$0x1b] =	wrdreg s25  }
0x1c: {  	s23 =	sadd.s32 s13, s8;
	s13 =	sadd.s32 s17, s8;
	[dreg:$0x1c] =	wrdreg s26  }
0x1d: {  	s7 =	smax.u32 s7, $0x1;
	[dreg:$0x1e] =	wrdreg s13  }
0x1e: {  	[smem:$0x7FD] =	sst s7  }
0x1f: {  	[dreg:$0x18] =	wrdreg s23  }
0x20: {  	s30 =	sadd.s32 s17, s6;
	[dreg:$0x19] =	wrdreg s24  }
0x21: {  	s15 =	sadd.s32 s17, s9;
	[dreg:$0x1d] =	wrdreg s30  }
0x22: {  	s14 =	sshll.u32 s11, $0x1;
	s16 =	sadd.s32 s18, s3;
	[dreg:$0x1f] =	wrdreg s15  }
0x23: {  	s11 =	smul.u32 $0xC3C0, s11;
	s17 =	sadd.s32 s18, s4;
	[smem:$0x7DF] =	sst s16  }
0x24: {  	s10 =	sshrl.u32 s12, $0x3;
	s19 =	sadd.s32 s18, s5;
	[smem:$0x7E0] =	sst s17  }
0x25: {  	s12 =	sadd.s32 s10, s1;
	s21 =	sadd.s32 s18, s6;
	[smem:$0x7E1] =	sst s19  }
0x26: {  	s10 =	sadd.s32 $0x34A00, s1;
	s22 =	sadd.s32 s18, s8;
	[smem:$0x7E2] =	sst s21  }
0x27: {  	s25 =	sshrl.u32 s11, $0x3;
	s26 =	sadd.s32 s18, s9;
	[smem:$0x7E3] =	sst s22  }
0x28: {  	[smem:$0x7E4] =	sst s26;
	s16 =	sadd.s32 s10, s25  }
0x29: {  	s19 =	sadd.s32 s0, s25;
	[smem:$0x7E5] =	sst s16  }
0x2a: {  	s13 =	sadd.s32 s2, s25;
	[smem:$0x7E7] =	sst s19  }
0x2b: {  	s17 =	sadd.s32 $0x3C00, s1;
	s15 =	sadd.s32 $0x6615C, s12;
	[smem:$0x7E8] =	sst s13  }
0x2c: {  	s21 =	sadd.s32 $0xAE, s25;
	s18 =	sadd.s32 s17, s25;
	[smem:$0x7F5] =	sst s15  }
0x2d: {  	s22 =	sadd.s32 s10, s21;
	[smem:$0x7E6] =	sst s18  }
0x2e: {  	s25 =	sadd.s32 s17, s21;
	[smem:$0x7E9] =	sst s22  }
0x2f: {  	s26 =	sadd.s32 s0, s21;
	[smem:$0x7EA] =	sst s25  }
0x30: {  	s16 =	sadd.s32 s2, s21;
	[smem:$0x7EB] =	sst s26  }
0x31: {  	s19 =	sadd.s32 $0x1050, s11;
	[smem:$0x7EC] =	sst s16  }
0x32: {  	s21 =	sadd.s32 $0x15C0, s11;
	[smem:$0x7EE] =	sst s19  }
0x33: {  	s13 =	sadd.s32 $0x660AE, s12;
	[smem:$0x7EF] =	sst s21  }
0x34: {  	s18 =	sadd.s32 $0xAE0, s11;
	[smem:$0x7F4] =	sst s13  }
0x35: {  	s22 =	sadd.s32 $0x1B30, s11;
	[smem:$0x7ED] =	sst s18  }
0x36: {  	s31 =	simm.s32 $0x64D0;
	s25 =	sadd.s32 $0x20A0, s11;
	[smem:$0x7F0] =	sst s22  }
0x37: {  	s28 =	sadd.s32 $0x65C00, s1;
	s11 =	sadd.s32 $0x2610, s11;
	[smem:$0x7F1] =	sst s25  }
0x38: {  	s29 =	sadd.s32 $0x400, s1;
	s26 =	sadd.s32 $0x66000, s12;
	[smem:$0x7F2] =	sst s11  }
0x39: {  	s14 =	sadd.s32 s14, s1;
	s16 =	sadd.s32 $0x67870, s12;
	[smem:$0x7F3] =	sst s26  }
0x3a: {  	s7 =	simm.s32 $0x1;
	s19 =	sadd.s32 $0x679CC, s12;
	[smem:$0x7F6] =	sst s16  }
0x3b: {  	s15 =	simm.s32 $0x3;
	s21 =	sadd.s32 $0x690E0, s12;
	[smem:$0x7F8] =	sst s19  }
0x3c: {  	s13 =	simm.s32 $0x4;
	s18 =	sadd.s32 $0x6791E, s12;
	[smem:$0x7F9] =	sst s21  }
0x3d: {  	s22 =	sadd.s32 $0x6918E, s12;
	s25 =	sadd.s32 $0x6923C, s12;
	s26 =	sadd.s32 $0x6F400, s14  }
.Ltmp0:
0x3e: {  	s11 =	sadd.s32 $0x65800, s1;
	[smem:$0x7F7] =	sst s18;
	(pc) =	sbr.rel .LBB2_1-.Ltmp0, $4  }
0x3f: {  	s12 =	simm.s32 $0x8050;
	s14 =	simm.s32 $0x570;
	[smem:$0x7FA] =	sst s22  }
0x40: {  	s21 =	simm.s32 $0x5F50;
	s19 =	simm.s32 $0x2;
	[smem:$0x7FB] =	sst s25  }
0x41: {  	s16 =	simm.s32 $0x0;
	[smem:$0x7FC] =	sst s26;
	s25 =	simm.s32 $0x4950  }
0x42: {  	v0 =	vimm.f32 $0.0e+00;
	s26 =	simm.s32 $0x59D0;
	s18 =	simm.s32 $0x4ED0;
	s22 =	simm.s32 $0x5450  }
.LBB2_18:
0x43: {  	_ =	swait.ge [sflag:s15], $0x570  }
0x44: {  	[sflag:s15] =	ssyncset.done $0x0  }
0x45: {  	[sflag:s15] =	ssyncadd.s32 $0xFFFFFA90  }
0x46: {  	_ =	swait.ge [sflag:s15], $0x570  }
0x47: {  	[sflag:s15] =	ssyncset.done $0x0  }
0x48: {  	[sflag:s15] =	ssyncadd.s32 $0xFFFFFA90  }
0x49: {  	_ =	swait.ge [sflag:s15], $0x570  }
0x4a: {  	[sflag:s15] =	ssyncset.done $0x0  }
0x4b: {  	[sflag:s15] =	ssyncadd.s32 $0xFFFFFA90  }
0x4c: {  	_ =	swait.ge [sflag:s15], $0x570  }
0x4d: {  	[sflag:s15] =	ssyncset.done $0x0  }
0x4e: {  	[sflag:s15] =	ssyncadd.s32 $0xFFFFFA90  }
0x4f: {  	_ =	swait.ge [sflag:s15], $0x570  }
0x50: {  	[sflag:s15] =	ssyncset.done $0x0  }
0x51: {  	[sflag:s15] =	ssyncadd.s32 $0xFFFFFA90  }
0x52: {  	_ =	swait.ge [sflag:s15], $0x570  }
0x53: {  	[sflag:s15] =	ssyncset.done $0x0  }
0x54: {  	[sflag:s15] =	ssyncadd.s32 $0xFFFFFA90  }
0x55: {  	[bflag:$0x0] =	sbarrier.arrive $0xFFFF  }
0x56: {  	s12 =	simm.s32 $0x8050;
	s13 =	simm.s32 $0x4;
	s1 =	rddreg [dreg:$0x17]  }
0x57: {  	[tilespmem:s12], [sflag:$0x4] =	stream.linear.gather [spmem:s1], $0x570, $0x38;
	[tilespmem:$0x104D0] =	vst v63  }
0x58: {  	_ =	swait.ge [sflag:s13], $0x570  }
0x59: {  	s23 =	sld [smem:$0x7F3]  }
0x5a: {  	[sflag:s13] =	ssyncset.done $0x0  }
0x5b: {  	s20 =	simm.s32 $0x0;
	[sflag:s13] =	ssyncadd.s32 $0xFFFFFA90  }
0x5c: {  	[hbm4b:s23+s20] =	stream.linear.scatter [tilespmem:s12], [sflag:$0x4], $0x570, $0x38;
	[tilespmem:$0x104D0] =	vst v63  }
0x5d: {  	_ =	swait.ge [sflag:s13], $0x570  }
0x5e: {  	[sflag:s13] =	ssyncset.done $0x0  }
0x5f: {  	s30 =	rddreg [dreg:$0x1d];
	[sflag:s13] =	ssyncadd.s32 $0xFFFFFA90  }
0x60: {  	[tilespmem:s12], [sflag:$0x4] =	stream.linear.gather [spmem:s30], $0x570, $0x38;
	[tilespmem:$0x104D0] =	vst v63  }
0x61: {  	_ =	swait.ge [sflag:s13], $0x570  }
0x62: {  	s24 =	sld [smem:$0x7F4]  }
0x63: {  	[sflag:s13] =	ssyncset.done $0x0  }
0x64: {  	[sflag:s13] =	ssyncadd.s32 $0xFFFFFA90  }
0x65: {  	[hbm4b:s24+s20] =	stream.linear.scatter [tilespmem:s12], [sflag:$0x4], $0x570, $0x38;
	[tilespmem:$0x104D0] =	vst v63  }
0x66: {  	_ =	swait.ge [sflag:s13], $0x570  }
0x67: {  	s16 =	sld [smem:$0x7E2]  }
0x68: {  	[sflag:s13] =	ssyncset.done $0x0  }
0x69: {  	[sflag:s13] =	ssyncadd.s32 $0xFFFFFA90  }
0x6a: {  	[tilespmem:s12], [sflag:$0x4] =	stream.linear.gather [spmem:s16], $0x158, $0x38;
	[tilespmem:$0x104D0] =	vst v63  }
0x6b: {  	_ =	swait.ge [sflag:s13], $0x158  }
0x6c: {  	s23 =	sld [smem:$0x7F5]  }
0x6d: {  	[sflag:s13] =	ssyncset.done $0x0  }
0x6e: {  	[sflag:s13] =	ssyncadd.s32 $0xFFFFFEA8  }
0x6f: {  	[hbm4b:s23+s20] =	stream.linear.scatter [tilespmem:s12], [sflag:$0x4], $0x158, $0x38;
	[tilespmem:$0x104D0] =	vst v63  }
0x70: {  	_ =	swait.ge [sflag:s13], $0x158  }
0x71: {  	[sflag:s13] =	ssyncset.done $0x0  }
0x72: {  	s23 =	rddreg [dreg:$0x18];
	[sflag:s13] =	ssyncadd.s32 $0xFFFFFEA8  }
0x73: {  	[tilespmem:s12], [sflag:$0x4] =	stream.linear.gather [spmem:s23], $0x570, $0x38;
	[tilespmem:$0x104D0] =	vst v63  }
0x74: {  	_ =	swait.ge [sflag:s13], $0x570  }
0x75: {  	s24 =	sld [smem:$0x7F6]  }
0x76: {  	[sflag:s13] =	ssyncset.done $0x0  }
0x77: {  	[sflag:s13] =	ssyncadd.s32 $0xFFFFFA90  }
0x78: {  	[hbm4b:s24+s20] =	stream.linear.scatter [tilespmem:s12], [sflag:$0x4], $0x570, $0x38;
	[tilespmem:$0x104D0] =	vst v63  }
0x79: {  	_ =	swait.ge [sflag:s13], $0x570  }
0x7a: {  	[sflag:s13] =	ssyncset.done $0x0  }
0x7b: {  	s16 =	rddreg [dreg:$0x1e];
	[sflag:s13] =	ssyncadd.s32 $0xFFFFFA90  }
0x7c: {  	[tilespmem:s12], [sflag:$0x4] =	stream.linear.gather [spmem:s16], $0x570, $0x38;
	[tilespmem:$0x104D0] =	vst v63  }
0x7d: {  	_ =	swait.ge [sflag:s13], $0x570  }
0x7e: {  	s24 =	sld [smem:$0x7F7]  }
0x7f: {  	[sflag:s13] =	ssyncset.done $0x0  }
0x80: {  	[sflag:s13] =	ssyncadd.s32 $0xFFFFFA90  }
0x81: {  	[hbm4b:s24+s20] =	stream.linear.scatter [tilespmem:s12], [sflag:$0x4], $0x570, $0x38;
	[tilespmem:$0x104D0] =	vst v63  }
0x82: {  	_ =	swait.ge [sflag:s13], $0x570  }
0x83: {  	s16 =	sld [smem:$0x7E3]  }
0x84: {  	[sflag:s13] =	ssyncset.done $0x0  }
0x85: {  	[sflag:s13] =	ssyncadd.s32 $0xFFFFFA90  }
0x86: {  	[tilespmem:s12], [sflag:$0x4] =	stream.linear.gather [spmem:s16], $0x158, $0x38;
	[tilespmem:$0x104D0] =	vst v63  }
0x87: {  	_ =	swait.ge [sflag:s13], $0x158  }
0x88: {  	s24 =	sld [smem:$0x7F8]  }
0x89: {  	[sflag:s13] =	ssyncset.done $0x0  }
0x8a: {  	[sflag:s13] =	ssyncadd.s32 $0xFFFFFEA8  }
0x8b: {  	[hbm4b:s24+s20] =	stream.linear.scatter [tilespmem:s12], [sflag:$0x4], $0x158, $0x38;
	[tilespmem:$0x104D0] =	vst v63  }
0x8c: {  	_ =	swait.ge [sflag:s13], $0x158  }
0x8d: {  	[sflag:s13] =	ssyncset.done $0x0  }
0x8e: {  	s24 =	rddreg [dreg:$0x19];
	[sflag:s13] =	ssyncadd.s32 $0xFFFFFEA8  }
0x8f: {  	[tilespmem:s12], [sflag:$0x4] =	stream.linear.gather [spmem:s24], $0x570, $0x38;
	[tilespmem:$0x104D0] =	vst v63  }
0x90: {  	_ =	swait.ge [sflag:s13], $0x570  }
0x91: {  	s16 =	sld [smem:$0x7F9]  }
0x92: {  	[sflag:s13] =	ssyncset.done $0x0  }
0x93: {  	[sflag:s13] =	ssyncadd.s32 $0xFFFFFA90  }
0x94: {  	[hbm4b:s16+s20] =	stream.linear.scatter [tilespmem:s12], [sflag:$0x4], $0x570, $0x38;
	[tilespmem:$0x104D0] =	vst v63  }
0x95: {  	_ =	swait.ge [sflag:s13], $0x570  }
0x96: {  	[sflag:s13] =	ssyncset.done $0x0  }
0x97: {  	s16 =	rddreg [dreg:$0x1f];
	[sflag:s13] =	ssyncadd.s32 $0xFFFFFA90  }
0x98: {  	[tilespmem:s12], [sflag:$0x4] =	stream.linear.gather [spmem:s16], $0x570, $0x38;
	[tilespmem:$0x104D0] =	vst v63  }
0x99: {  	_ =	swait.ge [sflag:s13], $0x570  }
0x9a: {  	s16 =	sld [smem:$0x7FA]  }
0x9b: {  	[sflag:s13] =	ssyncset.done $0x0  }
0x9c: {  	[sflag:s13] =	ssyncadd.s32 $0xFFFFFA90  }
0x9d: {  	[hbm4b:s16+s20] =	stream.linear.scatter [tilespmem:s12], [sflag:$0x4], $0x570, $0x38;
	[tilespmem:$0x104D0] =	vst v63  }
0x9e: {  	_ =	swait.ge [sflag:s13], $0x570  }
0x9f: {  	s16 =	sld [smem:$0x7E4]  }
0xa0: {  	[sflag:s13] =	ssyncset.done $0x0  }
0xa1: {  	[sflag:s13] =	ssyncadd.s32 $0xFFFFFA90  }
0xa2: {  	[tilespmem:s12], [sflag:$0x4] =	stream.linear.gather [spmem:s16], $0x158, $0x38;
	[tilespmem:$0x104D0] =	vst v63  }
0xa3: {  	_ =	swait.ge [sflag:s13], $0x158  }
0xa4: {  	s16 =	sld [smem:$0x7FB]  }
0xa5: {  	[sflag:s13] =	ssyncset.done $0x0  }
0xa6: {  	[sflag:s13] =	ssyncadd.s32 $0xFFFFFEA8  }
0xa7: {  	[hbm4b:s16+s20] =	stream.linear.scatter [tilespmem:s12], [sflag:$0x4], $0x158, $0x38;
	[tilespmem:$0x104D0] =	vst v63  }
0xa8: {  	_ =	swait.ge [sflag:s13], $0x158  }
0xa9: {  	[sflag:s13] =	ssyncset.done $0x0;
	s1 =	sld [smem:$0x7FC]  }
0xaa: {  	[sflag:s13] =	ssyncadd.s32 $0xFFFFFEA8  }
0xab: {  	s16 =	simm.s32 $0x10450;
	[tilespmem:$0x10450] =	vst v1  }
0xac: {  	[hbm4b:s1+s20] =	stream.linear.scatter [tilespmem:s16], [sflag:$0x4], $0x10, $0x38;
	[tilespmem:$0x104D0] =	vst v63  }
0xad: {  	_ =	swait.ge [sflag:s13], $0x10  }
0xae: {  	s1 =	sld [smem:$0x7DE];
	_ =	sdelay $0x2  }
0xaf: {  	s16 =	sadd.s32 $0x1, s1;
	s1 =	sld [smem:$0x7FD];
	_ =	sdelay $0x2  }
0xb0: {  	p0 =	sne.s32 s16, s1  }
.Ltmp1:
0xb1: {  	_ = 	snop;
	(pc) =	sbr.rel @!p0 .LBB2_19-.Ltmp1, $3  }
0xb2: {  	_ =	sdelay $0x1  }
0xb3: {  	[sflag:s13] =	ssyncset.done $0x0  }
0xb4: {  	[sflag:s13] =	ssyncadd.s32 $0xFFFFFFF0  }
.LBB2_1:
0xb5: {  	[smem:$0x7DE] =	sst s16  }
0xb6: {  	s1 =	rddreg [dreg:$0xb]  }
0xb7: {  	[tilespmem:s12], [sflag:$0x4] =	stream.linear.gather [hbm4b:s1+s20], $0x570, $0x38;
	[tilespmem:$0x104D0] =	vst v63  }
0xb8: {  	_ =	swait.ge [sflag:s13], $0x570  }
0xb9: {  	[sflag:s13] =	ssyncset.done $0x0  }
0xba: {  	s16 =	rddreg [dreg:$0x14];
	[sflag:s13] =	ssyncadd.s32 $0xFFFFFA90  }
0xbb: {  	[spmem:s16] =	stream.linear.scatter [tilespmem:s12], [sflag:$0x4], $0x570, $0x38;
	[tilespmem:$0x104D0] =	vst v63  }
0xbc: {  	_ =	swait.ge [sflag:s13], $0x570  }
0xbd: {  	[sflag:s13] =	ssyncset.done $0x0  }
0xbe: {  	s16 =	rddreg [dreg:$0xc];
	[sflag:s13] =	ssyncadd.s32 $0xFFFFFA90  }
0xbf: {  	[tilespmem:s12], [sflag:$0x4] =	stream.linear.gather [hbm4b:s16+s20], $0x570, $0x38;
	[tilespmem:$0x104D0] =	vst v63  }
0xc0: {  	_ =	swait.ge [sflag:s13], $0x570  }
0xc1: {  	[sflag:s13] =	ssyncset.done $0x0  }
0xc2: {  	s16 =	rddreg [dreg:$0x1a];
	[sflag:s13] =	ssyncadd.s32 $0xFFFFFA90  }
0xc3: {  	[spmem:s16] =	stream.linear.scatter [tilespmem:s12], [sflag:$0x4], $0x570, $0x38;
	[tilespmem:$0x104D0] =	vst v63  }
0xc4: {  	_ =	swait.ge [sflag:s13], $0x570  }
0xc5: {  	[sflag:s13] =	ssyncset.done $0x0  }
0xc6: {  	s16 =	rddreg [dreg:$0xd];
	[sflag:s13] =	ssyncadd.s32 $0xFFFFFA90  }
0xc7: {  	[tilespmem:s12], [sflag:$0x4] =	stream.linear.gather [hbm4b:s16+s20], $0x158, $0x38;
	[tilespmem:$0x104D0] =	vst v63  }
0xc8: {  	_ =	swait.ge [sflag:s13], $0x158  }
0xc9: {  	s16 =	sld [smem:$0x7DF]  }
0xca: {  	[sflag:s13] =	ssyncset.done $0x0  }
0xcb: {  	[sflag:s13] =	ssyncadd.s32 $0xFFFFFEA8  }
0xcc: {  	[spmem:s16] =	stream.linear.scatter [tilespmem:s12], [sflag:$0x4], $0x158, $0x38;
	[tilespmem:$0x104D0] =	vst v63  }
0xcd: {  	_ =	swait.ge [sflag:s13], $0x158  }
0xce: {  	[sflag:s13] =	ssyncset.done $0x0  }
0xcf: {  	s16 =	rddreg [dreg:$0xe];
	[sflag:s13] =	ssyncadd.s32 $0xFFFFFEA8  }
0xd0: {  	[tilespmem:s12], [sflag:$0x4] =	stream.linear.gather [hbm4b:s16+s20], $0x570, $0x38;
	[tilespmem:$0x104D0] =	vst v63  }
0xd1: {  	_ =	swait.ge [sflag:s13], $0x570  }
0xd2: {  	[sflag:s13] =	ssyncset.done $0x0  }
0xd3: {  	s16 =	rddreg [dreg:$0x15];
	[sflag:s13] =	ssyncadd.s32 $0xFFFFFA90  }
0xd4: {  	[spmem:s16] =	stream.linear.scatter [tilespmem:s12], [sflag:$0x4], $0x570, $0x38;
	[tilespmem:$0x104D0] =	vst v63  }
0xd5: {  	_ =	swait.ge [sflag:s13], $0x570  }
0xd6: {  	[sflag:s13] =	ssyncset.done $0x0  }
0xd7: {  	s16 =	rddreg [dreg:$0xf];
	[sflag:s13] =	ssyncadd.s32 $0xFFFFFA90  }
0xd8: {  	[tilespmem:s12], [sflag:$0x4] =	stream.linear.gather [hbm4b:s16+s20], $0x570, $0x38;
	[tilespmem:$0x104D0] =	vst v63  }
0xd9: {  	_ =	swait.ge [sflag:s13], $0x570  }
0xda: {  	[sflag:s13] =	ssyncset.done $0x0  }
0xdb: {  	s16 =	rddreg [dreg:$0x1b];
	[sflag:s13] =	ssyncadd.s32 $0xFFFFFA90  }
0xdc: {  	[spmem:s16] =	stream.linear.scatter [tilespmem:s12], [sflag:$0x4], $0x570, $0x38;
	[tilespmem:$0x104D0] =	vst v63  }
0xdd: {  	_ =	swait.ge [sflag:s13], $0x570  }
0xde: {  	[sflag:s13] =	ssyncset.done $0x0  }
0xdf: {  	s16 =	rddreg [dreg:$0x10];
	[sflag:s13] =	ssyncadd.s32 $0xFFFFFA90  }
0xe0: {  	[tilespmem:s12], [sflag:$0x4] =	stream.linear.gather [hbm4b:s16+s20], $0x158, $0x38;
	[tilespmem:$0x104D0] =	vst v63  }
0xe1: {  	_ =	swait.ge [sflag:s13], $0x158  }
0xe2: {  	s16 =	sld [smem:$0x7E0]  }
0xe3: {  	[sflag:s13] =	ssyncset.done $0x0  }
0xe4: {  	[sflag:s13] =	ssyncadd.s32 $0xFFFFFEA8  }
0xe5: {  	[spmem:s16] =	stream.linear.scatter [tilespmem:s12], [sflag:$0x4], $0x158, $0x38;
	[tilespmem:$0x104D0] =	vst v63  }
0xe6: {  	_ =	swait.ge [sflag:s13], $0x158  }
0xe7: {  	[sflag:s13] =	ssyncset.done $0x0  }
0xe8: {  	s16 =	rddreg [dreg:$0x11];
	[sflag:s13] =	ssyncadd.s32 $0xFFFFFEA8  }
0xe9: {  	[tilespmem:s12], [sflag:$0x4] =	stream.linear.gather [hbm4b:s16+s20], $0x570, $0x38;
	[tilespmem:$0x104D0] =	vst v63  }
0xea: {  	_ =	swait.ge [sflag:s13], $0x570  }
0xeb: {  	[sflag:s13] =	ssyncset.done $0x0  }
0xec: {  	s16 =	rddreg [dreg:$0x16];
	[sflag:s13] =	ssyncadd.s32 $0xFFFFFA90  }
0xed: {  	[spmem:s16] =	stream.linear.scatter [tilespmem:s12], [sflag:$0x4], $0x570, $0x38;
	[tilespmem:$0x104D0] =	vst v63  }
0xee: {  	_ =	swait.ge [sflag:s13], $0x570  }
0xef: {  	[sflag:s13] =	ssyncset.done $0x0  }
0xf0: {  	s16 =	rddreg [dreg:$0x12];
	[sflag:s13] =	ssyncadd.s32 $0xFFFFFA90  }
0xf1: {  	[tilespmem:s12], [sflag:$0x4] =	stream.linear.gather [hbm4b:s16+s20], $0x570, $0x38;
	[tilespmem:$0x104D0] =	vst v63  }
0xf2: {  	_ =	swait.ge [sflag:s13], $0x570  }
0xf3: {  	[sflag:s13] =	ssyncset.done $0x0  }
0xf4: {  	s16 =	rddreg [dreg:$0x1c];
	[sflag:s13] =	ssyncadd.s32 $0xFFFFFA90  }
0xf5: {  	[spmem:s16] =	stream.linear.scatter [tilespmem:s12], [sflag:$0x4], $0x570, $0x38;
	[tilespmem:$0x104D0] =	vst v63  }
0xf6: {  	_ =	swait.ge [sflag:s13], $0x570  }
0xf7: {  	[sflag:s13] =	ssyncset.done $0x0  }
0xf8: {  	s16 =	rddreg [dreg:$0x13];
	[sflag:s13] =	ssyncadd.s32 $0xFFFFFA90  }
0xf9: {  	[tilespmem:s12], [sflag:$0x4] =	stream.linear.gather [hbm4b:s16+s20], $0x158, $0x38;
	[tilespmem:$0x104D0] =	vst v63  }
0xfa: {  	_ =	swait.ge [sflag:s13], $0x158  }
0xfb: {  	s20 =	sld [smem:$0x7E1]  }
0xfc: {  	[sflag:s13] =	ssyncset.done $0x0  }
0xfd: {  	[sflag:s13] =	ssyncadd.s32 $0xFFFFFEA8  }
0xfe: {  	[spmem:s20] =	stream.linear.scatter [tilespmem:s12], [sflag:$0x4], $0x158, $0x38;
	[tilespmem:$0x104D0] =	vst v63  }
0xff: {  	_ =	swait.ge [sflag:s13], $0x158  }
0x100: {  	[sflag:s13] =	ssyncset.done $0x0  }
0x101: {  	s12 =	simm.s32 $0x40;
	[sflag:s13] =	ssyncadd.s32 $0xFFFFFEA8;
	s13 =	simm.s32 $0x0  }
.LBB2_2:
0x102: {  	p0 =	sne.s32 s12, $0x1580;
	[tilespmem:s13+$0x8050] =	vst v0;
	s13 =	smov.u32 s12;
	s12 =	sadd.s32 $0x40, s12  }
.Ltmp2:
0x103: {  	(pc) =	sbr.rel @p0 .LBB2_2-.Ltmp2, $2  }
0x104: {  	_ =	sdelay $0x2  }
0x105: {  	s13 =	sshra.s32 s13, $0x2  }
0x106: {  	[tilespmem:s13+$0x8050] =	vst v0;
	s1 =	rddreg [dreg:$0x17];
	s13 =	simm.s32 $0x8050;
	s12 =	simm.s32 $0x4  }
0x107: {  	[spmem:s1] =	stream.linear.scatter [tilespmem:s13], [sflag:$0x4], $0x570, $0x38;
	[tilespmem:$0x104D0] =	vst v63  }
0x108: {  	_ =	swait.ge [sflag:s12], $0x570  }
0x109: {  	[sflag:s12] =	ssyncset.done $0x0  }
0x10a: {  	[sflag:s12] =	ssyncadd.s32 $0xFFFFFA90  }
0x10b: {  	[spmem:s30] =	stream.linear.scatter [tilespmem:s13], [sflag:$0x4], $0x570, $0x38;
	[tilespmem:$0x104D0] =	vst v63  }
0x10c: {  	_ =	swait.ge [sflag:s12], $0x570  }
0x10d: {  	s16 =	sld [smem:$0x7E2]  }
0x10e: {  	[sflag:s12] =	ssyncset.done $0x0  }
0x10f: {  	[sflag:s12] =	ssyncadd.s32 $0xFFFFFA90  }
0x110: {  	[spmem:s16] =	stream.linear.scatter [tilespmem:s13], [sflag:$0x4], $0x158, $0x38;
	[tilespmem:$0x104D0] =	vst v63  }
0x111: {  	_ =	swait.ge [sflag:s12], $0x158  }
0x112: {  	[sflag:s12] =	ssyncset.done $0x0  }
0x113: {  	[sflag:s12] =	ssyncadd.s32 $0xFFFFFEA8  }
0x114: {  	[spmem:s23] =	stream.linear.scatter [tilespmem:s13], [sflag:$0x4], $0x570, $0x38;
	[tilespmem:$0x104D0] =	vst v63  }
0x115: {  	_ =	swait.ge [sflag:s12], $0x570  }
0x116: {  	[sflag:s12] =	ssyncset.done $0x0  }
0x117: {  	s20 =	rddreg [dreg:$0x1e];
	[sflag:s12] =	ssyncadd.s32 $0xFFFFFA90  }
0x118: {  	[spmem:s20] =	stream.linear.scatter [tilespmem:s13], [sflag:$0x4], $0x570, $0x38;
	[tilespmem:$0x104D0] =	vst v63  }
0x119: {  	_ =	swait.ge [sflag:s12], $0x570  }
0x11a: {  	s23 =	sld [smem:$0x7E3]  }
0x11b: {  	[sflag:s12] =	ssyncset.done $0x0  }
0x11c: {  	[sflag:s12] =	ssyncadd.s32 $0xFFFFFA90  }
0x11d: {  	[spmem:s23] =	stream.linear.scatter [tilespmem:s13], [sflag:$0x4], $0x158, $0x38;
	[tilespmem:$0x104D0] =	vst v63  }
0x11e: {  	_ =	swait.ge [sflag:s12], $0x158  }
0x11f: {  	[sflag:s12] =	ssyncset.done $0x0  }
0x120: {  	[sflag:s12] =	ssyncadd.s32 $0xFFFFFEA8  }
0x121: {  	[spmem:s24] =	stream.linear.scatter [tilespmem:s13], [sflag:$0x4], $0x570, $0x38;
	[tilespmem:$0x104D0] =	vst v63  }
0x122: {  	_ =	swait.ge [sflag:s12], $0x570  }
0x123: {  	[sflag:s12] =	ssyncset.done $0x0  }
0x124: {  	s24 =	rddreg [dreg:$0x1f];
	[sflag:s12] =	ssyncadd.s32 $0xFFFFFA90  }
0x125: {  	[spmem:s24] =	stream.linear.scatter [tilespmem:s13], [sflag:$0x4], $0x570, $0x38;
	[tilespmem:$0x104D0] =	vst v63  }
0x126: {  	_ =	swait.ge [sflag:s12], $0x570  }
0x127: {  	s30 =	sld [smem:$0x7E4]  }
0x128: {  	[sflag:s12] =	ssyncset.done $0x0  }
0x129: {  	[sflag:s12] =	ssyncadd.s32 $0xFFFFFA90  }
0x12a: {  	[spmem:s30] =	stream.linear.scatter [tilespmem:s13], [sflag:$0x4], $0x158, $0x38;
	[tilespmem:$0x104D0] =	vst v63  }
0x12b: {  	_ =	swait.ge [sflag:s12], $0x158  }
0x12c: {  	[sflag:s12] =	ssyncset.done $0x0  }
0x12d: {  	[sflag:s12] =	ssyncadd.s32 $0xFFFFFEA8  }
0x12e: {  	[bflag:$0x0] =	sbarrier.arrive $0xFFFF  }
0x12f: {  	s16 =	sld [smem:$0x7E5];
	_ =	sdelay $0x1  }
0x130: {  	s12 =	simm.s32 $0x0;
	s20 =	sld [smem:$0x7E6]  }
0x131: {  	[tilespmem:s25], [sflag:$0x1] =	stream.linear.gather [hbm4b:s16+s12], $0x570, $0x38;
	[tilespmem:$0x104D0] =	vst v63  }
0x132: {  	s23 =	sld [smem:$0x7E7]  }
0x133: {  	[tilespmem:s26], [sflag:$0x1] =	stream.linear.gather [hbm4b:s20+s12], $0x570, $0x38;
	[tilespmem:$0x104D0] =	vst v63  }
0x134: {  	s24 =	sld [smem:$0x7E8];
	s16 =	simm.s32 $0x6A50  }
0x135: {  	[tilespmem:s16], [sflag:$0x1] =	stream.linear.gather [hbm4b:s23+s12], $0x570, $0x38;
	[tilespmem:$0x104D0] =	vst v63  }
0x136: {  	s30 =	simm.s32 $0x7550  }
0x137: {  	[tilespmem:s30], [sflag:$0x1] =	stream.linear.gather [hbm4b:s24+s12], $0x570, $0x38;
	[tilespmem:$0x104D0] =	vst v63  }
0x138: {  	_ =	swait.ge [sflag:s7], $0x570  }
0x139: {  	[sflag:s7] =	ssyncset.done $0x0  }
0x13a: {  	[sflag:s7] =	ssyncadd.s32 $0xFFFFFA90  }
0x13b: {  	_ =	swait.ge [sflag:s7], $0x570  }
0x13c: {  	[sflag:s7] =	ssyncset.done $0x0  }
0x13d: {  	[sflag:s7] =	ssyncadd.s32 $0xFFFFFA90  }
0x13e: {  	_ =	swait.ge [sflag:s7], $0x570  }
0x13f: {  	[sflag:s7] =	ssyncset.done $0x0  }
0x140: {  	[sflag:s7] =	ssyncadd.s32 $0xFFFFFA90  }
0x141: {  	_ =	swait.ge [sflag:s7], $0x570  }
0x142: {  	[sflag:s7] =	ssyncset.done $0x0  }
0x143: {  	[sflag:s7] =	ssyncadd.s32 $0xFFFFFA90  }
0x144: {  	[tilespmem:s13], [sflag:$0x2] =	stream.indirect.gather [spmem:s3], $0x1, s25, s14, $0xb8;
	[tilespmem:$0x104D0] =	vst v63  }
0x145: {  	s16 =	simm.s32 $0x8B50  }
0x146: {  	[tilespmem:s16], [sflag:$0x2] =	stream.indirect.gather [spmem:s4], $0x1, s25, s14, $0xb8;
	[tilespmem:$0x104D0] =	vst v63  }
0x147: {  	s20 =	simm.s32 $0x9650  }
0x148: {  	[tilespmem:s20], [sflag:$0x2] =	stream.indirect.gather [spmem:s5], $0x1, s25, s14, $0xb8;
	[tilespmem:$0x104D0] =	vst v63  }
0x149: {  	s23 =	simm.s32 $0xA150  }
0x14a: {  	[tilespmem:s23], [sflag:$0x2] =	stream.indirect.gather [spmem:s3], $0x1, s26, s14, $0xb8;
	[tilespmem:$0x104D0] =	vst v63  }
0x14b: {  	s24 =	simm.s32 $0xAC50  }
0x14c: {  	[tilespmem:s24], [sflag:$0x2] =	stream.indirect.gather [spmem:s4], $0x1, s26, s14, $0xb8;
	[tilespmem:$0x104D0] =	vst v63  }
0x14d: {  	s30 =	simm.s32 $0xB750;
	s13 =	sld [smem:$0x7E9]  }
0x14e: {  	[tilespmem:s30], [sflag:$0x2] =	stream.indirect.gather [spmem:s5], $0x1, s26, s14, $0xb8;
	[tilespmem:$0x104D0] =	vst v63  }
0x14f: {  	s16 =	sld [smem:$0x7EA]  }
0x150: {  	[tilespmem:s18], [sflag:$0x1] =	stream.linear.gather [hbm4b:s13+s12], $0x570, $0x38;
	[tilespmem:$0x104D0] =	vst v63  }
0x151: {  	s20 =	sld [smem:$0x7EB]  }
0x152: {  	[tilespmem:s21], [sflag:$0x1] =	stream.linear.gather [hbm4b:s16+s12], $0x570, $0x38;
	[tilespmem:$0x104D0] =	vst v63  }
0x153: {  	s23 =	simm.s32 $0x6FD0;
	s24 =	sld [smem:$0x7EC]  }
0x154: {  	[tilespmem:s23], [sflag:$0x1] =	stream.linear.gather [hbm4b:s20+s12], $0x570, $0x38;
	[tilespmem:$0x104D0] =	vst v63  }
0x155: {  	s30 =	simm.s32 $0x7AD0  }
0x156: {  	v1 =	vimm.f32 $0.0e+00;
	[tilespmem:s30], [sflag:$0x1] =	stream.linear.gather [hbm4b:s24+s12], $0x570, $0x38;
	[tilespmem:$0x104D0] =	vst v63  }
.LBB2_4:
0x157: {  	_ =	swait.ge [sflag:s19], $0x570  }
0x158: {  	[sflag:s19] =	ssyncset.done $0x0  }
0x159: {  	[sflag:s19] =	ssyncadd.s32 $0xFFFFFA90  }
0x15a: {  	_ =	swait.ge [sflag:s19], $0x570  }
0x15b: {  	[sflag:s19] =	ssyncset.done $0x0  }
0x15c: {  	[sflag:s19] =	ssyncadd.s32 $0xFFFFFA90  }
0x15d: {  	_ =	swait.ge [sflag:s19], $0x570  }
0x15e: {  	[sflag:s19] =	ssyncset.done $0x0  }
0x15f: {  	[sflag:s19] =	ssyncadd.s32 $0xFFFFFA90  }
0x160: {  	_ =	swait.ge [sflag:s19], $0x570  }
0x161: {  	[sflag:s19] =	ssyncset.done $0x0  }
0x162: {  	[sflag:s19] =	ssyncadd.s32 $0xFFFFFA90  }
0x163: {  	_ =	swait.ge [sflag:s19], $0x570  }
0x164: {  	[sflag:s19] =	ssyncset.done $0x0  }
0x165: {  	[sflag:s19] =	ssyncadd.s32 $0xFFFFFA90  }
0x166: {  	_ =	swait.ge [sflag:s19], $0x570  }
0x167: {  	[sflag:s19] =	ssyncset.done $0x0  }
0x168: {  	[sflag:s19] =	ssyncadd.s32 $0xFFFFFA90  }
0x169: {  	_ =	swait.ge [sflag:s7], $0x570  }
0x16a: {  	[sflag:s7] =	ssyncset.done $0x0  }
0x16b: {  	[sflag:s7] =	ssyncadd.s32 $0xFFFFFA90  }
0x16c: {  	_ =	swait.ge [sflag:s7], $0x570  }
0x16d: {  	[sflag:s7] =	ssyncset.done $0x0  }
0x16e: {  	[sflag:s7] =	ssyncadd.s32 $0xFFFFFA90  }
0x16f: {  	_ =	swait.ge [sflag:s7], $0x570  }
0x170: {  	[sflag:s7] =	ssyncset.done $0x0  }
0x171: {  	[sflag:s7] =	ssyncadd.s32 $0xFFFFFA90  }
0x172: {  	_ =	swait.ge [sflag:s7], $0x570  }
0x173: {  	[sflag:s7] =	ssyncset.done $0x0  }
0x174: {  	s1 =	simm.s32 $0x85D0;
	[sflag:s7] =	ssyncadd.s32 $0xFFFFFA90  }
0x175: {  	[tilespmem:s1], [sflag:$0x2] =	stream.indirect.gather [spmem:s3], $0x1, s18, s14, $0xb8;
	[tilespmem:$0x104D0] =	vst v63  }
0x176: {  	s13 =	simm.s32 $0x90D0  }
0x177: {  	[tilespmem:s13], [sflag:$0x2] =	stream.indirect.gather [spmem:s4], $0x1, s18, s14, $0xb8;
	[tilespmem:$0x104D0] =	vst v63  }
0x178: {  	s16 =	simm.s32 $0x9BD0  }
0x179: {  	[tilespmem:s16], [sflag:$0x2] =	stream.indirect.gather [spmem:s5], $0x1, s18, s14, $0xb8;
	[tilespmem:$0x104D0] =	vst v63  }
0x17a: {  	s20 =	simm.s32 $0xA6D0  }
0x17b: {  	[tilespmem:s20], [sflag:$0x2] =	stream.indirect.gather [spmem:s3], $0x1, s21, s14, $0xb8;
	[tilespmem:$0x104D0] =	vst v63  }
0x17c: {  	s23 =	simm.s32 $0xB1D0  }
0x17d: {  	[tilespmem:s23], [sflag:$0x2] =	stream.indirect.gather [spmem:s4], $0x1, s21, s14, $0xb8;
	[tilespmem:$0x104D0] =	vst v63  }
0x17e: {  	s24 =	simm.s32 $0xBCD0;
	s13 =	simm.s32 $0x0  }
0x17f: {  	[tilespmem:s24], [sflag:$0x2] =	stream.indirect.gather [spmem:s5], $0x1, s21, s14, $0xb8;
	[tilespmem:$0x104D0] =	vst v63  }
0x180: {  	v2 =	vld [tilespmem:s13+$0x9650]  }
0x181: {  	v3 =	vld [tilespmem:s13+$0xB750]  }
0x182: {  	v4 =	vld [tilespmem:s13+$0x8050]  }
0x183: {  	v5 =	vld [tilespmem:s13+$0xA150]  }
0x184: {  	v6 =	vld [tilespmem:s13+$0x8B50]  }
0x185: {  	v7 =	vld [tilespmem:s13+$0xAC50];
	_ =	sdelay $0x3  }
0x186: {  	v2 =	vsub.f32 v2, v3  }
0x187: {  	v3 =	vsub.f32 v4, v5;
	v4 =	vsub.f32 v6, v7  }
0x188: {  	vm0 =	vgt.f32 v2, $1.500000000e+01  }
0x189: {  	vm1 =	vgt.f32 v3, $1.500000000e+01;
	vm2 =	vlt.f32 v3, $-1.500000000e+01;
	vm3 =	vlt.f32 v4, $-1.500000000e+01  }
0x18a: {  	vm4 =	vgt.f32 v4, $1.500000000e+01;
	v5 =	vsel vm2, $0xC1F00000, v0;
	v6 =	vsel vm3, $0xC1F00000, v0  }
0x18b: {  	vm2 =	vlt.f32 v2, $-1.500000000e+01;
	v5 =	vsel vm1, $0x41F00000, v5;
	v6 =	vsel vm4, $0x41F00000, v6  }
0x18c: {  	v7 =	vsel vm2, $0xC1F00000, v0;
	v3 =	vsub.f32 v3, v5;
	v4 =	vsub.f32 v4, v6  }
0x18d: {  	v5 =	vsel vm0, $0x41F00000, v7  }
0x18e: {  	v2 =	vsub.f32 v2, v5;
	v5 =	vmul.f32 v3, v3;
	v6 =	vmul.f32 v4, v4;
	_ =	sdelay $0x1  }
0x18f: {  	s16 =	simm.s32 $0x10;
	v5 =	vadd.f32 v6, v5;
	v6 =	vmul.f32 v2, v2  }
0x190: {  	v8 =	vld [tilespmem:s16+$0xB750]  }
0x191: {  	v9 =	vld [tilespmem:s16+$0xA150];
	v5 =	vadd.f32 v6, v5  }
0x192: {  	v11 =	vld [tilespmem:s16+$0xAC50]  }
0x193: {  	v7 =	vld [tilespmem:s16+$0x9650];
	v10 =	vmax.f32 v5, $1.000000020e-24  }
0x194: {  	v6 =	vld [tilespmem:s16+$0x8050];
	(erf) = vrcp.f32 v10  }
0x195: {  	v5 =	vld [tilespmem:s16+$0x8B50]  }
0x196: {  	v12 =	vld [tilespmem:s13+$0x7550];
	_ =	sdelay $0x2  }
0x197: {  	v7 =	vsub.f32 v7, v8  }
0x198: {  	v6 =	vsub.f32 v6, v9;
	v8 =	vsub.f32 v5, v11  }
0x199: {  	vm0 =	vgt.f32 v7, $1.500000000e+01;
	vm1 =	vlt.f32 v7, $-1.500000000e+01;
	v5 =	vmul.f32 v12, v12  }
0x19a: {  	vm2 =	vgt.f32 v6, $1.500000000e+01;
	vm3 =	vlt.f32 v6, $-1.500000000e+01;
	vm14 =	vlt.f32 v8, $-1.500000000e+01  }
0x19b: {  	v9 =	vsel vm3, $0xC1F00000, v0;
	vm5 =	vgt.f32 v8, $1.500000000e+01;
	v11 =	vsel vm14, $0xC1F00000, v0;
	v12 =	vpop (erf)  }
0x19c: {  	s23 =	simm.s32 $0x20;
	v19 =	vld [tilespmem:s13+$0x6A50];
	v9 =	vsel vm2, $0x41F00000, v9;
	v11 =	vsel vm5, $0x41F00000, v11;
	v13 =	vmul.f32 v12, v5  }
0x19d: {  	v16 =	vld [tilespmem:s23+$0x8050];
	v14 =	vsel vm1, $0xC1F00000, v0;
	v5 =	vsub.f32 v6, v9;
	v6 =	vsub.f32 v8, v11  }
0x19e: {  	v17 =	vld [tilespmem:s23+$0xAC50];
	v8 =	vsel vm0, $0x41F00000, v14;
	v9 =	vmul.f32 v13, v13  }
0x19f: {  	v11 =	vld [tilespmem:s23+$0x9650];
	v7 =	vsub.f32 v7, v8;
	v8 =	vmul.f32 v5, v5;
	v15 =	vmul.f32 v6, v6  }
0x1a0: {  	v14 =	vld [tilespmem:s23+$0xB750];
	v20 =	vmul.f32 v9, v13  }
0x1a1: {  	v8 =	vadd.f32 v15, v8;
	v9 =	vmul.f32 v7, v7;
	v15 =	vld [tilespmem:s23+$0x8B50]  }
0x1a2: {  	v13 =	vld [tilespmem:s23+$0xA150];
	v21 =	vmul.f32 v20, v20  }
0x1a3: {  	v18 =	vmul.f32 $2.400000000e+01, v19;
	v8 =	vadd.f32 v9, v8  }
0x1a4: {  	v22 =	vadd.f32 v21, v21  }
0x1a5: {  	v23 =	vsub.f32 v11, v14;
	v9 =	vmax.f32 v8, $1.000000020e-24;
	v8 =	vmul.f32 v12, v18  }
0x1a6: {  	(erf) = vrcp.f32 v9;
	v11 =	vsub.f32 v15, v17;
	v12 =	vsub.f32 v22, v20  }
0x1a7: {  	v22 =	vsub.f32 v16, v13  }
0x1a8: {  	vm0 =	vlt.f32 v10, $9.000000000e+00;
	vm3 =	vgt.f32 v11, $1.500000000e+01;
	v8 =	vmul.f32 v12, v8  }
0x1a9: {  	v18 =	vld [tilespmem:s16+$0x7550];
	vm15 =	vlt.f32 v11, $-1.500000000e+01;
	vm1 =	vgt.f32 v22, $1.500000000e+01;
	vm2 =	vlt.f32 v22, $-1.500000000e+01  }
0x1aa: {  	v14 =	vsel vm15, $0xC1F00000, v0;
	v24 =	vnsel vm0, $0x0, v8;
	v8 =	vsel vm2, $0xC1F00000, v0  }
0x1ab: {  	s30 =	simm.s32 $0x30;
	v14 =	vsel vm3, $0x41F00000, v14;
	v8 =	vsel vm1, $0x41F00000, v8;
	vm1 =	vlt.f32 v23, $-1.500000000e+01  }
0x1ac: {  	v10 =	vld [tilespmem:s30+$0x9650];
	v11 =	vsub.f32 v11, v14;
	v14 =	vsel vm1, $0xC1F00000, v0  }
0x1ad: {  	v19 =	vmul.f32 $4.000000000e+00, v19;
	v13 =	vld [tilespmem:s16+$0x6A50];
	v2 =	vmul.f32 v24, v2  }
0x1ae: {  	v16 =	vld [tilespmem:s30+$0xB750];
	v25 =	vmul.f32 v18, v18;
	vm2 =	vgt.f32 v23, $1.500000000e+01;
	v8 =	vsub.f32 v22, v8  }
0x1af: {  	v12 =	vld [tilespmem:s23+$0x7550];
	v26 =	vmul.f32 v11, v11;
	[tilespmem:s13+$0xD850] =	vst v2;
	v2 =	vsub.f32 $0.0e+00, v2;
	v15 =	vsel vm2, $0x41F00000, v14;
	v14 =	vpop (erf)  }
0x1b0: {  	v22 =	vmul.f32 v8, v8;
	v15 =	vsub.f32 v23, v15;
	v25 =	vmul.f32 v14, v25  }
0x1b1: {  	v21 =	vsub.f32 v21, v20;
	v3 =	vmul.f32 v24, v3;
	v24 =	vmul.f32 v24, v4;
	v17 =	vld [tilespmem:s30+$0x8050]  }
0x1b2: {  	v18 =	vld [tilespmem:s30+$0xA150];
	[tilespmem:s13+$0xF950] =	vst v2;
	v23 =	vadd.f32 v26, v22;
	v63 =	vmul.f32 v15, v15;
	v27 =	vmul.f32 v25, v25  }
0x1b3: {  	v4 =	vmul.f32 v21, v19;
	v19 =	vsub.f32 $0.0e+00, v3;
	v21 =	vsub.f32 $0.0e+00, v24;
	v20 =	vld [tilespmem:s30+$0x8B50];
	[tilespmem:s13+$0xC250] =	vst v3  }
0x1b4: {  	s24 =	simm.s32 $0x100;
	v2 =	vmul.f32 $4.000000000e+00, v13;
	v22 =	vld [tilespmem:s30+$0xAC50];
	[tilespmem:s13+$0xCD50] =	vst v24;
	v23 =	vadd.f32 v63, v23;
	v3 =	vmul.f32 v27, v25  }
.LBB2_5:
0x1b5: {  	p0 =	sne.s32 s24, $0x1580;
	v4 =	vnsel vm0, $0x0, v4;
	[tilespmem:s13+$0xE350] =	vst v19  }
0x1b6: {  	v19 =	vmax.f32 v23, $1.000000020e-24;
	v23 =	vmul.f32 v3, v3;
	[tilespmem:s13+$0xEE50] =	vst v21;
	v1 =	vadd.f32 v4, v1;
	s13 =	smov.u32 s16;
	s16 =	smov.u32 s23;
	s23 =	smov.u32 s30  }
0x1b7: {  	v4 =	vsub.f32 v10, v16;
	v10 =	vmul.f32 $2.400000000e+01, v13;
	(erf) = vrcp.f32 v19  }
0x1b8: {  	v13 =	vsub.f32 v17, v18;
	v17 =	vmul.f32 v12, v12;
	v12 =	vadd.f32 v23, v23  }
0x1b9: {  	vm1 =	vgt.f32 v4, $1.500000000e+01;
	vm0 =	vlt.f32 v4, $-1.500000000e+01;
	v16 =	vsub.f32 v20, v22  }
0x1ba: {  	v10 =	vmul.f32 v14, v10;
	vm2 =	vgt.f32 v13, $1.500000000e+01;
	v12 =	vsub.f32 v12, v3  }
0x1bb: {  	vm3 =	vlt.f32 v13, $-1.500000000e+01;
	vm4 =	vgt.f32 v16, $1.500000000e+01;
	vm5 =	vlt.f32 v16, $-1.500000000e+01  }
0x1bc: {  	v18 =	vsel vm0, $0xC1F00000, v0;
	v14 =	vsel vm3, $0xC1F00000, v0;
	v10 =	vmul.f32 v12, v10  }
0x1bd: {  	vm0 =	vlt.f32 v9, $9.000000000e+00;
	v9 =	vmovc v19;
	v12 =	vsel vm2, $0x41F00000, v14;
	v14 =	vsel vm5, $0xC1F00000, v0  }
0x1be: {  	v19 =	vsub.f32 v13, v12;
	v12 =	vsel vm4, $0x41F00000, v14;
	v13 =	vld [tilespmem:s16+$0x6A50];
	v20 =	vnsel vm0, $0x0, v10  }
0x1bf: {  	s30 =	sshra.s32 s24, $0x2;
	v21 =	vsub.f32 v16, v12;
	v16 =	vsel vm1, $0x41F00000, v18;
	v12 =	vld [tilespmem:s23+$0x7550];
	v18 =	vmul.f32 v20, v7;
	v7 =	vmovc v15  }
0x1c0: {  	v3 =	vsub.f32 v23, v3;
	v15 =	vsub.f32 v4, v16;
	v4 =	vmul.f32 v19, v19;
	v10 =	vld [tilespmem:s30+$0x9650];
	v14 =	vpop (erf)  }
.Ltmp3:
0x1c1: {  	v22 =	vmul.f32 v21, v21;
	v16 =	vld [tilespmem:s30+$0xB750];
	v24 =	vmul.f32 v14, v17;
	[tilespmem:s13+$0xD850] =	vst v18;
	v23 =	vsub.f32 $0.0e+00, v18;
	(pc) =	sbr.rel @p0 .LBB2_5-.Ltmp3, $4  }
0x1c2: {  	v25 =	vmul.f32 v20, v5;
	v26 =	vmul.f32 v20, v6;
	v5 =	vmovc v8;
	v8 =	vmovc v19;
	v6 =	vmov v11;
	v17 =	vld [tilespmem:s30+$0x8050]  }
0x1c3: {  	v28 =	vmul.f32 v15, v15;
	v27 =	vadd.f32 v22, v4;
	v18 =	vld [tilespmem:s30+$0xA150];
	v29 =	vmul.f32 v24, v24;
	[tilespmem:s13+$0xF950] =	vst v23  }
0x1c4: {  	v11 =	vmovc v21;
	v19 =	vsub.f32 $0.0e+00, v25;
	v4 =	vmul.f32 v3, v2;
	v2 =	vmul.f32 $4.000000000e+00, v13;
	v20 =	vld [tilespmem:s30+$0x8B50];
	[tilespmem:s13+$0xC250] =	vst v25  }
0x1c5: {  	s24 =	sadd.s32 $0x40, s24;
	v21 =	vsub.f32 $0.0e+00, v26;
	v23 =	vadd.f32 v28, v27;
	v22 =	vld [tilespmem:s30+$0xAC50];
	v3 =	vmul.f32 v29, v24;
	[tilespmem:s13+$0xCD50] =	vst v26  }
0x1c6: {  	_ =	sdelay $0x2  }
0x1c7: {  	v10 =	vsub.f32 v10, v16;
	v16 =	vsub.f32 v17, v18  }
0x1c8: {  	v17 =	vsub.f32 v20, v22  }
0x1c9: {  	vm1 =	vgt.f32 v10, $1.500000000e+01;
	vm3 =	vlt.f32 v16, $-1.500000000e+01  }
0x1ca: {  	vm2 =	vgt.f32 v16, $1.500000000e+01;
	v18 =	vsel vm3, $0xC1F00000, v0;
	vm4 =	vlt.f32 v17, $-1.500000000e+01  }
0x1cb: {  	vm3 =	vlt.f32 v10, $-1.500000000e+01;
	vm5 =	vgt.f32 v17, $1.500000000e+01;
	v20 =	vsel vm4, $0xC1F00000, v0  }
0x1cc: {  	v18 =	vsel vm2, $0x41F00000, v18;
	v22 =	vsel vm3, $0xC1F00000, v0;
	v20 =	vsel vm5, $0x41F00000, v20  }
0x1cd: {  	v18 =	vsub.f32 v16, v18;
	v16 =	vsel vm1, $0x41F00000, v22;
	v17 =	vsub.f32 v17, v20  }
0x1ce: {  	v22 =	vsub.f32 v10, v16  }
0x1cf: {  	v20 =	vmax.f32 v23, $1.000000020e-24;
	v16 =	vmul.f32 v18, v18;
	v23 =	vmul.f32 v17, v17  }
0x1d0: {  	v10 =	vmul.f32 v3, v3;
	(erf) = vrcp.f32 v20  }
0x1d1: {  	v16 =	vadd.f32 v23, v16;
	v23 =	vmul.f32 v22, v22  }
0x1d2: {  	v13 =	vmul.f32 $2.400000000e+01, v13;
	v24 =	vadd.f32 v10, v10  }
0x1d3: {  	v16 =	vadd.f32 v23, v16  }
0x1d4: {  	v13 =	vmul.f32 v14, v13;
	v14 =	vsub.f32 v24, v3  }
0x1d5: {  	v23 =	vmax.f32 v16, $1.000000020e-24  }
0x1d6: {  	v13 =	vmul.f32 v14, v13;
	(erf) = vrcp.f32 v23  }
0x1d7: {  	[tilespmem:s13+$0xE350] =	vst v19;
	vm1 =	vlt.f32 v9, $9.000000000e+00  }
0x1d8: {  	v12 =	vmul.f32 v12, v12;
	[tilespmem:s13+$0xEE50] =	vst v21;
	v9 =	vnsel vm1, $0x0, v13  }
0x1d9: {  	v13 =	vld [tilespmem:s30+$0x7550];
	v16 =	vmul.f32 v9, v7;
	v14 =	vpop (erf)  }
0x1da: {  	v12 =	vmul.f32 v14, v12  }
0x1db: {  	v19 =	vsub.f32 $0.0e+00, v16  }
0x1dc: {  	v5 =	vmul.f32 v9, v5;
	v21 =	vmul.f32 v12, v12  }
0x1dd: {  	v7 =	vld [tilespmem:s23+$0x6A50];
	v6 =	vmul.f32 v9, v6;
	[tilespmem:s16+$0xD850] =	vst v16  }
0x1de: {  	[tilespmem:s16+$0xC250] =	vst v5;
	v13 =	vmul.f32 v13, v13;
	v9 =	vmul.f32 v21, v12  }
0x1df: {  	v5 =	vsub.f32 $0.0e+00, v5;
	[tilespmem:s16+$0xF950] =	vst v19;
	v19 =	vpop (erf)  }
0x1e0: {  	[tilespmem:s16+$0xCD50] =	vst v6;
	v6 =	vsub.f32 $0.0e+00, v6;
	v12 =	vmul.f32 v9, v9;
	v16 =	vmul.f32 v19, v13  }
0x1e1: {  	[tilespmem:s16+$0xE350] =	vst v5  }
0x1e2: {  	[tilespmem:s16+$0xEE50] =	vst v6;
	v5 =	vmul.f32 $2.400000000e+01, v7;
	v6 =	vadd.f32 v12, v12;
	v21 =	vmul.f32 v16, v16  }
0x1e3: {  	v13 =	vld [tilespmem:s30+$0x6A50]  }
0x1e4: {  	v5 =	vmul.f32 v14, v5;
	v6 =	vsub.f32 v6, v9;
	v14 =	vmul.f32 v21, v16;
	_ =	sdelay $0x1  }
0x1e5: {  	v5 =	vmul.f32 v6, v5;
	v16 =	vmul.f32 v14, v14  }
0x1e6: {  	vm2 =	vlt.f32 v20, $9.000000000e+00  }
0x1e7: {  	v6 =	vmul.f32 $2.400000000e+01, v13;
	v5 =	vnsel vm2, $0x0, v5;
	v20 =	vadd.f32 v16, v16  }
0x1e8: {  	v15 =	vmul.f32 v5, v15  }
0x1e9: {  	v6 =	vmul.f32 v19, v6;
	v8 =	vmul.f32 v5, v8;
	v19 =	vsub.f32 v20, v14  }
0x1ea: {  	v5 =	vmul.f32 v5, v11;
	[tilespmem:s23+$0xD850] =	vst v15  }
0x1eb: {  	[tilespmem:s23+$0xC250] =	vst v8;
	v8 =	vsub.f32 $0.0e+00, v8;
	v6 =	vmul.f32 v19, v6  }
0x1ec: {  	vm3 =	vlt.f32 v23, $9.000000000e+00;
	[tilespmem:s23+$0xCD50] =	vst v5;
	v5 =	vsub.f32 $0.0e+00, v5  }
0x1ed: {  	v20 =	vsub.f32 $0.0e+00, v15;
	[tilespmem:s23+$0xE350] =	vst v8;
	v6 =	vnsel vm3, $0x0, v6  }
0x1ee: {  	[tilespmem:s23+$0xEE50] =	vst v5;
	v11 =	vmul.f32 v6, v22  }
0x1ef: {  	[tilespmem:s23+$0xF950] =	vst v20;
	v8 =	vmul.f32 v6, v18  }
0x1f0: {  	v6 =	vmul.f32 v6, v17;
	[tilespmem:s30+$0xD850] =	vst v11  }
0x1f1: {  	v5 =	vsub.f32 $0.0e+00, v11;
	[tilespmem:s30+$0xC250] =	vst v8  }
0x1f2: {  	[tilespmem:s30+$0xCD50] =	vst v6;
	v6 =	vsub.f32 $0.0e+00, v6  }
0x1f3: {  	[tilespmem:s30+$0xF950] =	vst v5;
	v5 =	vsub.f32 $0.0e+00, v8  }
0x1f4: {  	p0 =	seq.s32 s12, $0x0;
	[tilespmem:s30+$0xEE50] =	vst v6  }
0x1f5: {  	s13 =	simm.s32 @!p0 $0x3;
	[tilespmem:s30+$0xE350] =	vst v5  }
0x1f6: {  	_ =	swait.ge @!p0 [sflag:s13], $0x570  }
0x1f7: {  	[sflag:s13] =	ssyncset.done @!p0 $0x0  }
0x1f8: {  	[sflag:s13] =	ssyncadd.s32 @!p0 $0xFFFFFA90  }
0x1f9: {  	_ =	swait.ge @!p0 [sflag:s13], $0x570  }
0x1fa: {  	[sflag:s13] =	ssyncset.done @!p0 $0x0  }
0x1fb: {  	[sflag:s13] =	ssyncadd.s32 @!p0 $0xFFFFFA90  }
0x1fc: {  	_ =	swait.ge @!p0 [sflag:s13], $0x570  }
0x1fd: {  	[sflag:s13] =	ssyncset.done @!p0 $0x0  }
0x1fe: {  	[sflag:s13] =	ssyncadd.s32 @!p0 $0xFFFFFA90  }
0x1ff: {  	_ =	swait.ge @!p0 [sflag:s13], $0x570  }
0x200: {  	[sflag:s13] =	ssyncset.done @!p0 $0x0  }
0x201: {  	[sflag:s13] =	ssyncadd.s32 @!p0 $0xFFFFFA90  }
0x202: {  	_ =	swait.ge @!p0 [sflag:s13], $0x570  }
0x203: {  	[sflag:s13] =	ssyncset.done @!p0 $0x0  }
0x204: {  	[sflag:s13] =	ssyncadd.s32 @!p0 $0xFFFFFA90  }
0x205: {  	_ =	swait.ge @!p0 [sflag:s13], $0x570  }
0x206: {  	[sflag:s13] =	ssyncset.done @!p0 $0x0  }
0x207: {  	s1 =	simm.s32 $0xC250;
	[sflag:s13] =	ssyncadd.s32 @!p0 $0xFFFFFA90  }
0x208: {  	[spmem:s6] =	stream.indirect.scatter.add.f32 [tilespmem:s1], [sflag:$0x3], $0x1, s25, s14, $0xb8;
	[tilespmem:$0x104D0] =	vst v63  }
0x209: {  	s20 =	simm.s32 $0xCD50  }
0x20a: {  	[spmem:s8] =	stream.indirect.scatter.add.f32 [tilespmem:s20], [sflag:$0x3], $0x1, s25, s14, $0xb8;
	[tilespmem:$0x104D0] =	vst v63  }
0x20b: {  	s23 =	simm.s32 $0xD850  }
0x20c: {  	[spmem:s9] =	stream.indirect.scatter.add.f32 [tilespmem:s23], [sflag:$0x3], $0x1, s25, s14, $0xb8;
	[tilespmem:$0x104D0] =	vst v63  }
0x20d: {  	s24 =	simm.s32 $0xE350  }
0x20e: {  	[spmem:s6] =	stream.indirect.scatter.add.f32 [tilespmem:s24], [sflag:$0x3], $0x1, s26, s14, $0xb8;
	[tilespmem:$0x104D0] =	vst v63  }
0x20f: {  	s13 =	simm.s32 $0xEE50;
	s20 =	sld [smem:$0x7ED]  }
0x210: {  	[spmem:s8] =	stream.indirect.scatter.add.f32 [tilespmem:s13], [sflag:$0x3], $0x1, s26, s14, $0xb8;
	[tilespmem:$0x104D0] =	vst v63  }
0x211: {  	s16 =	simm.s32 $0xF950;
	s13 =	smul.u32 $0x20A0, s12  }
0x212: {  	[spmem:s9] =	stream.indirect.scatter.add.f32 [tilespmem:s16], [sflag:$0x3], $0x1, s26, s14, $0xb8;
	[tilespmem:$0x104D0] =	vst v63  }
0x213: {  	s23 =	sadd.s32 s13, s20  }
0x214: {  	s16 =	sshrl.u32 s23, $0x3  }
0x215: {  	s23 =	simm.s32 $0x0;
	s20 =	sadd.s32 s10, s16  }
0x216: {  	[tilespmem:s22], [sflag:$0x1] =	stream.linear.gather [hbm4b:s20+s23], $0x570, $0x38;
	[tilespmem:$0x104D0] =	vst v63  }
0x217: {  	s24 =	sadd.s32 s17, s16  }
0x218: {  	[tilespmem:s31], [sflag:$0x1] =	stream.linear.gather [hbm4b:s24+s23], $0x570, $0x38;
	[tilespmem:$0x104D0] =	vst v63  }
0x219: {  	s1 =	sadd.s32 s0, s16;
	s24 =	simm.s32 $0x6A50  }
0x21a: {  	[tilespmem:s24], [sflag:$0x1] =	stream.linear.gather [hbm4b:s1+s23], $0x570, $0x38;
	[tilespmem:$0x104D0] =	vst v63  }
0x21b: {  	s16 =	sadd.s32 s2, s16;
	s20 =	simm.s32 $0x7550  }
0x21c: {  	[tilespmem:s20], [sflag:$0x1] =	stream.linear.gather [hbm4b:s16+s23], $0x570, $0x38;
	[tilespmem:$0x104D0] =	vst v63  }
0x21d: {  	_ =	swait.ge [sflag:s19], $0x570  }
0x21e: {  	[sflag:s19] =	ssyncset.done $0x0  }
0x21f: {  	[sflag:s19] =	ssyncadd.s32 $0xFFFFFA90  }
0x220: {  	_ =	swait.ge [sflag:s19], $0x570  }
0x221: {  	[sflag:s19] =	ssyncset.done $0x0  }
0x222: {  	[sflag:s19] =	ssyncadd.s32 $0xFFFFFA90  }
0x223: {  	_ =	swait.ge [sflag:s19], $0x570  }
0x224: {  	[sflag:s19] =	ssyncset.done $0x0  }
0x225: {  	[sflag:s19] =	ssyncadd.s32 $0xFFFFFA90  }
0x226: {  	_ =	swait.ge [sflag:s19], $0x570  }
0x227: {  	[sflag:s19] =	ssyncset.done $0x0  }
0x228: {  	[sflag:s19] =	ssyncadd.s32 $0xFFFFFA90  }
0x229: {  	_ =	swait.ge [sflag:s19], $0x570  }
0x22a: {  	[sflag:s19] =	ssyncset.done $0x0  }
0x22b: {  	[sflag:s19] =	ssyncadd.s32 $0xFFFFFA90  }
0x22c: {  	_ =	swait.ge [sflag:s19], $0x570  }
0x22d: {  	[sflag:s19] =	ssyncset.done $0x0  }
0x22e: {  	[sflag:s19] =	ssyncadd.s32 $0xFFFFFA90  }
0x22f: {  	_ =	swait.ge [sflag:s7], $0x570  }
0x230: {  	[sflag:s7] =	ssyncset.done $0x0  }
0x231: {  	[sflag:s7] =	ssyncadd.s32 $0xFFFFFA90  }
0x232: {  	_ =	swait.ge [sflag:s7], $0x570  }
0x233: {  	[sflag:s7] =	ssyncset.done $0x0  }
0x234: {  	[sflag:s7] =	ssyncadd.s32 $0xFFFFFA90  }
0x235: {  	_ =	swait.ge [sflag:s7], $0x570  }
0x236: {  	[sflag:s7] =	ssyncset.done $0x0  }
0x237: {  	[sflag:s7] =	ssyncadd.s32 $0xFFFFFA90  }
0x238: {  	_ =	swait.ge [sflag:s7], $0x570  }
0x239: {  	[sflag:s7] =	ssyncset.done $0x0  }
0x23a: {  	s23 =	simm.s32 $0x8050;
	[sflag:s7] =	ssyncadd.s32 $0xFFFFFA90  }
0x23b: {  	[tilespmem:s23], [sflag:$0x2] =	stream.indirect.gather [spmem:s3], $0x1, s22, s14, $0xb8;
	[tilespmem:$0x104D0] =	vst v63  }
0x23c: {  	s24 =	simm.s32 $0x8B50  }
0x23d: {  	[tilespmem:s24], [sflag:$0x2] =	stream.indirect.gather [spmem:s4], $0x1, s22, s14, $0xb8;
	[tilespmem:$0x104D0] =	vst v63  }
0x23e: {  	s16 =	simm.s32 $0x9650  }
0x23f: {  	[tilespmem:s16], [sflag:$0x2] =	stream.indirect.gather [spmem:s5], $0x1, s22, s14, $0xb8;
	[tilespmem:$0x104D0] =	vst v63  }
0x240: {  	s20 =	simm.s32 $0xA150  }
0x241: {  	[tilespmem:s20], [sflag:$0x2] =	stream.indirect.gather [spmem:s3], $0x1, s31, s14, $0xb8;
	[tilespmem:$0x104D0] =	vst v63  }
0x242: {  	s23 =	simm.s32 $0xAC50  }
0x243: {  	[tilespmem:s23], [sflag:$0x2] =	stream.indirect.gather [spmem:s4], $0x1, s31, s14, $0xb8;
	[tilespmem:$0x104D0] =	vst v63  }
0x244: {  	s24 =	simm.s32 $0xB750;
	s16 =	simm.s32 $0x0  }
0x245: {  	[tilespmem:s24], [sflag:$0x2] =	stream.indirect.gather [spmem:s5], $0x1, s31, s14, $0xb8;
	[tilespmem:$0x104D0] =	vst v63  }
0x246: {  	v5 =	vld [tilespmem:s16+$0x9BD0]  }
0x247: {  	v6 =	vld [tilespmem:s16+$0x85D0]  }
0x248: {  	v8 =	vld [tilespmem:s16+$0xA6D0]  }
0x249: {  	v11 =	vld [tilespmem:s16+$0x90D0]  }
0x24a: {  	v15 =	vld [tilespmem:s16+$0xB1D0]  }
0x24b: {  	v17 =	vld [tilespmem:s16+$0xBCD0];
	_ =	sdelay $0x2  }
0x24c: {  	v6 =	vsub.f32 v6, v8  }
0x24d: {  	v8 =	vsub.f32 v11, v15  }
0x24e: {  	v5 =	vsub.f32 v5, v17;
	vm12 =	vlt.f32 v6, $-1.500000000e+01  }
0x24f: {  	vm13 =	vgt.f32 v6, $1.500000000e+01;
	vm14 =	vlt.f32 v8, $-1.500000000e+01;
	vm15 =	vgt.f32 v8, $1.500000000e+01  }
0x250: {  	vm8 =	vgt.f32 v5, $1.500000000e+01;
	v11 =	vsel vm12, $0xC1F00000, v0;
	v15 =	vsel vm14, $0xC1F00000, v0  }
0x251: {  	vm9 =	vlt.f32 v5, $-1.500000000e+01;
	v11 =	vsel vm13, $0x41F00000, v11;
	v15 =	vsel vm15, $0x41F00000, v15  }
0x252: {  	v17 =	vsel vm9, $0xC1F00000, v0;
	v19 =	vsub.f32 v6, v11;
	v20 =	vsub.f32 v8, v15  }
0x253: {  	v6 =	vsel vm8, $0x41F00000, v17  }
0x254: {  	v15 =	vsub.f32 v5, v6;
	v5 =	vmul.f32 v19, v19;
	v6 =	vmul.f32 v20, v20;
	_ =	sdelay $0x1  }
0x255: {  	s23 =	simm.s32 $0x10;
	v5 =	vadd.f32 v6, v5;
	v6 =	vmul.f32 v15, v15  }
0x256: {  	v21 =	vld [tilespmem:s23+$0xB1D0]  }
0x257: {  	v8 =	vld [tilespmem:s23+$0x9BD0];
	v5 =	vadd.f32 v6, v5  }
0x258: {  	v11 =	vld [tilespmem:s23+$0xBCD0]  }
0x259: {  	v17 =	vld [tilespmem:s23+$0xA6D0];
	v18 =	vmax.f32 v5, $1.000000020e-24  }
0x25a: {  	v6 =	vld [tilespmem:s23+$0x85D0];
	(erf) = vrcp.f32 v18  }
0x25b: {  	v5 =	vld [tilespmem:s23+$0x90D0]  }
0x25c: {  	v3 =	vsub.f32 v10, v3;
	v22 =	vld [tilespmem:s16+$0x7AD0]  }
0x25d: {  	v4 =	vnsel vm0, $0x0, v4  }
0x25e: {  	v1 =	vadd.f32 v4, v1;
	v2 =	vmul.f32 v3, v2  }
0x25f: {  	v9 =	vsub.f32 v12, v9;
	v12 =	vmul.f32 $4.000000000e+00, v13;
	v4 =	vsub.f32 v8, v11  }
0x260: {  	v8 =	vmul.f32 $4.000000000e+00, v7;
	v6 =	vsub.f32 v6, v17;
	v7 =	vsub.f32 v5, v21  }
0x261: {  	vm0 =	vgt.f32 v4, $1.500000000e+01;
	vm14 =	vlt.f32 v4, $-1.500000000e+01;
	v5 =	vmul.f32 v22, v22  }
0x262: {  	vm10 =	vlt.f32 v6, $-1.500000000e+01;
	vm11 =	vgt.f32 v6, $1.500000000e+01;
	vm12 =	vlt.f32 v7, $-1.500000000e+01  }
0x263: {  	v10 =	vsel vm10, $0xC1F00000, v0;
	vm13 =	vgt.f32 v7, $1.500000000e+01;
	v11 =	vsel vm12, $0xC1F00000, v0;
	v17 =	vpop (erf)  }
0x264: {  	v10 =	vsel vm11, $0x41F00000, v10;
	v11 =	vsel vm13, $0x41F00000, v11;
	v21 =	vmul.f32 v17, v5  }
0x265: {  	s30 =	simm.s32 $0x20;
	v23 =	vld [tilespmem:s16+$0x6FD0];
	v22 =	vsel vm14, $0xC1F00000, v0;
	v5 =	vsub.f32 v6, v10;
	v6 =	vsub.f32 v7, v11  }
0x266: {  	v13 =	vld [tilespmem:s30+$0x85D0];
	v8 =	vmul.f32 v9, v8;
	v3 =	vsel vm0, $0x41F00000, v22;
	v11 =	vmul.f32 v21, v21  }
0x267: {  	v9 =	vld [tilespmem:s30+$0x90D0];
	v7 =	vsub.f32 v4, v3;
	v3 =	vmul.f32 v5, v5;
	v22 =	vmul.f32 v6, v6  }
0x268: {  	v2 =	vnsel vm1, $0x0, v2;
	v10 =	vld [tilespmem:s30+$0x9BD0];
	v21 =	vmul.f32 v11, v21  }
0x269: {  	v4 =	vld [tilespmem:s30+$0xBCD0];
	v11 =	vsub.f32 v16, v14;
	v3 =	vadd.f32 v22, v3;
	v16 =	vmul.f32 v7, v7  }
0x26a: {  	v1 =	vadd.f32 v2, v1;
	v8 =	vnsel vm2, $0x0, v8;
	v14 =	vld [tilespmem:s30+$0xA6D0]  }
0x26b: {  	v22 =	vmul.f32 v21, v21;
	v2 =	vmul.f32 v11, v12;
	v11 =	vld [tilespmem:s30+$0xB1D0];
	v3 =	vadd.f32 v16, v3  }
0x26c: {  	v1 =	vadd.f32 v8, v1  }
0x26d: {  	v12 =	vmul.f32 $2.400000000e+01, v23;
	v16 =	vadd.f32 v22, v22;
	v8 =	vmax.f32 v3, $1.000000020e-24  }
0x26e: {  	v4 =	vsub.f32 v10, v4;
	v2 =	vnsel vm3, $0x0, v2;
	(erf) = vrcp.f32 v8  }
0x26f: {  	v3 =	vmul.f32 v17, v12;
	v14 =	vsub.f32 v13, v14;
	v12 =	vsub.f32 v16, v21  }
0x270: {  	vm0 =	vlt.f32 v18, $9.000000000e+00;
	v1 =	vadd.f32 v2, v1;
	v16 =	vsub.f32 v9, v11  }
0x271: {  	v2 =	vld [tilespmem:s23+$0x7AD0];
	vm1 =	vgt.f32 v14, $1.500000000e+01;
	vm2 =	vlt.f32 v14, $-1.500000000e+01;
	v3 =	vmul.f32 v12, v3  }
0x272: {  	v9 =	vsel vm2, $0xC1F00000, v0;
	vm3 =	vgt.f32 v16, $1.500000000e+01;
	vm15 =	vlt.f32 v16, $-1.500000000e+01  }
0x273: {  	v9 =	vsel vm1, $0x41F00000, v9;
	vm1 =	vlt.f32 v4, $-1.500000000e+01;
	v3 =	vnsel vm0, $0x0, v3  }
0x274: {  	s24 =	simm.s32 $0x30;
	v12 =	vsel vm15, $0xC1F00000, v0;
	v9 =	vsub.f32 v14, v9;
	v14 =	vsel vm1, $0xC1F00000, v0  }
0x275: {  	v10 =	vld [tilespmem:s24+$0x9BD0];
	vm2 =	vgt.f32 v4, $1.500000000e+01;
	v17 =	vmul.f32 v3, v15;
	v12 =	vsel vm3, $0x41F00000, v12  }
0x276: {  	v13 =	vld [tilespmem:s23+$0x6FD0];
	v2 =	vmul.f32 v2, v2;
	v19 =	vmul.f32 v3, v19;
	v12 =	vsub.f32 v16, v12  }
0x277: {  	v11 =	vld [tilespmem:s30+$0x7AD0];
	v16 =	vsel vm2, $0x41F00000, v14;
	v25 =	vmul.f32 v9, v9;
	v61 =	vsub.f32 $0.0e+00, v17;
	v14 =	vpop (erf)  }
0x278: {  	v15 =	vld [tilespmem:s24+$0xBCD0];
	[tilespmem:s16+$0xDDD0] =	vst v17;
	v16 =	vsub.f32 v4, v16;
	v26 =	vmul.f32 v12, v12;
	v27 =	vmul.f32 v14, v2  }
0x279: {  	v21 =	vsub.f32 v22, v21;
	v62 =	vmul.f32 v3, v20;
	v4 =	vmul.f32 $4.000000000e+00, v23;
	v17 =	vld [tilespmem:s24+$0x85D0]  }
0x27a: {  	v18 =	vld [tilespmem:s24+$0xA6D0];
	[tilespmem:s16+$0xFED0] =	vst v61;
	v23 =	vmul.f32 v16, v16;
	v3 =	vadd.f32 v26, v25;
	v63 =	vmul.f32 v27, v27  }
0x27b: {  	v2 =	vmul.f32 $4.000000000e+00, v13;
	v4 =	vmul.f32 v21, v4;
	v20 =	vld [tilespmem:s24+$0x90D0];
	[tilespmem:s16+$0xC7D0] =	vst v19;
	v19 =	vsub.f32 $0.0e+00, v19  }
0x27c: {  	s20 =	simm.s32 $0x100;
	v21 =	vsub.f32 $0.0e+00, v62;
	v22 =	vld [tilespmem:s24+$0xB1D0];
	[tilespmem:s16+$0xD2D0] =	vst v62;
	v23 =	vadd.f32 v23, v3;
	v3 =	vmul.f32 v63, v27  }
.LBB2_7:
0x27d: {  	p0 =	sne.s32 s20, $0x1580;
	v4 =	vnsel vm0, $0x0, v4;
	[tilespmem:s16+$0xE8D0] =	vst v19  }
0x27e: {  	v19 =	vmax.f32 v23, $1.000000020e-24;
	v23 =	vmul.f32 v3, v3;
	[tilespmem:s16+$0xF3D0] =	vst v21;
	v1 =	vadd.f32 v4, v1;
	s16 =	smov.u32 s23;
	s23 =	smov.u32 s30;
	s30 =	smov.u32 s24  }
0x27f: {  	v4 =	vsub.f32 v10, v15;
	v10 =	vmul.f32 $2.400000000e+01, v13;
	(erf) = vrcp.f32 v19  }
0x280: {  	v13 =	vsub.f32 v17, v18;
	v17 =	vmul.f32 v11, v11;
	v11 =	vadd.f32 v23, v23  }
0x281: {  	vm1 =	vgt.f32 v4, $1.500000000e+01;
	vm0 =	vlt.f32 v4, $-1.500000000e+01;
	v15 =	vsub.f32 v20, v22  }
0x282: {  	v10 =	vmul.f32 v14, v10;
	vm2 =	vgt.f32 v13, $1.500000000e+01;
	v11 =	vsub.f32 v11, v3  }
0x283: {  	vm3 =	vlt.f32 v13, $-1.500000000e+01;
	vm4 =	vgt.f32 v15, $1.500000000e+01;
	vm5 =	vlt.f32 v15, $-1.500000000e+01  }
0x284: {  	v18 =	vsel vm0, $0xC1F00000, v0;
	v14 =	vsel vm3, $0xC1F00000, v0;
	v10 =	vmul.f32 v11, v10  }
0x285: {  	vm0 =	vlt.f32 v8, $9.000000000e+00;
	v8 =	vmovc v19;
	v11 =	vsel vm2, $0x41F00000, v14;
	v14 =	vsel vm5, $0xC1F00000, v0  }
0x286: {  	v19 =	vsub.f32 v13, v11;
	v11 =	vsel vm4, $0x41F00000, v14;
	v13 =	vld [tilespmem:s23+$0x6FD0];
	v20 =	vnsel vm0, $0x0, v10  }
0x287: {  	s24 =	sshra.s32 s20, $0x2;
	v21 =	vsub.f32 v15, v11;
	v15 =	vsel vm1, $0x41F00000, v18;
	v11 =	vld [tilespmem:s30+$0x7AD0];
	v18 =	vmul.f32 v20, v7;
	v7 =	vmovc v16  }
0x288: {  	v3 =	vsub.f32 v23, v3;
	v16 =	vsub.f32 v4, v15;
	v4 =	vmul.f32 v19, v19;
	v10 =	vld [tilespmem:s24+$0x9BD0];
	v14 =	vpop (erf)  }
.Ltmp4:
0x289: {  	v22 =	vmul.f32 v21, v21;
	v15 =	vld [tilespmem:s24+$0xBCD0];
	v24 =	vmul.f32 v14, v17;
	[tilespmem:s16+$0xDDD0] =	vst v18;
	v23 =	vsub.f32 $0.0e+00, v18;
	(pc) =	sbr.rel @p0 .LBB2_7-.Ltmp4, $4  }
0x28a: {  	v25 =	vmul.f32 v20, v5;
	v26 =	vmul.f32 v20, v6;
	v5 =	vmovc v9;
	v9 =	vmovc v19;
	v6 =	vmov v12;
	v17 =	vld [tilespmem:s24+$0x85D0]  }
0x28b: {  	v28 =	vmul.f32 v16, v16;
	v27 =	vadd.f32 v22, v4;
	v18 =	vld [tilespmem:s24+$0xA6D0];
	v29 =	vmul.f32 v24, v24;
	[tilespmem:s16+$0xFED0] =	vst v23  }
0x28c: {  	v12 =	vmovc v21;
	v19 =	vsub.f32 $0.0e+00, v25;
	v4 =	vmul.f32 v3, v2;
	v2 =	vmul.f32 $4.000000000e+00, v13;
	v20 =	vld [tilespmem:s24+$0x90D0];
	[tilespmem:s16+$0xC7D0] =	vst v25  }
0x28d: {  	s20 =	sadd.s32 $0x40, s20;
	v21 =	vsub.f32 $0.0e+00, v26;
	v23 =	vadd.f32 v28, v27;
	v22 =	vld [tilespmem:s24+$0xB1D0];
	v3 =	vmul.f32 v29, v24;
	[tilespmem:s16+$0xD2D0] =	vst v26  }
0x28e: {  	_ =	sdelay $0x2  }
0x28f: {  	v10 =	vsub.f32 v10, v15;
	v15 =	vsub.f32 v17, v18  }
0x290: {  	v17 =	vsub.f32 v20, v22  }
0x291: {  	vm1 =	vgt.f32 v10, $1.500000000e+01;
	vm3 =	vlt.f32 v15, $-1.500000000e+01  }
0x292: {  	vm2 =	vgt.f32 v15, $1.500000000e+01;
	v18 =	vsel vm3, $0xC1F00000, v0;
	vm4 =	vlt.f32 v17, $-1.500000000e+01  }
0x293: {  	vm3 =	vlt.f32 v10, $-1.500000000e+01;
	vm5 =	vgt.f32 v17, $1.500000000e+01;
	v20 =	vsel vm4, $0xC1F00000, v0  }
0x294: {  	v18 =	vsel vm2, $0x41F00000, v18;
	v22 =	vsel vm3, $0xC1F00000, v0;
	v20 =	vsel vm5, $0x41F00000, v20  }
0x295: {  	v18 =	vsub.f32 v15, v18;
	v15 =	vsel vm1, $0x41F00000, v22;
	v17 =	vsub.f32 v17, v20  }
0x296: {  	v22 =	vsub.f32 v10, v15  }
0x297: {  	v20 =	vmax.f32 v23, $1.000000020e-24;
	v15 =	vmul.f32 v18, v18;
	v23 =	vmul.f32 v17, v17  }
0x298: {  	v10 =	vmul.f32 v3, v3;
	(erf) = vrcp.f32 v20  }
0x299: {  	v15 =	vadd.f32 v23, v15;
	v23 =	vmul.f32 v22, v22  }
0x29a: {  	v13 =	vmul.f32 $2.400000000e+01, v13;
	v24 =	vadd.f32 v10, v10  }
0x29b: {  	v15 =	vadd.f32 v23, v15  }
0x29c: {  	v13 =	vmul.f32 v14, v13;
	v14 =	vsub.f32 v24, v3  }
0x29d: {  	v23 =	vmax.f32 v15, $1.000000020e-24  }
0x29e: {  	v13 =	vmul.f32 v14, v13;
	(erf) = vrcp.f32 v23  }
0x29f: {  	[tilespmem:s16+$0xE8D0] =	vst v19;
	vm1 =	vlt.f32 v8, $9.000000000e+00  }
0x2a0: {  	v11 =	vmul.f32 v11, v11;
	[tilespmem:s16+$0xF3D0] =	vst v21;
	v8 =	vnsel vm1, $0x0, v13  }
0x2a1: {  	v13 =	vld [tilespmem:s24+$0x7AD0];
	v15 =	vmul.f32 v8, v7;
	v14 =	vpop (erf)  }
0x2a2: {  	v11 =	vmul.f32 v14, v11  }
0x2a3: {  	v19 =	vsub.f32 $0.0e+00, v15  }
0x2a4: {  	v5 =	vmul.f32 v8, v5;
	v21 =	vmul.f32 v11, v11  }
0x2a5: {  	v7 =	vld [tilespmem:s30+$0x6FD0];
	v6 =	vmul.f32 v8, v6;
	[tilespmem:s23+$0xDDD0] =	vst v15  }
0x2a6: {  	[tilespmem:s23+$0xC7D0] =	vst v5;
	v13 =	vmul.f32 v13, v13;
	v8 =	vmul.f32 v21, v11  }
0x2a7: {  	v5 =	vsub.f32 $0.0e+00, v5;
	[tilespmem:s23+$0xFED0] =	vst v19;
	v19 =	vpop (erf)  }
0x2a8: {  	[tilespmem:s23+$0xD2D0] =	vst v6;
	v6 =	vsub.f32 $0.0e+00, v6;
	v11 =	vmul.f32 v8, v8;
	v15 =	vmul.f32 v19, v13  }
0x2a9: {  	[tilespmem:s23+$0xE8D0] =	vst v5  }
0x2aa: {  	[tilespmem:s23+$0xF3D0] =	vst v6;
	v5 =	vmul.f32 $2.400000000e+01, v7;
	v6 =	vadd.f32 v11, v11;
	v21 =	vmul.f32 v15, v15  }
0x2ab: {  	v13 =	vld [tilespmem:s24+$0x6FD0]  }
0x2ac: {  	v5 =	vmul.f32 v14, v5;
	v6 =	vsub.f32 v6, v8;
	v14 =	vmul.f32 v21, v15;
	_ =	sdelay $0x1  }
0x2ad: {  	v5 =	vmul.f32 v6, v5;
	v15 =	vmul.f32 v14, v14  }
0x2ae: {  	vm2 =	vlt.f32 v20, $9.000000000e+00  }
0x2af: {  	v6 =	vmul.f32 $2.400000000e+01, v13;
	v5 =	vnsel vm2, $0x0, v5;
	v20 =	vadd.f32 v15, v15  }
0x2b0: {  	v16 =	vmul.f32 v5, v16  }
0x2b1: {  	v6 =	vmul.f32 v19, v6;
	v9 =	vmul.f32 v5, v9;
	v19 =	vsub.f32 v20, v14  }
0x2b2: {  	v5 =	vmul.f32 v5, v12;
	[tilespmem:s30+$0xDDD0] =	vst v16  }
0x2b3: {  	[tilespmem:s30+$0xC7D0] =	vst v9;
	v9 =	vsub.f32 $0.0e+00, v9;
	v6 =	vmul.f32 v19, v6  }
0x2b4: {  	vm3 =	vlt.f32 v23, $9.000000000e+00;
	[tilespmem:s30+$0xD2D0] =	vst v5;
	v5 =	vsub.f32 $0.0e+00, v5  }
0x2b5: {  	v20 =	vsub.f32 $0.0e+00, v16;
	[tilespmem:s30+$0xE8D0] =	vst v9;
	v6 =	vnsel vm3, $0x0, v6  }
0x2b6: {  	[tilespmem:s30+$0xF3D0] =	vst v5;
	v12 =	vmul.f32 v6, v22  }
0x2b7: {  	[tilespmem:s30+$0xFED0] =	vst v20;
	v9 =	vmul.f32 v6, v18  }
0x2b8: {  	v6 =	vmul.f32 v6, v17;
	[tilespmem:s24+$0xDDD0] =	vst v12  }
0x2b9: {  	v5 =	vsub.f32 $0.0e+00, v12;
	[tilespmem:s24+$0xC7D0] =	vst v9  }
0x2ba: {  	[tilespmem:s24+$0xD2D0] =	vst v6;
	v6 =	vsub.f32 $0.0e+00, v6  }
0x2bb: {  	[tilespmem:s24+$0xFED0] =	vst v5;
	v5 =	vsub.f32 $0.0e+00, v9  }
0x2bc: {  	[tilespmem:s24+$0xF3D0] =	vst v6  }
0x2bd: {  	[tilespmem:s24+$0xE8D0] =	vst v5  }
0x2be: {  	_ =	swait.ge [sflag:s15], $0x570  }
0x2bf: {  	[sflag:s15] =	ssyncset.done $0x0  }
0x2c0: {  	[sflag:s15] =	ssyncadd.s32 $0xFFFFFA90  }
0x2c1: {  	_ =	swait.ge [sflag:s15], $0x570  }
0x2c2: {  	[sflag:s15] =	ssyncset.done $0x0  }
0x2c3: {  	[sflag:s15] =	ssyncadd.s32 $0xFFFFFA90  }
0x2c4: {  	_ =	swait.ge [sflag:s15], $0x570  }
0x2c5: {  	[sflag:s15] =	ssyncset.done $0x0  }
0x2c6: {  	[sflag:s15] =	ssyncadd.s32 $0xFFFFFA90  }
0x2c7: {  	_ =	swait.ge [sflag:s15], $0x570  }
0x2c8: {  	[sflag:s15] =	ssyncset.done $0x0  }
0x2c9: {  	[sflag:s15] =	ssyncadd.s32 $0xFFFFFA90  }
0x2ca: {  	_ =	swait.ge [sflag:s15], $0x570  }
0x2cb: {  	[sflag:s15] =	ssyncset.done $0x0  }
0x2cc: {  	[sflag:s15] =	ssyncadd.s32 $0xFFFFFA90  }
0x2cd: {  	_ =	swait.ge [sflag:s15], $0x570  }
0x2ce: {  	[sflag:s15] =	ssyncset.done $0x0  }
0x2cf: {  	s1 =	simm.s32 $0xC7D0;
	[sflag:s15] =	ssyncadd.s32 $0xFFFFFA90  }
0x2d0: {  	[spmem:s6] =	stream.indirect.scatter.add.f32 [tilespmem:s1], [sflag:$0x3], $0x1, s18, s14, $0xb8;
	[tilespmem:$0x104D0] =	vst v63  }
0x2d1: {  	s23 =	simm.s32 $0xD2D0  }
0x2d2: {  	[spmem:s8] =	stream.indirect.scatter.add.f32 [tilespmem:s23], [sflag:$0x3], $0x1, s18, s14, $0xb8;
	[tilespmem:$0x104D0] =	vst v63  }
0x2d3: {  	s24 =	simm.s32 $0xDDD0  }
0x2d4: {  	[spmem:s9] =	stream.indirect.scatter.add.f32 [tilespmem:s24], [sflag:$0x3], $0x1, s18, s14, $0xb8;
	[tilespmem:$0x104D0] =	vst v63  }
0x2d5: {  	s24 =	sld [smem:$0x7EE]  }
0x2d6: {  	s16 =	simm.s32 $0xE8D0  }
0x2d7: {  	[spmem:s6] =	stream.indirect.scatter.add.f32 [tilespmem:s16], [sflag:$0x3], $0x1, s21, s14, $0xb8;
	[tilespmem:$0x104D0] =	vst v63  }
0x2d8: {  	s20 =	simm.s32 $0xF3D0;
	s16 =	sadd.s32 s13, s24  }
0x2d9: {  	[spmem:s8] =	stream.indirect.scatter.add.f32 [tilespmem:s20], [sflag:$0x3], $0x1, s21, s14, $0xb8;
	[tilespmem:$0x104D0] =	vst v63  }
0x2da: {  	p0 =	slt.u32 s16, $0x1867B0  }
0x2db: {  	s23 =	simm.s32 $0xFED0;
	s20 =	sadd.s32 @!p0 $0xFFE79850, s16  }
0x2dc: {  	[spmem:s9] =	stream.indirect.scatter.add.f32 [tilespmem:s23], [sflag:$0x3], $0x1, s21, s14, $0xb8;
	[tilespmem:$0x104D0] =	vst v63  }
0x2dd: {  	s30 =	smov.u32 s29;
	s20 =	smov.u32 @p0 s16;
	s16 =	smov.u32 s11  }
0x2de: {  	s23 =	smov.u32 s28;
	s16 =	smov.u32 @p0 s10;
	s20 =	sshrl.u32 s20, $0x3  }
0x2df: {  	s24 =	simm.s32 $0x0;
	s23 =	smov.u32 @p0 s17;
	s16 =	sadd.s32 s16, s20  }
0x2e0: {  	[tilespmem:s25], [sflag:$0x1] =	stream.linear.gather [hbm4b:s16+s24], $0x570, $0x38;
	[tilespmem:$0x104D0] =	vst v63  }
0x2e1: {  	s30 =	smov.u32 @p0 s0;
	s1 =	sadd.s32 s23, s20;
	s23 =	rddreg [dreg:$0x1]  }
0x2e2: {  	[tilespmem:s26], [sflag:$0x1] =	stream.linear.gather [hbm4b:s1+s24], $0x570, $0x38;
	[tilespmem:$0x104D0] =	vst v63  }
0x2e3: {  	s23 =	smov.u32 @p0 s2;
	s16 =	sadd.s32 s30, s20;
	s1 =	simm.s32 $0x6FD0  }
0x2e4: {  	[tilespmem:s1], [sflag:$0x1] =	stream.linear.gather [hbm4b:s16+s24], $0x570, $0x38;
	[tilespmem:$0x104D0] =	vst v63  }
0x2e5: {  	s1 =	sadd.s32 s23, s20;
	s20 =	simm.s32 $0x7AD0  }
0x2e6: {  	[tilespmem:s20], [sflag:$0x1] =	stream.linear.gather [hbm4b:s1+s24], $0x570, $0x38;
	[tilespmem:$0x104D0] =	vst v63  }
0x2e7: {  	_ =	swait.ge [sflag:s19], $0x570  }
0x2e8: {  	[sflag:s19] =	ssyncset.done $0x0  }
0x2e9: {  	[sflag:s19] =	ssyncadd.s32 $0xFFFFFA90  }
0x2ea: {  	_ =	swait.ge [sflag:s19], $0x570  }
0x2eb: {  	[sflag:s19] =	ssyncset.done $0x0  }
0x2ec: {  	[sflag:s19] =	ssyncadd.s32 $0xFFFFFA90  }
0x2ed: {  	_ =	swait.ge [sflag:s19], $0x570  }
0x2ee: {  	[sflag:s19] =	ssyncset.done $0x0  }
0x2ef: {  	[sflag:s19] =	ssyncadd.s32 $0xFFFFFA90  }
0x2f0: {  	_ =	swait.ge [sflag:s19], $0x570  }
0x2f1: {  	[sflag:s19] =	ssyncset.done $0x0  }
0x2f2: {  	[sflag:s19] =	ssyncadd.s32 $0xFFFFFA90  }
0x2f3: {  	_ =	swait.ge [sflag:s19], $0x570  }
0x2f4: {  	[sflag:s19] =	ssyncset.done $0x0  }
0x2f5: {  	[sflag:s19] =	ssyncadd.s32 $0xFFFFFA90  }
0x2f6: {  	_ =	swait.ge [sflag:s19], $0x570  }
0x2f7: {  	[sflag:s19] =	ssyncset.done $0x0  }
0x2f8: {  	[sflag:s19] =	ssyncadd.s32 $0xFFFFFA90  }
0x2f9: {  	_ =	swait.ge [sflag:s7], $0x570  }
0x2fa: {  	[sflag:s7] =	ssyncset.done $0x0  }
0x2fb: {  	[sflag:s7] =	ssyncadd.s32 $0xFFFFFA90  }
0x2fc: {  	_ =	swait.ge [sflag:s7], $0x570  }
0x2fd: {  	[sflag:s7] =	ssyncset.done $0x0  }
0x2fe: {  	[sflag:s7] =	ssyncadd.s32 $0xFFFFFA90  }
0x2ff: {  	_ =	swait.ge [sflag:s7], $0x570  }
0x300: {  	[sflag:s7] =	ssyncset.done $0x0  }
0x301: {  	[sflag:s7] =	ssyncadd.s32 $0xFFFFFA90  }
0x302: {  	_ =	swait.ge [sflag:s7], $0x570  }
0x303: {  	[sflag:s7] =	ssyncset.done $0x0  }
0x304: {  	s23 =	simm.s32 $0x85D0;
	[sflag:s7] =	ssyncadd.s32 $0xFFFFFA90  }
0x305: {  	[tilespmem:s23], [sflag:$0x2] =	stream.indirect.gather [spmem:s3], $0x1, s25, s14, $0xb8;
	[tilespmem:$0x104D0] =	vst v63  }
0x306: {  	s24 =	simm.s32 $0x90D0  }
0x307: {  	[tilespmem:s24], [sflag:$0x2] =	stream.indirect.gather [spmem:s4], $0x1, s25, s14, $0xb8;
	[tilespmem:$0x104D0] =	vst v63  }
0x308: {  	s16 =	simm.s32 $0x9BD0  }
0x309: {  	[tilespmem:s16], [sflag:$0x2] =	stream.indirect.gather [spmem:s5], $0x1, s25, s14, $0xb8;
	[tilespmem:$0x104D0] =	vst v63  }
0x30a: {  	s20 =	simm.s32 $0xA6D0  }
0x30b: {  	[tilespmem:s20], [sflag:$0x2] =	stream.indirect.gather [spmem:s3], $0x1, s26, s14, $0xb8;
	[tilespmem:$0x104D0] =	vst v63  }
0x30c: {  	s23 =	simm.s32 $0xB1D0  }
0x30d: {  	[tilespmem:s23], [sflag:$0x2] =	stream.indirect.gather [spmem:s4], $0x1, s26, s14, $0xb8;
	[tilespmem:$0x104D0] =	vst v63  }
0x30e: {  	s24 =	simm.s32 $0xBCD0;
	s16 =	simm.s32 $0x0  }
0x30f: {  	[tilespmem:s24], [sflag:$0x2] =	stream.indirect.gather [spmem:s5], $0x1, s26, s14, $0xb8;
	[tilespmem:$0x104D0] =	vst v63  }
0x310: {  	v5 =	vld [tilespmem:s16+$0x9650]  }
0x311: {  	v6 =	vld [tilespmem:s16+$0x8050]  }
0x312: {  	v9 =	vld [tilespmem:s16+$0xA150]  }
0x313: {  	v12 =	vld [tilespmem:s16+$0x8B50]  }
0x314: {  	v16 =	vld [tilespmem:s16+$0xAC50]  }
0x315: {  	v17 =	vld [tilespmem:s16+$0xB750];
	_ =	sdelay $0x2  }
0x316: {  	v6 =	vsub.f32 v6, v9  }
0x317: {  	v9 =	vsub.f32 v12, v16  }
0x318: {  	v5 =	vsub.f32 v5, v17;
	vm12 =	vlt.f32 v6, $-1.500000000e+01  }
0x319: {  	vm13 =	vgt.f32 v6, $1.500000000e+01;
	vm14 =	vlt.f32 v9, $-1.500000000e+01;
	vm15 =	vgt.f32 v9, $1.500000000e+01  }
0x31a: {  	vm8 =	vgt.f32 v5, $1.500000000e+01;
	v12 =	vsel vm12, $0xC1F00000, v0;
	v16 =	vsel vm14, $0xC1F00000, v0  }
0x31b: {  	vm9 =	vlt.f32 v5, $-1.500000000e+01;
	v12 =	vsel vm13, $0x41F00000, v12;
	v16 =	vsel vm15, $0x41F00000, v16  }
0x31c: {  	v17 =	vsel vm9, $0xC1F00000, v0;
	v19 =	vsub.f32 v6, v12;
	v20 =	vsub.f32 v9, v16  }
0x31d: {  	v6 =	vsel vm8, $0x41F00000, v17  }
0x31e: {  	v9 =	vsub.f32 v5, v6;
	v5 =	vmul.f32 v19, v19;
	v6 =	vmul.f32 v20, v20;
	_ =	sdelay $0x1  }
0x31f: {  	v5 =	vadd.f32 v6, v5;
	v6 =	vmul.f32 v9, v9  }
0x320: {  	s23 =	simm.s32 $0x10  }
0x321: {  	v12 =	vld [tilespmem:s23+$0x9650];
	v5 =	vadd.f32 v6, v5  }
0x322: {  	v16 =	vld [tilespmem:s23+$0xB750]  }
0x323: {  	v3 =	vsub.f32 v10, v3;
	v17 =	vld [tilespmem:s23+$0xA150];
	v18 =	vmax.f32 v5, $1.000000020e-24  }
0x324: {  	v6 =	vld [tilespmem:s23+$0x8050];
	(erf) = vrcp.f32 v18  }
0x325: {  	v4 =	vnsel vm0, $0x0, v4;
	v2 =	vmul.f32 v3, v2;
	v21 =	vld [tilespmem:s23+$0xAC50]  }
0x326: {  	v1 =	vadd.f32 v4, v1;
	v5 =	vld [tilespmem:s23+$0x8B50]  }
0x327: {  	v2 =	vnsel vm1, $0x0, v2;
	v22 =	vld [tilespmem:s16+$0x7550]  }
0x328: {  	v1 =	vadd.f32 v2, v1;
	v10 =	vmul.f32 $4.000000000e+00, v7;
	v8 =	vsub.f32 v11, v8  }
0x329: {  	v4 =	vsub.f32 v12, v16;
	v6 =	vsub.f32 v6, v17  }
0x32a: {  	v8 =	vmul.f32 v8, v10;
	v11 =	vmul.f32 $4.000000000e+00, v13;
	v14 =	vsub.f32 v15, v14  }
0x32b: {  	vm0 =	vgt.f32 v4, $1.500000000e+01;
	v7 =	vsub.f32 v5, v21;
	vm10 =	vlt.f32 v6, $-1.500000000e+01  }
0x32c: {  	v5 =	vmul.f32 v22, v22;
	vm11 =	vgt.f32 v6, $1.500000000e+01;
	v12 =	vsel vm10, $0xC1F00000, v0  }
0x32d: {  	vm14 =	vlt.f32 v4, $-1.500000000e+01;
	vm12 =	vlt.f32 v7, $-1.500000000e+01;
	v12 =	vsel vm11, $0x41F00000, v12;
	v17 =	vpop (erf)  }
0x32e: {  	vm13 =	vgt.f32 v7, $1.500000000e+01;
	v16 =	vsel vm12, $0xC1F00000, v0;
	v21 =	vmul.f32 v17, v5  }
0x32f: {  	s30 =	simm.s32 $0x20;
	v23 =	vld [tilespmem:s16+$0x6A50];
	v22 =	vsel vm14, $0xC1F00000, v0;
	v16 =	vsel vm13, $0x41F00000, v16;
	v5 =	vsub.f32 v6, v12  }
0x330: {  	v13 =	vld [tilespmem:s30+$0x8050];
	v3 =	vsel vm0, $0x41F00000, v22;
	v6 =	vsub.f32 v7, v16;
	v16 =	vmul.f32 v21, v21  }
0x331: {  	v2 =	vmul.f32 v14, v11;
	v10 =	vld [tilespmem:s30+$0x8B50];
	v7 =	vsub.f32 v4, v3;
	v3 =	vmul.f32 v5, v5  }
0x332: {  	v11 =	vld [tilespmem:s30+$0xAC50];
	v22 =	vmul.f32 v6, v6;
	v21 =	vmul.f32 v16, v21  }
0x333: {  	v12 =	vld [tilespmem:s30+$0x9650]  }
0x334: {  	v4 =	vld [tilespmem:s30+$0xB750];
	v3 =	vadd.f32 v22, v3;
	v16 =	vmul.f32 v7, v7;
	v22 =	vmul.f32 v21, v21  }
0x335: {  	v8 =	vnsel vm2, $0x0, v8;
	v15 =	vld [tilespmem:s30+$0xA150]  }
0x336: {  	v14 =	vmul.f32 $2.400000000e+01, v23;
	v3 =	vadd.f32 v16, v3;
	v16 =	vadd.f32 v22, v22  }
0x337: {  	v1 =	vadd.f32 v8, v1;
	v2 =	vnsel vm3, $0x0, v2  }
0x338: {  	v8 =	vmax.f32 v3, $1.000000020e-24;
	v3 =	vmul.f32 v17, v14;
	v14 =	vsub.f32 v16, v21  }
0x339: {  	v4 =	vsub.f32 v12, v4;
	v12 =	vsub.f32 v10, v11;
	(erf) = vrcp.f32 v8  }
0x33a: {  	v1 =	vadd.f32 v2, v1;
	v16 =	vsub.f32 v13, v15;
	v3 =	vmul.f32 v14, v3  }
0x33b: {  	vm0 =	vlt.f32 v18, $9.000000000e+00;
	vm3 =	vgt.f32 v12, $1.500000000e+01;
	vm15 =	vlt.f32 v12, $-1.500000000e+01  }
0x33c: {  	v2 =	vld [tilespmem:s23+$0x7550];
	v15 =	vsel vm15, $0xC1F00000, v0;
	vm2 =	vlt.f32 v16, $-1.500000000e+01;
	v3 =	vnsel vm0, $0x0, v3  }
0x33d: {  	vm1 =	vgt.f32 v16, $1.500000000e+01;
	v14 =	vsel vm2, $0xC1F00000, v0;
	v17 =	vmul.f32 v3, v9  }
0x33e: {  	v9 =	vsel vm1, $0x41F00000, v14;
	v14 =	vsel vm3, $0x41F00000, v15;
	vm1 =	vlt.f32 v4, $-1.500000000e+01  }
0x33f: {  	v12 =	vsub.f32 v12, v14;
	v14 =	vsel vm1, $0xC1F00000, v0  }
0x340: {  	v11 =	vld [tilespmem:s30+$0x7550];
	v9 =	vsub.f32 v16, v9  }
0x341: {  	s24 =	simm.s32 $0x30;
	v2 =	vmul.f32 v2, v2;
	v13 =	vld [tilespmem:s23+$0x6A50];
	vm2 =	vgt.f32 v4, $1.500000000e+01;
	v19 =	vmul.f32 v3, v19  }
0x342: {  	v10 =	vld [tilespmem:s24+$0x9650];
	v61 =	vsub.f32 $0.0e+00, v17;
	v16 =	vsel vm2, $0x41F00000, v14;
	v25 =	vmul.f32 v9, v9;
	v14 =	vpop (erf)  }
0x343: {  	v15 =	vld [tilespmem:s24+$0xB750];
	[tilespmem:s16+$0xD850] =	vst v17;
	v26 =	vmul.f32 v12, v12;
	v16 =	vsub.f32 v4, v16;
	v27 =	vmul.f32 v14, v2  }
0x344: {  	v21 =	vsub.f32 v22, v21;
	v62 =	vmul.f32 v3, v20;
	v17 =	vld [tilespmem:s24+$0x8050];
	v4 =	vmul.f32 $4.000000000e+00, v23  }
0x345: {  	v18 =	vld [tilespmem:s24+$0xA150];
	[tilespmem:s16+$0xF950] =	vst v61;
	v3 =	vadd.f32 v26, v25;
	v23 =	vmul.f32 v16, v16;
	v63 =	vmul.f32 v27, v27  }
0x346: {  	v20 =	vld [tilespmem:s24+$0x8B50];
	[tilespmem:s16+$0xC250] =	vst v19;
	v2 =	vmul.f32 $4.000000000e+00, v13;
	v4 =	vmul.f32 v21, v4;
	v19 =	vsub.f32 $0.0e+00, v19  }
0x347: {  	s20 =	simm.s32 $0x100;
	v21 =	vsub.f32 $0.0e+00, v62;
	v22 =	vld [tilespmem:s24+$0xAC50];
	[tilespmem:s16+$0xCD50] =	vst v62;
	v23 =	vadd.f32 v23, v3;
	v3 =	vmul.f32 v63, v27  }
.LBB2_9:
0x348: {  	p0 =	sne.s32 s20, $0x1580;
	v4 =	vnsel vm0, $0x0, v4;
	[tilespmem:s16+$0xE350] =	vst v19  }
0x349: {  	v19 =	vmax.f32 v23, $1.000000020e-24;
	v23 =	vmul.f32 v3, v3;
	[tilespmem:s16+$0xEE50] =	vst v21;
	v1 =	vadd.f32 v4, v1;
	s16 =	smov.u32 s23;
	s23 =	smov.u32 s30;
	s30 =	smov.u32 s24  }
0x34a: {  	v4 =	vsub.f32 v10, v15;
	v10 =	vmul.f32 $2.400000000e+01, v13;
	(erf) = vrcp.f32 v19  }
0x34b: {  	v13 =	vsub.f32 v17, v18;
	v17 =	vmul.f32 v11, v11;
	v11 =	vadd.f32 v23, v23  }
0x34c: {  	vm1 =	vgt.f32 v4, $1.500000000e+01;
	vm0 =	vlt.f32 v4, $-1.500000000e+01;
	v15 =	vsub.f32 v20, v22  }
0x34d: {  	v10 =	vmul.f32 v14, v10;
	vm2 =	vgt.f32 v13, $1.500000000e+01;
	v11 =	vsub.f32 v11, v3  }
0x34e: {  	vm3 =	vlt.f32 v13, $-1.500000000e+01;
	vm4 =	vgt.f32 v15, $1.500000000e+01;
	vm5 =	vlt.f32 v15, $-1.500000000e+01  }
0x34f: {  	v18 =	vsel vm0, $0xC1F00000, v0;
	v14 =	vsel vm3, $0xC1F00000, v0;
	v10 =	vmul.f32 v11, v10  }
0x350: {  	vm0 =	vlt.f32 v8, $9.000000000e+00;
	v8 =	vmovc v19;
	v11 =	vsel vm2, $0x41F00000, v14;
	v14 =	vsel vm5, $0xC1F00000, v0  }
0x351: {  	v19 =	vsub.f32 v13, v11;
	v11 =	vsel vm4, $0x41F00000, v14;
	v13 =	vld [tilespmem:s23+$0x6A50];
	v20 =	vnsel vm0, $0x0, v10  }
0x352: {  	s24 =	sshra.s32 s20, $0x2;
	v21 =	vsub.f32 v15, v11;
	v15 =	vsel vm1, $0x41F00000, v18;
	v11 =	vld [tilespmem:s30+$0x7550];
	v18 =	vmul.f32 v20, v7;
	v7 =	vmovc v16  }
0x353: {  	v3 =	vsub.f32 v23, v3;
	v16 =	vsub.f32 v4, v15;
	v4 =	vmul.f32 v19, v19;
	v10 =	vld [tilespmem:s24+$0x9650];
	v14 =	vpop (erf)  }
.Ltmp5:
0x354: {  	v22 =	vmul.f32 v21, v21;
	v15 =	vld [tilespmem:s24+$0xB750];
	v24 =	vmul.f32 v14, v17;
	[tilespmem:s16+$0xD850] =	vst v18;
	v23 =	vsub.f32 $0.0e+00, v18;
	(pc) =	sbr.rel @p0 .LBB2_9-.Ltmp5, $4  }
0x355: {  	v25 =	vmul.f32 v20, v5;
	v26 =	vmul.f32 v20, v6;
	v5 =	vmovc v9;
	v9 =	vmovc v19;
	v6 =	vmov v12;
	v17 =	vld [tilespmem:s24+$0x8050]  }
0x356: {  	v28 =	vmul.f32 v16, v16;
	v27 =	vadd.f32 v22, v4;
	v18 =	vld [tilespmem:s24+$0xA150];
	v29 =	vmul.f32 v24, v24;
	[tilespmem:s16+$0xF950] =	vst v23  }
0x357: {  	v12 =	vmovc v21;
	v19 =	vsub.f32 $0.0e+00, v25;
	v4 =	vmul.f32 v3, v2;
	v2 =	vmul.f32 $4.000000000e+00, v13;
	v20 =	vld [tilespmem:s24+$0x8B50];
	[tilespmem:s16+$0xC250] =	vst v25  }
0x358: {  	s20 =	sadd.s32 $0x40, s20;
	v21 =	vsub.f32 $0.0e+00, v26;
	v23 =	vadd.f32 v28, v27;
	v22 =	vld [tilespmem:s24+$0xAC50];
	v3 =	vmul.f32 v29, v24;
	[tilespmem:s16+$0xCD50] =	vst v26  }
0x359: {  	_ =	sdelay $0x2  }
0x35a: {  	v10 =	vsub.f32 v10, v15;
	v15 =	vsub.f32 v17, v18  }
0x35b: {  	v17 =	vsub.f32 v20, v22  }
0x35c: {  	vm1 =	vgt.f32 v10, $1.500000000e+01;
	vm3 =	vlt.f32 v15, $-1.500000000e+01  }
0x35d: {  	vm2 =	vgt.f32 v15, $1.500000000e+01;
	v18 =	vsel vm3, $0xC1F00000, v0;
	vm4 =	vlt.f32 v17, $-1.500000000e+01  }
0x35e: {  	vm3 =	vlt.f32 v10, $-1.500000000e+01;
	vm5 =	vgt.f32 v17, $1.500000000e+01;
	v20 =	vsel vm4, $0xC1F00000, v0  }
0x35f: {  	v18 =	vsel vm2, $0x41F00000, v18;
	v22 =	vsel vm3, $0xC1F00000, v0;
	v20 =	vsel vm5, $0x41F00000, v20  }
0x360: {  	v18 =	vsub.f32 v15, v18;
	v15 =	vsel vm1, $0x41F00000, v22;
	v17 =	vsub.f32 v17, v20  }
0x361: {  	v22 =	vsub.f32 v10, v15  }
0x362: {  	v20 =	vmax.f32 v23, $1.000000020e-24;
	v15 =	vmul.f32 v18, v18;
	v23 =	vmul.f32 v17, v17  }
0x363: {  	v10 =	vmul.f32 v3, v3;
	(erf) = vrcp.f32 v20  }
0x364: {  	v15 =	vadd.f32 v23, v15;
	v23 =	vmul.f32 v22, v22  }
0x365: {  	v13 =	vmul.f32 $2.400000000e+01, v13;
	v24 =	vadd.f32 v10, v10  }
0x366: {  	v15 =	vadd.f32 v23, v15  }
0x367: {  	v13 =	vmul.f32 v14, v13;
	v14 =	vsub.f32 v24, v3  }
0x368: {  	v23 =	vmax.f32 v15, $1.000000020e-24  }
0x369: {  	v13 =	vmul.f32 v14, v13;
	(erf) = vrcp.f32 v23  }
0x36a: {  	[tilespmem:s16+$0xE350] =	vst v19;
	vm1 =	vlt.f32 v8, $9.000000000e+00  }
0x36b: {  	v11 =	vmul.f32 v11, v11;
	[tilespmem:s16+$0xEE50] =	vst v21;
	v8 =	vnsel vm1, $0x0, v13  }
0x36c: {  	v13 =	vld [tilespmem:s24+$0x7550];
	v15 =	vmul.f32 v8, v7;
	v14 =	vpop (erf)  }
0x36d: {  	v11 =	vmul.f32 v14, v11  }
0x36e: {  	v19 =	vsub.f32 $0.0e+00, v15  }
0x36f: {  	v5 =	vmul.f32 v8, v5;
	v21 =	vmul.f32 v11, v11  }
0x370: {  	v7 =	vld [tilespmem:s30+$0x6A50];
	v6 =	vmul.f32 v8, v6;
	[tilespmem:s23+$0xD850] =	vst v15  }
0x371: {  	[tilespmem:s23+$0xC250] =	vst v5;
	v13 =	vmul.f32 v13, v13;
	v8 =	vmul.f32 v21, v11  }
0x372: {  	v5 =	vsub.f32 $0.0e+00, v5;
	[tilespmem:s23+$0xF950] =	vst v19;
	v19 =	vpop (erf)  }
0x373: {  	[tilespmem:s23+$0xCD50] =	vst v6;
	v6 =	vsub.f32 $0.0e+00, v6;
	v11 =	vmul.f32 v8, v8;
	v15 =	vmul.f32 v19, v13  }
0x374: {  	[tilespmem:s23+$0xE350] =	vst v5  }
0x375: {  	[tilespmem:s23+$0xEE50] =	vst v6;
	v5 =	vmul.f32 $2.400000000e+01, v7;
	v6 =	vadd.f32 v11, v11;
	v21 =	vmul.f32 v15, v15  }
0x376: {  	v13 =	vld [tilespmem:s24+$0x6A50]  }
0x377: {  	v5 =	vmul.f32 v14, v5;
	v6 =	vsub.f32 v6, v8;
	v14 =	vmul.f32 v21, v15;
	_ =	sdelay $0x1  }
0x378: {  	v5 =	vmul.f32 v6, v5;
	v15 =	vmul.f32 v14, v14  }
0x379: {  	vm2 =	vlt.f32 v20, $9.000000000e+00  }
0x37a: {  	v6 =	vmul.f32 $2.400000000e+01, v13;
	v5 =	vnsel vm2, $0x0, v5;
	v20 =	vadd.f32 v15, v15  }
0x37b: {  	v16 =	vmul.f32 v5, v16  }
0x37c: {  	v6 =	vmul.f32 v19, v6;
	v9 =	vmul.f32 v5, v9;
	v19 =	vsub.f32 v20, v14  }
0x37d: {  	v5 =	vmul.f32 v5, v12;
	[tilespmem:s30+$0xD850] =	vst v16  }
0x37e: {  	[tilespmem:s30+$0xC250] =	vst v9;
	v9 =	vsub.f32 $0.0e+00, v9;
	v6 =	vmul.f32 v19, v6  }
0x37f: {  	vm3 =	vlt.f32 v23, $9.000000000e+00;
	[tilespmem:s30+$0xCD50] =	vst v5;
	v5 =	vsub.f32 $0.0e+00, v5  }
0x380: {  	v20 =	vsub.f32 $0.0e+00, v16;
	[tilespmem:s30+$0xE350] =	vst v9;
	v6 =	vnsel vm3, $0x0, v6  }
0x381: {  	[tilespmem:s30+$0xEE50] =	vst v5;
	v12 =	vmul.f32 v6, v22  }
0x382: {  	[tilespmem:s30+$0xF950] =	vst v20;
	v9 =	vmul.f32 v6, v18  }
0x383: {  	v6 =	vmul.f32 v6, v17;
	[tilespmem:s24+$0xD850] =	vst v12  }
0x384: {  	v5 =	vsub.f32 $0.0e+00, v12;
	[tilespmem:s24+$0xC250] =	vst v9  }
0x385: {  	[tilespmem:s24+$0xCD50] =	vst v6;
	v6 =	vsub.f32 $0.0e+00, v6  }
0x386: {  	[tilespmem:s24+$0xF950] =	vst v5;
	v5 =	vsub.f32 $0.0e+00, v9  }
0x387: {  	[tilespmem:s24+$0xEE50] =	vst v6  }
0x388: {  	[tilespmem:s24+$0xE350] =	vst v5  }
0x389: {  	_ =	swait.ge [sflag:s15], $0x570  }
0x38a: {  	[sflag:s15] =	ssyncset.done $0x0  }
0x38b: {  	[sflag:s15] =	ssyncadd.s32 $0xFFFFFA90  }
0x38c: {  	_ =	swait.ge [sflag:s15], $0x570  }
0x38d: {  	[sflag:s15] =	ssyncset.done $0x0  }
0x38e: {  	[sflag:s15] =	ssyncadd.s32 $0xFFFFFA90  }
0x38f: {  	_ =	swait.ge [sflag:s15], $0x570  }
0x390: {  	[sflag:s15] =	ssyncset.done $0x0  }
0x391: {  	[sflag:s15] =	ssyncadd.s32 $0xFFFFFA90  }
0x392: {  	_ =	swait.ge [sflag:s15], $0x570  }
0x393: {  	[sflag:s15] =	ssyncset.done $0x0  }
0x394: {  	[sflag:s15] =	ssyncadd.s32 $0xFFFFFA90  }
0x395: {  	_ =	swait.ge [sflag:s15], $0x570  }
0x396: {  	[sflag:s15] =	ssyncset.done $0x0  }
0x397: {  	[sflag:s15] =	ssyncadd.s32 $0xFFFFFA90  }
0x398: {  	_ =	swait.ge [sflag:s15], $0x570  }
0x399: {  	[sflag:s15] =	ssyncset.done $0x0  }
0x39a: {  	s1 =	simm.s32 $0xC250;
	[sflag:s15] =	ssyncadd.s32 $0xFFFFFA90  }
0x39b: {  	[spmem:s6] =	stream.indirect.scatter.add.f32 [tilespmem:s1], [sflag:$0x3], $0x1, s22, s14, $0xb8;
	[tilespmem:$0x104D0] =	vst v63  }
0x39c: {  	s23 =	simm.s32 $0xCD50  }
0x39d: {  	[spmem:s8] =	stream.indirect.scatter.add.f32 [tilespmem:s23], [sflag:$0x3], $0x1, s22, s14, $0xb8;
	[tilespmem:$0x104D0] =	vst v63  }
0x39e: {  	s24 =	simm.s32 $0xD850  }
0x39f: {  	[spmem:s9] =	stream.indirect.scatter.add.f32 [tilespmem:s24], [sflag:$0x3], $0x1, s22, s14, $0xb8;
	[tilespmem:$0x104D0] =	vst v63  }
0x3a0: {  	s24 =	sld [smem:$0x7EF]  }
0x3a1: {  	s16 =	simm.s32 $0xE350  }
0x3a2: {  	[spmem:s6] =	stream.indirect.scatter.add.f32 [tilespmem:s16], [sflag:$0x3], $0x1, s31, s14, $0xb8;
	[tilespmem:$0x104D0] =	vst v63  }
0x3a3: {  	s20 =	simm.s32 $0xEE50;
	s16 =	sadd.s32 s13, s24  }
0x3a4: {  	[spmem:s8] =	stream.indirect.scatter.add.f32 [tilespmem:s20], [sflag:$0x3], $0x1, s31, s14, $0xb8;
	[tilespmem:$0x104D0] =	vst v63  }
0x3a5: {  	p0 =	slt.u32 s16, $0x1867B0  }
0x3a6: {  	s23 =	simm.s32 $0xF950;
	s20 =	sadd.s32 @!p0 $0xFFE79850, s16  }
0x3a7: {  	[spmem:s9] =	stream.indirect.scatter.add.f32 [tilespmem:s23], [sflag:$0x3], $0x1, s31, s14, $0xb8;
	[tilespmem:$0x104D0] =	vst v63  }
0x3a8: {  	s30 =	smov.u32 s29;
	s20 =	smov.u32 @p0 s16;
	s16 =	smov.u32 s11  }
0x3a9: {  	s23 =	smov.u32 s28;
	s16 =	smov.u32 @p0 s10;
	s20 =	sshrl.u32 s20, $0x3  }
0x3aa: {  	s24 =	simm.s32 $0x0;
	s23 =	smov.u32 @p0 s17;
	s16 =	sadd.s32 s16, s20  }
0x3ab: {  	[tilespmem:s18], [sflag:$0x1] =	stream.linear.gather [hbm4b:s16+s24], $0x570, $0x38;
	[tilespmem:$0x104D0] =	vst v63  }
0x3ac: {  	s30 =	smov.u32 @p0 s0;
	s1 =	sadd.s32 s23, s20;
	s23 =	rddreg [dreg:$0x1]  }
0x3ad: {  	[tilespmem:s21], [sflag:$0x1] =	stream.linear.gather [hbm4b:s1+s24], $0x570, $0x38;
	[tilespmem:$0x104D0] =	vst v63  }
0x3ae: {  	s23 =	smov.u32 @p0 s2;
	s16 =	sadd.s32 s30, s20;
	s1 =	simm.s32 $0x6A50  }
0x3af: {  	[tilespmem:s1], [sflag:$0x1] =	stream.linear.gather [hbm4b:s16+s24], $0x570, $0x38;
	[tilespmem:$0x104D0] =	vst v63  }
0x3b0: {  	s1 =	sadd.s32 s23, s20;
	s20 =	simm.s32 $0x7550  }
0x3b1: {  	[tilespmem:s20], [sflag:$0x1] =	stream.linear.gather [hbm4b:s1+s24], $0x570, $0x38;
	[tilespmem:$0x104D0] =	vst v63  }
0x3b2: {  	_ =	swait.ge [sflag:s19], $0x570  }
0x3b3: {  	[sflag:s19] =	ssyncset.done $0x0  }
0x3b4: {  	[sflag:s19] =	ssyncadd.s32 $0xFFFFFA90  }
0x3b5: {  	_ =	swait.ge [sflag:s19], $0x570  }
0x3b6: {  	[sflag:s19] =	ssyncset.done $0x0  }
0x3b7: {  	[sflag:s19] =	ssyncadd.s32 $0xFFFFFA90  }
0x3b8: {  	_ =	swait.ge [sflag:s19], $0x570  }
0x3b9: {  	[sflag:s19] =	ssyncset.done $0x0  }
0x3ba: {  	[sflag:s19] =	ssyncadd.s32 $0xFFFFFA90  }
0x3bb: {  	_ =	swait.ge [sflag:s19], $0x570  }
0x3bc: {  	[sflag:s19] =	ssyncset.done $0x0  }
0x3bd: {  	[sflag:s19] =	ssyncadd.s32 $0xFFFFFA90  }
0x3be: {  	_ =	swait.ge [sflag:s19], $0x570  }
0x3bf: {  	[sflag:s19] =	ssyncset.done $0x0  }
0x3c0: {  	[sflag:s19] =	ssyncadd.s32 $0xFFFFFA90  }
0x3c1: {  	_ =	swait.ge [sflag:s19], $0x570  }
0x3c2: {  	[sflag:s19] =	ssyncset.done $0x0  }
0x3c3: {  	[sflag:s19] =	ssyncadd.s32 $0xFFFFFA90  }
0x3c4: {  	_ =	swait.ge [sflag:s7], $0x570  }
0x3c5: {  	[sflag:s7] =	ssyncset.done $0x0  }
0x3c6: {  	[sflag:s7] =	ssyncadd.s32 $0xFFFFFA90  }
0x3c7: {  	_ =	swait.ge [sflag:s7], $0x570  }
0x3c8: {  	[sflag:s7] =	ssyncset.done $0x0  }
0x3c9: {  	[sflag:s7] =	ssyncadd.s32 $0xFFFFFA90  }
0x3ca: {  	_ =	swait.ge [sflag:s7], $0x570  }
0x3cb: {  	[sflag:s7] =	ssyncset.done $0x0  }
0x3cc: {  	[sflag:s7] =	ssyncadd.s32 $0xFFFFFA90  }
0x3cd: {  	_ =	swait.ge [sflag:s7], $0x570  }
0x3ce: {  	[sflag:s7] =	ssyncset.done $0x0  }
0x3cf: {  	s23 =	simm.s32 $0x8050;
	[sflag:s7] =	ssyncadd.s32 $0xFFFFFA90  }
0x3d0: {  	[tilespmem:s23], [sflag:$0x2] =	stream.indirect.gather [spmem:s3], $0x1, s18, s14, $0xb8;
	[tilespmem:$0x104D0] =	vst v63  }
0x3d1: {  	s24 =	simm.s32 $0x8B50  }
0x3d2: {  	[tilespmem:s24], [sflag:$0x2] =	stream.indirect.gather [spmem:s4], $0x1, s18, s14, $0xb8;
	[tilespmem:$0x104D0] =	vst v63  }
0x3d3: {  	s16 =	simm.s32 $0x9650  }
0x3d4: {  	[tilespmem:s16], [sflag:$0x2] =	stream.indirect.gather [spmem:s5], $0x1, s18, s14, $0xb8;
	[tilespmem:$0x104D0] =	vst v63  }
0x3d5: {  	s20 =	simm.s32 $0xA150  }
0x3d6: {  	[tilespmem:s20], [sflag:$0x2] =	stream.indirect.gather [spmem:s3], $0x1, s21, s14, $0xb8;
	[tilespmem:$0x104D0] =	vst v63  }
0x3d7: {  	s23 =	simm.s32 $0xAC50  }
0x3d8: {  	[tilespmem:s23], [sflag:$0x2] =	stream.indirect.gather [spmem:s4], $0x1, s21, s14, $0xb8;
	[tilespmem:$0x104D0] =	vst v63  }
0x3d9: {  	s24 =	simm.s32 $0xB750;
	s16 =	simm.s32 $0x0  }
0x3da: {  	[tilespmem:s24], [sflag:$0x2] =	stream.indirect.gather [spmem:s5], $0x1, s21, s14, $0xb8;
	[tilespmem:$0x104D0] =	vst v63  }
0x3db: {  	v5 =	vld [tilespmem:s16+$0x9BD0]  }
0x3dc: {  	v6 =	vld [tilespmem:s16+$0x85D0]  }
0x3dd: {  	v9 =	vld [tilespmem:s16+$0xA6D0]  }
0x3de: {  	v12 =	vld [tilespmem:s16+$0x90D0]  }
0x3df: {  	v16 =	vld [tilespmem:s16+$0xB1D0]  }
0x3e0: {  	v17 =	vld [tilespmem:s16+$0xBCD0];
	_ =	sdelay $0x2  }
0x3e1: {  	v6 =	vsub.f32 v6, v9  }
0x3e2: {  	v9 =	vsub.f32 v12, v16  }
0x3e3: {  	v5 =	vsub.f32 v5, v17;
	vm12 =	vlt.f32 v6, $-1.500000000e+01  }
0x3e4: {  	vm13 =	vgt.f32 v6, $1.500000000e+01;
	vm14 =	vlt.f32 v9, $-1.500000000e+01;
	vm15 =	vgt.f32 v9, $1.500000000e+01  }
0x3e5: {  	vm8 =	vgt.f32 v5, $1.500000000e+01;
	v12 =	vsel vm12, $0xC1F00000, v0;
	v16 =	vsel vm14, $0xC1F00000, v0  }
0x3e6: {  	vm9 =	vlt.f32 v5, $-1.500000000e+01;
	v12 =	vsel vm13, $0x41F00000, v12;
	v16 =	vsel vm15, $0x41F00000, v16  }
0x3e7: {  	v17 =	vsel vm9, $0xC1F00000, v0;
	v19 =	vsub.f32 v6, v12;
	v20 =	vsub.f32 v9, v16  }
0x3e8: {  	v6 =	vsel vm8, $0x41F00000, v17  }
0x3e9: {  	v9 =	vsub.f32 v5, v6;
	v5 =	vmul.f32 v19, v19;
	v6 =	vmul.f32 v20, v20;
	_ =	sdelay $0x1  }
0x3ea: {  	v5 =	vadd.f32 v6, v5;
	v6 =	vmul.f32 v9, v9  }
0x3eb: {  	s23 =	simm.s32 $0x10  }
0x3ec: {  	v12 =	vld [tilespmem:s23+$0x9BD0];
	v5 =	vadd.f32 v6, v5  }
0x3ed: {  	v16 =	vld [tilespmem:s23+$0xBCD0]  }
0x3ee: {  	v3 =	vsub.f32 v10, v3;
	v17 =	vld [tilespmem:s23+$0xA6D0];
	v18 =	vmax.f32 v5, $1.000000020e-24  }
0x3ef: {  	v6 =	vld [tilespmem:s23+$0x85D0];
	(erf) = vrcp.f32 v18  }
0x3f0: {  	v4 =	vnsel vm0, $0x0, v4;
	v2 =	vmul.f32 v3, v2;
	v21 =	vld [tilespmem:s23+$0xB1D0]  }
0x3f1: {  	v1 =	vadd.f32 v4, v1;
	v5 =	vld [tilespmem:s23+$0x90D0]  }
0x3f2: {  	v2 =	vnsel vm1, $0x0, v2;
	v22 =	vld [tilespmem:s16+$0x7AD0]  }
0x3f3: {  	v1 =	vadd.f32 v2, v1;
	v10 =	vmul.f32 $4.000000000e+00, v7;
	v8 =	vsub.f32 v11, v8  }
0x3f4: {  	v4 =	vsub.f32 v12, v16;
	v6 =	vsub.f32 v6, v17  }
0x3f5: {  	v8 =	vmul.f32 v8, v10;
	v11 =	vmul.f32 $4.000000000e+00, v13;
	v14 =	vsub.f32 v15, v14  }
0x3f6: {  	vm0 =	vgt.f32 v4, $1.500000000e+01;
	v7 =	vsub.f32 v5, v21;
	vm10 =	vlt.f32 v6, $-1.500000000e+01  }
0x3f7: {  	v5 =	vmul.f32 v22, v22;
	vm11 =	vgt.f32 v6, $1.500000000e+01;
	v12 =	vsel vm10, $0xC1F00000, v0  }
0x3f8: {  	vm14 =	vlt.f32 v4, $-1.500000000e+01;
	vm12 =	vlt.f32 v7, $-1.500000000e+01;
	v12 =	vsel vm11, $0x41F00000, v12;
	v17 =	vpop (erf)  }
0x3f9: {  	vm13 =	vgt.f32 v7, $1.500000000e+01;
	v16 =	vsel vm12, $0xC1F00000, v0;
	v21 =	vmul.f32 v17, v5  }
0x3fa: {  	s30 =	simm.s32 $0x20;
	v23 =	vld [tilespmem:s16+$0x6FD0];
	v22 =	vsel vm14, $0xC1F00000, v0;
	v16 =	vsel vm13, $0x41F00000, v16;
	v5 =	vsub.f32 v6, v12  }
0x3fb: {  	v13 =	vld [tilespmem:s30+$0x85D0];
	v3 =	vsel vm0, $0x41F00000, v22;
	v6 =	vsub.f32 v7, v16;
	v16 =	vmul.f32 v21, v21  }
0x3fc: {  	v2 =	vmul.f32 v14, v11;
	v10 =	vld [tilespmem:s30+$0x90D0];
	v7 =	vsub.f32 v4, v3;
	v3 =	vmul.f32 v5, v5  }
0x3fd: {  	v11 =	vld [tilespmem:s30+$0xB1D0];
	v22 =	vmul.f32 v6, v6;
	v21 =	vmul.f32 v16, v21  }
0x3fe: {  	v12 =	vld [tilespmem:s30+$0x9BD0]  }
0x3ff: {  	v4 =	vld [tilespmem:s30+$0xBCD0];
	v3 =	vadd.f32 v22, v3;
	v16 =	vmul.f32 v7, v7;
	v22 =	vmul.f32 v21, v21  }
0x400: {  	v8 =	vnsel vm2, $0x0, v8;
	v15 =	vld [tilespmem:s30+$0xA6D0]  }
0x401: {  	v14 =	vmul.f32 $2.400000000e+01, v23;
	v3 =	vadd.f32 v16, v3;
	v16 =	vadd.f32 v22, v22  }
0x402: {  	v1 =	vadd.f32 v8, v1;
	v2 =	vnsel vm3, $0x0, v2  }
0x403: {  	v8 =	vmax.f32 v3, $1.000000020e-24;
	v3 =	vmul.f32 v17, v14;
	v14 =	vsub.f32 v16, v21  }
0x404: {  	v4 =	vsub.f32 v12, v4;
	v12 =	vsub.f32 v10, v11;
	(erf) = vrcp.f32 v8  }
0x405: {  	v1 =	vadd.f32 v2, v1;
	v16 =	vsub.f32 v13, v15;
	v3 =	vmul.f32 v14, v3  }
0x406: {  	vm0 =	vlt.f32 v18, $9.000000000e+00;
	vm3 =	vgt.f32 v12, $1.500000000e+01;
	vm15 =	vlt.f32 v12, $-1.500000000e+01  }
0x407: {  	v2 =	vld [tilespmem:s23+$0x7AD0];
	v15 =	vsel vm15, $0xC1F00000, v0;
	vm2 =	vlt.f32 v16, $-1.500000000e+01;
	v3 =	vnsel vm0, $0x0, v3  }
0x408: {  	vm1 =	vgt.f32 v16, $1.500000000e+01;
	v14 =	vsel vm2, $0xC1F00000, v0;
	v17 =	vmul.f32 v3, v9  }
0x409: {  	v9 =	vsel vm1, $0x41F00000, v14;
	v14 =	vsel vm3, $0x41F00000, v15;
	vm1 =	vlt.f32 v4, $-1.500000000e+01  }
0x40a: {  	v12 =	vsub.f32 v12, v14;
	v14 =	vsel vm1, $0xC1F00000, v0  }
0x40b: {  	v11 =	vld [tilespmem:s30+$0x7AD0];
	v9 =	vsub.f32 v16, v9  }
0x40c: {  	s24 =	simm.s32 $0x30;
	v2 =	vmul.f32 v2, v2;
	v13 =	vld [tilespmem:s23+$0x6FD0];
	vm2 =	vgt.f32 v4, $1.500000000e+01;
	v19 =	vmul.f32 v3, v19  }
0x40d: {  	v10 =	vld [tilespmem:s24+$0x9BD0];
	v61 =	vsub.f32 $0.0e+00, v17;
	v16 =	vsel vm2, $0x41F00000, v14;
	v25 =	vmul.f32 v9, v9;
	v14 =	vpop (erf)  }
0x40e: {  	v15 =	vld [tilespmem:s24+$0xBCD0];
	[tilespmem:s16+$0xDDD0] =	vst v17;
	v26 =	vmul.f32 v12, v12;
	v16 =	vsub.f32 v4, v16;
	v27 =	vmul.f32 v14, v2  }
0x40f: {  	v21 =	vsub.f32 v22, v21;
	v62 =	vmul.f32 v3, v20;
	v17 =	vld [tilespmem:s24+$0x85D0];
	v4 =	vmul.f32 $4.000000000e+00, v23  }
0x410: {  	v18 =	vld [tilespmem:s24+$0xA6D0];
	[tilespmem:s16+$0xFED0] =	vst v61;
	v3 =	vadd.f32 v26, v25;
	v23 =	vmul.f32 v16, v16;
	v63 =	vmul.f32 v27, v27  }
0x411: {  	v20 =	vld [tilespmem:s24+$0x90D0];
	[tilespmem:s16+$0xC7D0] =	vst v19;
	v2 =	vmul.f32 $4.000000000e+00, v13;
	v4 =	vmul.f32 v21, v4;
	v19 =	vsub.f32 $0.0e+00, v19  }
0x412: {  	s20 =	simm.s32 $0x100;
	v21 =	vsub.f32 $0.0e+00, v62;
	v22 =	vld [tilespmem:s24+$0xB1D0];
	[tilespmem:s16+$0xD2D0] =	vst v62;
	v23 =	vadd.f32 v23, v3;
	v3 =	vmul.f32 v63, v27  }
.LBB2_11:
0x413: {  	p0 =	sne.s32 s20, $0x1580;
	v4 =	vnsel vm0, $0x0, v4;
	[tilespmem:s16+$0xE8D0] =	vst v19  }
0x414: {  	v19 =	vmax.f32 v23, $1.000000020e-24;
	v23 =	vmul.f32 v3, v3;
	[tilespmem:s16+$0xF3D0] =	vst v21;
	v1 =	vadd.f32 v4, v1;
	s16 =	smov.u32 s23;
	s23 =	smov.u32 s30;
	s30 =	smov.u32 s24  }
0x415: {  	v4 =	vsub.f32 v10, v15;
	v10 =	vmul.f32 $2.400000000e+01, v13;
	(erf) = vrcp.f32 v19  }
0x416: {  	v13 =	vsub.f32 v17, v18;
	v17 =	vmul.f32 v11, v11;
	v11 =	vadd.f32 v23, v23  }
0x417: {  	vm1 =	vgt.f32 v4, $1.500000000e+01;
	vm0 =	vlt.f32 v4, $-1.500000000e+01;
	v15 =	vsub.f32 v20, v22  }
0x418: {  	v10 =	vmul.f32 v14, v10;
	vm2 =	vgt.f32 v13, $1.500000000e+01;
	v11 =	vsub.f32 v11, v3  }
0x419: {  	vm3 =	vlt.f32 v13, $-1.500000000e+01;
	vm4 =	vgt.f32 v15, $1.500000000e+01;
	vm5 =	vlt.f32 v15, $-1.500000000e+01  }
0x41a: {  	v18 =	vsel vm0, $0xC1F00000, v0;
	v14 =	vsel vm3, $0xC1F00000, v0;
	v10 =	vmul.f32 v11, v10  }
0x41b: {  	vm0 =	vlt.f32 v8, $9.000000000e+00;
	v8 =	vmovc v19;
	v11 =	vsel vm2, $0x41F00000, v14;
	v14 =	vsel vm5, $0xC1F00000, v0  }
0x41c: {  	v19 =	vsub.f32 v13, v11;
	v11 =	vsel vm4, $0x41F00000, v14;
	v13 =	vld [tilespmem:s23+$0x6FD0];
	v20 =	vnsel vm0, $0x0, v10  }
0x41d: {  	s24 =	sshra.s32 s20, $0x2;
	v21 =	vsub.f32 v15, v11;
	v15 =	vsel vm1, $0x41F00000, v18;
	v11 =	vld [tilespmem:s30+$0x7AD0];
	v18 =	vmul.f32 v20, v7;
	v7 =	vmovc v16  }
0x41e: {  	v3 =	vsub.f32 v23, v3;
	v16 =	vsub.f32 v4, v15;
	v4 =	vmul.f32 v19, v19;
	v10 =	vld [tilespmem:s24+$0x9BD0];
	v14 =	vpop (erf)  }
.Ltmp6:
0x41f: {  	v22 =	vmul.f32 v21, v21;
	v15 =	vld [tilespmem:s24+$0xBCD0];
	v24 =	vmul.f32 v14, v17;
	[tilespmem:s16+$0xDDD0] =	vst v18;
	v23 =	vsub.f32 $0.0e+00, v18;
	(pc) =	sbr.rel @p0 .LBB2_11-.Ltmp6, $4  }
0x420: {  	v25 =	vmul.f32 v20, v5;
	v26 =	vmul.f32 v20, v6;
	v5 =	vmovc v9;
	v9 =	vmovc v19;
	v6 =	vmov v12;
	v17 =	vld [tilespmem:s24+$0x85D0]  }
0x421: {  	v28 =	vmul.f32 v16, v16;
	v27 =	vadd.f32 v22, v4;
	v18 =	vld [tilespmem:s24+$0xA6D0];
	v29 =	vmul.f32 v24, v24;
	[tilespmem:s16+$0xFED0] =	vst v23  }
0x422: {  	v12 =	vmovc v21;
	v19 =	vsub.f32 $0.0e+00, v25;
	v4 =	vmul.f32 v3, v2;
	v2 =	vmul.f32 $4.000000000e+00, v13;
	v20 =	vld [tilespmem:s24+$0x90D0];
	[tilespmem:s16+$0xC7D0] =	vst v25  }
0x423: {  	s20 =	sadd.s32 $0x40, s20;
	v21 =	vsub.f32 $0.0e+00, v26;
	v23 =	vadd.f32 v28, v27;
	v22 =	vld [tilespmem:s24+$0xB1D0];
	v3 =	vmul.f32 v29, v24;
	[tilespmem:s16+$0xD2D0] =	vst v26  }
0x424: {  	_ =	sdelay $0x2  }
0x425: {  	v10 =	vsub.f32 v10, v15;
	v15 =	vsub.f32 v17, v18  }
0x426: {  	v17 =	vsub.f32 v20, v22  }
0x427: {  	vm1 =	vgt.f32 v10, $1.500000000e+01;
	vm3 =	vlt.f32 v15, $-1.500000000e+01  }
0x428: {  	vm2 =	vgt.f32 v15, $1.500000000e+01;
	v18 =	vsel vm3, $0xC1F00000, v0;
	vm4 =	vlt.f32 v17, $-1.500000000e+01  }
0x429: {  	vm3 =	vlt.f32 v10, $-1.500000000e+01;
	vm5 =	vgt.f32 v17, $1.500000000e+01;
	v20 =	vsel vm4, $0xC1F00000, v0  }
0x42a: {  	v18 =	vsel vm2, $0x41F00000, v18;
	v22 =	vsel vm3, $0xC1F00000, v0;
	v20 =	vsel vm5, $0x41F00000, v20  }
0x42b: {  	v18 =	vsub.f32 v15, v18;
	v15 =	vsel vm1, $0x41F00000, v22;
	v17 =	vsub.f32 v17, v20  }
0x42c: {  	v22 =	vsub.f32 v10, v15  }
0x42d: {  	v20 =	vmax.f32 v23, $1.000000020e-24;
	v15 =	vmul.f32 v18, v18;
	v23 =	vmul.f32 v17, v17  }
0x42e: {  	v10 =	vmul.f32 v3, v3;
	(erf) = vrcp.f32 v20  }
0x42f: {  	v15 =	vadd.f32 v23, v15;
	v23 =	vmul.f32 v22, v22  }
0x430: {  	v13 =	vmul.f32 $2.400000000e+01, v13;
	v24 =	vadd.f32 v10, v10  }
0x431: {  	v15 =	vadd.f32 v23, v15  }
0x432: {  	v13 =	vmul.f32 v14, v13;
	v14 =	vsub.f32 v24, v3  }
0x433: {  	v23 =	vmax.f32 v15, $1.000000020e-24  }
0x434: {  	v13 =	vmul.f32 v14, v13;
	(erf) = vrcp.f32 v23  }
0x435: {  	[tilespmem:s16+$0xE8D0] =	vst v19;
	vm1 =	vlt.f32 v8, $9.000000000e+00  }
0x436: {  	v11 =	vmul.f32 v11, v11;
	[tilespmem:s16+$0xF3D0] =	vst v21;
	v8 =	vnsel vm1, $0x0, v13  }
0x437: {  	v13 =	vld [tilespmem:s24+$0x7AD0];
	v15 =	vmul.f32 v8, v7;
	v14 =	vpop (erf)  }
0x438: {  	v11 =	vmul.f32 v14, v11  }
0x439: {  	v19 =	vsub.f32 $0.0e+00, v15  }
0x43a: {  	v5 =	vmul.f32 v8, v5;
	v21 =	vmul.f32 v11, v11  }
0x43b: {  	v7 =	vld [tilespmem:s30+$0x6FD0];
	v6 =	vmul.f32 v8, v6;
	[tilespmem:s23+$0xDDD0] =	vst v15  }
0x43c: {  	[tilespmem:s23+$0xC7D0] =	vst v5;
	v13 =	vmul.f32 v13, v13;
	v8 =	vmul.f32 v21, v11  }
0x43d: {  	v5 =	vsub.f32 $0.0e+00, v5;
	[tilespmem:s23+$0xFED0] =	vst v19;
	v19 =	vpop (erf)  }
0x43e: {  	[tilespmem:s23+$0xD2D0] =	vst v6;
	v6 =	vsub.f32 $0.0e+00, v6;
	v11 =	vmul.f32 v8, v8;
	v15 =	vmul.f32 v19, v13  }
0x43f: {  	[tilespmem:s23+$0xE8D0] =	vst v5  }
0x440: {  	[tilespmem:s23+$0xF3D0] =	vst v6;
	v5 =	vmul.f32 $2.400000000e+01, v7;
	v6 =	vadd.f32 v11, v11;
	v21 =	vmul.f32 v15, v15  }
0x441: {  	v13 =	vld [tilespmem:s24+$0x6FD0]  }
0x442: {  	v5 =	vmul.f32 v14, v5;
	v6 =	vsub.f32 v6, v8;
	v14 =	vmul.f32 v21, v15;
	_ =	sdelay $0x1  }
0x443: {  	v5 =	vmul.f32 v6, v5;
	v15 =	vmul.f32 v14, v14  }
0x444: {  	vm2 =	vlt.f32 v20, $9.000000000e+00  }
0x445: {  	v6 =	vmul.f32 $2.400000000e+01, v13;
	v5 =	vnsel vm2, $0x0, v5;
	v20 =	vadd.f32 v15, v15  }
0x446: {  	v16 =	vmul.f32 v5, v16  }
0x447: {  	v6 =	vmul.f32 v19, v6;
	v9 =	vmul.f32 v5, v9;
	v19 =	vsub.f32 v20, v14  }
0x448: {  	v5 =	vmul.f32 v5, v12;
	[tilespmem:s30+$0xDDD0] =	vst v16  }
0x449: {  	[tilespmem:s30+$0xC7D0] =	vst v9;
	v9 =	vsub.f32 $0.0e+00, v9;
	v6 =	vmul.f32 v19, v6  }
0x44a: {  	vm3 =	vlt.f32 v23, $9.000000000e+00;
	[tilespmem:s30+$0xD2D0] =	vst v5;
	v5 =	vsub.f32 $0.0e+00, v5  }
0x44b: {  	v20 =	vsub.f32 $0.0e+00, v16;
	[tilespmem:s30+$0xE8D0] =	vst v9;
	v6 =	vnsel vm3, $0x0, v6  }
0x44c: {  	[tilespmem:s30+$0xF3D0] =	vst v5;
	v12 =	vmul.f32 v6, v22  }
0x44d: {  	[tilespmem:s30+$0xFED0] =	vst v20;
	v9 =	vmul.f32 v6, v18  }
0x44e: {  	v6 =	vmul.f32 v6, v17;
	[tilespmem:s24+$0xDDD0] =	vst v12  }
0x44f: {  	v5 =	vsub.f32 $0.0e+00, v12;
	[tilespmem:s24+$0xC7D0] =	vst v9  }
0x450: {  	[tilespmem:s24+$0xD2D0] =	vst v6;
	v6 =	vsub.f32 $0.0e+00, v6  }
0x451: {  	[tilespmem:s24+$0xFED0] =	vst v5;
	v5 =	vsub.f32 $0.0e+00, v9  }
0x452: {  	[tilespmem:s24+$0xF3D0] =	vst v6  }
0x453: {  	[tilespmem:s24+$0xE8D0] =	vst v5  }
0x454: {  	_ =	swait.ge [sflag:s15], $0x570  }
0x455: {  	[sflag:s15] =	ssyncset.done $0x0  }
0x456: {  	[sflag:s15] =	ssyncadd.s32 $0xFFFFFA90  }
0x457: {  	_ =	swait.ge [sflag:s15], $0x570  }
0x458: {  	[sflag:s15] =	ssyncset.done $0x0  }
0x459: {  	[sflag:s15] =	ssyncadd.s32 $0xFFFFFA90  }
0x45a: {  	_ =	swait.ge [sflag:s15], $0x570  }
0x45b: {  	[sflag:s15] =	ssyncset.done $0x0  }
0x45c: {  	[sflag:s15] =	ssyncadd.s32 $0xFFFFFA90  }
0x45d: {  	_ =	swait.ge [sflag:s15], $0x570  }
0x45e: {  	[sflag:s15] =	ssyncset.done $0x0  }
0x45f: {  	[sflag:s15] =	ssyncadd.s32 $0xFFFFFA90  }
0x460: {  	_ =	swait.ge [sflag:s15], $0x570  }
0x461: {  	[sflag:s15] =	ssyncset.done $0x0  }
0x462: {  	[sflag:s15] =	ssyncadd.s32 $0xFFFFFA90  }
0x463: {  	_ =	swait.ge [sflag:s15], $0x570  }
0x464: {  	[sflag:s15] =	ssyncset.done $0x0  }
0x465: {  	s1 =	simm.s32 $0xC7D0;
	[sflag:s15] =	ssyncadd.s32 $0xFFFFFA90  }
0x466: {  	[spmem:s6] =	stream.indirect.scatter.add.f32 [tilespmem:s1], [sflag:$0x3], $0x1, s25, s14, $0xb8;
	[tilespmem:$0x104D0] =	vst v63  }
0x467: {  	s23 =	simm.s32 $0xD2D0  }
0x468: {  	[spmem:s8] =	stream.indirect.scatter.add.f32 [tilespmem:s23], [sflag:$0x3], $0x1, s25, s14, $0xb8;
	[tilespmem:$0x104D0] =	vst v63  }
0x469: {  	s24 =	simm.s32 $0xDDD0  }
0x46a: {  	[spmem:s9] =	stream.indirect.scatter.add.f32 [tilespmem:s24], [sflag:$0x3], $0x1, s25, s14, $0xb8;
	[tilespmem:$0x104D0] =	vst v63  }
0x46b: {  	s24 =	sld [smem:$0x7F0]  }
0x46c: {  	s16 =	simm.s32 $0xE8D0  }
0x46d: {  	[spmem:s6] =	stream.indirect.scatter.add.f32 [tilespmem:s16], [sflag:$0x3], $0x1, s26, s14, $0xb8;
	[tilespmem:$0x104D0] =	vst v63  }
0x46e: {  	s20 =	simm.s32 $0xF3D0;
	s16 =	sadd.s32 s13, s24  }
0x46f: {  	[spmem:s8] =	stream.indirect.scatter.add.f32 [tilespmem:s20], [sflag:$0x3], $0x1, s26, s14, $0xb8;
	[tilespmem:$0x104D0] =	vst v63  }
0x470: {  	p0 =	slt.u32 s16, $0x1867B0  }
0x471: {  	s23 =	simm.s32 $0xFED0;
	s20 =	sadd.s32 @!p0 $0xFFE79850, s16  }
0x472: {  	[spmem:s9] =	stream.indirect.scatter.add.f32 [tilespmem:s23], [sflag:$0x3], $0x1, s26, s14, $0xb8;
	[tilespmem:$0x104D0] =	vst v63  }
0x473: {  	s30 =	smov.u32 s29;
	s20 =	smov.u32 @p0 s16;
	s16 =	smov.u32 s11  }
0x474: {  	s23 =	smov.u32 s28;
	s16 =	smov.u32 @p0 s10;
	s20 =	sshrl.u32 s20, $0x3  }
0x475: {  	s24 =	simm.s32 $0x0;
	s23 =	smov.u32 @p0 s17;
	s16 =	sadd.s32 s16, s20  }
0x476: {  	[tilespmem:s22], [sflag:$0x1] =	stream.linear.gather [hbm4b:s16+s24], $0x570, $0x38;
	[tilespmem:$0x104D0] =	vst v63  }
0x477: {  	s30 =	smov.u32 @p0 s0;
	s1 =	sadd.s32 s23, s20;
	s23 =	rddreg [dreg:$0x1]  }
0x478: {  	[tilespmem:s31], [sflag:$0x1] =	stream.linear.gather [hbm4b:s1+s24], $0x570, $0x38;
	[tilespmem:$0x104D0] =	vst v63  }
0x479: {  	s23 =	smov.u32 @p0 s2;
	s16 =	sadd.s32 s30, s20;
	s1 =	simm.s32 $0x6FD0  }
0x47a: {  	[tilespmem:s1], [sflag:$0x1] =	stream.linear.gather [hbm4b:s16+s24], $0x570, $0x38;
	[tilespmem:$0x104D0] =	vst v63  }
0x47b: {  	s1 =	sadd.s32 s23, s20;
	s20 =	simm.s32 $0x7AD0  }
0x47c: {  	[tilespmem:s20], [sflag:$0x1] =	stream.linear.gather [hbm4b:s1+s24], $0x570, $0x38;
	[tilespmem:$0x104D0] =	vst v63  }
0x47d: {  	_ =	swait.ge [sflag:s19], $0x570  }
0x47e: {  	[sflag:s19] =	ssyncset.done $0x0  }
0x47f: {  	[sflag:s19] =	ssyncadd.s32 $0xFFFFFA90  }
0x480: {  	_ =	swait.ge [sflag:s19], $0x570  }
0x481: {  	[sflag:s19] =	ssyncset.done $0x0  }
0x482: {  	[sflag:s19] =	ssyncadd.s32 $0xFFFFFA90  }
0x483: {  	_ =	swait.ge [sflag:s19], $0x570  }
0x484: {  	[sflag:s19] =	ssyncset.done $0x0  }
0x485: {  	[sflag:s19] =	ssyncadd.s32 $0xFFFFFA90  }
0x486: {  	_ =	swait.ge [sflag:s19], $0x570  }
0x487: {  	[sflag:s19] =	ssyncset.done $0x0  }
0x488: {  	[sflag:s19] =	ssyncadd.s32 $0xFFFFFA90  }
0x489: {  	_ =	swait.ge [sflag:s19], $0x570  }
0x48a: {  	[sflag:s19] =	ssyncset.done $0x0  }
0x48b: {  	[sflag:s19] =	ssyncadd.s32 $0xFFFFFA90  }
0x48c: {  	_ =	swait.ge [sflag:s19], $0x570  }
0x48d: {  	[sflag:s19] =	ssyncset.done $0x0  }
0x48e: {  	[sflag:s19] =	ssyncadd.s32 $0xFFFFFA90  }
0x48f: {  	_ =	swait.ge [sflag:s7], $0x570  }
0x490: {  	[sflag:s7] =	ssyncset.done $0x0  }
0x491: {  	[sflag:s7] =	ssyncadd.s32 $0xFFFFFA90  }
0x492: {  	_ =	swait.ge [sflag:s7], $0x570  }
0x493: {  	[sflag:s7] =	ssyncset.done $0x0  }
0x494: {  	[sflag:s7] =	ssyncadd.s32 $0xFFFFFA90  }
0x495: {  	_ =	swait.ge [sflag:s7], $0x570  }
0x496: {  	[sflag:s7] =	ssyncset.done $0x0  }
0x497: {  	[sflag:s7] =	ssyncadd.s32 $0xFFFFFA90  }
0x498: {  	_ =	swait.ge [sflag:s7], $0x570  }
0x499: {  	[sflag:s7] =	ssyncset.done $0x0  }
0x49a: {  	s23 =	simm.s32 $0x85D0;
	[sflag:s7] =	ssyncadd.s32 $0xFFFFFA90  }
0x49b: {  	[tilespmem:s23], [sflag:$0x2] =	stream.indirect.gather [spmem:s3], $0x1, s22, s14, $0xb8;
	[tilespmem:$0x104D0] =	vst v63  }
0x49c: {  	s24 =	simm.s32 $0x90D0  }
0x49d: {  	[tilespmem:s24], [sflag:$0x2] =	stream.indirect.gather [spmem:s4], $0x1, s22, s14, $0xb8;
	[tilespmem:$0x104D0] =	vst v63  }
0x49e: {  	s16 =	simm.s32 $0x9BD0  }
0x49f: {  	[tilespmem:s16], [sflag:$0x2] =	stream.indirect.gather [spmem:s5], $0x1, s22, s14, $0xb8;
	[tilespmem:$0x104D0] =	vst v63  }
0x4a0: {  	s20 =	simm.s32 $0xA6D0  }
0x4a1: {  	[tilespmem:s20], [sflag:$0x2] =	stream.indirect.gather [spmem:s3], $0x1, s31, s14, $0xb8;
	[tilespmem:$0x104D0] =	vst v63  }
0x4a2: {  	s23 =	simm.s32 $0xB1D0  }
0x4a3: {  	[tilespmem:s23], [sflag:$0x2] =	stream.indirect.gather [spmem:s4], $0x1, s31, s14, $0xb8;
	[tilespmem:$0x104D0] =	vst v63  }
0x4a4: {  	s24 =	simm.s32 $0xBCD0;
	s16 =	simm.s32 $0x0  }
0x4a5: {  	[tilespmem:s24], [sflag:$0x2] =	stream.indirect.gather [spmem:s5], $0x1, s31, s14, $0xb8;
	[tilespmem:$0x104D0] =	vst v63  }
0x4a6: {  	v5 =	vld [tilespmem:s16+$0x9650]  }
0x4a7: {  	v6 =	vld [tilespmem:s16+$0x8050]  }
0x4a8: {  	v9 =	vld [tilespmem:s16+$0xA150]  }
0x4a9: {  	v12 =	vld [tilespmem:s16+$0x8B50]  }
0x4aa: {  	v16 =	vld [tilespmem:s16+$0xAC50]  }
0x4ab: {  	v17 =	vld [tilespmem:s16+$0xB750];
	_ =	sdelay $0x2  }
0x4ac: {  	v6 =	vsub.f32 v6, v9  }
0x4ad: {  	v9 =	vsub.f32 v12, v16  }
0x4ae: {  	v5 =	vsub.f32 v5, v17;
	vm12 =	vlt.f32 v6, $-1.500000000e+01  }
0x4af: {  	vm13 =	vgt.f32 v6, $1.500000000e+01;
	vm14 =	vlt.f32 v9, $-1.500000000e+01;
	vm15 =	vgt.f32 v9, $1.500000000e+01  }
0x4b0: {  	vm8 =	vgt.f32 v5, $1.500000000e+01;
	v12 =	vsel vm12, $0xC1F00000, v0;
	v16 =	vsel vm14, $0xC1F00000, v0  }
0x4b1: {  	vm9 =	vlt.f32 v5, $-1.500000000e+01;
	v12 =	vsel vm13, $0x41F00000, v12;
	v16 =	vsel vm15, $0x41F00000, v16  }
0x4b2: {  	v17 =	vsel vm9, $0xC1F00000, v0;
	v19 =	vsub.f32 v6, v12;
	v20 =	vsub.f32 v9, v16  }
0x4b3: {  	v6 =	vsel vm8, $0x41F00000, v17  }
0x4b4: {  	v12 =	vsub.f32 v5, v6;
	v5 =	vmul.f32 v19, v19;
	v6 =	vmul.f32 v20, v20;
	_ =	sdelay $0x1  }
0x4b5: {  	s23 =	simm.s32 $0x10;
	v5 =	vadd.f32 v6, v5;
	v6 =	vmul.f32 v12, v12  }
0x4b6: {  	v21 =	vld [tilespmem:s23+$0xAC50]  }
0x4b7: {  	v9 =	vld [tilespmem:s23+$0x9650];
	v5 =	vadd.f32 v6, v5  }
0x4b8: {  	v16 =	vld [tilespmem:s23+$0xB750]  }
0x4b9: {  	v17 =	vld [tilespmem:s23+$0xA150];
	v18 =	vmax.f32 v5, $1.000000020e-24  }
0x4ba: {  	v3 =	vsub.f32 v10, v3;
	v6 =	vld [tilespmem:s23+$0x8050];
	(erf) = vrcp.f32 v18  }
0x4bb: {  	v5 =	vld [tilespmem:s23+$0x8B50]  }
0x4bc: {  	v2 =	vmul.f32 v3, v2;
	v22 =	vld [tilespmem:s16+$0x7550]  }
0x4bd: {  	v4 =	vnsel vm0, $0x0, v4  }
0x4be: {  	v1 =	vadd.f32 v4, v1;
	v2 =	vnsel vm1, $0x0, v2  }
0x4bf: {  	v8 =	vsub.f32 v11, v8;
	v11 =	vmul.f32 $4.000000000e+00, v13;
	v4 =	vsub.f32 v9, v16  }
0x4c0: {  	v9 =	vmul.f32 $4.000000000e+00, v7;
	v6 =	vsub.f32 v6, v17;
	v7 =	vsub.f32 v5, v21  }
0x4c1: {  	vm0 =	vgt.f32 v4, $1.500000000e+01;
	vm14 =	vlt.f32 v4, $-1.500000000e+01;
	v5 =	vmul.f32 v22, v22  }
0x4c2: {  	vm10 =	vlt.f32 v6, $-1.500000000e+01;
	vm11 =	vgt.f32 v6, $1.500000000e+01;
	vm12 =	vlt.f32 v7, $-1.500000000e+01  }
0x4c3: {  	v10 =	vsel vm10, $0xC1F00000, v0;
	vm13 =	vgt.f32 v7, $1.500000000e+01;
	v16 =	vsel vm12, $0xC1F00000, v0;
	v17 =	vpop (erf)  }
0x4c4: {  	v10 =	vsel vm11, $0x41F00000, v10;
	v16 =	vsel vm13, $0x41F00000, v16;
	v21 =	vmul.f32 v17, v5  }
0x4c5: {  	v22 =	vsel vm14, $0xC1F00000, v0;
	v5 =	vsub.f32 v6, v10;
	v6 =	vsub.f32 v7, v16  }
0x4c6: {  	v14 =	vsub.f32 v15, v14;
	s30 =	simm.s32 $0x20;
	v23 =	vld [tilespmem:s16+$0x6A50];
	v3 =	vsel vm0, $0x41F00000, v22;
	v16 =	vmul.f32 v21, v21  }
0x4c7: {  	v13 =	vld [tilespmem:s30+$0x8050];
	v7 =	vsub.f32 v4, v3;
	v3 =	vmul.f32 v5, v5;
	v22 =	vmul.f32 v6, v6  }
0x4c8: {  	v1 =	vadd.f32 v2, v1;
	v15 =	vld [tilespmem:s30+$0xA150];
	v21 =	vmul.f32 v16, v21  }
0x4c9: {  	v2 =	vmul.f32 v14, v11;
	v11 =	vld [tilespmem:s30+$0xAC50];
	v3 =	vadd.f32 v22, v3;
	v16 =	vmul.f32 v7, v7  }
0x4ca: {  	v8 =	vmul.f32 v8, v9;
	v10 =	vld [tilespmem:s30+$0x9650];
	v61 =	vmul.f32 v21, v21  }
0x4cb: {  	v22 =	vld [tilespmem:s30+$0x8B50];
	v3 =	vadd.f32 v16, v3  }
0x4cc: {  	v14 =	vmul.f32 $2.400000000e+01, v23;
	v8 =	vnsel vm2, $0x0, v8;
	v4 =	vld [tilespmem:s30+$0xB750];
	v16 =	vadd.f32 v61, v61  }
0x4cd: {  	v13 =	vsub.f32 v13, v15;
	v1 =	vadd.f32 v8, v1;
	v9 =	vmax.f32 v3, $1.000000020e-24  }
0x4ce: {  	v3 =	vmul.f32 v17, v14;
	(erf) = vrcp.f32 v9;
	v8 =	vsub.f32 v16, v21  }
0x4cf: {  	v2 =	vnsel vm3, $0x0, v2;
	vm1 =	vgt.f32 v13, $1.500000000e+01;
	vm2 =	vlt.f32 v13, $-1.500000000e+01  }
0x4d0: {  	v1 =	vadd.f32 v2, v1;
	v2 =	vld [tilespmem:s23+$0x7550];
	v14 =	vsub.f32 v22, v11;
	v3 =	vmul.f32 v8, v3  }
0x4d1: {  	v15 =	vsel vm2, $0xC1F00000, v0;
	vm0 =	vlt.f32 v18, $9.000000000e+00;
	v4 =	vsub.f32 v10, v4  }
0x4d2: {  	vm3 =	vgt.f32 v14, $1.500000000e+01;
	vm15 =	vlt.f32 v14, $-1.500000000e+01;
	v3 =	vnsel vm0, $0x0, v3  }
0x4d3: {  	v17 =	vmul.f32 v3, v12;
	v12 =	vsel vm1, $0x41F00000, v15;
	vm1 =	vlt.f32 v4, $-1.500000000e+01  }
0x4d4: {  	v16 =	vsel vm15, $0xC1F00000, v0;
	v12 =	vsub.f32 v13, v12;
	v13 =	vsel vm1, $0xC1F00000, v0  }
0x4d5: {  	v2 =	vmul.f32 v2, v2;
	v10 =	vld [tilespmem:s30+$0x7550];
	v15 =	vsel vm3, $0x41F00000, v16  }
0x4d6: {  	s24 =	simm.s32 $0x30;
	vm2 =	vgt.f32 v4, $1.500000000e+01;
	v11 =	vld [tilespmem:s23+$0x6A50];
	v19 =	vmul.f32 v3, v19;
	v14 =	vsub.f32 v14, v15  }
0x4d7: {  	v8 =	vld [tilespmem:s24+$0x9650];
	v22 =	vsub.f32 $0.0e+00, v17;
	v15 =	vsel vm2, $0x41F00000, v13;
	v25 =	vmul.f32 v12, v12;
	v13 =	vpop (erf)  }
0x4d8: {  	v16 =	vld [tilespmem:s24+$0xB750];
	[tilespmem:s16+$0xD850] =	vst v17;
	v26 =	vmul.f32 v14, v14;
	v15 =	vsub.f32 v4, v15;
	v27 =	vmul.f32 v13, v2  }
0x4d9: {  	v21 =	vsub.f32 v61, v21;
	v62 =	vmul.f32 v3, v20;
	v17 =	vld [tilespmem:s24+$0x8050];
	v4 =	vmul.f32 $4.000000000e+00, v23  }
0x4da: {  	v18 =	vld [tilespmem:s24+$0xA150];
	[tilespmem:s16+$0xF950] =	vst v22;
	v3 =	vadd.f32 v26, v25;
	v23 =	vmul.f32 v15, v15;
	v63 =	vmul.f32 v27, v27  }
0x4db: {  	v20 =	vld [tilespmem:s24+$0x8B50];
	[tilespmem:s16+$0xC250] =	vst v19;
	v2 =	vmul.f32 $4.000000000e+00, v11;
	v4 =	vmul.f32 v21, v4;
	v19 =	vsub.f32 $0.0e+00, v19  }
0x4dc: {  	s20 =	simm.s32 $0x100;
	v21 =	vsub.f32 $0.0e+00, v62;
	v22 =	vld [tilespmem:s24+$0xAC50];
	[tilespmem:s16+$0xCD50] =	vst v62;
	v23 =	vadd.f32 v23, v3;
	v3 =	vmul.f32 v63, v27  }
.LBB2_13:
0x4dd: {  	p0 =	sne.s32 s20, $0x1580;
	v4 =	vnsel vm0, $0x0, v4;
	[tilespmem:s16+$0xE350] =	vst v19  }
0x4de: {  	v19 =	vmax.f32 v23, $1.000000020e-24;
	v23 =	vmul.f32 v3, v3;
	[tilespmem:s16+$0xEE50] =	vst v21;
	v1 =	vadd.f32 v4, v1;
	s16 =	smov.u32 s23;
	s23 =	smov.u32 s30;
	s30 =	smov.u32 s24  }
0x4df: {  	v4 =	vsub.f32 v8, v16;
	v8 =	vmul.f32 $2.400000000e+01, v11;
	(erf) = vrcp.f32 v19  }
0x4e0: {  	v11 =	vsub.f32 v17, v18;
	v17 =	vmul.f32 v10, v10;
	v10 =	vadd.f32 v23, v23  }
0x4e1: {  	vm1 =	vgt.f32 v4, $1.500000000e+01;
	vm0 =	vlt.f32 v4, $-1.500000000e+01;
	v16 =	vsub.f32 v20, v22  }
0x4e2: {  	v8 =	vmul.f32 v13, v8;
	vm2 =	vgt.f32 v11, $1.500000000e+01;
	v10 =	vsub.f32 v10, v3  }
0x4e3: {  	vm3 =	vlt.f32 v11, $-1.500000000e+01;
	vm4 =	vgt.f32 v16, $1.500000000e+01;
	vm5 =	vlt.f32 v16, $-1.500000000e+01  }
0x4e4: {  	v18 =	vsel vm0, $0xC1F00000, v0;
	v13 =	vsel vm3, $0xC1F00000, v0;
	v8 =	vmul.f32 v10, v8  }
0x4e5: {  	vm0 =	vlt.f32 v9, $9.000000000e+00;
	v9 =	vmovc v19;
	v10 =	vsel vm2, $0x41F00000, v13;
	v13 =	vsel vm5, $0xC1F00000, v0  }
0x4e6: {  	v19 =	vsub.f32 v11, v10;
	v10 =	vsel vm4, $0x41F00000, v13;
	v11 =	vld [tilespmem:s23+$0x6A50];
	v20 =	vnsel vm0, $0x0, v8  }
0x4e7: {  	s24 =	sshra.s32 s20, $0x2;
	v21 =	vsub.f32 v16, v10;
	v16 =	vsel vm1, $0x41F00000, v18;
	v10 =	vld [tilespmem:s30+$0x7550];
	v18 =	vmul.f32 v20, v7;
	v7 =	vmovc v15  }
0x4e8: {  	v3 =	vsub.f32 v23, v3;
	v15 =	vsub.f32 v4, v16;
	v4 =	vmul.f32 v19, v19;
	v8 =	vld [tilespmem:s24+$0x9650];
	v13 =	vpop (erf)  }
.Ltmp7:
0x4e9: {  	v22 =	vmul.f32 v21, v21;
	v16 =	vld [tilespmem:s24+$0xB750];
	v24 =	vmul.f32 v13, v17;
	[tilespmem:s16+$0xD850] =	vst v18;
	v23 =	vsub.f32 $0.0e+00, v18;
	(pc) =	sbr.rel @p0 .LBB2_13-.Ltmp7, $4  }
0x4ea: {  	v25 =	vmul.f32 v20, v5;
	v26 =	vmul.f32 v20, v6;
	v5 =	vmovc v12;
	v12 =	vmovc v19;
	v6 =	vmov v14;
	v17 =	vld [tilespmem:s24+$0x8050]  }
0x4eb: {  	v28 =	vmul.f32 v15, v15;
	v27 =	vadd.f32 v22, v4;
	v18 =	vld [tilespmem:s24+$0xA150];
	v29 =	vmul.f32 v24, v24;
	[tilespmem:s16+$0xF950] =	vst v23  }
0x4ec: {  	v14 =	vmovc v21;
	v19 =	vsub.f32 $0.0e+00, v25;
	v4 =	vmul.f32 v3, v2;
	v2 =	vmul.f32 $4.000000000e+00, v11;
	v20 =	vld [tilespmem:s24+$0x8B50];
	[tilespmem:s16+$0xC250] =	vst v25  }
0x4ed: {  	s20 =	sadd.s32 $0x40, s20;
	v21 =	vsub.f32 $0.0e+00, v26;
	v23 =	vadd.f32 v28, v27;
	v22 =	vld [tilespmem:s24+$0xAC50];
	v3 =	vmul.f32 v29, v24;
	[tilespmem:s16+$0xCD50] =	vst v26  }
0x4ee: {  	_ =	sdelay $0x2  }
0x4ef: {  	v8 =	vsub.f32 v8, v16  }
0x4f0: {  	v16 =	vsub.f32 v17, v18;
	v17 =	vsub.f32 v20, v22  }
0x4f1: {  	vm1 =	vgt.f32 v8, $1.500000000e+01  }
0x4f2: {  	vm2 =	vgt.f32 v16, $1.500000000e+01;
	vm3 =	vlt.f32 v16, $-1.500000000e+01;
	vm4 =	vlt.f32 v17, $-1.500000000e+01  }
0x4f3: {  	v18 =	vsel vm3, $0xC1F00000, v0;
	vm5 =	vgt.f32 v17, $1.500000000e+01;
	v20 =	vsel vm4, $0xC1F00000, v0  }
0x4f4: {  	vm3 =	vlt.f32 v8, $-1.500000000e+01;
	v18 =	vsel vm2, $0x41F00000, v18;
	v20 =	vsel vm5, $0x41F00000, v20  }
0x4f5: {  	v22 =	vsel vm3, $0xC1F00000, v0;
	v16 =	vsub.f32 v16, v18;
	v17 =	vsub.f32 v17, v20  }
0x4f6: {  	v18 =	vmax.f32 v23, $1.000000020e-24;
	v20 =	vsel vm1, $0x41F00000, v22  }
0x4f7: {  	v22 =	vmul.f32 v16, v16;
	v20 =	vsub.f32 v8, v20;
	v23 =	vmul.f32 v17, v17  }
0x4f8: {  	(erf) = vrcp.f32 v18;
	v8 =	vmul.f32 v3, v3  }
0x4f9: {  	v22 =	vadd.f32 v23, v22;
	v23 =	vmul.f32 v20, v20  }
0x4fa: {  	v11 =	vmul.f32 $2.400000000e+01, v11;
	v24 =	vadd.f32 v8, v8  }
0x4fb: {  	v22 =	vadd.f32 v23, v22  }
0x4fc: {  	v11 =	vmul.f32 v13, v11;
	v13 =	vsub.f32 v24, v3  }
0x4fd: {  	v22 =	vmax.f32 v22, $1.000000020e-24  }
0x4fe: {  	v11 =	vmul.f32 v13, v11;
	(erf) = vrcp.f32 v22  }
0x4ff: {  	[tilespmem:s16+$0xE350] =	vst v19;
	vm1 =	vlt.f32 v9, $9.000000000e+00  }
0x500: {  	v10 =	vmul.f32 v10, v10;
	[tilespmem:s16+$0xEE50] =	vst v21;
	v9 =	vnsel vm1, $0x0, v11  }
0x501: {  	v19 =	vpop (erf);
	v11 =	vld [tilespmem:s24+$0x7550];
	v7 =	vmul.f32 v9, v7  }
0x502: {  	v10 =	vmul.f32 v19, v10  }
0x503: {  	v21 =	vsub.f32 $0.0e+00, v7  }
0x504: {  	v6 =	vmul.f32 v9, v6;
	v23 =	vmul.f32 v10, v10  }
0x505: {  	v13 =	vld [tilespmem:s30+$0x6A50];
	[tilespmem:s23+$0xD850] =	vst v7;
	v7 =	vmul.f32 v9, v5  }
0x506: {  	[tilespmem:s23+$0xCD50] =	vst v6;
	v5 =	vmul.f32 v23, v10;
	v9 =	vmul.f32 v11, v11  }
0x507: {  	v6 =	vsub.f32 $0.0e+00, v6;
	[tilespmem:s23+$0xF950] =	vst v21;
	v21 =	vpop (erf)  }
0x508: {  	[tilespmem:s23+$0xC250] =	vst v7;
	v10 =	vsub.f32 $0.0e+00, v7;
	v7 =	vmul.f32 v5, v5;
	v11 =	vmul.f32 v21, v9  }
0x509: {  	[tilespmem:s23+$0xEE50] =	vst v6  }
0x50a: {  	v6 =	vmul.f32 $2.400000000e+01, v13;
	[tilespmem:s23+$0xE350] =	vst v10;
	v10 =	vadd.f32 v7, v7;
	v23 =	vmul.f32 v11, v11  }
0x50b: {  	v9 =	vld [tilespmem:s24+$0x6A50]  }
0x50c: {  	v6 =	vmul.f32 v19, v6;
	v19 =	vsub.f32 v10, v5;
	v10 =	vmul.f32 v23, v11;
	_ =	sdelay $0x1  }
0x50d: {  	v6 =	vmul.f32 v19, v6;
	v11 =	vmul.f32 v10, v10  }
0x50e: {  	vm2 =	vlt.f32 v18, $9.000000000e+00  }
0x50f: {  	v6 =	vnsel vm2, $0x0, v6;
	v18 =	vmul.f32 $2.400000000e+01, v9;
	v19 =	vadd.f32 v11, v11  }
0x510: {  	v15 =	vmul.f32 v6, v15  }
0x511: {  	v12 =	vmul.f32 v6, v12;
	v18 =	vmul.f32 v21, v18;
	v19 =	vsub.f32 v19, v10  }
0x512: {  	v6 =	vmul.f32 v6, v14;
	[tilespmem:s30+$0xD850] =	vst v15  }
0x513: {  	v21 =	vsub.f32 $0.0e+00, v15;
	[tilespmem:s30+$0xC250] =	vst v12;
	v15 =	vmul.f32 v19, v18  }
0x514: {  	vm3 =	vlt.f32 v22, $9.000000000e+00;
	v12 =	vsub.f32 $0.0e+00, v12;
	[tilespmem:s30+$0xCD50] =	vst v6  }
0x515: {  	v6 =	vsub.f32 $0.0e+00, v6;
	[tilespmem:s30+$0xF950] =	vst v21;
	v14 =	vnsel vm3, $0x0, v15  }
0x516: {  	[tilespmem:s30+$0xE350] =	vst v12;
	v15 =	vmul.f32 v14, v20  }
0x517: {  	[tilespmem:s30+$0xEE50] =	vst v6;
	v12 =	vmul.f32 v14, v16  }
0x518: {  	v6 =	vsub.f32 $0.0e+00, v15;
	[tilespmem:s24+$0xD850] =	vst v15  }
0x519: {  	v14 =	vmul.f32 v14, v17;
	[tilespmem:s24+$0xC250] =	vst v12  }
0x51a: {  	[tilespmem:s24+$0xF950] =	vst v6;
	v6 =	vsub.f32 $0.0e+00, v12  }
0x51b: {  	[tilespmem:s24+$0xCD50] =	vst v14;
	v12 =	vsub.f32 $0.0e+00, v14  }
0x51c: {  	[tilespmem:s24+$0xE350] =	vst v6  }
0x51d: {  	[tilespmem:s24+$0xEE50] =	vst v12  }
0x51e: {  	_ =	swait.ge [sflag:s15], $0x570  }
0x51f: {  	[sflag:s15] =	ssyncset.done $0x0  }
0x520: {  	[sflag:s15] =	ssyncadd.s32 $0xFFFFFA90  }
0x521: {  	_ =	swait.ge [sflag:s15], $0x570  }
0x522: {  	[sflag:s15] =	ssyncset.done $0x0  }
0x523: {  	[sflag:s15] =	ssyncadd.s32 $0xFFFFFA90  }
0x524: {  	_ =	swait.ge [sflag:s15], $0x570  }
0x525: {  	[sflag:s15] =	ssyncset.done $0x0  }
0x526: {  	[sflag:s15] =	ssyncadd.s32 $0xFFFFFA90  }
0x527: {  	_ =	swait.ge [sflag:s15], $0x570  }
0x528: {  	[sflag:s15] =	ssyncset.done $0x0  }
0x529: {  	[sflag:s15] =	ssyncadd.s32 $0xFFFFFA90  }
0x52a: {  	_ =	swait.ge [sflag:s15], $0x570  }
0x52b: {  	[sflag:s15] =	ssyncset.done $0x0  }
0x52c: {  	[sflag:s15] =	ssyncadd.s32 $0xFFFFFA90  }
0x52d: {  	_ =	swait.ge [sflag:s15], $0x570  }
0x52e: {  	[sflag:s15] =	ssyncset.done $0x0  }
0x52f: {  	s1 =	simm.s32 $0xC250;
	[sflag:s15] =	ssyncadd.s32 $0xFFFFFA90  }
0x530: {  	[spmem:s6] =	stream.indirect.scatter.add.f32 [tilespmem:s1], [sflag:$0x3], $0x1, s18, s14, $0xb8;
	[tilespmem:$0x104D0] =	vst v63  }
0x531: {  	s24 =	simm.s32 $0xCD50;
	s1 =	sld [smem:$0x7F1]  }
0x532: {  	[spmem:s8] =	stream.indirect.scatter.add.f32 [tilespmem:s24], [sflag:$0x3], $0x1, s18, s14, $0xb8;
	[tilespmem:$0x104D0] =	vst v63  }
0x533: {  	p0 =	seq.s32 s12, $0x5;
	s16 =	simm.s32 $0xD850  }
0x534: {  	[spmem:s9] =	stream.indirect.scatter.add.f32 [tilespmem:s16], [sflag:$0x3], $0x1, s18, s14, $0xb8;
	[tilespmem:$0x104D0] =	vst v63  }
0x535: {  	s16 =	sadd.s32 @!p0 s13, s1  }
0x536: {  	s20 =	simm.s32 $0xE350;
	p1 =	slt.u32 @!p0 s16, $0x1867B0  }
0x537: {  	[spmem:s6] =	stream.indirect.scatter.add.f32 [tilespmem:s20], [sflag:$0x3], $0x1, s21, s14, $0xb8;
	[tilespmem:$0x104D0] =	vst v63  }
0x538: {  	s23 =	simm.s32 $0xEE50;
	s30 =	simm.s32 @!p0 $0x4950;
	p2 =	por p1, p0  }
0x539: {  	s24 =	simm.s32 $0xF950;
	p1 =	por !p1, p0;
	s20 =	sadd.s32 @!p2 $0xFFE79850, s16  }
0x53a: {  	[spmem:s8] =	stream.indirect.scatter.add.f32 [tilespmem:s23], [sflag:$0x3], $0x1, s21, s14, $0xb8;
	[tilespmem:$0x104D0] =	vst v63  }
0x53b: {  	s1 =	smov.u32 s0;
	s16 =	smov.u32 @p1 s20;
	s20 =	smov.u32 s10  }
0x53c: {  	s23 =	smov.u32 s17;
	s20 =	smov.u32 @p1 s11;
	s16 =	sshrl.u32 @!p0 s16, $0x3  }
0x53d: {  	[spmem:s9] =	stream.indirect.scatter.add.f32 [tilespmem:s24], [sflag:$0x3], $0x1, s21, s14, $0xb8;
	[tilespmem:$0x104D0] =	vst v63  }
0x53e: {  	s23 =	smov.u32 @p1 s28;
	s20 =	sadd.s32 @!p0 s20, s16;
	s24 =	simm.s32 @!p0 $0x0  }
0x53f: {  	[tilespmem:s30], [sflag:$0x1] =	stream.linear.gather @!p0 [hbm4b:s20+s24], $0x570, $0x38;
	[tilespmem:$0x104D0] =	vst v63  }
0x540: {  	s1 =	smov.u32 @p1 s29;
	s20 =	sadd.s32 @!p0 s23, s16;
	s23 =	simm.s32 @!p0 $0x59D0  }
0x541: {  	[tilespmem:s23], [sflag:$0x1] =	stream.linear.gather @!p0 [hbm4b:s20+s24], $0x570, $0x38;
	[tilespmem:$0x104D0] =	vst v63  }
0x542: {  	s1 =	sadd.s32 @!p0 s1, s16;
	s20 =	simm.s32 @!p0 $0x6A50  }
0x543: {  	[tilespmem:s20], [sflag:$0x1] =	stream.linear.gather @!p0 [hbm4b:s1+s24], $0x570, $0x38;
	[tilespmem:$0x104D0] =	vst v63  }
0x544: {  	s1 =	smov.u32 s2;
	s20 =	rddreg [dreg:$0x1]  }
0x545: {  	s1 =	smov.u32 @p1 s20  }
0x546: {  	s1 =	sadd.s32 @!p0 s1, s16;
	s16 =	simm.s32 @!p0 $0x7550  }
0x547: {  	[tilespmem:s16], [sflag:$0x1] =	stream.linear.gather @!p0 [hbm4b:s1+s24], $0x570, $0x38;
	[tilespmem:$0x104D0] =	vst v63  }
0x548: {  	_ =	swait.ge [sflag:s19], $0x570  }
0x549: {  	[sflag:s19] =	ssyncset.done $0x0  }
0x54a: {  	[sflag:s19] =	ssyncadd.s32 $0xFFFFFA90  }
0x54b: {  	_ =	swait.ge [sflag:s19], $0x570  }
0x54c: {  	[sflag:s19] =	ssyncset.done $0x0  }
0x54d: {  	[sflag:s19] =	ssyncadd.s32 $0xFFFFFA90  }
0x54e: {  	_ =	swait.ge [sflag:s19], $0x570  }
0x54f: {  	[sflag:s19] =	ssyncset.done $0x0  }
0x550: {  	[sflag:s19] =	ssyncadd.s32 $0xFFFFFA90  }
0x551: {  	_ =	swait.ge [sflag:s19], $0x570  }
0x552: {  	[sflag:s19] =	ssyncset.done $0x0  }
0x553: {  	[sflag:s19] =	ssyncadd.s32 $0xFFFFFA90  }
0x554: {  	_ =	swait.ge [sflag:s19], $0x570  }
0x555: {  	[sflag:s19] =	ssyncset.done $0x0  }
0x556: {  	[sflag:s19] =	ssyncadd.s32 $0xFFFFFA90  }
0x557: {  	_ =	swait.ge [sflag:s19], $0x570  }
0x558: {  	[sflag:s19] =	ssyncset.done $0x0  }
0x559: {  	s1 =	simm.s32 @!p0 $0x1;
	[sflag:s19] =	ssyncadd.s32 $0xFFFFFA90  }
0x55a: {  	_ =	swait.ge @!p0 [sflag:s1], $0x570  }
0x55b: {  	[sflag:s1] =	ssyncset.done @!p0 $0x0  }
0x55c: {  	[sflag:s1] =	ssyncadd.s32 @!p0 $0xFFFFFA90  }
0x55d: {  	_ =	swait.ge @!p0 [sflag:s1], $0x570  }
0x55e: {  	[sflag:s1] =	ssyncset.done @!p0 $0x0  }
0x55f: {  	[sflag:s1] =	ssyncadd.s32 @!p0 $0xFFFFFA90  }
0x560: {  	_ =	swait.ge @!p0 [sflag:s1], $0x570  }
0x561: {  	[sflag:s1] =	ssyncset.done @!p0 $0x0  }
0x562: {  	[sflag:s1] =	ssyncadd.s32 @!p0 $0xFFFFFA90  }
0x563: {  	_ =	swait.ge @!p0 [sflag:s1], $0x570  }
0x564: {  	[sflag:s1] =	ssyncset.done @!p0 $0x0  }
0x565: {  	s16 =	simm.s32 @!p0 $0x8050;
	[sflag:s1] =	ssyncadd.s32 @!p0 $0xFFFFFA90;
	s1 =	simm.s32 @!p0 $0x570  }
0x566: {  	[tilespmem:s16], [sflag:$0x2] =	stream.indirect.gather @!p0 [spmem:s3], $0x1, s30, s1, $0xb8;
	[tilespmem:$0x104D0] =	vst v63  }
0x567: {  	s16 =	simm.s32 @!p0 $0x8B50  }
0x568: {  	[tilespmem:s16], [sflag:$0x2] =	stream.indirect.gather @!p0 [spmem:s4], $0x1, s30, s1, $0xb8;
	[tilespmem:$0x104D0] =	vst v63  }
0x569: {  	s16 =	simm.s32 @!p0 $0x9650  }
0x56a: {  	[tilespmem:s16], [sflag:$0x2] =	stream.indirect.gather @!p0 [spmem:s5], $0x1, s30, s1, $0xb8;
	[tilespmem:$0x104D0] =	vst v63  }
0x56b: {  	s16 =	simm.s32 @!p0 $0xA150  }
0x56c: {  	[tilespmem:s16], [sflag:$0x2] =	stream.indirect.gather @!p0 [spmem:s3], $0x1, s23, s1, $0xb8;
	[tilespmem:$0x104D0] =	vst v63  }
0x56d: {  	s16 =	simm.s32 @!p0 $0xAC50  }
0x56e: {  	[tilespmem:s16], [sflag:$0x2] =	stream.indirect.gather @!p0 [spmem:s4], $0x1, s23, s1, $0xb8;
	[tilespmem:$0x104D0] =	vst v63  }
0x56f: {  	s16 =	simm.s32 @!p0 $0xB750  }
0x570: {  	[tilespmem:s16], [sflag:$0x2] =	stream.indirect.gather @!p0 [spmem:s5], $0x1, s23, s1, $0xb8;
	[tilespmem:$0x104D0] =	vst v63  }
0x571: {  	s16 =	simm.s32 $0x0  }
0x572: {  	v6 =	vld [tilespmem:s16+$0x9BD0]  }
0x573: {  	v12 =	vld [tilespmem:s16+$0x85D0]  }
0x574: {  	v14 =	vld [tilespmem:s16+$0xA6D0]  }
0x575: {  	v15 =	vld [tilespmem:s16+$0x90D0]  }
0x576: {  	v16 =	vld [tilespmem:s16+$0xB1D0]  }
0x577: {  	v17 =	vld [tilespmem:s16+$0xBCD0];
	_ =	sdelay $0x2  }
0x578: {  	v12 =	vsub.f32 v12, v14  }
0x579: {  	v14 =	vsub.f32 v15, v16  }
0x57a: {  	v6 =	vsub.f32 v6, v17;
	vm12 =	vlt.f32 v12, $-1.500000000e+01  }
0x57b: {  	vm13 =	vgt.f32 v12, $1.500000000e+01;
	vm14 =	vlt.f32 v14, $-1.500000000e+01;
	vm15 =	vgt.f32 v14, $1.500000000e+01  }
0x57c: {  	vm8 =	vgt.f32 v6, $1.500000000e+01;
	v15 =	vsel vm12, $0xC1F00000, v0;
	v16 =	vsel vm14, $0xC1F00000, v0  }
0x57d: {  	vm9 =	vlt.f32 v6, $-1.500000000e+01;
	v15 =	vsel vm13, $0x41F00000, v15;
	v16 =	vsel vm15, $0x41F00000, v16  }
0x57e: {  	v17 =	vsel vm9, $0xC1F00000, v0;
	v19 =	vsub.f32 v12, v15;
	v20 =	vsub.f32 v14, v16  }
0x57f: {  	v12 =	vsel vm8, $0x41F00000, v17  }
0x580: {  	v14 =	vsub.f32 v6, v12;
	v6 =	vmul.f32 v19, v19;
	v12 =	vmul.f32 v20, v20  }
0x581: {  	s23 =	simm.s32 $0x10  }
0x582: {  	v21 =	vld [tilespmem:s23+$0xB1D0];
	v6 =	vadd.f32 v12, v6;
	v12 =	vmul.f32 v14, v14  }
0x583: {  	v22 =	vld [tilespmem:s16+$0x7AD0]  }
0x584: {  	v15 =	vld [tilespmem:s23+$0x9BD0];
	v6 =	vadd.f32 v12, v6  }
0x585: {  	v16 =	vld [tilespmem:s23+$0xBCD0]  }
0x586: {  	v17 =	vld [tilespmem:s23+$0xA6D0];
	v18 =	vmax.f32 v6, $1.000000020e-24  }
0x587: {  	v12 =	vld [tilespmem:s23+$0x85D0];
	(erf) = vrcp.f32 v18  }
0x588: {  	v6 =	vld [tilespmem:s23+$0x90D0];
	_ =	sdelay $0x1  }
0x589: {  	v4 =	vnsel vm0, $0x0, v4;
	v8 =	vsub.f32 v8, v3  }
0x58a: {  	v1 =	vadd.f32 v4, v1  }
0x58b: {  	v2 =	vmul.f32 v8, v2;
	v5 =	vsub.f32 v7, v5;
	v15 =	vsub.f32 v15, v16  }
0x58c: {  	v3 =	vmul.f32 v22, v22;
	v4 =	vsub.f32 v12, v17;
	v6 =	vsub.f32 v6, v21  }
0x58d: {  	vm0 =	vgt.f32 v15, $1.500000000e+01;
	vm14 =	vlt.f32 v15, $-1.500000000e+01;
	v12 =	vmul.f32 $4.000000000e+00, v13  }
0x58e: {  	vm10 =	vlt.f32 v4, $-1.500000000e+01;
	vm11 =	vgt.f32 v4, $1.500000000e+01;
	vm12 =	vlt.f32 v6, $-1.500000000e+01  }
0x58f: {  	v13 =	vsel vm10, $0xC1F00000, v0;
	vm13 =	vgt.f32 v6, $1.500000000e+01;
	v16 =	vsel vm12, $0xC1F00000, v0;
	v17 =	vpop (erf)  }
0x590: {  	v13 =	vsel vm11, $0x41F00000, v13;
	v16 =	vsel vm13, $0x41F00000, v16;
	v21 =	vmul.f32 v17, v3  }
0x591: {  	v22 =	vsel vm14, $0xC1F00000, v0;
	v3 =	vsub.f32 v4, v13;
	v4 =	vsub.f32 v6, v16  }
0x592: {  	v7 =	vmul.f32 $4.000000000e+00, v9;
	s30 =	simm.s32 $0x20;
	v23 =	vld [tilespmem:s16+$0x6FD0];
	v6 =	vsel vm0, $0x41F00000, v22;
	v8 =	vmul.f32 v21, v21  }
0x593: {  	v9 =	vld [tilespmem:s30+$0x85D0];
	v6 =	vsub.f32 v15, v6;
	v15 =	vmul.f32 v3, v3;
	v22 =	vmul.f32 v4, v4  }
0x594: {  	v5 =	vmul.f32 v5, v12;
	v12 =	vld [tilespmem:s30+$0x90D0];
	v21 =	vmul.f32 v8, v21  }
0x595: {  	v13 =	vld [tilespmem:s30+$0x9BD0];
	v8 =	vsub.f32 v11, v10;
	v11 =	vadd.f32 v22, v15;
	v15 =	vmul.f32 v6, v6  }
0x596: {  	v2 =	vnsel vm1, $0x0, v2;
	v10 =	vld [tilespmem:s30+$0xA6D0];
	v22 =	vmul.f32 v21, v21  }
0x597: {  	v1 =	vadd.f32 v2, v1;
	v2 =	vmul.f32 v8, v7;
	v7 =	vld [tilespmem:s30+$0xB1D0];
	v8 =	vadd.f32 v15, v11  }
0x598: {  	v5 =	vnsel vm2, $0x0, v5;
	v16 =	vld [tilespmem:s30+$0xBCD0];
	v11 =	vmul.f32 $2.400000000e+01, v23;
	v15 =	vadd.f32 v22, v22  }
0x599: {  	v1 =	vadd.f32 v5, v1;
	v2 =	vnsel vm3, $0x0, v2;
	v8 =	vmax.f32 v8, $1.000000020e-24  }
0x59a: {  	v5 =	vmul.f32 v17, v11;
	(erf) = vrcp.f32 v8;
	v11 =	vsub.f32 v15, v21  }
0x59b: {  	v1 =	vadd.f32 v2, v1;
	v2 =	vld [tilespmem:s23+$0x7AD0];
	v9 =	vsub.f32 v9, v10  }
0x59c: {  	vm0 =	vlt.f32 v18, $9.000000000e+00;
	v7 =	vsub.f32 v12, v7;
	v5 =	vmul.f32 v11, v5  }
0x59d: {  	v23 =	vmul.f32 $4.000000000e+00, v23;
	v10 =	vsub.f32 v13, v16;
	vm1 =	vgt.f32 v9, $1.500000000e+01  }
0x59e: {  	vm2 =	vlt.f32 v9, $-1.500000000e+01;
	vm3 =	vgt.f32 v7, $1.500000000e+01;
	v11 =	vnsel vm0, $0x0, v5  }
0x59f: {  	vm15 =	vlt.f32 v7, $-1.500000000e+01;
	v5 =	vsel vm2, $0xC1F00000, v0;
	v14 =	vmul.f32 v11, v14  }
0x5a0: {  	s24 =	simm.s32 $0x30;
	v13 =	vld [tilespmem:s23+$0x6FD0];
	v16 =	vsel vm15, $0xC1F00000, v0;
	v2 =	vmul.f32 v2, v2;
	v5 =	vsel vm1, $0x41F00000, v5  }
0x5a1: {  	v15 =	vld [tilespmem:s24+$0x9BD0];
	v17 =	vsel vm3, $0x41F00000, v16;
	vm1 =	vlt.f32 v10, $-1.500000000e+01;
	v5 =	vsub.f32 v9, v5  }
0x5a2: {  	v12 =	vld [tilespmem:s30+$0x7AD0];
	vm2 =	vgt.f32 v10, $1.500000000e+01;
	v7 =	vsub.f32 v7, v17;
	v9 =	vsel vm1, $0xC1F00000, v0  }
0x5a3: {  	v16 =	vld [tilespmem:s24+$0xBCD0];
	[tilespmem:s16+$0xDDD0] =	vst v14;
	v61 =	vsub.f32 $0.0e+00, v14;
	v9 =	vsel vm2, $0x41F00000, v9;
	v25 =	vmul.f32 v5, v5;
	v14 =	vpop (erf)  }
0x5a4: {  	v26 =	vmul.f32 v7, v7;
	v10 =	vsub.f32 v10, v9;
	v9 =	vmul.f32 v14, v2  }
0x5a5: {  	v21 =	vsub.f32 v22, v21;
	v19 =	vmul.f32 v11, v19;
	v62 =	vmul.f32 v11, v20;
	v17 =	vld [tilespmem:s24+$0x85D0]  }
0x5a6: {  	v18 =	vld [tilespmem:s24+$0xA6D0];
	[tilespmem:s16+$0xFED0] =	vst v61;
	v25 =	vadd.f32 v26, v25;
	v63 =	vmul.f32 v10, v10;
	v27 =	vmul.f32 v9, v9  }
0x5a7: {  	v11 =	vmul.f32 v21, v23;
	v21 =	vsub.f32 $0.0e+00, v62;
	v20 =	vld [tilespmem:s24+$0x90D0];
	[tilespmem:s16+$0xC7D0] =	vst v19;
	v19 =	vsub.f32 $0.0e+00, v19  }
0x5a8: {  	s20 =	simm.s32 $0x100;
	v2 =	vmul.f32 $4.000000000e+00, v13;
	v22 =	vld [tilespmem:s24+$0xB1D0];
	[tilespmem:s16+$0xD2D0] =	vst v62;
	v23 =	vadd.f32 v63, v25;
	v9 =	vmul.f32 v27, v9  }
.LBB2_15:
0x5a9: {  	p1 =	sne.s32 s20, $0x1580;
	v11 =	vnsel vm0, $0x0, v11;
	[tilespmem:s16+$0xE8D0] =	vst v19  }
0x5aa: {  	v19 =	vmax.f32 v23, $1.000000020e-24;
	v23 =	vmul.f32 v9, v9;
	[tilespmem:s16+$0xF3D0] =	vst v21;
	v1 =	vadd.f32 v11, v1;
	s16 =	smov.u32 s23;
	s23 =	smov.u32 s30;
	s30 =	smov.u32 s24  }
0x5ab: {  	v13 =	vmul.f32 $2.400000000e+01, v13;
	v11 =	vsub.f32 v15, v16;
	(erf) = vrcp.f32 v19  }
0x5ac: {  	v15 =	vsub.f32 v17, v18;
	v17 =	vmul.f32 v12, v12;
	v12 =	vadd.f32 v23, v23  }
0x5ad: {  	vm1 =	vgt.f32 v11, $1.500000000e+01;
	vm0 =	vlt.f32 v11, $-1.500000000e+01;
	v16 =	vsub.f32 v20, v22  }
0x5ae: {  	v13 =	vmul.f32 v14, v13;
	vm2 =	vgt.f32 v15, $1.500000000e+01;
	v12 =	vsub.f32 v12, v9  }
0x5af: {  	vm3 =	vlt.f32 v15, $-1.500000000e+01;
	vm4 =	vgt.f32 v16, $1.500000000e+01;
	vm5 =	vlt.f32 v16, $-1.500000000e+01  }
0x5b0: {  	v18 =	vsel vm0, $0xC1F00000, v0;
	v14 =	vsel vm3, $0xC1F00000, v0;
	v12 =	vmul.f32 v12, v13  }
0x5b1: {  	vm0 =	vlt.f32 v8, $9.000000000e+00;
	v8 =	vmovc v19;
	v13 =	vsel vm2, $0x41F00000, v14;
	v14 =	vsel vm5, $0xC1F00000, v0  }
0x5b2: {  	v19 =	vsub.f32 v15, v13;
	v22 =	vsel vm4, $0x41F00000, v14;
	v13 =	vld [tilespmem:s23+$0x6FD0];
	v20 =	vnsel vm0, $0x0, v12  }
0x5b3: {  	s24 =	sshra.s32 s20, $0x2;
	v21 =	vsub.f32 v16, v22;
	v16 =	vsel vm1, $0x41F00000, v18;
	v12 =	vld [tilespmem:s30+$0x7AD0];
	v18 =	vmul.f32 v20, v6;
	v6 =	vmovc v10  }
0x5b4: {  	v9 =	vsub.f32 v23, v9;
	v10 =	vsub.f32 v11, v16;
	v11 =	vmul.f32 v19, v19;
	v15 =	vld [tilespmem:s24+$0x9BD0];
	v14 =	vpop (erf)  }
.Ltmp8:
0x5b5: {  	v22 =	vmul.f32 v21, v21;
	v16 =	vld [tilespmem:s24+$0xBCD0];
	v24 =	vmul.f32 v14, v17;
	[tilespmem:s16+$0xDDD0] =	vst v18;
	v23 =	vsub.f32 $0.0e+00, v18;
	(pc) =	sbr.rel @p1 .LBB2_15-.Ltmp8, $4  }
0x5b6: {  	v25 =	vmul.f32 v20, v3;
	v26 =	vmul.f32 v20, v4;
	v3 =	vmovc v5;
	v5 =	vmovc v19;
	v4 =	vmov v7;
	v17 =	vld [tilespmem:s24+$0x85D0]  }
0x5b7: {  	v28 =	vmul.f32 v10, v10;
	v27 =	vadd.f32 v22, v11;
	v18 =	vld [tilespmem:s24+$0xA6D0];
	v29 =	vmul.f32 v24, v24;
	[tilespmem:s16+$0xFED0] =	vst v23  }
0x5b8: {  	v7 =	vmovc v21;
	v19 =	vsub.f32 $0.0e+00, v25;
	v11 =	vmul.f32 v9, v2;
	v2 =	vmul.f32 $4.000000000e+00, v13;
	v20 =	vld [tilespmem:s24+$0x90D0];
	[tilespmem:s16+$0xC7D0] =	vst v25  }
0x5b9: {  	s20 =	sadd.s32 $0x40, s20;
	v21 =	vsub.f32 $0.0e+00, v26;
	v23 =	vadd.f32 v28, v27;
	v22 =	vld [tilespmem:s24+$0xB1D0];
	v9 =	vmul.f32 v29, v24;
	[tilespmem:s16+$0xD2D0] =	vst v26  }
0x5ba: {  	_ =	sdelay $0x2  }
0x5bb: {  	v15 =	vsub.f32 v15, v16  }
0x5bc: {  	v17 =	vsub.f32 v17, v18;
	v29 =	vsub.f32 v20, v22  }
0x5bd: {  	vm11 =	vgt.f32 v15, $1.500000000e+01  }
0x5be: {  	vm1 =	vlt.f32 v17, $-1.500000000e+01;
	vm2 =	vgt.f32 v17, $1.500000000e+01;
	vm3 =	vlt.f32 v29, $-1.500000000e+01  }
0x5bf: {  	v30 =	vsel vm1, $0xC1F00000, v0;
	vm10 =	vgt.f32 v29, $1.500000000e+01;
	v31 =	vsel vm3, $0xC1F00000, v0  }
0x5c0: {  	vm12 =	vlt.f32 v15, $-1.500000000e+01;
	v16 =	vsel vm2, $0x41F00000, v30;
	v20 =	vsel vm10, $0x41F00000, v31  }
0x5c1: {  	v32 =	vsel vm12, $0xC1F00000, v0;
	v16 =	vsub.f32 v17, v16;
	v33 =	vsub.f32 v29, v20  }
0x5c2: {  	v34 =	vmax.f32 v23, $1.000000020e-24;
	v35 =	vsel vm11, $0x41F00000, v32  }
0x5c3: {  	v15 =	vsub.f32 v15, v35;
	v36 =	vmul.f32 v16, v16;
	v37 =	vmul.f32 v33, v33  }
0x5c4: {  	(erf) = vrcp.f32 v34  }
0x5c5: {  	v39 =	vmul.f32 v15, v15;
	v20 =	vadd.f32 v37, v36  }
0x5c6: {  	v38 =	vmul.f32 v9, v9  }
0x5c7: {  	v20 =	vadd.f32 v39, v20  }
0x5c8: {  	v13 =	vmul.f32 $2.400000000e+01, v13;
	v40 =	vadd.f32 v38, v38  }
0x5c9: {  	v20 =	vmax.f32 v20, $1.000000020e-24  }
0x5ca: {  	v13 =	vmul.f32 v14, v13;
	v41 =	vsub.f32 v40, v9;
	(erf) = vrcp.f32 v20  }
0x5cb: {  	[tilespmem:s16+$0xE8D0] =	vst v19  }
0x5cc: {  	v12 =	vmul.f32 v12, v12;
	[tilespmem:s16+$0xF3D0] =	vst v21;
	v13 =	vmul.f32 v41, v13  }
0x5cd: {  	vm13 =	vlt.f32 v8, $9.000000000e+00;
	v43 =	vld [tilespmem:s24+$0x7AD0];
	v42 =	vpop (erf)  }
0x5ce: {  	v13 =	vnsel vm13, $0x0, v13;
	v12 =	vmul.f32 v42, v12  }
0x5cf: {  	v6 =	vmul.f32 v13, v6  }
0x5d0: {  	v3 =	vmul.f32 v13, v3;
	v45 =	vmul.f32 v12, v12  }
0x5d1: {  	v19 =	vld [tilespmem:s30+$0x6FD0];
	v4 =	vmul.f32 v13, v4;
	[tilespmem:s23+$0xDDD0] =	vst v6  }
0x5d2: {  	v47 =	vmul.f32 v43, v43;
	v44 =	vsub.f32 $0.0e+00, v6;
	[tilespmem:s23+$0xC7D0] =	vst v3;
	v46 =	vmul.f32 v45, v12  }
0x5d3: {  	v3 =	vsub.f32 $0.0e+00, v3;
	[tilespmem:s23+$0xD2D0] =	vst v4;
	v48 =	vpop (erf)  }
0x5d4: {  	v4 =	vsub.f32 $0.0e+00, v4;
	[tilespmem:s23+$0xFED0] =	vst v44;
	v49 =	vmul.f32 v46, v46;
	v12 =	vmul.f32 v48, v47  }
0x5d5: {  	[tilespmem:s23+$0xE8D0] =	vst v3  }
0x5d6: {  	[tilespmem:s23+$0xF3D0] =	vst v4;
	v3 =	vmul.f32 $2.400000000e+01, v19;
	v50 =	vadd.f32 v49, v49;
	v51 =	vmul.f32 v12, v12  }
0x5d7: {  	v52 =	vld [tilespmem:s24+$0x6FD0]  }
0x5d8: {  	v3 =	vmul.f32 v42, v3;
	v4 =	vsub.f32 v50, v46;
	v53 =	vmul.f32 v51, v12;
	_ =	sdelay $0x1  }
0x5d9: {  	v3 =	vmul.f32 v4, v3;
	v54 =	vmul.f32 v53, v53  }
0x5da: {  	vm14 =	vlt.f32 v34, $9.000000000e+00  }
0x5db: {  	v55 =	vmul.f32 $2.400000000e+01, v52;
	v3 =	vnsel vm14, $0x0, v3;
	v56 =	vadd.f32 v54, v54  }
0x5dc: {  	v10 =	vmul.f32 v3, v10  }
0x5dd: {  	v5 =	vmul.f32 v3, v5;
	v12 =	vmul.f32 v48, v55;
	v57 =	vsub.f32 v56, v53  }
0x5de: {  	v3 =	vmul.f32 v3, v7;
	[tilespmem:s30+$0xDDD0] =	vst v10  }
0x5df: {  	v58 =	vsub.f32 $0.0e+00, v10;
	[tilespmem:s30+$0xC7D0] =	vst v5;
	v59 =	vmul.f32 v57, v12  }
0x5e0: {  	vm15 =	vlt.f32 v20, $9.000000000e+00;
	v5 =	vsub.f32 $0.0e+00, v5;
	[tilespmem:s30+$0xD2D0] =	vst v3  }
0x5e1: {  	v3 =	vsub.f32 $0.0e+00, v3;
	[tilespmem:s30+$0xFED0] =	vst v58;
	v60 =	vnsel vm15, $0x0, v59  }
0x5e2: {  	[tilespmem:s30+$0xE8D0] =	vst v5;
	v10 =	vmul.f32 v60, v15  }
0x5e3: {  	[tilespmem:s30+$0xF3D0] =	vst v3;
	v61 =	vmul.f32 v60, v16  }
0x5e4: {  	v7 =	vmul.f32 v60, v33;
	[tilespmem:s24+$0xDDD0] =	vst v10  }
0x5e5: {  	v3 =	vsub.f32 $0.0e+00, v10;
	[tilespmem:s24+$0xC7D0] =	vst v61  }
0x5e6: {  	[tilespmem:s24+$0xD2D0] =	vst v7;
	v62 =	vsub.f32 $0.0e+00, v7  }
0x5e7: {  	[tilespmem:s24+$0xFED0] =	vst v3;
	v3 =	vsub.f32 $0.0e+00, v61  }
0x5e8: {  	[tilespmem:s24+$0xF3D0] =	vst v62  }
0x5e9: {  	[tilespmem:s24+$0xE8D0] =	vst v3  }
0x5ea: {  	_ =	swait.ge [sflag:s15], $0x570  }
0x5eb: {  	[sflag:s15] =	ssyncset.done $0x0  }
0x5ec: {  	[sflag:s15] =	ssyncadd.s32 $0xFFFFFA90  }
0x5ed: {  	_ =	swait.ge [sflag:s15], $0x570  }
0x5ee: {  	[sflag:s15] =	ssyncset.done $0x0  }
0x5ef: {  	[sflag:s15] =	ssyncadd.s32 $0xFFFFFA90  }
0x5f0: {  	_ =	swait.ge [sflag:s15], $0x570  }
0x5f1: {  	[sflag:s15] =	ssyncset.done $0x0  }
0x5f2: {  	[sflag:s15] =	ssyncadd.s32 $0xFFFFFA90  }
0x5f3: {  	_ =	swait.ge [sflag:s15], $0x570  }
0x5f4: {  	[sflag:s15] =	ssyncset.done $0x0  }
0x5f5: {  	[sflag:s15] =	ssyncadd.s32 $0xFFFFFA90  }
0x5f6: {  	_ =	swait.ge [sflag:s15], $0x570  }
0x5f7: {  	[sflag:s15] =	ssyncset.done $0x0  }
0x5f8: {  	[sflag:s15] =	ssyncadd.s32 $0xFFFFFA90  }
0x5f9: {  	_ =	swait.ge [sflag:s15], $0x570  }
0x5fa: {  	[sflag:s15] =	ssyncset.done $0x0  }
0x5fb: {  	s1 =	simm.s32 $0xC7D0;
	[sflag:s15] =	ssyncadd.s32 $0xFFFFFA90  }
0x5fc: {  	[spmem:s6] =	stream.indirect.scatter.add.f32 [tilespmem:s1], [sflag:$0x3], $0x1, s22, s14, $0xb8;
	[tilespmem:$0x104D0] =	vst v63  }
0x5fd: {  	s16 =	simm.s32 $0xD2D0  }
0x5fe: {  	v3 =	vsub.f32 v38, v9;
	[spmem:s8] =	stream.indirect.scatter.add.f32 [tilespmem:s16], [sflag:$0x3], $0x1, s22, s14, $0xb8;
	[tilespmem:$0x104D0] =	vst v63  }
0x5ff: {  	s20 =	simm.s32 $0xDDD0;
	v63 =	vmul.f32 $4.000000000e+00, v19;
	v6 =	vsub.f32 v49, v46  }
0x600: {  	v2 =	vmul.f32 v3, v2;
	v3 =	vnsel vm0, $0x0, v11;
	[spmem:s9] =	stream.indirect.scatter.add.f32 [tilespmem:s20], [sflag:$0x3], $0x1, s22, s14, $0xb8;
	[tilespmem:$0x104D0] =	vst v63  }
0x601: {  	s23 =	simm.s32 $0xE8D0;
	v5 =	vmul.f32 v6, v63;
	v1 =	vadd.f32 v3, v1  }
0x602: {  	v4 =	vsub.f32 v54, v53;
	v3 =	vmul.f32 $4.000000000e+00, v52;
	v2 =	vnsel vm13, $0x0, v2;
	[spmem:s6] =	stream.indirect.scatter.add.f32 [tilespmem:s23], [sflag:$0x3], $0x1, s31, s14, $0xb8;
	[tilespmem:$0x104D0] =	vst v63  }
.Ltmp9:
0x603: {  	v1 =	vadd.f32 v2, v1;
	(pc) =	sbr.rel @p0 .LBB2_18-.Ltmp9, $4  }
0x604: {  	s24 =	simm.s32 $0xF3D0;
	v2 =	vnsel vm14, $0x0, v5;
	v3 =	vmul.f32 v4, v3  }
0x605: {  	v1 =	vadd.f32 v2, v1;
	[spmem:s8] =	stream.indirect.scatter.add.f32 [tilespmem:s24], [sflag:$0x3], $0x1, s31, s14, $0xb8;
	[tilespmem:$0x104D0] =	vst v63  }
0x606: {  	s30 =	simm.s32 $0xFED0;
	v2 =	vnsel vm15, $0x0, v3  }
0x607: {  	v1 =	vadd.f32 v2, v1;
	[spmem:s9] =	stream.indirect.scatter.add.f32 [tilespmem:s30], [sflag:$0x3], $0x1, s31, s14, $0xb8;
	[tilespmem:$0x104D0] =	vst v63  }
0x608: {  	s1 =	sld [smem:$0x7F2];
	_ =	sdelay $0x2  }
0x609: {  	s1 =	sadd.s32 s13, s1  }
0x60a: {  	p0 =	slt.u32 s1, $0x1867B0  }
0x60b: {  	s13 =	sadd.s32 @!p0 $0xFFE79850, s1  }
0x60c: {  	s13 =	smov.u32 @p0 s1;
	s1 =	smov.u32 s11  }
0x60d: {  	s16 =	smov.u32 s28;
	s1 =	smov.u32 @p0 s10;
	s13 =	sshrl.u32 s13, $0x3  }
0x60e: {  	s23 =	simm.s32 $0x0;
	s16 =	smov.u32 @p0 s17;
	s1 =	sadd.s32 s1, s13  }
0x60f: {  	[tilespmem:s18], [sflag:$0x1] =	stream.linear.gather [hbm4b:s1+s23], $0x570, $0x38;
	[tilespmem:$0x104D0] =	vst v63  }
0x610: {  	s20 =	smov.u32 s29;
	s30 =	sadd.s32 s16, s13  }
0x611: {  	[tilespmem:s21], [sflag:$0x1] =	stream.linear.gather [hbm4b:s30+s23], $0x570, $0x38;
	[tilespmem:$0x104D0] =	vst v63  }
.Ltmp10:
0x612: {  	s20 =	smov.u32 @p0 s0;
	s16 =	rddreg [dreg:$0x1];
	(pc) =	sbr.rel .LBB2_4-.Ltmp10, $4  }
0x613: {  	s24 =	sadd.s32 s20, s13;
	s16 =	smov.u32 @p0 s2;
	s30 =	simm.s32 $0x6FD0  }
0x614: {  	[tilespmem:s30], [sflag:$0x1] =	stream.linear.gather [hbm4b:s24+s23], $0x570, $0x38;
	[tilespmem:$0x104D0] =	vst v63  }
0x615: {  	s12 =	sadd.s32 $0x1, s12;
	s24 =	sadd.s32 s16, s13;
	s30 =	simm.s32 $0x7AD0  }
0x616: {  	[tilespmem:s30], [sflag:$0x1] =	stream.linear.gather [hbm4b:s24+s23], $0x570, $0x38;
	[tilespmem:$0x104D0] =	vst v63  }
.LBB2_19:
0x617: {  	_ =	sfence.sel $0x180000  }
0x618: {  	[bflag:$0x0] =	sbarrier.arrive $0xFFFF  }
0x619: {  	_ =	strace $0x90000047  }
0x61a: {  	s0 =	stileid.u32;
	[bflag:$0x2] =	sbarrier.arrive $0xFFFF  }
0x61b: {  	p0 =	sne.s32 s0, $0x0;
	s0 =	rddreg [dreg:$0xa]  }
0x61c: {  	s0 =	sadd.s32 @!p0 $0x100000, s0  }
0x61d: {  	[sflag:s0] =	ssyncadd.tile.s32 @!p0 $0x1;
	_ =	shalt  }
.Lfunc_end2:
_tile_overlayer_lowered:
.L_overlay_start_2:
0x61e: {  	(tag) =	ssettag $0x2  }
0x61f: {  	s0 =	rddreg [dreg:$0x0];
	s2 =	stileid.u32  }
0x620: {  	s1 =	rddreg [dreg:$0x1];
	p0 =	sne.s32 s2, $0x0  }
0x621: {  	s3 =	rddreg [dreg:$0x2];
	[bflag:$0x3] =	sbarrier.arrive $0xFFFF;
	s2 =	simm.s32 @!p0 $0x1C04  }
0x622: {  	[timem:s3], [sflag:s2] =	dma.local @!p0 [hbm:s0], s1  }
0x623: {  	s0 =	simm.s32 @!p0 $0x4  }
0x624: {  	_ =	swait.ge @!p0 [sflag:s0], s1  }
0x625: {  	s1 =	ssub.s32 @!p0 $0x0, s1;
	[sflag:s0] =	ssyncset.done @!p0 $0x0  }
0x626: {  	[sflag:s0] =	ssyncadd.s32 @!p0 s1  }
0x627: {  	[bflag:$0x3] =	sbarrier.arrive $0xFFFF  }
0x628: {  	_ =	shalt  }

</sc_bundles>
